<compile_context>
chip_gen: v7x
topology: tpu7x:2x2x1
jax: 0.10.2.dev20260603
libtpu: 0.0.44.dev20260713+nightly
codegen_flags: <defaults>
</compile_context>

<pallas_src>
import jax
import jax.numpy as jnp
from jax import lax
from jax.experimental import pallas as pl
from jax.experimental.pallas import tpu as pltpu
from jax.experimental.pallas import tpu_sc as plsc

B = 16384
K = 128
NC, NS = 2, 16
NW = NC * NS
RPW = B // NW
CH = 128
NCHUNK = RPW // CH
L = 16

_GDN = lax.GatherDimensionNumbers(
    offset_dims=(), collapsed_slice_dims=(0,), start_index_map=(0,))


def _shuffle(x, idx):
    return lax.gather(x, idx[:, None], _GDN, (1,),
                      mode=lax.GatherScatterMode.PROMISE_IN_BOUNDS)


def _body(sid_hbm, qid_hbm, q_hbm, stud_hbm, diff_hbm, disc_hbm, out_hbm,
          sid_all, qid_all, disc_all, disc_sp, stud_v, diff_v, q_v, out_v,
          sems, sem_d):
    cid = lax.axis_index("c")
    scid = lax.axis_index("s")
    wid = scid * NC + cid
    lane = lax.broadcasted_iota(jnp.int32, (L,), 0)
    perms = [lane ^ s for s in (1, 2, 4, 8)]
    masks = [(lane & s) != 0 for s in (1, 2, 4, 8)]

    pltpu.sync_copy(sid_hbm.at[pl.ds(wid * RPW, RPW)], sid_all)
    pltpu.sync_copy(qid_hbm.at[pl.ds(wid * RPW, RPW)], qid_all)

    def issue(c, bb):
        base = wid * RPW + c * CH
        pltpu.async_copy(stud_hbm.at[sid_all.at[pl.ds(c * CH, CH)]],
                         stud_v.at[bb], sems.at[bb])
        pltpu.async_copy(diff_hbm.at[qid_all.at[pl.ds(c * CH, CH)]],
                         diff_v.at[bb], sems.at[bb])
        pltpu.async_copy(q_hbm.at[pl.ds(base, CH)], q_v.at[bb], sems.at[bb])

    def wait_chunk(c, bb):
        pltpu.make_async_copy(stud_hbm.at[sid_all.at[pl.ds(c * CH, CH)]],
                              stud_v.at[bb], sems.at[bb]).wait()
        pltpu.make_async_copy(diff_hbm.at[qid_all.at[pl.ds(c * CH, CH)]],
                              diff_v.at[bb], sems.at[bb]).wait()
        pltpu.make_async_copy(q_hbm.at[pl.ds(0, CH)], q_v.at[bb],
                              sems.at[bb]).wait()

    def compute(c, bb):
        def group(g, carry):
            level = []
            for r in range(L):
                row = g * L + r
                terms = []
                for j in range(K // L):
                    s = stud_v[bb, row, pl.ds(j * L, L)]
                    d = diff_v[bb, row, pl.ds(j * L, L)]
                    q = q_v[bb, row, pl.ds(j * L, L)]
                    t = s - d
                    p = s + d
                    sum2 = p * p - s * d
                    coef = 0.25 - sum2 * (1.0 / 48.0)
                    terms.append(q * (t * coef))
                t4 = [terms[0] + terms[1], terms[2] + terms[3],
                      terms[4] + terms[5], terms[6] + terms[7]]
                level.append((t4[0] + t4[1]) + (t4[2] + t4[3]))
            for mask, pidx in zip(masks, perms):
                nxt = []
                for i in range(0, len(level), 2):
                    lo, hi = level[i], level[i + 1]
                    nxt.append(jnp.where(mask, _shuffle(hi, pidx), lo)
                               + jnp.where(mask, hi, _shuffle(lo, pidx)))
                level = nxt
            sums = level[0]
            dsc = disc_all[pl.ds(c * CH + g * L, L)]
            sig_dsc = 1.0 / (1.0 + jnp.exp(-dsc))
            x = sig_dsc * sums
            out_v[pl.ds(g * L, L)] = 1.0 / (1.0 + jnp.exp(-x))
            return carry

        lax.fori_loop(0, CH // L, group, 0)
        base = wid * RPW + c * CH
        pltpu.sync_copy(out_v, out_hbm.at[pl.ds(base, CH)])

    issue(0, 0)

    @pl.when(scid == 0)
    def _():
        pltpu.sync_copy(disc_hbm, disc_sp)

    plsc.subcore_barrier()
    pltpu.async_copy(disc_sp.at[qid_all], disc_all, sem_d)
    pltpu.make_async_copy(disc_sp.at[qid_all], disc_all, sem_d).wait()

    def chunk_body(c, carry):
        bb = lax.rem(c, 2)

        @pl.when(c + 1 < NCHUNK)
        def _():
            issue(c + 1, lax.rem(c + 1, 2))

        wait_chunk(c, bb)
        compute(c, bb)
        return carry

    lax.fori_loop(0, NCHUNK, chunk_body, 0)


def kernel(student_id, question, q_matrix_line, student_W, diff_W, disc_W):
    disc_flat = disc_W.reshape(-1)
    mesh = plsc.VectorSubcoreMesh(core_axis_name="c", subcore_axis_name="s")
    f = pl.kernel(
        _body,
        out_type=jax.ShapeDtypeStruct((B,), jnp.float32),
        mesh=mesh,
        compiler_params=pltpu.CompilerParams(needs_layout_passes=False),
        scratch_types=[
            pltpu.VMEM((RPW,), jnp.int32),
            pltpu.VMEM((RPW,), jnp.int32),
            pltpu.VMEM((RPW,), jnp.float32),
            pltpu.VMEM_SHARED((100000,), jnp.float32),
            pltpu.VMEM((2, CH, K), jnp.float32),
            pltpu.VMEM((2, CH, K), jnp.float32),
            pltpu.VMEM((2, CH, K), jnp.float32),
            pltpu.VMEM((CH,), jnp.float32),
            pltpu.SemaphoreType.DMA((2,)),
            pltpu.SemaphoreType.DMA,
        ],
    )
    return f(student_id, question, q_matrix_line, student_W, diff_W, disc_flat)

# --- scband reference (transcript-rebuilt; emitter-appended) ---
"""Pipeline reference for scband-compute-if-51642686767846 (READ-ONLY COPY).

The authoritative reference and input builder live on the scoring server;
editing this copy changes nothing except your own understanding.
"""

import jax, jax.numpy as jnp
import numpy as np


def interaction_func(discrimination, delta, q_line):
    # MIRT-style interaction: disc * <delta, q_line>
    return discrimination * jnp.sum(delta * q_line, axis=-1, keepdims=True)


def setup_inputs(seed: int = 0) -> dict:
    key = jax.random.key(seed)
    ks = jax.random.split(key, 6)
    B = 16384
    S = 100000  # student_number
    Q = 100000  # question_number
    K = 128     # knowledge_number
    student_id = jax.random.randint(ks[0], (B,), 0, S, dtype=jnp.int64 if jax.config.jax_enable_x64 else jnp.int32)
    question = jax.random.randint(ks[1], (B,), 0, Q, dtype=jnp.int64 if jax.config.jax_enable_x64 else jnp.int32)
    q_matrix_line = jax.random.uniform(ks[2], (B, K), dtype=jnp.float32)
    # xavier_normal_ initialized embedding weights
    std_se = float(np.sqrt(2.0 / (S + K)))
    std_df = float(np.sqrt(2.0 / (Q + K)))
    std_dc = float(np.sqrt(2.0 / (Q + 1)))
    student_W = jax.random.normal(ks[3], (S, K), dtype=jnp.float32) * std_se
    diff_W = jax.random.normal(ks[4], (Q, K), dtype=jnp.float32) * std_df
    disc_W = jax.random.normal(ks[5], (Q, 1), dtype=jnp.float32) * std_dc
    return {
        'student_id': student_id,
        'question': question,
        'q_matrix_line': q_matrix_line,
        'student_W': student_W,
        'diff_W': diff_W,
        'disc_W': disc_W,
    }


def reference(student_id, question, q_matrix_line, student_W, diff_W, disc_W):
    proficiency_level = jax.nn.sigmoid(jnp.take(student_W, student_id, axis=0))
    difficulty = jax.nn.sigmoid(jnp.take(diff_W, question, axis=0))
    discrimination = jax.nn.sigmoid(jnp.take(disc_W, question, axis=0))
    input_x = interaction_func(discrimination, proficiency_level - difficulty, q_matrix_line)
    output = jax.nn.sigmoid(input_x)
    return output.reshape(-1)

if __name__ == "__main__":
    import jax
    _d = setup_inputs()
    print(jax.jit(kernel)(*tuple(_d.values())))

</pallas_src>

<mosaic_0001>
#map = affine_map<(d0, d1) -> (0)>
#map1 = affine_map<(d0, d1) -> (0, 0)>
module attributes {stable_mosaic.version = 14 : i64} {
  func.func @_body(%arg0: i32, %arg1: i32, %arg2: memref<16384xi32, #tpu.memory_space<hbm>>, %arg3: memref<16384xi32, #tpu.memory_space<hbm>>, %arg4: memref<16384x128xf32, #tpu.memory_space<hbm>>, %arg5: memref<100000x128xf32, #tpu.memory_space<hbm>>, %arg6: memref<100000x128xf32, #tpu.memory_space<hbm>>, %arg7: memref<100000xf32, #tpu.memory_space<hbm>>, %arg8: memref<16384xf32, #tpu.memory_space<hbm>>, %arg9: memref<512xi32, #tpu.memory_space<vmem>>, %arg10: memref<512xi32, #tpu.memory_space<vmem>>, %arg11: memref<512xf32, #tpu.memory_space<vmem>>, %arg12: memref<100000xf32, #tpu.memory_space<vmem_shared>>, %arg13: memref<2x128x128xf32, #tpu.memory_space<vmem>>, %arg14: memref<2x128x128xf32, #tpu.memory_space<vmem>>, %arg15: memref<2x128x128xf32, #tpu.memory_space<vmem>>, %arg16: memref<128xf32, #tpu.memory_space<vmem>>, %arg17: memref<2x!tpu.dma_semaphore, #tpu.memory_space<semaphore_mem>>, %arg18: memref<!tpu.dma_semaphore, #tpu.memory_space<semaphore_mem>>) attributes {dimension_semantics = [#tpu.dimension_semantics<core_parallel>, #tpu.dimension_semantics<subcore_parallel>], iteration_bounds = array<i64: 2, 16>, scalar_prefetch = 0 : i64, scratch_operands = 10 : i64, tpu.core_type = #tpu.core_type<sc_vector_subcore>, window_params = [{transform_indices = #map}, {transform_indices = #map}, {transform_indices = #map1}, {transform_indices = #map1}, {transform_indices = #map1}, {transform_indices = #map}, {transform_indices = #map}]} {
    %mul3A = arith.constant 2 : i32
    %mul3A_0 = arith.muli %arg1, %mul3A : i32
    %add3A = arith.addi %mul3A_0, %arg0 : i32
    %iota3A = tpu.iota {dimensions = array<i32: 0>} : vector<16xi32>
    %xor3A = arith.constant 1 : i32
    %xor3A_1 = vector.broadcast %xor3A : i32 to vector<16xi32>
    %xor3A_2 = arith.xori %iota3A, %xor3A_1 : vector<16xi32>
    %xor3A_3 = arith.constant 2 : i32
    %xor3A_4 = vector.broadcast %xor3A_3 : i32 to vector<16xi32>
    %xor3A_5 = arith.xori %iota3A, %xor3A_4 : vector<16xi32>
    %xor3A_6 = arith.constant 4 : i32
    %xor3A_7 = vector.broadcast %xor3A_6 : i32 to vector<16xi32>
    %xor3A_8 = arith.xori %iota3A, %xor3A_7 : vector<16xi32>
    %xor3A_9 = arith.constant 8 : i32
    %xor3A_10 = vector.broadcast %xor3A_9 : i32 to vector<16xi32>
    %xor3A_11 = arith.xori %iota3A, %xor3A_10 : vector<16xi32>
    %and3A = arith.constant 1 : i32
    %and3A_12 = vector.broadcast %and3A : i32 to vector<16xi32>
    %and3A_13 = arith.andi %iota3A, %and3A_12 : vector<16xi32>
    %ne3A = arith.constant 0 : i32
    %ne3A_14 = vector.broadcast %ne3A : i32 to vector<16xi32>
    %ne3A_15 = arith.cmpi ne, %and3A_13, %ne3A_14 : vector<16xi32>
    %and3A_16 = arith.constant 2 : i32
    %and3A_17 = vector.broadcast %and3A_16 : i32 to vector<16xi32>
    %and3A_18 = arith.andi %iota3A, %and3A_17 : vector<16xi32>
    %ne3A_19 = arith.constant 0 : i32
    %ne3A_20 = vector.broadcast %ne3A_19 : i32 to vector<16xi32>
    %ne3A_21 = arith.cmpi ne, %and3A_18, %ne3A_20 : vector<16xi32>
    %and3A_22 = arith.constant 4 : i32
    %and3A_23 = vector.broadcast %and3A_22 : i32 to vector<16xi32>
    %and3A_24 = arith.andi %iota3A, %and3A_23 : vector<16xi32>
    %ne3A_25 = arith.constant 0 : i32
    %ne3A_26 = vector.broadcast %ne3A_25 : i32 to vector<16xi32>
    %ne3A_27 = arith.cmpi ne, %and3A_24, %ne3A_26 : vector<16xi32>
    %and3A_28 = arith.constant 8 : i32
    %and3A_29 = vector.broadcast %and3A_28 : i32 to vector<16xi32>
    %and3A_30 = arith.andi %iota3A, %and3A_29 : vector<16xi32>
    %ne3A_31 = arith.constant 0 : i32
    %ne3A_32 = vector.broadcast %ne3A_31 : i32 to vector<16xi32>
    %ne3A_33 = arith.cmpi ne, %and3A_30, %ne3A_32 : vector<16xi32>
    %mul3A_34 = arith.constant 512 : i32
    %mul3A_35 = arith.muli %add3A, %mul3A_34 : i32
    "tpu.region"() ({
      %run_scoped3A = tpu.sem_alloc : memref<!tpu.dma_semaphore, #tpu.memory_space<semaphore_mem>>
      %dma_start3A_93 = tpu.memref_slice %arg2[%mul3A_35] : memref<16384xi32, #tpu.memory_space<hbm>> -> memref<512xi32, #tpu.memory_space<hbm>>
      %dma_start3A_94 = tpu.memref_slice %arg2[%mul3A_35] : memref<16384xi32, #tpu.memory_space<hbm>> -> memref<512xi32, #tpu.memory_space<hbm>>
      tpu.enqueue_dma source(%dma_start3A_94 : memref<512xi32, #tpu.memory_space<hbm>>) target(%arg9 : memref<512xi32, #tpu.memory_space<vmem>>) target_semaphore(%run_scoped3A : memref<!tpu.dma_semaphore, #tpu.memory_space<semaphore_mem>>)
      %dma_wait3A_95 = tpu.memref_slice %arg2[%mul3A_35] : memref<16384xi32, #tpu.memory_space<hbm>> -> memref<512xi32, #tpu.memory_space<hbm>>
      %dma_wait3A_96 = tpu.memref_slice %arg2[%mul3A_35] : memref<16384xi32, #tpu.memory_space<hbm>> -> memref<512xi32, #tpu.memory_space<hbm>>
      tpu.wait_dma2 semaphore(%run_scoped3A : memref<!tpu.dma_semaphore, #tpu.memory_space<semaphore_mem>>) src(%dma_wait3A_96 : memref<512xi32, #tpu.memory_space<hbm>>) dst(%arg9 : memref<512xi32, #tpu.memory_space<vmem>>)
      tpu.yield
    }) : () -> ()
    %mul3A_36 = arith.constant 512 : i32
    %mul3A_37 = arith.muli %add3A, %mul3A_36 : i32
    "tpu.region"() ({
      %run_scoped3A = tpu.sem_alloc : memref<!tpu.dma_semaphore, #tpu.memory_space<semaphore_mem>>
      %dma_start3A_93 = tpu.memref_slice %arg3[%mul3A_37] : memref<16384xi32, #tpu.memory_space<hbm>> -> memref<512xi32, #tpu.memory_space<hbm>>
      %dma_start3A_94 = tpu.memref_slice %arg3[%mul3A_37] : memref<16384xi32, #tpu.memory_space<hbm>> -> memref<512xi32, #tpu.memory_space<hbm>>
      tpu.enqueue_dma source(%dma_start3A_94 : memref<512xi32, #tpu.memory_space<hbm>>) target(%arg10 : memref<512xi32, #tpu.memory_space<vmem>>) target_semaphore(%run_scoped3A : memref<!tpu.dma_semaphore, #tpu.memory_space<semaphore_mem>>)
      %dma_wait3A_95 = tpu.memref_slice %arg3[%mul3A_37] : memref<16384xi32, #tpu.memory_space<hbm>> -> memref<512xi32, #tpu.memory_space<hbm>>
      %dma_wait3A_96 = tpu.memref_slice %arg3[%mul3A_37] : memref<16384xi32, #tpu.memory_space<hbm>> -> memref<512xi32, #tpu.memory_space<hbm>>
      tpu.wait_dma2 semaphore(%run_scoped3A : memref<!tpu.dma_semaphore, #tpu.memory_space<semaphore_mem>>) src(%dma_wait3A_96 : memref<512xi32, #tpu.memory_space<hbm>>) dst(%arg10 : memref<512xi32, #tpu.memory_space<vmem>>)
      tpu.yield
    }) : () -> ()
    %mul3A_38 = arith.constant 512 : i32
    %mul3A_39 = arith.muli %add3A, %mul3A_38 : i32
    %add3A_40 = arith.constant 0 : i32
    %add3A_41 = arith.addi %mul3A_39, %add3A_40 : i32
    %dma_start3A = arith.constant 0 : i32
    %dma_start3A_42 = arith.constant 0 : i32
    %dma_start3A_43 = arith.constant 0 : i32
    %dma_start3A_44 = arith.constant 0 : i32
    %dma_start3A_45 = tpu.memref_slice %arg13[%dma_start3A, %dma_start3A_43, %dma_start3A_44] : memref<2x128x128xf32, #tpu.memory_space<vmem>> -> memref<1x128x128xf32, #tpu.memory_space<vmem>>
    %dma_start3A_46 = tpu.memref_squeeze %dma_start3A_45 : memref<1x128x128xf32, #tpu.memory_space<vmem>> -> memref<128x128xf32, #tpu.memory_space<vmem>>
    %dma_start3A_47 = arith.constant 0 : i32
    %dma_start3A_48 = tpu.memref_slice %arg9[%dma_start3A_47] : memref<512xi32, #tpu.memory_space<vmem>> -> memref<128xi32, #tpu.memory_space<vmem>>
    %dma_start3A_49 = arith.constant 0 : i32
    %dma_start3A_50 = arith.constant 0 : i32
    %dma_start3A_51 = tpu.memref_slice %arg5[%dma_start3A_49, %dma_start3A_50] : memref<100000x128xf32, #tpu.memory_space<hbm>> -> memref<100000x128xf32, #tpu.memory_space<hbm>>
    %dma_start3A_52 = tpu.memref_slice %arg17[%dma_start3A_42] : memref<2x!tpu.dma_semaphore, #tpu.memory_space<semaphore_mem>> -> memref<1x!tpu.dma_semaphore, #tpu.memory_space<semaphore_mem>>
    %dma_start3A_53 = tpu.memref_squeeze %dma_start3A_52 : memref<1x!tpu.dma_semaphore, #tpu.memory_space<semaphore_mem>> -> memref<!tpu.dma_semaphore, #tpu.memory_space<semaphore_mem>>
    tpu.enqueue_indirect_dma source(%dma_start3A_51 : memref<100000x128xf32, #tpu.memory_space<hbm>>) target(%dma_start3A_46 : memref<128x128xf32, #tpu.memory_space<vmem>>) offsets(%dma_start3A_48 : memref<128xi32, #tpu.memory_space<vmem>>) semaphore(%dma_start3A_53 : memref<!tpu.dma_semaphore, #tpu.memory_space<semaphore_mem>>)
    %dma_start3A_54 = arith.constant 0 : i32
    %dma_start3A_55 = arith.constant 0 : i32
    %dma_start3A_56 = arith.constant 0 : i32
    %dma_start3A_57 = arith.constant 0 : i32
    %dma_start3A_58 = tpu.memref_slice %arg14[%dma_start3A_54, %dma_start3A_56, %dma_start3A_57] : memref<2x128x128xf32, #tpu.memory_space<vmem>> -> memref<1x128x128xf32, #tpu.memory_space<vmem>>
    %dma_start3A_59 = tpu.memref_squeeze %dma_start3A_58 : memref<1x128x128xf32, #tpu.memory_space<vmem>> -> memref<128x128xf32, #tpu.memory_space<vmem>>
    %dma_start3A_60 = arith.constant 0 : i32
    %dma_start3A_61 = tpu.memref_slice %arg10[%dma_start3A_60] : memref<512xi32, #tpu.memory_space<vmem>> -> memref<128xi32, #tpu.memory_space<vmem>>
    %dma_start3A_62 = arith.constant 0 : i32
    %dma_start3A_63 = arith.constant 0 : i32
    %dma_start3A_64 = tpu.memref_slice %arg6[%dma_start3A_62, %dma_start3A_63] : memref<100000x128xf32, #tpu.memory_space<hbm>> -> memref<100000x128xf32, #tpu.memory_space<hbm>>
    %dma_start3A_65 = tpu.memref_slice %arg17[%dma_start3A_55] : memref<2x!tpu.dma_semaphore, #tpu.memory_space<semaphore_mem>> -> memref<1x!tpu.dma_semaphore, #tpu.memory_space<semaphore_mem>>
    %dma_start3A_66 = tpu.memref_squeeze %dma_start3A_65 : memref<1x!tpu.dma_semaphore, #tpu.memory_space<semaphore_mem>> -> memref<!tpu.dma_semaphore, #tpu.memory_space<semaphore_mem>>
    tpu.enqueue_indirect_dma source(%dma_start3A_64 : memref<100000x128xf32, #tpu.memory_space<hbm>>) target(%dma_start3A_59 : memref<128x128xf32, #tpu.memory_space<vmem>>) offsets(%dma_start3A_61 : memref<128xi32, #tpu.memory_space<vmem>>) semaphore(%dma_start3A_66 : memref<!tpu.dma_semaphore, #tpu.memory_space<semaphore_mem>>)
    %dma_start3A_67 = arith.constant 0 : i32
    %dma_start3A_68 = arith.constant 0 : i32
    %dma_start3A_69 = arith.constant 0 : i32
    %dma_start3A_70 = arith.constant 0 : i32
    %dma_start3A_71 = tpu.memref_slice %arg15[%dma_start3A_67, %dma_start3A_69, %dma_start3A_70] : memref<2x128x128xf32, #tpu.memory_space<vmem>> -> memref<1x128x128xf32, #tpu.memory_space<vmem>>
    %dma_start3A_72 = tpu.memref_squeeze %dma_start3A_71 : memref<1x128x128xf32, #tpu.memory_space<vmem>> -> memref<128x128xf32, #tpu.memory_space<vmem>>
    %dma_start3A_73 = arith.constant 0 : i32
    %dma_start3A_74 = tpu.memref_slice %arg4[%add3A_41, %dma_start3A_73] : memref<16384x128xf32, #tpu.memory_space<hbm>> -> memref<128x128xf32, #tpu.memory_space<hbm>>
    %dma_start3A_75 = tpu.memref_slice %arg17[%dma_start3A_68] : memref<2x!tpu.dma_semaphore, #tpu.memory_space<semaphore_mem>> -> memref<1x!tpu.dma_semaphore, #tpu.memory_space<semaphore_mem>>
    %dma_start3A_76 = tpu.memref_squeeze %dma_start3A_75 : memref<1x!tpu.dma_semaphore, #tpu.memory_space<semaphore_mem>> -> memref<!tpu.dma_semaphore, #tpu.memory_space<semaphore_mem>>
    %dma_start3A_77 = arith.constant 0 : i32
    %dma_start3A_78 = arith.constant 0 : i32
    %dma_start3A_79 = tpu.memref_slice %arg15[%dma_start3A_67, %dma_start3A_77, %dma_start3A_78] : memref<2x128x128xf32, #tpu.memory_space<vmem>> -> memref<1x128x128xf32, #tpu.memory_space<vmem>>
    %dma_start3A_80 = tpu.memref_squeeze %dma_start3A_79 : memref<1x128x128xf32, #tpu.memory_space<vmem>> -> memref<128x128xf32, #tpu.memory_space<vmem>>
    %dma_start3A_81 = arith.constant 0 : i32
    %dma_start3A_82 = tpu.memref_slice %arg4[%add3A_41, %dma_start3A_81] : memref<16384x128xf32, #tpu.memory_space<hbm>> -> memref<128x128xf32, #tpu.memory_space<hbm>>
    tpu.enqueue_dma source(%dma_start3A_82 : memref<128x128xf32, #tpu.memory_space<hbm>>) target(%dma_start3A_80 : memref<128x128xf32, #tpu.memory_space<vmem>>) target_semaphore(%dma_start3A_76 : memref<!tpu.dma_semaphore, #tpu.memory_space<semaphore_mem>>)
    %eq3A = arith.constant 0 : i32
    %eq3A_83 = arith.cmpi eq, %arg1, %eq3A : i32
    %convert_element_type3A = arith.extui %eq3A_83 : i1 to i32
    %cond3A = arith.constant 0 : i32
    %cond3A_84 = arith.cmpi ne, %convert_element_type3A, %cond3A : i32
    scf.if %cond3A_84 {
      "tpu.region"() ({
        %run_scoped3A = tpu.sem_alloc : memref<!tpu.dma_semaphore, #tpu.memory_space<semaphore_mem>>
        tpu.enqueue_dma source(%arg7 : memref<100000xf32, #tpu.memory_space<hbm>>) target(%arg12 : memref<100000xf32, #tpu.memory_space<vmem_shared>>) target_semaphore(%run_scoped3A : memref<!tpu.dma_semaphore, #tpu.memory_space<semaphore_mem>>)
        tpu.wait_dma2 semaphore(%run_scoped3A : memref<!tpu.dma_semaphore, #tpu.memory_space<semaphore_mem>>) src(%arg7 : memref<100000xf32, #tpu.memory_space<hbm>>) dst(%arg12 : memref<100000xf32, #tpu.memory_space<vmem_shared>>)
        tpu.yield
      }) : () -> ()
    } else {
    }
    %barrier3A = arith.constant 0 : index
    tpu.barrier barrier_id(%barrier3A)
    %dma_start3A_85 = arith.constant 0 : i32
    %dma_start3A_86 = tpu.memref_slice %arg12[%dma_start3A_85] : memref<100000xf32, #tpu.memory_space<vmem_shared>> -> memref<100000xf32, #tpu.memory_space<vmem_shared>>
    tpu.enqueue_indirect_dma source(%dma_start3A_86 : memref<100000xf32, #tpu.memory_space<vmem_shared>>) target(%arg11 : memref<512xf32, #tpu.memory_space<vmem>>) offsets(%arg10 : memref<512xi32, #tpu.memory_space<vmem>>) semaphore(%arg18 : memref<!tpu.dma_semaphore, #tpu.memory_space<semaphore_mem>>)
    %dma_wait3A = arith.constant 0 : i32
    %dma_wait3A_87 = tpu.memref_slice %arg12[%dma_wait3A] : memref<100000xf32, #tpu.memory_space<vmem_shared>> -> memref<100000xf32, #tpu.memory_space<vmem_shared>>
    tpu.wait_indirect_dma semaphore(%arg18 : memref<!tpu.dma_semaphore, #tpu.memory_space<semaphore_mem>>) src(%dma_wait3A_87 : memref<100000xf32, #tpu.memory_space<vmem_shared>>) dst(%arg11 : memref<512xf32, #tpu.memory_space<vmem>>)
    %scan3A = arith.constant 0 : i32
    %scan3A_88 = arith.constant 0 : i32
    %scan3A_89 = arith.constant 4 : i32
    %scan3A_90 = arith.addi %scan3A_88, %scan3A_89 : i32
    %scan3A_91 = arith.constant 1 : i32
    scf.for %scan3A_93 = %scan3A_88 to %scan3A_90 step %scan3A_91  : i32 {
      %rem3A = arith.constant 2 : i32
      %rem3A_94 = arith.remsi %scan3A_93, %rem3A : i32
      %add3A_95 = arith.constant 1 : i32
      %add3A_96 = arith.addi %scan3A_93, %add3A_95 : i32
      %lt3A = arith.constant 4 : i32
      %lt3A_97 = arith.cmpi slt, %add3A_96, %lt3A : i32
      %convert_element_type3A_98 = arith.extui %lt3A_97 : i1 to i32
      %cond3A_99 = arith.constant 0 : i32
      %cond3A_100 = arith.cmpi ne, %convert_element_type3A_98, %cond3A_99 : i32
      scf.if %cond3A_100 {
        %add3A_152 = arith.constant 1 : i32
        %add3A_153 = arith.addi %scan3A_93, %add3A_152 : i32
        %add3A_154 = arith.constant 1 : i32
        %add3A_155 = arith.addi %scan3A_93, %add3A_154 : i32
        %rem3A_156 = arith.constant 2 : i32
        %rem3A_157 = arith.remsi %add3A_155, %rem3A_156 : i32
        %mul3A_158 = arith.constant 512 : i32
        %mul3A_159 = arith.muli %add3A, %mul3A_158 : i32
        %mul3A_160 = arith.constant 128 : i32
        %mul3A_161 = arith.muli %add3A_153, %mul3A_160 : i32
        %add3A_162 = arith.addi %mul3A_159, %mul3A_161 : i32
        %mul3A_163 = arith.constant 128 : i32
        %mul3A_164 = arith.muli %add3A_153, %mul3A_163 : i32
        %dma_start3A_165 = arith.constant 0 : i32
        %dma_start3A_166 = arith.constant 0 : i32
        %dma_start3A_167 = tpu.memref_slice %arg13[%rem3A_157, %dma_start3A_165, %dma_start3A_166] : memref<2x128x128xf32, #tpu.memory_space<vmem>> -> memref<1x128x128xf32, #tpu.memory_space<vmem>>
        %dma_start3A_168 = tpu.memref_squeeze %dma_start3A_167 : memref<1x128x128xf32, #tpu.memory_space<vmem>> -> memref<128x128xf32, #tpu.memory_space<vmem>>
        %dma_start3A_169 = tpu.memref_slice %arg9[%mul3A_164] : memref<512xi32, #tpu.memory_space<vmem>> -> memref<128xi32, #tpu.memory_space<vmem>>
        %dma_start3A_170 = arith.constant 0 : i32
        %dma_start3A_171 = arith.constant 0 : i32
        %dma_start3A_172 = tpu.memref_slice %arg5[%dma_start3A_170, %dma_start3A_171] : memref<100000x128xf32, #tpu.memory_space<hbm>> -> memref<100000x128xf32, #tpu.memory_space<hbm>>
        %dma_start3A_173 = tpu.memref_slice %arg17[%rem3A_157] : memref<2x!tpu.dma_semaphore, #tpu.memory_space<semaphore_mem>> -> memref<1x!tpu.dma_semaphore, #tpu.memory_space<semaphore_mem>>
        %dma_start3A_174 = tpu.memref_squeeze %dma_start3A_173 : memref<1x!tpu.dma_semaphore, #tpu.memory_space<semaphore_mem>> -> memref<!tpu.dma_semaphore, #tpu.memory_space<semaphore_mem>>
        tpu.enqueue_indirect_dma source(%dma_start3A_172 : memref<100000x128xf32, #tpu.memory_space<hbm>>) target(%dma_start3A_168 : memref<128x128xf32, #tpu.memory_space<vmem>>) offsets(%dma_start3A_169 : memref<128xi32, #tpu.memory_space<vmem>>) semaphore(%dma_start3A_174 : memref<!tpu.dma_semaphore, #tpu.memory_space<semaphore_mem>>)
        %mul3A_175 = arith.constant 128 : i32
        %mul3A_176 = arith.muli %add3A_153, %mul3A_175 : i32
        %dma_start3A_177 = arith.constant 0 : i32
        %dma_start3A_178 = arith.constant 0 : i32
        %dma_start3A_179 = tpu.memref_slice %arg14[%rem3A_157, %dma_start3A_177, %dma_start3A_178] : memref<2x128x128xf32, #tpu.memory_space<vmem>> -> memref<1x128x128xf32, #tpu.memory_space<vmem>>
        %dma_start3A_180 = tpu.memref_squeeze %dma_start3A_179 : memref<1x128x128xf32, #tpu.memory_space<vmem>> -> memref<128x128xf32, #tpu.memory_space<vmem>>
        %dma_start3A_181 = tpu.memref_slice %arg10[%mul3A_176] : memref<512xi32, #tpu.memory_space<vmem>> -> memref<128xi32, #tpu.memory_space<vmem>>
        %dma_start3A_182 = arith.constant 0 : i32
        %dma_start3A_183 = arith.constant 0 : i32
        %dma_start3A_184 = tpu.memref_slice %arg6[%dma_start3A_182, %dma_start3A_183] : memref<100000x128xf32, #tpu.memory_space<hbm>> -> memref<100000x128xf32, #tpu.memory_space<hbm>>
        %dma_start3A_185 = tpu.memref_slice %arg17[%rem3A_157] : memref<2x!tpu.dma_semaphore, #tpu.memory_space<semaphore_mem>> -> memref<1x!tpu.dma_semaphore, #tpu.memory_space<semaphore_mem>>
        %dma_start3A_186 = tpu.memref_squeeze %dma_start3A_185 : memref<1x!tpu.dma_semaphore, #tpu.memory_space<semaphore_mem>> -> memref<!tpu.dma_semaphore, #tpu.memory_space<semaphore_mem>>
        tpu.enqueue_indirect_dma source(%dma_start3A_184 : memref<100000x128xf32, #tpu.memory_space<hbm>>) target(%dma_start3A_180 : memref<128x128xf32, #tpu.memory_space<vmem>>) offsets(%dma_start3A_181 : memref<128xi32, #tpu.memory_space<vmem>>) semaphore(%dma_start3A_186 : memref<!tpu.dma_semaphore, #tpu.memory_space<semaphore_mem>>)
        %dma_start3A_187 = arith.constant 0 : i32
        %dma_start3A_188 = arith.constant 0 : i32
        %dma_start3A_189 = tpu.memref_slice %arg15[%rem3A_157, %dma_start3A_187, %dma_start3A_188] : memref<2x128x128xf32, #tpu.memory_space<vmem>> -> memref<1x128x128xf32, #tpu.memory_space<vmem>>
        %dma_start3A_190 = tpu.memref_squeeze %dma_start3A_189 : memref<1x128x128xf32, #tpu.memory_space<vmem>> -> memref<128x128xf32, #tpu.memory_space<vmem>>
        %dma_start3A_191 = arith.constant 0 : i32
        %dma_start3A_192 = tpu.memref_slice %arg4[%add3A_162, %dma_start3A_191] : memref<16384x128xf32, #tpu.memory_space<hbm>> -> memref<128x128xf32, #tpu.memory_space<hbm>>
        %dma_start3A_193 = tpu.memref_slice %arg17[%rem3A_157] : memref<2x!tpu.dma_semaphore, #tpu.memory_space<semaphore_mem>> -> memref<1x!tpu.dma_semaphore, #tpu.memory_space<semaphore_mem>>
        %dma_start3A_194 = tpu.memref_squeeze %dma_start3A_193 : memref<1x!tpu.dma_semaphore, #tpu.memory_space<semaphore_mem>> -> memref<!tpu.dma_semaphore, #tpu.memory_space<semaphore_mem>>
        %dma_start3A_195 = arith.constant 0 : i32
        %dma_start3A_196 = arith.constant 0 : i32
        %dma_start3A_197 = tpu.memref_slice %arg15[%rem3A_157, %dma_start3A_195, %dma_start3A_196] : memref<2x128x128xf32, #tpu.memory_space<vmem>> -> memref<1x128x128xf32, #tpu.memory_space<vmem>>
        %dma_start3A_198 = tpu.memref_squeeze %dma_start3A_197 : memref<1x128x128xf32, #tpu.memory_space<vmem>> -> memref<128x128xf32, #tpu.memory_space<vmem>>
        %dma_start3A_199 = arith.constant 0 : i32
        %dma_start3A_200 = tpu.memref_slice %arg4[%add3A_162, %dma_start3A_199] : memref<16384x128xf32, #tpu.memory_space<hbm>> -> memref<128x128xf32, #tpu.memory_space<hbm>>
        tpu.enqueue_dma source(%dma_start3A_200 : memref<128x128xf32, #tpu.memory_space<hbm>>) target(%dma_start3A_198 : memref<128x128xf32, #tpu.memory_space<vmem>>) target_semaphore(%dma_start3A_194 : memref<!tpu.dma_semaphore, #tpu.memory_space<semaphore_mem>>)
      } else {
      }
      %mul3A_101 = arith.constant 128 : i32
      %mul3A_102 = arith.muli %scan3A_93, %mul3A_101 : i32
      %dma_wait3A_103 = arith.constant 0 : i32
      %dma_wait3A_104 = arith.constant 0 : i32
      %dma_wait3A_105 = tpu.memref_slice %arg13[%rem3A_94, %dma_wait3A_103, %dma_wait3A_104] : memref<2x128x128xf32, #tpu.memory_space<vmem>> -> memref<1x128x128xf32, #tpu.memory_space<vmem>>
      %dma_wait3A_106 = tpu.memref_squeeze %dma_wait3A_105 : memref<1x128x128xf32, #tpu.memory_space<vmem>> -> memref<128x128xf32, #tpu.memory_space<vmem>>
      %dma_wait3A_107 = tpu.memref_slice %arg9[%mul3A_102] : memref<512xi32, #tpu.memory_space<vmem>> -> memref<128xi32, #tpu.memory_space<vmem>>
      %dma_wait3A_108 = arith.constant 0 : i32
      %dma_wait3A_109 = arith.constant 0 : i32
      %dma_wait3A_110 = tpu.memref_slice %arg5[%dma_wait3A_108, %dma_wait3A_109] : memref<100000x128xf32, #tpu.memory_space<hbm>> -> memref<100000x128xf32, #tpu.memory_space<hbm>>
      %dma_wait3A_111 = tpu.memref_slice %arg17[%rem3A_94] : memref<2x!tpu.dma_semaphore, #tpu.memory_space<semaphore_mem>> -> memref<1x!tpu.dma_semaphore, #tpu.memory_space<semaphore_mem>>
      %dma_wait3A_112 = tpu.memref_squeeze %dma_wait3A_111 : memref<1x!tpu.dma_semaphore, #tpu.memory_space<semaphore_mem>> -> memref<!tpu.dma_semaphore, #tpu.memory_space<semaphore_mem>>
      tpu.wait_indirect_dma semaphore(%dma_wait3A_112 : memref<!tpu.dma_semaphore, #tpu.memory_space<semaphore_mem>>) src(%dma_wait3A_110 : memref<100000x128xf32, #tpu.memory_space<hbm>>) dst(%dma_wait3A_106 : memref<128x128xf32, #tpu.memory_space<vmem>>)
      %mul3A_113 = arith.constant 128 : i32
      %mul3A_114 = arith.muli %scan3A_93, %mul3A_113 : i32
      %dma_wait3A_115 = arith.constant 0 : i32
      %dma_wait3A_116 = arith.constant 0 : i32
      %dma_wait3A_117 = tpu.memref_slice %arg14[%rem3A_94, %dma_wait3A_115, %dma_wait3A_116] : memref<2x128x128xf32, #tpu.memory_space<vmem>> -> memref<1x128x128xf32, #tpu.memory_space<vmem>>
      %dma_wait3A_118 = tpu.memref_squeeze %dma_wait3A_117 : memref<1x128x128xf32, #tpu.memory_space<vmem>> -> memref<128x128xf32, #tpu.memory_space<vmem>>
      %dma_wait3A_119 = tpu.memref_slice %arg10[%mul3A_114] : memref<512xi32, #tpu.memory_space<vmem>> -> memref<128xi32, #tpu.memory_space<vmem>>
      %dma_wait3A_120 = arith.constant 0 : i32
      %dma_wait3A_121 = arith.constant 0 : i32
      %dma_wait3A_122 = tpu.memref_slice %arg6[%dma_wait3A_120, %dma_wait3A_121] : memref<100000x128xf32, #tpu.memory_space<hbm>> -> memref<100000x128xf32, #tpu.memory_space<hbm>>
      %dma_wait3A_123 = tpu.memref_slice %arg17[%rem3A_94] : memref<2x!tpu.dma_semaphore, #tpu.memory_space<semaphore_mem>> -> memref<1x!tpu.dma_semaphore, #tpu.memory_space<semaphore_mem>>
      %dma_wait3A_124 = tpu.memref_squeeze %dma_wait3A_123 : memref<1x!tpu.dma_semaphore, #tpu.memory_space<semaphore_mem>> -> memref<!tpu.dma_semaphore, #tpu.memory_space<semaphore_mem>>
      tpu.wait_indirect_dma semaphore(%dma_wait3A_124 : memref<!tpu.dma_semaphore, #tpu.memory_space<semaphore_mem>>) src(%dma_wait3A_122 : memref<100000x128xf32, #tpu.memory_space<hbm>>) dst(%dma_wait3A_118 : memref<128x128xf32, #tpu.memory_space<vmem>>)
      %dma_wait3A_125 = arith.constant 0 : i32
      %dma_wait3A_126 = arith.constant 0 : i32
      %dma_wait3A_127 = tpu.memref_slice %arg15[%rem3A_94, %dma_wait3A_125, %dma_wait3A_126] : memref<2x128x128xf32, #tpu.memory_space<vmem>> -> memref<1x128x128xf32, #tpu.memory_space<vmem>>
      %dma_wait3A_128 = tpu.memref_squeeze %dma_wait3A_127 : memref<1x128x128xf32, #tpu.memory_space<vmem>> -> memref<128x128xf32, #tpu.memory_space<vmem>>
      %dma_wait3A_129 = arith.constant 0 : i32
      %dma_wait3A_130 = arith.constant 0 : i32
      %dma_wait3A_131 = tpu.memref_slice %arg4[%dma_wait3A_129, %dma_wait3A_130] : memref<16384x128xf32, #tpu.memory_space<hbm>> -> memref<128x128xf32, #tpu.memory_space<hbm>>
      %dma_wait3A_132 = tpu.memref_slice %arg17[%rem3A_94] : memref<2x!tpu.dma_semaphore, #tpu.memory_space<semaphore_mem>> -> memref<1x!tpu.dma_semaphore, #tpu.memory_space<semaphore_mem>>
      %dma_wait3A_133 = tpu.memref_squeeze %dma_wait3A_132 : memref<1x!tpu.dma_semaphore, #tpu.memory_space<semaphore_mem>> -> memref<!tpu.dma_semaphore, #tpu.memory_space<semaphore_mem>>
      %dma_wait3A_134 = arith.constant 0 : i32
      %dma_wait3A_135 = arith.constant 0 : i32
      %dma_wait3A_136 = tpu.memref_slice %arg15[%rem3A_94, %dma_wait3A_134, %dma_wait3A_135] : memref<2x128x128xf32, #tpu.memory_space<vmem>> -> memref<1x128x128xf32, #tpu.memory_space<vmem>>
      %dma_wait3A_137 = tpu.memref_squeeze %dma_wait3A_136 : memref<1x128x128xf32, #tpu.memory_space<vmem>> -> memref<128x128xf32, #tpu.memory_space<vmem>>
      %dma_wait3A_138 = arith.constant 0 : i32
      %dma_wait3A_139 = arith.constant 0 : i32
      %dma_wait3A_140 = tpu.memref_slice %arg4[%dma_wait3A_138, %dma_wait3A_139] : memref<16384x128xf32, #tpu.memory_space<hbm>> -> memref<128x128xf32, #tpu.memory_space<hbm>>
      tpu.wait_dma2 semaphore(%dma_wait3A_133 : memref<!tpu.dma_semaphore, #tpu.memory_space<semaphore_mem>>) src(%dma_wait3A_140 : memref<128x128xf32, #tpu.memory_space<hbm>>) dst(%dma_wait3A_137 : memref<128x128xf32, #tpu.memory_space<vmem>>)
      %scan3A_141 = arith.constant 0 : i32
      %scan3A_142 = arith.constant 0 : i32
      %scan3A_143 = arith.constant 8 : i32
      %scan3A_144 = arith.addi %scan3A_142, %scan3A_143 : i32
      %scan3A_145 = arith.constant 1 : i32
      scf.for %scan3A_152 = %scan3A_142 to %scan3A_144 step %scan3A_145  : i32 {
        %mul3A_153 = arith.constant 16 : i32
        %mul3A_154 = arith.muli %scan3A_152, %mul3A_153 : i32
        %add3A_155 = arith.constant 0 : i32
        %add3A_156 = arith.addi %mul3A_154, %add3A_155 : i32
        %get3A = arith.index_cast %rem3A_94 : i32 to index
        %get3A_157 = arith.index_cast %add3A_156 : i32 to index
        %get3A_158 = arith.constant 0 : index
        %get3A_159 = tpu.vector_load %arg13[%get3A, %get3A_157, %get3A_158] {strides = array<i32>} : memref<2x128x128xf32, #tpu.memory_space<vmem>>, vector<16xf32>,
        %get3A_160 = arith.index_cast %rem3A_94 : i32 to index
        %get3A_161 = arith.index_cast %add3A_156 : i32 to index
        %get3A_162 = arith.constant 0 : index
        %get3A_163 = tpu.vector_load %arg14[%get3A_160, %get3A_161, %get3A_162] {strides = array<i32>} : memref<2x128x128xf32, #tpu.memory_space<vmem>>, vector<16xf32>,
        %get3A_164 = arith.index_cast %rem3A_94 : i32 to index
        %get3A_165 = arith.index_cast %add3A_156 : i32 to index
        %get3A_166 = arith.constant 0 : index
        %get3A_167 = tpu.vector_load %arg15[%get3A_164, %get3A_165, %get3A_166] {strides = array<i32>} : memref<2x128x128xf32, #tpu.memory_space<vmem>>, vector<16xf32>,
        %sub3A = arith.subf %get3A_159, %get3A_163 : vector<16xf32>
        %add3A_168 = arith.addf %get3A_159, %get3A_163 : vector<16xf32>
        %mul3A_169 = arith.mulf %add3A_168, %add3A_168 : vector<16xf32>
        %mul3A_170 = arith.mulf %get3A_159, %get3A_163 : vector<16xf32>
        %sub3A_171 = arith.subf %mul3A_169, %mul3A_170 : vector<16xf32>
        %mul3A_172 = arith.constant 0.020833334 : f32
        %mul3A_173 = vector.broadcast %mul3A_172 : f32 to vector<16xf32>
        %mul3A_174 = arith.mulf %sub3A_171, %mul3A_173 : vector<16xf32>
        %sub3A_175 = arith.constant 2.500000e-01 : f32
        %sub3A_176 = vector.broadcast %sub3A_175 : f32 to vector<16xf32>
        %sub3A_177 = arith.subf %sub3A_176, %mul3A_174 : vector<16xf32>
        %mul3A_178 = arith.mulf %sub3A, %sub3A_177 : vector<16xf32>
        %mul3A_179 = arith.mulf %get3A_167, %mul3A_178 : vector<16xf32>
        %get3A_180 = arith.index_cast %rem3A_94 : i32 to index
        %get3A_181 = arith.index_cast %add3A_156 : i32 to index
        %get3A_182 = arith.constant 16 : index
        %get3A_183 = tpu.vector_load %arg13[%get3A_180, %get3A_181, %get3A_182] {strides = array<i32>} : memref<2x128x128xf32, #tpu.memory_space<vmem>>, vector<16xf32>,
        %get3A_184 = arith.index_cast %rem3A_94 : i32 to index
        %get3A_185 = arith.index_cast %add3A_156 : i32 to index
        %get3A_186 = arith.constant 16 : index
        %get3A_187 = tpu.vector_load %arg14[%get3A_184, %get3A_185, %get3A_186] {strides = array<i32>} : memref<2x128x128xf32, #tpu.memory_space<vmem>>, vector<16xf32>,
        %get3A_188 = arith.index_cast %rem3A_94 : i32 to index
        %get3A_189 = arith.index_cast %add3A_156 : i32 to index
        %get3A_190 = arith.constant 16 : index
        %get3A_191 = tpu.vector_load %arg15[%get3A_188, %get3A_189, %get3A_190] {strides = array<i32>} : memref<2x128x128xf32, #tpu.memory_space<vmem>>, vector<16xf32>,
        %sub3A_192 = arith.subf %get3A_183, %get3A_187 : vector<16xf32>
        %add3A_193 = arith.addf %get3A_183, %get3A_187 : vector<16xf32>
        %mul3A_194 = arith.mulf %add3A_193, %add3A_193 : vector<16xf32>
        %mul3A_195 = arith.mulf %get3A_183, %get3A_187 : vector<16xf32>
        %sub3A_196 = arith.subf %mul3A_194, %mul3A_195 : vector<16xf32>
        %mul3A_197 = arith.constant 0.020833334 : f32
        %mul3A_198 = vector.broadcast %mul3A_197 : f32 to vector<16xf32>
        %mul3A_199 = arith.mulf %sub3A_196, %mul3A_198 : vector<16xf32>
        %sub3A_200 = arith.constant 2.500000e-01 : f32
        %sub3A_201 = vector.broadcast %sub3A_200 : f32 to vector<16xf32>
        %sub3A_202 = arith.subf %sub3A_201, %mul3A_199 : vector<16xf32>
        %mul3A_203 = arith.mulf %sub3A_192, %sub3A_202 : vector<16xf32>
        %mul3A_204 = arith.mulf %get3A_191, %mul3A_203 : vector<16xf32>
        %get3A_205 = arith.index_cast %rem3A_94 : i32 to index
        %get3A_206 = arith.index_cast %add3A_156 : i32 to index
        %get3A_207 = arith.constant 32 : index
        %get3A_208 = tpu.vector_load %arg13[%get3A_205, %get3A_206, %get3A_207] {strides = array<i32>} : memref<2x128x128xf32, #tpu.memory_space<vmem>>, vector<16xf32>,
        %get3A_209 = arith.index_cast %rem3A_94 : i32 to index
        %get3A_210 = arith.index_cast %add3A_156 : i32 to index
        %get3A_211 = arith.constant 32 : index
        %get3A_212 = tpu.vector_load %arg14[%get3A_209, %get3A_210, %get3A_211] {strides = array<i32>} : memref<2x128x128xf32, #tpu.memory_space<vmem>>, vector<16xf32>,
        %get3A_213 = arith.index_cast %rem3A_94 : i32 to index
        %get3A_214 = arith.index_cast %add3A_156 : i32 to index
        %get3A_215 = arith.constant 32 : index
        %get3A_216 = tpu.vector_load %arg15[%get3A_213, %get3A_214, %get3A_215] {strides = array<i32>} : memref<2x128x128xf32, #tpu.memory_space<vmem>>, vector<16xf32>,
        %sub3A_217 = arith.subf %get3A_208, %get3A_212 : vector<16xf32>
        %add3A_218 = arith.addf %get3A_208, %get3A_212 : vector<16xf32>
        %mul3A_219 = arith.mulf %add3A_218, %add3A_218 : vector<16xf32>
        %mul3A_220 = arith.mulf %get3A_208, %get3A_212 : vector<16xf32>
        %sub3A_221 = arith.subf %mul3A_219, %mul3A_220 : vector<16xf32>
        %mul3A_222 = arith.constant 0.020833334 : f32
        %mul3A_223 = vector.broadcast %mul3A_222 : f32 to vector<16xf32>
        %mul3A_224 = arith.mulf %sub3A_221, %mul3A_223 : vector<16xf32>
        %sub3A_225 = arith.constant 2.500000e-01 : f32
        %sub3A_226 = vector.broadcast %sub3A_225 : f32 to vector<16xf32>
        %sub3A_227 = arith.subf %sub3A_226, %mul3A_224 : vector<16xf32>
        %mul3A_228 = arith.mulf %sub3A_217, %sub3A_227 : vector<16xf32>
        %mul3A_229 = arith.mulf %get3A_216, %mul3A_228 : vector<16xf32>
        %get3A_230 = arith.index_cast %rem3A_94 : i32 to index
        %get3A_231 = arith.index_cast %add3A_156 : i32 to index
        %get3A_232 = arith.constant 48 : index
        %get3A_233 = tpu.vector_load %arg13[%get3A_230, %get3A_231, %get3A_232] {strides = array<i32>} : memref<2x128x128xf32, #tpu.memory_space<vmem>>, vector<16xf32>,
        %get3A_234 = arith.index_cast %rem3A_94 : i32 to index
        %get3A_235 = arith.index_cast %add3A_156 : i32 to index
        %get3A_236 = arith.constant 48 : index
        %get3A_237 = tpu.vector_load %arg14[%get3A_234, %get3A_235, %get3A_236] {strides = array<i32>} : memref<2x128x128xf32, #tpu.memory_space<vmem>>, vector<16xf32>,
        %get3A_238 = arith.index_cast %rem3A_94 : i32 to index
        %get3A_239 = arith.index_cast %add3A_156 : i32 to index
        %get3A_240 = arith.constant 48 : index
        %get3A_241 = tpu.vector_load %arg15[%get3A_238, %get3A_239, %get3A_240] {strides = array<i32>} : memref<2x128x128xf32, #tpu.memory_space<vmem>>, vector<16xf32>,
        %sub3A_242 = arith.subf %get3A_233, %get3A_237 : vector<16xf32>
        %add3A_243 = arith.addf %get3A_233, %get3A_237 : vector<16xf32>
        %mul3A_244 = arith.mulf %add3A_243, %add3A_243 : vector<16xf32>
        %mul3A_245 = arith.mulf %get3A_233, %get3A_237 : vector<16xf32>
        %sub3A_246 = arith.subf %mul3A_244, %mul3A_245 : vector<16xf32>
        %mul3A_247 = arith.constant 0.020833334 : f32
        %mul3A_248 = vector.broadcast %mul3A_247 : f32 to vector<16xf32>
        %mul3A_249 = arith.mulf %sub3A_246, %mul3A_248 : vector<16xf32>
        %sub3A_250 = arith.constant 2.500000e-01 : f32
        %sub3A_251 = vector.broadcast %sub3A_250 : f32 to vector<16xf32>
        %sub3A_252 = arith.subf %sub3A_251, %mul3A_249 : vector<16xf32>
        %mul3A_253 = arith.mulf %sub3A_242, %sub3A_252 : vector<16xf32>
        %mul3A_254 = arith.mulf %get3A_241, %mul3A_253 : vector<16xf32>
        %get3A_255 = arith.index_cast %rem3A_94 : i32 to index
        %get3A_256 = arith.index_cast %add3A_156 : i32 to index
        %get3A_257 = arith.constant 64 : index
        %get3A_258 = tpu.vector_load %arg13[%get3A_255, %get3A_256, %get3A_257] {strides = array<i32>} : memref<2x128x128xf32, #tpu.memory_space<vmem>>, vector<16xf32>,
        %get3A_259 = arith.index_cast %rem3A_94 : i32 to index
        %get3A_260 = arith.index_cast %add3A_156 : i32 to index
        %get3A_261 = arith.constant 64 : index
        %get3A_262 = tpu.vector_load %arg14[%get3A_259, %get3A_260, %get3A_261] {strides = array<i32>} : memref<2x128x128xf32, #tpu.memory_space<vmem>>, vector<16xf32>,
        %get3A_263 = arith.index_cast %rem3A_94 : i32 to index
        %get3A_264 = arith.index_cast %add3A_156 : i32 to index
        %get3A_265 = arith.constant 64 : index
        %get3A_266 = tpu.vector_load %arg15[%get3A_263, %get3A_264, %get3A_265] {strides = array<i32>} : memref<2x128x128xf32, #tpu.memory_space<vmem>>, vector<16xf32>,
        %sub3A_267 = arith.subf %get3A_258, %get3A_262 : vector<16xf32>
        %add3A_268 = arith.addf %get3A_258, %get3A_262 : vector<16xf32>
        %mul3A_269 = arith.mulf %add3A_268, %add3A_268 : vector<16xf32>
        %mul3A_270 = arith.mulf %get3A_258, %get3A_262 : vector<16xf32>
        %sub3A_271 = arith.subf %mul3A_269, %mul3A_270 : vector<16xf32>
        %mul3A_272 = arith.constant 0.020833334 : f32
        %mul3A_273 = vector.broadcast %mul3A_272 : f32 to vector<16xf32>
        %mul3A_274 = arith.mulf %sub3A_271, %mul3A_273 : vector<16xf32>
        %sub3A_275 = arith.constant 2.500000e-01 : f32
        %sub3A_276 = vector.broadcast %sub3A_275 : f32 to vector<16xf32>
        %sub3A_277 = arith.subf %sub3A_276, %mul3A_274 : vector<16xf32>
        %mul3A_278 = arith.mulf %sub3A_267, %sub3A_277 : vector<16xf32>
        %mul3A_279 = arith.mulf %get3A_266, %mul3A_278 : vector<16xf32>
        %get3A_280 = arith.index_cast %rem3A_94 : i32 to index
        %get3A_281 = arith.index_cast %add3A_156 : i32 to index
        %get3A_282 = arith.constant 80 : index
        %get3A_283 = tpu.vector_load %arg13[%get3A_280, %get3A_281, %get3A_282] {strides = array<i32>} : memref<2x128x128xf32, #tpu.memory_space<vmem>>, vector<16xf32>,
        %get3A_284 = arith.index_cast %rem3A_94 : i32 to index
        %get3A_285 = arith.index_cast %add3A_156 : i32 to index
        %get3A_286 = arith.constant 80 : index
        %get3A_287 = tpu.vector_load %arg14[%get3A_284, %get3A_285, %get3A_286] {strides = array<i32>} : memref<2x128x128xf32, #tpu.memory_space<vmem>>, vector<16xf32>,
        %get3A_288 = arith.index_cast %rem3A_94 : i32 to index
        %get3A_289 = arith.index_cast %add3A_156 : i32 to index
        %get3A_290 = arith.constant 80 : index
        %get3A_291 = tpu.vector_load %arg15[%get3A_288, %get3A_289, %get3A_290] {strides = array<i32>} : memref<2x128x128xf32, #tpu.memory_space<vmem>>, vector<16xf32>,
        %sub3A_292 = arith.subf %get3A_283, %get3A_287 : vector<16xf32>
        %add3A_293 = arith.addf %get3A_283, %get3A_287 : vector<16xf32>
        %mul3A_294 = arith.mulf %add3A_293, %add3A_293 : vector<16xf32>
        %mul3A_295 = arith.mulf %get3A_283, %get3A_287 : vector<16xf32>
        %sub3A_296 = arith.subf %mul3A_294, %mul3A_295 : vector<16xf32>
        %mul3A_297 = arith.constant 0.020833334 : f32
        %mul3A_298 = vector.broadcast %mul3A_297 : f32 to vector<16xf32>
        %mul3A_299 = arith.mulf %sub3A_296, %mul3A_298 : vector<16xf32>
        %sub3A_300 = arith.constant 2.500000e-01 : f32
        %sub3A_301 = vector.broadcast %sub3A_300 : f32 to vector<16xf32>
        %sub3A_302 = arith.subf %sub3A_301, %mul3A_299 : vector<16xf32>
        %mul3A_303 = arith.mulf %sub3A_292, %sub3A_302 : vector<16xf32>
        %mul3A_304 = arith.mulf %get3A_291, %mul3A_303 : vector<16xf32>
        %get3A_305 = arith.index_cast %rem3A_94 : i32 to index
        %get3A_306 = arith.index_cast %add3A_156 : i32 to index
        %get3A_307 = arith.constant 96 : index
        %get3A_308 = tpu.vector_load %arg13[%get3A_305, %get3A_306, %get3A_307] {strides = array<i32>} : memref<2x128x128xf32, #tpu.memory_space<vmem>>, vector<16xf32>,
        %get3A_309 = arith.index_cast %rem3A_94 : i32 to index
        %get3A_310 = arith.index_cast %add3A_156 : i32 to index
        %get3A_311 = arith.constant 96 : index
        %get3A_312 = tpu.vector_load %arg14[%get3A_309, %get3A_310, %get3A_311] {strides = array<i32>} : memref<2x128x128xf32, #tpu.memory_space<vmem>>, vector<16xf32>,
        %get3A_313 = arith.index_cast %rem3A_94 : i32 to index
        %get3A_314 = arith.index_cast %add3A_156 : i32 to index
        %get3A_315 = arith.constant 96 : index
        %get3A_316 = tpu.vector_load %arg15[%get3A_313, %get3A_314, %get3A_315] {strides = array<i32>} : memref<2x128x128xf32, #tpu.memory_space<vmem>>, vector<16xf32>,
        %sub3A_317 = arith.subf %get3A_308, %get3A_312 : vector<16xf32>
        %add3A_318 = arith.addf %get3A_308, %get3A_312 : vector<16xf32>
        %mul3A_319 = arith.mulf %add3A_318, %add3A_318 : vector<16xf32>
        %mul3A_320 = arith.mulf %get3A_308, %get3A_312 : vector<16xf32>
        %sub3A_321 = arith.subf %mul3A_319, %mul3A_320 : vector<16xf32>
        %mul3A_322 = arith.constant 0.020833334 : f32
        %mul3A_323 = vector.broadcast %mul3A_322 : f32 to vector<16xf32>
        %mul3A_324 = arith.mulf %sub3A_321, %mul3A_323 : vector<16xf32>
        %sub3A_325 = arith.constant 2.500000e-01 : f32
        %sub3A_326 = vector.broadcast %sub3A_325 : f32 to vector<16xf32>
        %sub3A_327 = arith.subf %sub3A_326, %mul3A_324 : vector<16xf32>
        %mul3A_328 = arith.mulf %sub3A_317, %sub3A_327 : vector<16xf32>
        %mul3A_329 = arith.mulf %get3A_316, %mul3A_328 : vector<16xf32>
        %get3A_330 = arith.index_cast %rem3A_94 : i32 to index
        %get3A_331 = arith.index_cast %add3A_156 : i32 to index
        %get3A_332 = arith.constant 112 : index
        %get3A_333 = tpu.vector_load %arg13[%get3A_330, %get3A_331, %get3A_332] {strides = array<i32>} : memref<2x128x128xf32, #tpu.memory_space<vmem>>, vector<16xf32>,
        %get3A_334 = arith.index_cast %rem3A_94 : i32 to index
        %get3A_335 = arith.index_cast %add3A_156 : i32 to index
        %get3A_336 = arith.constant 112 : index
        %get3A_337 = tpu.vector_load %arg14[%get3A_334, %get3A_335, %get3A_336] {strides = array<i32>} : memref<2x128x128xf32, #tpu.memory_space<vmem>>, vector<16xf32>,
        %get3A_338 = arith.index_cast %rem3A_94 : i32 to index
        %get3A_339 = arith.index_cast %add3A_156 : i32 to index
        %get3A_340 = arith.constant 112 : index
        %get3A_341 = tpu.vector_load %arg15[%get3A_338, %get3A_339, %get3A_340] {strides = array<i32>} : memref<2x128x128xf32, #tpu.memory_space<vmem>>, vector<16xf32>,
        %sub3A_342 = arith.subf %get3A_333, %get3A_337 : vector<16xf32>
        %add3A_343 = arith.addf %get3A_333, %get3A_337 : vector<16xf32>
        %mul3A_344 = arith.mulf %add3A_343, %add3A_343 : vector<16xf32>
        %mul3A_345 = arith.mulf %get3A_333, %get3A_337 : vector<16xf32>
        %sub3A_346 = arith.subf %mul3A_344, %mul3A_345 : vector<16xf32>
        %mul3A_347 = arith.constant 0.020833334 : f32
        %mul3A_348 = vector.broadcast %mul3A_347 : f32 to vector<16xf32>
        %mul3A_349 = arith.mulf %sub3A_346, %mul3A_348 : vector<16xf32>
        %sub3A_350 = arith.constant 2.500000e-01 : f32
        %sub3A_351 = vector.broadcast %sub3A_350 : f32 to vector<16xf32>
        %sub3A_352 = arith.subf %sub3A_351, %mul3A_349 : vector<16xf32>
        %mul3A_353 = arith.mulf %sub3A_342, %sub3A_352 : vector<16xf32>
        %mul3A_354 = arith.mulf %get3A_341, %mul3A_353 : vector<16xf32>
        %add3A_355 = arith.addf %mul3A_179, %mul3A_204 : vector<16xf32>
        %add3A_356 = arith.addf %mul3A_229, %mul3A_254 : vector<16xf32>
        %add3A_357 = arith.addf %mul3A_279, %mul3A_304 : vector<16xf32>
        %add3A_358 = arith.addf %mul3A_329, %mul3A_354 : vector<16xf32>
        %add3A_359 = arith.addf %add3A_355, %add3A_356 : vector<16xf32>
        %add3A_360 = arith.addf %add3A_357, %add3A_358 : vector<16xf32>
        %add3A_361 = arith.addf %add3A_359, %add3A_360 : vector<16xf32>
        %mul3A_362 = arith.constant 16 : i32
        %mul3A_363 = arith.muli %scan3A_152, %mul3A_362 : i32
        %add3A_364 = arith.constant 1 : i32
        %add3A_365 = arith.addi %mul3A_363, %add3A_364 : i32
        %get3A_366 = arith.index_cast %rem3A_94 : i32 to index
        %get3A_367 = arith.index_cast %add3A_365 : i32 to index
        %get3A_368 = arith.constant 0 : index
        %get3A_369 = tpu.vector_load %arg13[%get3A_366, %get3A_367, %get3A_368] {strides = array<i32>} : memref<2x128x128xf32, #tpu.memory_space<vmem>>, vector<16xf32>,
        %get3A_370 = arith.index_cast %rem3A_94 : i32 to index
        %get3A_371 = arith.index_cast %add3A_365 : i32 to index
        %get3A_372 = arith.constant 0 : index
        %get3A_373 = tpu.vector_load %arg14[%get3A_370, %get3A_371, %get3A_372] {strides = array<i32>} : memref<2x128x128xf32, #tpu.memory_space<vmem>>, vector<16xf32>,
        %get3A_374 = arith.index_cast %rem3A_94 : i32 to index
        %get3A_375 = arith.index_cast %add3A_365 : i32 to index
        %get3A_376 = arith.constant 0 : index
        %get3A_377 = tpu.vector_load %arg15[%get3A_374, %get3A_375, %get3A_376] {strides = array<i32>} : memref<2x128x128xf32, #tpu.memory_space<vmem>>, vector<16xf32>,
        %sub3A_378 = arith.subf %get3A_369, %get3A_373 : vector<16xf32>
        %add3A_379 = arith.addf %get3A_369, %get3A_373 : vector<16xf32>
        %mul3A_380 = arith.mulf %add3A_379, %add3A_379 : vector<16xf32>
        %mul3A_381 = arith.mulf %get3A_369, %get3A_373 : vector<16xf32>
        %sub3A_382 = arith.subf %mul3A_380, %mul3A_381 : vector<16xf32>
        %mul3A_383 = arith.constant 0.020833334 : f32
        %mul3A_384 = vector.broadcast %mul3A_383 : f32 to vector<16xf32>
        %mul3A_385 = arith.mulf %sub3A_382, %mul3A_384 : vector<16xf32>
        %sub3A_386 = arith.constant 2.500000e-01 : f32
        %sub3A_387 = vector.broadcast %sub3A_386 : f32 to vector<16xf32>
        %sub3A_388 = arith.subf %sub3A_387, %mul3A_385 : vector<16xf32>
        %mul3A_389 = arith.mulf %sub3A_378, %sub3A_388 : vector<16xf32>
        %mul3A_390 = arith.mulf %get3A_377, %mul3A_389 : vector<16xf32>
        %get3A_391 = arith.index_cast %rem3A_94 : i32 to index
        %get3A_392 = arith.index_cast %add3A_365 : i32 to index
        %get3A_393 = arith.constant 16 : index
        %get3A_394 = tpu.vector_load %arg13[%get3A_391, %get3A_392, %get3A_393] {strides = array<i32>} : memref<2x128x128xf32, #tpu.memory_space<vmem>>, vector<16xf32>,
        %get3A_395 = arith.index_cast %rem3A_94 : i32 to index
        %get3A_396 = arith.index_cast %add3A_365 : i32 to index
        %get3A_397 = arith.constant 16 : index
        %get3A_398 = tpu.vector_load %arg14[%get3A_395, %get3A_396, %get3A_397] {strides = array<i32>} : memref<2x128x128xf32, #tpu.memory_space<vmem>>, vector<16xf32>,
        %get3A_399 = arith.index_cast %rem3A_94 : i32 to index
        %get3A_400 = arith.index_cast %add3A_365 : i32 to index
        %get3A_401 = arith.constant 16 : index
        %get3A_402 = tpu.vector_load %arg15[%get3A_399, %get3A_400, %get3A_401] {strides = array<i32>} : memref<2x128x128xf32, #tpu.memory_space<vmem>>, vector<16xf32>,
        %sub3A_403 = arith.subf %get3A_394, %get3A_398 : vector<16xf32>
        %add3A_404 = arith.addf %get3A_394, %get3A_398 : vector<16xf32>
        %mul3A_405 = arith.mulf %add3A_404, %add3A_404 : vector<16xf32>
        %mul3A_406 = arith.mulf %get3A_394, %get3A_398 : vector<16xf32>
        %sub3A_407 = arith.subf %mul3A_405, %mul3A_406 : vector<16xf32>
        %mul3A_408 = arith.constant 0.020833334 : f32
        %mul3A_409 = vector.broadcast %mul3A_408 : f32 to vector<16xf32>
        %mul3A_410 = arith.mulf %sub3A_407, %mul3A_409 : vector<16xf32>
        %sub3A_411 = arith.constant 2.500000e-01 : f32
        %sub3A_412 = vector.broadcast %sub3A_411 : f32 to vector<16xf32>
        %sub3A_413 = arith.subf %sub3A_412, %mul3A_410 : vector<16xf32>
        %mul3A_414 = arith.mulf %sub3A_403, %sub3A_413 : vector<16xf32>
        %mul3A_415 = arith.mulf %get3A_402, %mul3A_414 : vector<16xf32>
        %get3A_416 = arith.index_cast %rem3A_94 : i32 to index
        %get3A_417 = arith.index_cast %add3A_365 : i32 to index
        %get3A_418 = arith.constant 32 : index
        %get3A_419 = tpu.vector_load %arg13[%get3A_416, %get3A_417, %get3A_418] {strides = array<i32>} : memref<2x128x128xf32, #tpu.memory_space<vmem>>, vector<16xf32>,
        %get3A_420 = arith.index_cast %rem3A_94 : i32 to index
        %get3A_421 = arith.index_cast %add3A_365 : i32 to index
        %get3A_422 = arith.constant 32 : index
        %get3A_423 = tpu.vector_load %arg14[%get3A_420, %get3A_421, %get3A_422] {strides = array<i32>} : memref<2x128x128xf32, #tpu.memory_space<vmem>>, vector<16xf32>,
        %get3A_424 = arith.index_cast %rem3A_94 : i32 to index
        %get3A_425 = arith.index_cast %add3A_365 : i32 to index
        %get3A_426 = arith.constant 32 : index
        %get3A_427 = tpu.vector_load %arg15[%get3A_424, %get3A_425, %get3A_426] {strides = array<i32>} : memref<2x128x128xf32, #tpu.memory_space<vmem>>, vector<16xf32>,
        %sub3A_428 = arith.subf %get3A_419, %get3A_423 : vector<16xf32>
        %add3A_429 = arith.addf %get3A_419, %get3A_423 : vector<16xf32>
        %mul3A_430 = arith.mulf %add3A_429, %add3A_429 : vector<16xf32>
        %mul3A_431 = arith.mulf %get3A_419, %get3A_423 : vector<16xf32>
        %sub3A_432 = arith.subf %mul3A_430, %mul3A_431 : vector<16xf32>
        %mul3A_433 = arith.constant 0.020833334 : f32
        %mul3A_434 = vector.broadcast %mul3A_433 : f32 to vector<16xf32>
        %mul3A_435 = arith.mulf %sub3A_432, %mul3A_434 : vector<16xf32>
        %sub3A_436 = arith.constant 2.500000e-01 : f32
        %sub3A_437 = vector.broadcast %sub3A_436 : f32 to vector<16xf32>
        %sub3A_438 = arith.subf %sub3A_437, %mul3A_435 : vector<16xf32>
        %mul3A_439 = arith.mulf %sub3A_428, %sub3A_438 : vector<16xf32>
        %mul3A_440 = arith.mulf %get3A_427, %mul3A_439 : vector<16xf32>
        %get3A_441 = arith.index_cast %rem3A_94 : i32 to index
        %get3A_442 = arith.index_cast %add3A_365 : i32 to index
        %get3A_443 = arith.constant 48 : index
        %get3A_444 = tpu.vector_load %arg13[%get3A_441, %get3A_442, %get3A_443] {strides = array<i32>} : memref<2x128x128xf32, #tpu.memory_space<vmem>>, vector<16xf32>,
        %get3A_445 = arith.index_cast %rem3A_94 : i32 to index
        %get3A_446 = arith.index_cast %add3A_365 : i32 to index
        %get3A_447 = arith.constant 48 : index
        %get3A_448 = tpu.vector_load %arg14[%get3A_445, %get3A_446, %get3A_447] {strides = array<i32>} : memref<2x128x128xf32, #tpu.memory_space<vmem>>, vector<16xf32>,
        %get3A_449 = arith.index_cast %rem3A_94 : i32 to index
        %get3A_450 = arith.index_cast %add3A_365 : i32 to index
        %get3A_451 = arith.constant 48 : index
        %get3A_452 = tpu.vector_load %arg15[%get3A_449, %get3A_450, %get3A_451] {strides = array<i32>} : memref<2x128x128xf32, #tpu.memory_space<vmem>>, vector<16xf32>,
        %sub3A_453 = arith.subf %get3A_444, %get3A_448 : vector<16xf32>
        %add3A_454 = arith.addf %get3A_444, %get3A_448 : vector<16xf32>
        %mul3A_455 = arith.mulf %add3A_454, %add3A_454 : vector<16xf32>
        %mul3A_456 = arith.mulf %get3A_444, %get3A_448 : vector<16xf32>
        %sub3A_457 = arith.subf %mul3A_455, %mul3A_456 : vector<16xf32>
        %mul3A_458 = arith.constant 0.020833334 : f32
        %mul3A_459 = vector.broadcast %mul3A_458 : f32 to vector<16xf32>
        %mul3A_460 = arith.mulf %sub3A_457, %mul3A_459 : vector<16xf32>
        %sub3A_461 = arith.constant 2.500000e-01 : f32
        %sub3A_462 = vector.broadcast %sub3A_461 : f32 to vector<16xf32>
        %sub3A_463 = arith.subf %sub3A_462, %mul3A_460 : vector<16xf32>
        %mul3A_464 = arith.mulf %sub3A_453, %sub3A_463 : vector<16xf32>
        %mul3A_465 = arith.mulf %get3A_452, %mul3A_464 : vector<16xf32>
        %get3A_466 = arith.index_cast %rem3A_94 : i32 to index
        %get3A_467 = arith.index_cast %add3A_365 : i32 to index
        %get3A_468 = arith.constant 64 : index
        %get3A_469 = tpu.vector_load %arg13[%get3A_466, %get3A_467, %get3A_468] {strides = array<i32>} : memref<2x128x128xf32, #tpu.memory_space<vmem>>, vector<16xf32>,
        %get3A_470 = arith.index_cast %rem3A_94 : i32 to index
        %get3A_471 = arith.index_cast %add3A_365 : i32 to index
        %get3A_472 = arith.constant 64 : index
        %get3A_473 = tpu.vector_load %arg14[%get3A_470, %get3A_471, %get3A_472] {strides = array<i32>} : memref<2x128x128xf32, #tpu.memory_space<vmem>>, vector<16xf32>,
        %get3A_474 = arith.index_cast %rem3A_94 : i32 to index
        %get3A_475 = arith.index_cast %add3A_365 : i32 to index
        %get3A_476 = arith.constant 64 : index
        %get3A_477 = tpu.vector_load %arg15[%get3A_474, %get3A_475, %get3A_476] {strides = array<i32>} : memref<2x128x128xf32, #tpu.memory_space<vmem>>, vector<16xf32>,
        %sub3A_478 = arith.subf %get3A_469, %get3A_473 : vector<16xf32>
        %add3A_479 = arith.addf %get3A_469, %get3A_473 : vector<16xf32>
        %mul3A_480 = arith.mulf %add3A_479, %add3A_479 : vector<16xf32>
        %mul3A_481 = arith.mulf %get3A_469, %get3A_473 : vector<16xf32>
        %sub3A_482 = arith.subf %mul3A_480, %mul3A_481 : vector<16xf32>
        %mul3A_483 = arith.constant 0.020833334 : f32
        %mul3A_484 = vector.broadcast %mul3A_483 : f32 to vector<16xf32>
        %mul3A_485 = arith.mulf %sub3A_482, %mul3A_484 : vector<16xf32>
        %sub3A_486 = arith.constant 2.500000e-01 : f32
        %sub3A_487 = vector.broadcast %sub3A_486 : f32 to vector<16xf32>
        %sub3A_488 = arith.subf %sub3A_487, %mul3A_485 : vector<16xf32>
        %mul3A_489 = arith.mulf %sub3A_478, %sub3A_488 : vector<16xf32>
        %mul3A_490 = arith.mulf %get3A_477, %mul3A_489 : vector<16xf32>
        %get3A_491 = arith.index_cast %rem3A_94 : i32 to index
        %get3A_492 = arith.index_cast %add3A_365 : i32 to index
        %get3A_493 = arith.constant 80 : index
        %get3A_494 = tpu.vector_load %arg13[%get3A_491, %get3A_492, %get3A_493] {strides = array<i32>} : memref<2x128x128xf32, #tpu.memory_space<vmem>>, vector<16xf32>,
        %get3A_495 = arith.index_cast %rem3A_94 : i32 to index
        %get3A_496 = arith.index_cast %add3A_365 : i32 to index
        %get3A_497 = arith.constant 80 : index
        %get3A_498 = tpu.vector_load %arg14[%get3A_495, %get3A_496, %get3A_497] {strides = array<i32>} : memref<2x128x128xf32, #tpu.memory_space<vmem>>, vector<16xf32>,
        %get3A_499 = arith.index_cast %rem3A_94 : i32 to index
        %get3A_500 = arith.index_cast %add3A_365 : i32 to index
        %get3A_501 = arith.constant 80 : index
        %get3A_502 = tpu.vector_load %arg15[%get3A_499, %get3A_500, %get3A_501] {strides = array<i32>} : memref<2x128x128xf32, #tpu.memory_space<vmem>>, vector<16xf32>,
        %sub3A_503 = arith.subf %get3A_494, %get3A_498 : vector<16xf32>
        %add3A_504 = arith.addf %get3A_494, %get3A_498 : vector<16xf32>
        %mul3A_505 = arith.mulf %add3A_504, %add3A_504 : vector<16xf32>
        %mul3A_506 = arith.mulf %get3A_494, %get3A_498 : vector<16xf32>
        %sub3A_507 = arith.subf %mul3A_505, %mul3A_506 : vector<16xf32>
        %mul3A_508 = arith.constant 0.020833334 : f32
        %mul3A_509 = vector.broadcast %mul3A_508 : f32 to vector<16xf32>
        %mul3A_510 = arith.mulf %sub3A_507, %mul3A_509 : vector<16xf32>
        %sub3A_511 = arith.constant 2.500000e-01 : f32
        %sub3A_512 = vector.broadcast %sub3A_511 : f32 to vector<16xf32>
        %sub3A_513 = arith.subf %sub3A_512, %mul3A_510 : vector<16xf32>
        %mul3A_514 = arith.mulf %sub3A_503, %sub3A_513 : vector<16xf32>
        %mul3A_515 = arith.mulf %get3A_502, %mul3A_514 : vector<16xf32>
        %get3A_516 = arith.index_cast %rem3A_94 : i32 to index
        %get3A_517 = arith.index_cast %add3A_365 : i32 to index
        %get3A_518 = arith.constant 96 : index
        %get3A_519 = tpu.vector_load %arg13[%get3A_516, %get3A_517, %get3A_518] {strides = array<i32>} : memref<2x128x128xf32, #tpu.memory_space<vmem>>, vector<16xf32>,
        %get3A_520 = arith.index_cast %rem3A_94 : i32 to index
        %get3A_521 = arith.index_cast %add3A_365 : i32 to index
        %get3A_522 = arith.constant 96 : index
        %get3A_523 = tpu.vector_load %arg14[%get3A_520, %get3A_521, %get3A_522] {strides = array<i32>} : memref<2x128x128xf32, #tpu.memory_space<vmem>>, vector<16xf32>,
        %get3A_524 = arith.index_cast %rem3A_94 : i32 to index
        %get3A_525 = arith.index_cast %add3A_365 : i32 to index
        %get3A_526 = arith.constant 96 : index
        %get3A_527 = tpu.vector_load %arg15[%get3A_524, %get3A_525, %get3A_526] {strides = array<i32>} : memref<2x128x128xf32, #tpu.memory_space<vmem>>, vector<16xf32>,
        %sub3A_528 = arith.subf %get3A_519, %get3A_523 : vector<16xf32>
        %add3A_529 = arith.addf %get3A_519, %get3A_523 : vector<16xf32>
        %mul3A_530 = arith.mulf %add3A_529, %add3A_529 : vector<16xf32>
        %mul3A_531 = arith.mulf %get3A_519, %get3A_523 : vector<16xf32>
        %sub3A_532 = arith.subf %mul3A_530, %mul3A_531 : vector<16xf32>
        %mul3A_533 = arith.constant 0.020833334 : f32
        %mul3A_534 = vector.broadcast %mul3A_533 : f32 to vector<16xf32>
        %mul3A_535 = arith.mulf %sub3A_532, %mul3A_534 : vector<16xf32>
        %sub3A_536 = arith.constant 2.500000e-01 : f32
        %sub3A_537 = vector.broadcast %sub3A_536 : f32 to vector<16xf32>
        %sub3A_538 = arith.subf %sub3A_537, %mul3A_535 : vector<16xf32>
        %mul3A_539 = arith.mulf %sub3A_528, %sub3A_538 : vector<16xf32>
        %mul3A_540 = arith.mulf %get3A_527, %mul3A_539 : vector<16xf32>
        %get3A_541 = arith.index_cast %rem3A_94 : i32 to index
        %get3A_542 = arith.index_cast %add3A_365 : i32 to index
        %get3A_543 = arith.constant 112 : index
        %get3A_544 = tpu.vector_load %arg13[%get3A_541, %get3A_542, %get3A_543] {strides = array<i32>} : memref<2x128x128xf32, #tpu.memory_space<vmem>>, vector<16xf32>,
        %get3A_545 = arith.index_cast %rem3A_94 : i32 to index
        %get3A_546 = arith.index_cast %add3A_365 : i32 to index
        %get3A_547 = arith.constant 112 : index
        %get3A_548 = tpu.vector_load %arg14[%get3A_545, %get3A_546, %get3A_547] {strides = array<i32>} : memref<2x128x128xf32, #tpu.memory_space<vmem>>, vector<16xf32>,
        %get3A_549 = arith.index_cast %rem3A_94 : i32 to index
        %get3A_550 = arith.index_cast %add3A_365 : i32 to index
        %get3A_551 = arith.constant 112 : index
        %get3A_552 = tpu.vector_load %arg15[%get3A_549, %get3A_550, %get3A_551] {strides = array<i32>} : memref<2x128x128xf32, #tpu.memory_space<vmem>>, vector<16xf32>,
        %sub3A_553 = arith.subf %get3A_544, %get3A_548 : vector<16xf32>
        %add3A_554 = arith.addf %get3A_544, %get3A_548 : vector<16xf32>
        %mul3A_555 = arith.mulf %add3A_554, %add3A_554 : vector<16xf32>
        %mul3A_556 = arith.mulf %get3A_544, %get3A_548 : vector<16xf32>
        %sub3A_557 = arith.subf %mul3A_555, %mul3A_556 : vector<16xf32>
        %mul3A_558 = arith.constant 0.020833334 : f32
        %mul3A_559 = vector.broadcast %mul3A_558 : f32 to vector<16xf32>
        %mul3A_560 = arith.mulf %sub3A_557, %mul3A_559 : vector<16xf32>
        %sub3A_561 = arith.constant 2.500000e-01 : f32
        %sub3A_562 = vector.broadcast %sub3A_561 : f32 to vector<16xf32>
        %sub3A_563 = arith.subf %sub3A_562, %mul3A_560 : vector<16xf32>
        %mul3A_564 = arith.mulf %sub3A_553, %sub3A_563 : vector<16xf32>
        %mul3A_565 = arith.mulf %get3A_552, %mul3A_564 : vector<16xf32>
        %add3A_566 = arith.addf %mul3A_390, %mul3A_415 : vector<16xf32>
        %add3A_567 = arith.addf %mul3A_440, %mul3A_465 : vector<16xf32>
        %add3A_568 = arith.addf %mul3A_490, %mul3A_515 : vector<16xf32>
        %add3A_569 = arith.addf %mul3A_540, %mul3A_565 : vector<16xf32>
        %add3A_570 = arith.addf %add3A_566, %add3A_567 : vector<16xf32>
        %add3A_571 = arith.addf %add3A_568, %add3A_569 : vector<16xf32>
        %add3A_572 = arith.addf %add3A_570, %add3A_571 : vector<16xf32>
        %mul3A_573 = arith.constant 16 : i32
        %mul3A_574 = arith.muli %scan3A_152, %mul3A_573 : i32
        %add3A_575 = arith.constant 2 : i32
        %add3A_576 = arith.addi %mul3A_574, %add3A_575 : i32
        %get3A_577 = arith.index_cast %rem3A_94 : i32 to index
        %get3A_578 = arith.index_cast %add3A_576 : i32 to index
        %get3A_579 = arith.constant 0 : index
        %get3A_580 = tpu.vector_load %arg13[%get3A_577, %get3A_578, %get3A_579] {strides = array<i32>} : memref<2x128x128xf32, #tpu.memory_space<vmem>>, vector<16xf32>,
        %get3A_581 = arith.index_cast %rem3A_94 : i32 to index
        %get3A_582 = arith.index_cast %add3A_576 : i32 to index
        %get3A_583 = arith.constant 0 : index
        %get3A_584 = tpu.vector_load %arg14[%get3A_581, %get3A_582, %get3A_583] {strides = array<i32>} : memref<2x128x128xf32, #tpu.memory_space<vmem>>, vector<16xf32>,
        %get3A_585 = arith.index_cast %rem3A_94 : i32 to index
        %get3A_586 = arith.index_cast %add3A_576 : i32 to index
        %get3A_587 = arith.constant 0 : index
        %get3A_588 = tpu.vector_load %arg15[%get3A_585, %get3A_586, %get3A_587] {strides = array<i32>} : memref<2x128x128xf32, #tpu.memory_space<vmem>>, vector<16xf32>,
        %sub3A_589 = arith.subf %get3A_580, %get3A_584 : vector<16xf32>
        %add3A_590 = arith.addf %get3A_580, %get3A_584 : vector<16xf32>
        %mul3A_591 = arith.mulf %add3A_590, %add3A_590 : vector<16xf32>
        %mul3A_592 = arith.mulf %get3A_580, %get3A_584 : vector<16xf32>
        %sub3A_593 = arith.subf %mul3A_591, %mul3A_592 : vector<16xf32>
        %mul3A_594 = arith.constant 0.020833334 : f32
        %mul3A_595 = vector.broadcast %mul3A_594 : f32 to vector<16xf32>
        %mul3A_596 = arith.mulf %sub3A_593, %mul3A_595 : vector<16xf32>
        %sub3A_597 = arith.constant 2.500000e-01 : f32
        %sub3A_598 = vector.broadcast %sub3A_597 : f32 to vector<16xf32>
        %sub3A_599 = arith.subf %sub3A_598, %mul3A_596 : vector<16xf32>
        %mul3A_600 = arith.mulf %sub3A_589, %sub3A_599 : vector<16xf32>
        %mul3A_601 = arith.mulf %get3A_588, %mul3A_600 : vector<16xf32>
        %get3A_602 = arith.index_cast %rem3A_94 : i32 to index
        %get3A_603 = arith.index_cast %add3A_576 : i32 to index
        %get3A_604 = arith.constant 16 : index
        %get3A_605 = tpu.vector_load %arg13[%get3A_602, %get3A_603, %get3A_604] {strides = array<i32>} : memref<2x128x128xf32, #tpu.memory_space<vmem>>, vector<16xf32>,
        %get3A_606 = arith.index_cast %rem3A_94 : i32 to index
        %get3A_607 = arith.index_cast %add3A_576 : i32 to index
        %get3A_608 = arith.constant 16 : index
        %get3A_609 = tpu.vector_load %arg14[%get3A_606, %get3A_607, %get3A_608] {strides = array<i32>} : memref<2x128x128xf32, #tpu.memory_space<vmem>>, vector<16xf32>,
        %get3A_610 = arith.index_cast %rem3A_94 : i32 to index
        %get3A_611 = arith.index_cast %add3A_576 : i32 to index
        %get3A_612 = arith.constant 16 : index
        %get3A_613 = tpu.vector_load %arg15[%get3A_610, %get3A_611, %get3A_612] {strides = array<i32>} : memref<2x128x128xf32, #tpu.memory_space<vmem>>, vector<16xf32>,
        %sub3A_614 = arith.subf %get3A_605, %get3A_609 : vector<16xf32>
        %add3A_615 = arith.addf %get3A_605, %get3A_609 : vector<16xf32>
        %mul3A_616 = arith.mulf %add3A_615, %add3A_615 : vector<16xf32>
        %mul3A_617 = arith.mulf %get3A_605, %get3A_609 : vector<16xf32>
        %sub3A_618 = arith.subf %mul3A_616, %mul3A_617 : vector<16xf32>
        %mul3A_619 = arith.constant 0.020833334 : f32
        %mul3A_620 = vector.broadcast %mul3A_619 : f32 to vector<16xf32>
        %mul3A_621 = arith.mulf %sub3A_618, %mul3A_620 : vector<16xf32>
        %sub3A_622 = arith.constant 2.500000e-01 : f32
        %sub3A_623 = vector.broadcast %sub3A_622 : f32 to vector<16xf32>
        %sub3A_624 = arith.subf %sub3A_623, %mul3A_621 : vector<16xf32>
        %mul3A_625 = arith.mulf %sub3A_614, %sub3A_624 : vector<16xf32>
        %mul3A_626 = arith.mulf %get3A_613, %mul3A_625 : vector<16xf32>
        %get3A_627 = arith.index_cast %rem3A_94 : i32 to index
        %get3A_628 = arith.index_cast %add3A_576 : i32 to index
        %get3A_629 = arith.constant 32 : index
        %get3A_630 = tpu.vector_load %arg13[%get3A_627, %get3A_628, %get3A_629] {strides = array<i32>} : memref<2x128x128xf32, #tpu.memory_space<vmem>>, vector<16xf32>,
        %get3A_631 = arith.index_cast %rem3A_94 : i32 to index
        %get3A_632 = arith.index_cast %add3A_576 : i32 to index
        %get3A_633 = arith.constant 32 : index
        %get3A_634 = tpu.vector_load %arg14[%get3A_631, %get3A_632, %get3A_633] {strides = array<i32>} : memref<2x128x128xf32, #tpu.memory_space<vmem>>, vector<16xf32>,
        %get3A_635 = arith.index_cast %rem3A_94 : i32 to index
        %get3A_636 = arith.index_cast %add3A_576 : i32 to index
        %get3A_637 = arith.constant 32 : index
        %get3A_638 = tpu.vector_load %arg15[%get3A_635, %get3A_636, %get3A_637] {strides = array<i32>} : memref<2x128x128xf32, #tpu.memory_space<vmem>>, vector<16xf32>,
        %sub3A_639 = arith.subf %get3A_630, %get3A_634 : vector<16xf32>
        %add3A_640 = arith.addf %get3A_630, %get3A_634 : vector<16xf32>
        %mul3A_641 = arith.mulf %add3A_640, %add3A_640 : vector<16xf32>
        %mul3A_642 = arith.mulf %get3A_630, %get3A_634 : vector<16xf32>
        %sub3A_643 = arith.subf %mul3A_641, %mul3A_642 : vector<16xf32>
        %mul3A_644 = arith.constant 0.020833334 : f32
        %mul3A_645 = vector.broadcast %mul3A_644 : f32 to vector<16xf32>
        %mul3A_646 = arith.mulf %sub3A_643, %mul3A_645 : vector<16xf32>
        %sub3A_647 = arith.constant 2.500000e-01 : f32
        %sub3A_648 = vector.broadcast %sub3A_647 : f32 to vector<16xf32>
        %sub3A_649 = arith.subf %sub3A_648, %mul3A_646 : vector<16xf32>
        %mul3A_650 = arith.mulf %sub3A_639, %sub3A_649 : vector<16xf32>
        %mul3A_651 = arith.mulf %get3A_638, %mul3A_650 : vector<16xf32>
        %get3A_652 = arith.index_cast %rem3A_94 : i32 to index
        %get3A_653 = arith.index_cast %add3A_576 : i32 to index
        %get3A_654 = arith.constant 48 : index
        %get3A_655 = tpu.vector_load %arg13[%get3A_652, %get3A_653, %get3A_654] {strides = array<i32>} : memref<2x128x128xf32, #tpu.memory_space<vmem>>, vector<16xf32>,
        %get3A_656 = arith.index_cast %rem3A_94 : i32 to index
        %get3A_657 = arith.index_cast %add3A_576 : i32 to index
        %get3A_658 = arith.constant 48 : index
        %get3A_659 = tpu.vector_load %arg14[%get3A_656, %get3A_657, %get3A_658] {strides = array<i32>} : memref<2x128x128xf32, #tpu.memory_space<vmem>>, vector<16xf32>,
        %get3A_660 = arith.index_cast %rem3A_94 : i32 to index
        %get3A_661 = arith.index_cast %add3A_576 : i32 to index
        %get3A_662 = arith.constant 48 : index
        %get3A_663 = tpu.vector_load %arg15[%get3A_660, %get3A_661, %get3A_662] {strides = array<i32>} : memref<2x128x128xf32, #tpu.memory_space<vmem>>, vector<16xf32>,
        %sub3A_664 = arith.subf %get3A_655, %get3A_659 : vector<16xf32>
        %add3A_665 = arith.addf %get3A_655, %get3A_659 : vector<16xf32>
        %mul3A_666 = arith.mulf %add3A_665, %add3A_665 : vector<16xf32>
        %mul3A_667 = arith.mulf %get3A_655, %get3A_659 : vector<16xf32>
        %sub3A_668 = arith.subf %mul3A_666, %mul3A_667 : vector<16xf32>
        %mul3A_669 = arith.constant 0.020833334 : f32
        %mul3A_670 = vector.broadcast %mul3A_669 : f32 to vector<16xf32>
        %mul3A_671 = arith.mulf %sub3A_668, %mul3A_670 : vector<16xf32>
        %sub3A_672 = arith.constant 2.500000e-01 : f32
        %sub3A_673 = vector.broadcast %sub3A_672 : f32 to vector<16xf32>
        %sub3A_674 = arith.subf %sub3A_673, %mul3A_671 : vector<16xf32>
        %mul3A_675 = arith.mulf %sub3A_664, %sub3A_674 : vector<16xf32>
        %mul3A_676 = arith.mulf %get3A_663, %mul3A_675 : vector<16xf32>
        %get3A_677 = arith.index_cast %rem3A_94 : i32 to index
        %get3A_678 = arith.index_cast %add3A_576 : i32 to index
        %get3A_679 = arith.constant 64 : index
        %get3A_680 = tpu.vector_load %arg13[%get3A_677, %get3A_678, %get3A_679] {strides = array<i32>} : memref<2x128x128xf32, #tpu.memory_space<vmem>>, vector<16xf32>,
        %get3A_681 = arith.index_cast %rem3A_94 : i32 to index
        %get3A_682 = arith.index_cast %add3A_576 : i32 to index
        %get3A_683 = arith.constant 64 : index
        %get3A_684 = tpu.vector_load %arg14[%get3A_681, %get3A_682, %get3A_683] {strides = array<i32>} : memref<2x128x128xf32, #tpu.memory_space<vmem>>, vector<16xf32>,
        %get3A_685 = arith.index_cast %rem3A_94 : i32 to index
        %get3A_686 = arith.index_cast %add3A_576 : i32 to index
        %get3A_687 = arith.constant 64 : index
        %get3A_688 = tpu.vector_load %arg15[%get3A_685, %get3A_686, %get3A_687] {strides = array<i32>} : memref<2x128x128xf32, #tpu.memory_space<vmem>>, vector<16xf32>,
        %sub3A_689 = arith.subf %get3A_680, %get3A_684 : vector<16xf32>
        %add3A_690 = arith.addf %get3A_680, %get3A_684 : vector<16xf32>
        %mul3A_691 = arith.mulf %add3A_690, %add3A_690 : vector<16xf32>
        %mul3A_692 = arith.mulf %get3A_680, %get3A_684 : vector<16xf32>
        %sub3A_693 = arith.subf %mul3A_691, %mul3A_692 : vector<16xf32>
        %mul3A_694 = arith.constant 0.020833334 : f32
        %mul3A_695 = vector.broadcast %mul3A_694 : f32 to vector<16xf32>
        %mul3A_696 = arith.mulf %sub3A_693, %mul3A_695 : vector<16xf32>
        %sub3A_697 = arith.constant 2.500000e-01 : f32
        %sub3A_698 = vector.broadcast %sub3A_697 : f32 to vector<16xf32>
        %sub3A_699 = arith.subf %sub3A_698, %mul3A_696 : vector<16xf32>
        %mul3A_700 = arith.mulf %sub3A_689, %sub3A_699 : vector<16xf32>
        %mul3A_701 = arith.mulf %get3A_688, %mul3A_700 : vector<16xf32>
        %get3A_702 = arith.index_cast %rem3A_94 : i32 to index
        %get3A_703 = arith.index_cast %add3A_576 : i32 to index
        %get3A_704 = arith.constant 80 : index
        %get3A_705 = tpu.vector_load %arg13[%get3A_702, %get3A_703, %get3A_704] {strides = array<i32>} : memref<2x128x128xf32, #tpu.memory_space<vmem>>, vector<16xf32>,
        %get3A_706 = arith.index_cast %rem3A_94 : i32 to index
        %get3A_707 = arith.index_cast %add3A_576 : i32 to index
        %get3A_708 = arith.constant 80 : index
        %get3A_709 = tpu.vector_load %arg14[%get3A_706, %get3A_707, %get3A_708] {strides = array<i32>} : memref<2x128x128xf32, #tpu.memory_space<vmem>>, vector<16xf32>,
        %get3A_710 = arith.index_cast %rem3A_94 : i32 to index
        %get3A_711 = arith.index_cast %add3A_576 : i32 to index
        %get3A_712 = arith.constant 80 : index
        %get3A_713 = tpu.vector_load %arg15[%get3A_710, %get3A_711, %get3A_712] {strides = array<i32>} : memref<2x128x128xf32, #tpu.memory_space<vmem>>, vector<16xf32>,
        %sub3A_714 = arith.subf %get3A_705, %get3A_709 : vector<16xf32>
        %add3A_715 = arith.addf %get3A_705, %get3A_709 : vector<16xf32>
        %mul3A_716 = arith.mulf %add3A_715, %add3A_715 : vector<16xf32>
        %mul3A_717 = arith.mulf %get3A_705, %get3A_709 : vector<16xf32>
        %sub3A_718 = arith.subf %mul3A_716, %mul3A_717 : vector<16xf32>
        %mul3A_719 = arith.constant 0.020833334 : f32
        %mul3A_720 = vector.broadcast %mul3A_719 : f32 to vector<16xf32>
        %mul3A_721 = arith.mulf %sub3A_718, %mul3A_720 : vector<16xf32>
        %sub3A_722 = arith.constant 2.500000e-01 : f32
        %sub3A_723 = vector.broadcast %sub3A_722 : f32 to vector<16xf32>
        %sub3A_724 = arith.subf %sub3A_723, %mul3A_721 : vector<16xf32>
        %mul3A_725 = arith.mulf %sub3A_714, %sub3A_724 : vector<16xf32>
        %mul3A_726 = arith.mulf %get3A_713, %mul3A_725 : vector<16xf32>
        %get3A_727 = arith.index_cast %rem3A_94 : i32 to index
        %get3A_728 = arith.index_cast %add3A_576 : i32 to index
        %get3A_729 = arith.constant 96 : index
        %get3A_730 = tpu.vector_load %arg13[%get3A_727, %get3A_728, %get3A_729] {strides = array<i32>} : memref<2x128x128xf32, #tpu.memory_space<vmem>>, vector<16xf32>,
        %get3A_731 = arith.index_cast %rem3A_94 : i32 to index
        %get3A_732 = arith.index_cast %add3A_576 : i32 to index
        %get3A_733 = arith.constant 96 : index
        %get3A_734 = tpu.vector_load %arg14[%get3A_731, %get3A_732, %get3A_733] {strides = array<i32>} : memref<2x128x128xf32, #tpu.memory_space<vmem>>, vector<16xf32>,
        %get3A_735 = arith.index_cast %rem3A_94 : i32 to index
        %get3A_736 = arith.index_cast %add3A_576 : i32 to index
        %get3A_737 = arith.constant 96 : index
        %get3A_738 = tpu.vector_load %arg15[%get3A_735, %get3A_736, %get3A_737] {strides = array<i32>} : memref<2x128x128xf32, #tpu.memory_space<vmem>>, vector<16xf32>,
        %sub3A_739 = arith.subf %get3A_730, %get3A_734 : vector<16xf32>
        %add3A_740 = arith.addf %get3A_730, %get3A_734 : vector<16xf32>
        %mul3A_741 = arith.mulf %add3A_740, %add3A_740 : vector<16xf32>
        %mul3A_742 = arith.mulf %get3A_730, %get3A_734 : vector<16xf32>
        %sub3A_743 = arith.subf %mul3A_741, %mul3A_742 : vector<16xf32>
        %mul3A_744 = arith.constant 0.020833334 : f32
        %mul3A_745 = vector.broadcast %mul3A_744 : f32 to vector<16xf32>
        %mul3A_746 = arith.mulf %sub3A_743, %mul3A_745 : vector<16xf32>
        %sub3A_747 = arith.constant 2.500000e-01 : f32
        %sub3A_748 = vector.broadcast %sub3A_747 : f32 to vector<16xf32>
        %sub3A_749 = arith.subf %sub3A_748, %mul3A_746 : vector<16xf32>
        %mul3A_750 = arith.mulf %sub3A_739, %sub3A_749 : vector<16xf32>
        %mul3A_751 = arith.mulf %get3A_738, %mul3A_750 : vector<16xf32>
        %get3A_752 = arith.index_cast %rem3A_94 : i32 to index
        %get3A_753 = arith.index_cast %add3A_576 : i32 to index
        %get3A_754 = arith.constant 112 : index
        %get3A_755 = tpu.vector_load %arg13[%get3A_752, %get3A_753, %get3A_754] {strides = array<i32>} : memref<2x128x128xf32, #tpu.memory_space<vmem>>, vector<16xf32>,
        %get3A_756 = arith.index_cast %rem3A_94 : i32 to index
        %get3A_757 = arith.index_cast %add3A_576 : i32 to index
        %get3A_758 = arith.constant 112 : index
        %get3A_759 = tpu.vector_load %arg14[%get3A_756, %get3A_757, %get3A_758] {strides = array<i32>} : memref<2x128x128xf32, #tpu.memory_space<vmem>>, vector<16xf32>,
        %get3A_760 = arith.index_cast %rem3A_94 : i32 to index
        %get3A_761 = arith.index_cast %add3A_576 : i32 to index
        %get3A_762 = arith.constant 112 : index
        %get3A_763 = tpu.vector_load %arg15[%get3A_760, %get3A_761, %get3A_762] {strides = array<i32>} : memref<2x128x128xf32, #tpu.memory_space<vmem>>, vector<16xf32>,
        %sub3A_764 = arith.subf %get3A_755, %get3A_759 : vector<16xf32>
        %add3A_765 = arith.addf %get3A_755, %get3A_759 : vector<16xf32>
        %mul3A_766 = arith.mulf %add3A_765, %add3A_765 : vector<16xf32>
        %mul3A_767 = arith.mulf %get3A_755, %get3A_759 : vector<16xf32>
        %sub3A_768 = arith.subf %mul3A_766, %mul3A_767 : vector<16xf32>
        %mul3A_769 = arith.constant 0.020833334 : f32
        %mul3A_770 = vector.broadcast %mul3A_769 : f32 to vector<16xf32>
        %mul3A_771 = arith.mulf %sub3A_768, %mul3A_770 : vector<16xf32>
        %sub3A_772 = arith.constant 2.500000e-01 : f32
        %sub3A_773 = vector.broadcast %sub3A_772 : f32 to vector<16xf32>
        %sub3A_774 = arith.subf %sub3A_773, %mul3A_771 : vector<16xf32>
        %mul3A_775 = arith.mulf %sub3A_764, %sub3A_774 : vector<16xf32>
        %mul3A_776 = arith.mulf %get3A_763, %mul3A_775 : vector<16xf32>
        %add3A_777 = arith.addf %mul3A_601, %mul3A_626 : vector<16xf32>
        %add3A_778 = arith.addf %mul3A_651, %mul3A_676 : vector<16xf32>
        %add3A_779 = arith.addf %mul3A_701, %mul3A_726 : vector<16xf32>
        %add3A_780 = arith.addf %mul3A_751, %mul3A_776 : vector<16xf32>
        %add3A_781 = arith.addf %add3A_777, %add3A_778 : vector<16xf32>
        %add3A_782 = arith.addf %add3A_779, %add3A_780 : vector<16xf32>
        %add3A_783 = arith.addf %add3A_781, %add3A_782 : vector<16xf32>
        %mul3A_784 = arith.constant 16 : i32
        %mul3A_785 = arith.muli %scan3A_152, %mul3A_784 : i32
        %add3A_786 = arith.constant 3 : i32
        %add3A_787 = arith.addi %mul3A_785, %add3A_786 : i32
        %get3A_788 = arith.index_cast %rem3A_94 : i32 to index
        %get3A_789 = arith.index_cast %add3A_787 : i32 to index
        %get3A_790 = arith.constant 0 : index
        %get3A_791 = tpu.vector_load %arg13[%get3A_788, %get3A_789, %get3A_790] {strides = array<i32>} : memref<2x128x128xf32, #tpu.memory_space<vmem>>, vector<16xf32>,
        %get3A_792 = arith.index_cast %rem3A_94 : i32 to index
        %get3A_793 = arith.index_cast %add3A_787 : i32 to index
        %get3A_794 = arith.constant 0 : index
        %get3A_795 = tpu.vector_load %arg14[%get3A_792, %get3A_793, %get3A_794] {strides = array<i32>} : memref<2x128x128xf32, #tpu.memory_space<vmem>>, vector<16xf32>,
        %get3A_796 = arith.index_cast %rem3A_94 : i32 to index
        %get3A_797 = arith.index_cast %add3A_787 : i32 to index
        %get3A_798 = arith.constant 0 : index
        %get3A_799 = tpu.vector_load %arg15[%get3A_796, %get3A_797, %get3A_798] {strides = array<i32>} : memref<2x128x128xf32, #tpu.memory_space<vmem>>, vector<16xf32>,
        %sub3A_800 = arith.subf %get3A_791, %get3A_795 : vector<16xf32>
        %add3A_801 = arith.addf %get3A_791, %get3A_795 : vector<16xf32>
        %mul3A_802 = arith.mulf %add3A_801, %add3A_801 : vector<16xf32>
        %mul3A_803 = arith.mulf %get3A_791, %get3A_795 : vector<16xf32>
        %sub3A_804 = arith.subf %mul3A_802, %mul3A_803 : vector<16xf32>
        %mul3A_805 = arith.constant 0.020833334 : f32
        %mul3A_806 = vector.broadcast %mul3A_805 : f32 to vector<16xf32>
        %mul3A_807 = arith.mulf %sub3A_804, %mul3A_806 : vector<16xf32>
        %sub3A_808 = arith.constant 2.500000e-01 : f32
        %sub3A_809 = vector.broadcast %sub3A_808 : f32 to vector<16xf32>
        %sub3A_810 = arith.subf %sub3A_809, %mul3A_807 : vector<16xf32>
        %mul3A_811 = arith.mulf %sub3A_800, %sub3A_810 : vector<16xf32>
        %mul3A_812 = arith.mulf %get3A_799, %mul3A_811 : vector<16xf32>
        %get3A_813 = arith.index_cast %rem3A_94 : i32 to index
        %get3A_814 = arith.index_cast %add3A_787 : i32 to index
        %get3A_815 = arith.constant 16 : index
        %get3A_816 = tpu.vector_load %arg13[%get3A_813, %get3A_814, %get3A_815] {strides = array<i32>} : memref<2x128x128xf32, #tpu.memory_space<vmem>>, vector<16xf32>,
        %get3A_817 = arith.index_cast %rem3A_94 : i32 to index
        %get3A_818 = arith.index_cast %add3A_787 : i32 to index
        %get3A_819 = arith.constant 16 : index
        %get3A_820 = tpu.vector_load %arg14[%get3A_817, %get3A_818, %get3A_819] {strides = array<i32>} : memref<2x128x128xf32, #tpu.memory_space<vmem>>, vector<16xf32>,
        %get3A_821 = arith.index_cast %rem3A_94 : i32 to index
        %get3A_822 = arith.index_cast %add3A_787 : i32 to index
        %get3A_823 = arith.constant 16 : index
        %get3A_824 = tpu.vector_load %arg15[%get3A_821, %get3A_822, %get3A_823] {strides = array<i32>} : memref<2x128x128xf32, #tpu.memory_space<vmem>>, vector<16xf32>,
        %sub3A_825 = arith.subf %get3A_816, %get3A_820 : vector<16xf32>
        %add3A_826 = arith.addf %get3A_816, %get3A_820 : vector<16xf32>
        %mul3A_827 = arith.mulf %add3A_826, %add3A_826 : vector<16xf32>
        %mul3A_828 = arith.mulf %get3A_816, %get3A_820 : vector<16xf32>
        %sub3A_829 = arith.subf %mul3A_827, %mul3A_828 : vector<16xf32>
        %mul3A_830 = arith.constant 0.020833334 : f32
        %mul3A_831 = vector.broadcast %mul3A_830 : f32 to vector<16xf32>
        %mul3A_832 = arith.mulf %sub3A_829, %mul3A_831 : vector<16xf32>
        %sub3A_833 = arith.constant 2.500000e-01 : f32
        %sub3A_834 = vector.broadcast %sub3A_833 : f32 to vector<16xf32>
        %sub3A_835 = arith.subf %sub3A_834, %mul3A_832 : vector<16xf32>
        %mul3A_836 = arith.mulf %sub3A_825, %sub3A_835 : vector<16xf32>
        %mul3A_837 = arith.mulf %get3A_824, %mul3A_836 : vector<16xf32>
        %get3A_838 = arith.index_cast %rem3A_94 : i32 to index
        %get3A_839 = arith.index_cast %add3A_787 : i32 to index
        %get3A_840 = arith.constant 32 : index
        %get3A_841 = tpu.vector_load %arg13[%get3A_838, %get3A_839, %get3A_840] {strides = array<i32>} : memref<2x128x128xf32, #tpu.memory_space<vmem>>, vector<16xf32>,
        %get3A_842 = arith.index_cast %rem3A_94 : i32 to index
        %get3A_843 = arith.index_cast %add3A_787 : i32 to index
        %get3A_844 = arith.constant 32 : index
        %get3A_845 = tpu.vector_load %arg14[%get3A_842, %get3A_843, %get3A_844] {strides = array<i32>} : memref<2x128x128xf32, #tpu.memory_space<vmem>>, vector<16xf32>,
        %get3A_846 = arith.index_cast %rem3A_94 : i32 to index
        %get3A_847 = arith.index_cast %add3A_787 : i32 to index
        %get3A_848 = arith.constant 32 : index
        %get3A_849 = tpu.vector_load %arg15[%get3A_846, %get3A_847, %get3A_848] {strides = array<i32>} : memref<2x128x128xf32, #tpu.memory_space<vmem>>, vector<16xf32>,
        %sub3A_850 = arith.subf %get3A_841, %get3A_845 : vector<16xf32>
        %add3A_851 = arith.addf %get3A_841, %get3A_845 : vector<16xf32>
        %mul3A_852 = arith.mulf %add3A_851, %add3A_851 : vector<16xf32>
        %mul3A_853 = arith.mulf %get3A_841, %get3A_845 : vector<16xf32>
        %sub3A_854 = arith.subf %mul3A_852, %mul3A_853 : vector<16xf32>
        %mul3A_855 = arith.constant 0.020833334 : f32
        %mul3A_856 = vector.broadcast %mul3A_855 : f32 to vector<16xf32>
        %mul3A_857 = arith.mulf %sub3A_854, %mul3A_856 : vector<16xf32>
        %sub3A_858 = arith.constant 2.500000e-01 : f32
        %sub3A_859 = vector.broadcast %sub3A_858 : f32 to vector<16xf32>
        %sub3A_860 = arith.subf %sub3A_859, %mul3A_857 : vector<16xf32>
        %mul3A_861 = arith.mulf %sub3A_850, %sub3A_860 : vector<16xf32>
        %mul3A_862 = arith.mulf %get3A_849, %mul3A_861 : vector<16xf32>
        %get3A_863 = arith.index_cast %rem3A_94 : i32 to index
        %get3A_864 = arith.index_cast %add3A_787 : i32 to index
        %get3A_865 = arith.constant 48 : index
        %get3A_866 = tpu.vector_load %arg13[%get3A_863, %get3A_864, %get3A_865] {strides = array<i32>} : memref<2x128x128xf32, #tpu.memory_space<vmem>>, vector<16xf32>,
        %get3A_867 = arith.index_cast %rem3A_94 : i32 to index
        %get3A_868 = arith.index_cast %add3A_787 : i32 to index
        %get3A_869 = arith.constant 48 : index
        %get3A_870 = tpu.vector_load %arg14[%get3A_867, %get3A_868, %get3A_869] {strides = array<i32>} : memref<2x128x128xf32, #tpu.memory_space<vmem>>, vector<16xf32>,
        %get3A_871 = arith.index_cast %rem3A_94 : i32 to index
        %get3A_872 = arith.index_cast %add3A_787 : i32 to index
        %get3A_873 = arith.constant 48 : index
        %get3A_874 = tpu.vector_load %arg15[%get3A_871, %get3A_872, %get3A_873] {strides = array<i32>} : memref<2x128x128xf32, #tpu.memory_space<vmem>>, vector<16xf32>,
        %sub3A_875 = arith.subf %get3A_866, %get3A_870 : vector<16xf32>
        %add3A_876 = arith.addf %get3A_866, %get3A_870 : vector<16xf32>
        %mul3A_877 = arith.mulf %add3A_876, %add3A_876 : vector<16xf32>
        %mul3A_878 = arith.mulf %get3A_866, %get3A_870 : vector<16xf32>
        %sub3A_879 = arith.subf %mul3A_877, %mul3A_878 : vector<16xf32>
        %mul3A_880 = arith.constant 0.020833334 : f32
        %mul3A_881 = vector.broadcast %mul3A_880 : f32 to vector<16xf32>
        %mul3A_882 = arith.mulf %sub3A_879, %mul3A_881 : vector<16xf32>
        %sub3A_883 = arith.constant 2.500000e-01 : f32
        %sub3A_884 = vector.broadcast %sub3A_883 : f32 to vector<16xf32>
        %sub3A_885 = arith.subf %sub3A_884, %mul3A_882 : vector<16xf32>
        %mul3A_886 = arith.mulf %sub3A_875, %sub3A_885 : vector<16xf32>
        %mul3A_887 = arith.mulf %get3A_874, %mul3A_886 : vector<16xf32>
        %get3A_888 = arith.index_cast %rem3A_94 : i32 to index
        %get3A_889 = arith.index_cast %add3A_787 : i32 to index
        %get3A_890 = arith.constant 64 : index
        %get3A_891 = tpu.vector_load %arg13[%get3A_888, %get3A_889, %get3A_890] {strides = array<i32>} : memref<2x128x128xf32, #tpu.memory_space<vmem>>, vector<16xf32>,
        %get3A_892 = arith.index_cast %rem3A_94 : i32 to index
        %get3A_893 = arith.index_cast %add3A_787 : i32 to index
        %get3A_894 = arith.constant 64 : index
        %get3A_895 = tpu.vector_load %arg14[%get3A_892, %get3A_893, %get3A_894] {strides = array<i32>} : memref<2x128x128xf32, #tpu.memory_space<vmem>>, vector<16xf32>,
        %get3A_896 = arith.index_cast %rem3A_94 : i32 to index
        %get3A_897 = arith.index_cast %add3A_787 : i32 to index
        %get3A_898 = arith.constant 64 : index
        %get3A_899 = tpu.vector_load %arg15[%get3A_896, %get3A_897, %get3A_898] {strides = array<i32>} : memref<2x128x128xf32, #tpu.memory_space<vmem>>, vector<16xf32>,
        %sub3A_900 = arith.subf %get3A_891, %get3A_895 : vector<16xf32>
        %add3A_901 = arith.addf %get3A_891, %get3A_895 : vector<16xf32>
        %mul3A_902 = arith.mulf %add3A_901, %add3A_901 : vector<16xf32>
        %mul3A_903 = arith.mulf %get3A_891, %get3A_895 : vector<16xf32>
        %sub3A_904 = arith.subf %mul3A_902, %mul3A_903 : vector<16xf32>
        %mul3A_905 = arith.constant 0.020833334 : f32
        %mul3A_906 = vector.broadcast %mul3A_905 : f32 to vector<16xf32>
        %mul3A_907 = arith.mulf %sub3A_904, %mul3A_906 : vector<16xf32>
        %sub3A_908 = arith.constant 2.500000e-01 : f32
        %sub3A_909 = vector.broadcast %sub3A_908 : f32 to vector<16xf32>
        %sub3A_910 = arith.subf %sub3A_909, %mul3A_907 : vector<16xf32>
        %mul3A_911 = arith.mulf %sub3A_900, %sub3A_910 : vector<16xf32>
        %mul3A_912 = arith.mulf %get3A_899, %mul3A_911 : vector<16xf32>
        %get3A_913 = arith.index_cast %rem3A_94 : i32 to index
        %get3A_914 = arith.index_cast %add3A_787 : i32 to index
        %get3A_915 = arith.constant 80 : index
        %get3A_916 = tpu.vector_load %arg13[%get3A_913, %get3A_914, %get3A_915] {strides = array<i32>} : memref<2x128x128xf32, #tpu.memory_space<vmem>>, vector<16xf32>,
        %get3A_917 = arith.index_cast %rem3A_94 : i32 to index
        %get3A_918 = arith.index_cast %add3A_787 : i32 to index
        %get3A_919 = arith.constant 80 : index
        %get3A_920 = tpu.vector_load %arg14[%get3A_917, %get3A_918, %get3A_919] {strides = array<i32>} : memref<2x128x128xf32, #tpu.memory_space<vmem>>, vector<16xf32>,
        %get3A_921 = arith.index_cast %rem3A_94 : i32 to index
        %get3A_922 = arith.index_cast %add3A_787 : i32 to index
        %get3A_923 = arith.constant 80 : index
        %get3A_924 = tpu.vector_load %arg15[%get3A_921, %get3A_922, %get3A_923] {strides = array<i32>} : memref<2x128x128xf32, #tpu.memory_space<vmem>>, vector<16xf32>,
        %sub3A_925 = arith.subf %get3A_916, %get3A_920 : vector<16xf32>
        %add3A_926 = arith.addf %get3A_916, %get3A_920 : vector<16xf32>
        %mul3A_927 = arith.mulf %add3A_926, %add3A_926 : vector<16xf32>
        %mul3A_928 = arith.mulf %get3A_916, %get3A_920 : vector<16xf32>
        %sub3A_929 = arith.subf %mul3A_927, %mul3A_928 : vector<16xf32>
        %mul3A_930 = arith.constant 0.020833334 : f32
        %mul3A_931 = vector.broadcast %mul3A_930 : f32 to vector<16xf32>
        %mul3A_932 = arith.mulf %sub3A_929, %mul3A_931 : vector<16xf32>
        %sub3A_933 = arith.constant 2.500000e-01 : f32
        %sub3A_934 = vector.broadcast %sub3A_933 : f32 to vector<16xf32>
        %sub3A_935 = arith.subf %sub3A_934, %mul3A_932 : vector<16xf32>
        %mul3A_936 = arith.mulf %sub3A_925, %sub3A_935 : vector<16xf32>
        %mul3A_937 = arith.mulf %get3A_924, %mul3A_936 : vector<16xf32>
        %get3A_938 = arith.index_cast %rem3A_94 : i32 to index
        %get3A_939 = arith.index_cast %add3A_787 : i32 to index
        %get3A_940 = arith.constant 96 : index
        %get3A_941 = tpu.vector_load %arg13[%get3A_938, %get3A_939, %get3A_940] {strides = array<i32>} : memref<2x128x128xf32, #tpu.memory_space<vmem>>, vector<16xf32>,
        %get3A_942 = arith.index_cast %rem3A_94 : i32 to index
        %get3A_943 = arith.index_cast %add3A_787 : i32 to index
        %get3A_944 = arith.constant 96 : index
        %get3A_945 = tpu.vector_load %arg14[%get3A_942, %get3A_943, %get3A_944] {strides = array<i32>} : memref<2x128x128xf32, #tpu.memory_space<vmem>>, vector<16xf32>,
        %get3A_946 = arith.index_cast %rem3A_94 : i32 to index
        %get3A_947 = arith.index_cast %add3A_787 : i32 to index
        %get3A_948 = arith.constant 96 : index
        %get3A_949 = tpu.vector_load %arg15[%get3A_946, %get3A_947, %get3A_948] {strides = array<i32>} : memref<2x128x128xf32, #tpu.memory_space<vmem>>, vector<16xf32>,
        %sub3A_950 = arith.subf %get3A_941, %get3A_945 : vector<16xf32>
        %add3A_951 = arith.addf %get3A_941, %get3A_945 : vector<16xf32>
        %mul3A_952 = arith.mulf %add3A_951, %add3A_951 : vector<16xf32>
        %mul3A_953 = arith.mulf %get3A_941, %get3A_945 : vector<16xf32>
        %sub3A_954 = arith.subf %mul3A_952, %mul3A_953 : vector<16xf32>
        %mul3A_955 = arith.constant 0.020833334 : f32
        %mul3A_956 = vector.broadcast %mul3A_955 : f32 to vector<16xf32>
        %mul3A_957 = arith.mulf %sub3A_954, %mul3A_956 : vector<16xf32>
        %sub3A_958 = arith.constant 2.500000e-01 : f32
        %sub3A_959 = vector.broadcast %sub3A_958 : f32 to vector<16xf32>
        %sub3A_960 = arith.subf %sub3A_959, %mul3A_957 : vector<16xf32>
        %mul3A_961 = arith.mulf %sub3A_950, %sub3A_960 : vector<16xf32>
        %mul3A_962 = arith.mulf %get3A_949, %mul3A_961 : vector<16xf32>
        %get3A_963 = arith.index_cast %rem3A_94 : i32 to index
        %get3A_964 = arith.index_cast %add3A_787 : i32 to index
        %get3A_965 = arith.constant 112 : index
        %get3A_966 = tpu.vector_load %arg13[%get3A_963, %get3A_964, %get3A_965] {strides = array<i32>} : memref<2x128x128xf32, #tpu.memory_space<vmem>>, vector<16xf32>,
        %get3A_967 = arith.index_cast %rem3A_94 : i32 to index
        %get3A_968 = arith.index_cast %add3A_787 : i32 to index
        %get3A_969 = arith.constant 112 : index
        %get3A_970 = tpu.vector_load %arg14[%get3A_967, %get3A_968, %get3A_969] {strides = array<i32>} : memref<2x128x128xf32, #tpu.memory_space<vmem>>, vector<16xf32>,
        %get3A_971 = arith.index_cast %rem3A_94 : i32 to index
        %get3A_972 = arith.index_cast %add3A_787 : i32 to index
        %get3A_973 = arith.constant 112 : index
        %get3A_974 = tpu.vector_load %arg15[%get3A_971, %get3A_972, %get3A_973] {strides = array<i32>} : memref<2x128x128xf32, #tpu.memory_space<vmem>>, vector<16xf32>,
        %sub3A_975 = arith.subf %get3A_966, %get3A_970 : vector<16xf32>
        %add3A_976 = arith.addf %get3A_966, %get3A_970 : vector<16xf32>
        %mul3A_977 = arith.mulf %add3A_976, %add3A_976 : vector<16xf32>
        %mul3A_978 = arith.mulf %get3A_966, %get3A_970 : vector<16xf32>
        %sub3A_979 = arith.subf %mul3A_977, %mul3A_978 : vector<16xf32>
        %mul3A_980 = arith.constant 0.020833334 : f32
        %mul3A_981 = vector.broadcast %mul3A_980 : f32 to vector<16xf32>
        %mul3A_982 = arith.mulf %sub3A_979, %mul3A_981 : vector<16xf32>
        %sub3A_983 = arith.constant 2.500000e-01 : f32
        %sub3A_984 = vector.broadcast %sub3A_983 : f32 to vector<16xf32>
        %sub3A_985 = arith.subf %sub3A_984, %mul3A_982 : vector<16xf32>
        %mul3A_986 = arith.mulf %sub3A_975, %sub3A_985 : vector<16xf32>
        %mul3A_987 = arith.mulf %get3A_974, %mul3A_986 : vector<16xf32>
        %add3A_988 = arith.addf %mul3A_812, %mul3A_837 : vector<16xf32>
        %add3A_989 = arith.addf %mul3A_862, %mul3A_887 : vector<16xf32>
        %add3A_990 = arith.addf %mul3A_912, %mul3A_937 : vector<16xf32>
        %add3A_991 = arith.addf %mul3A_962, %mul3A_987 : vector<16xf32>
        %add3A_992 = arith.addf %add3A_988, %add3A_989 : vector<16xf32>
        %add3A_993 = arith.addf %add3A_990, %add3A_991 : vector<16xf32>
        %add3A_994 = arith.addf %add3A_992, %add3A_993 : vector<16xf32>
        %mul3A_995 = arith.constant 16 : i32
        %mul3A_996 = arith.muli %scan3A_152, %mul3A_995 : i32
        %add3A_997 = arith.constant 4 : i32
        %add3A_998 = arith.addi %mul3A_996, %add3A_997 : i32
        %get3A_999 = arith.index_cast %rem3A_94 : i32 to index
        %get3A_1000 = arith.index_cast %add3A_998 : i32 to index
        %get3A_1001 = arith.constant 0 : index
        %get3A_1002 = tpu.vector_load %arg13[%get3A_999, %get3A_1000, %get3A_1001] {strides = array<i32>} : memref<2x128x128xf32, #tpu.memory_space<vmem>>, vector<16xf32>,
        %get3A_1003 = arith.index_cast %rem3A_94 : i32 to index
        %get3A_1004 = arith.index_cast %add3A_998 : i32 to index
        %get3A_1005 = arith.constant 0 : index
        %get3A_1006 = tpu.vector_load %arg14[%get3A_1003, %get3A_1004, %get3A_1005] {strides = array<i32>} : memref<2x128x128xf32, #tpu.memory_space<vmem>>, vector<16xf32>,
        %get3A_1007 = arith.index_cast %rem3A_94 : i32 to index
        %get3A_1008 = arith.index_cast %add3A_998 : i32 to index
        %get3A_1009 = arith.constant 0 : index
        %get3A_1010 = tpu.vector_load %arg15[%get3A_1007, %get3A_1008, %get3A_1009] {strides = array<i32>} : memref<2x128x128xf32, #tpu.memory_space<vmem>>, vector<16xf32>,
        %sub3A_1011 = arith.subf %get3A_1002, %get3A_1006 : vector<16xf32>
        %add3A_1012 = arith.addf %get3A_1002, %get3A_1006 : vector<16xf32>
        %mul3A_1013 = arith.mulf %add3A_1012, %add3A_1012 : vector<16xf32>
        %mul3A_1014 = arith.mulf %get3A_1002, %get3A_1006 : vector<16xf32>
        %sub3A_1015 = arith.subf %mul3A_1013, %mul3A_1014 : vector<16xf32>
        %mul3A_1016 = arith.constant 0.020833334 : f32
        %mul3A_1017 = vector.broadcast %mul3A_1016 : f32 to vector<16xf32>
        %mul3A_1018 = arith.mulf %sub3A_1015, %mul3A_1017 : vector<16xf32>
        %sub3A_1019 = arith.constant 2.500000e-01 : f32
        %sub3A_1020 = vector.broadcast %sub3A_1019 : f32 to vector<16xf32>
        %sub3A_1021 = arith.subf %sub3A_1020, %mul3A_1018 : vector<16xf32>
        %mul3A_1022 = arith.mulf %sub3A_1011, %sub3A_1021 : vector<16xf32>
        %mul3A_1023 = arith.mulf %get3A_1010, %mul3A_1022 : vector<16xf32>
        %get3A_1024 = arith.index_cast %rem3A_94 : i32 to index
        %get3A_1025 = arith.index_cast %add3A_998 : i32 to index
        %get3A_1026 = arith.constant 16 : index
        %get3A_1027 = tpu.vector_load %arg13[%get3A_1024, %get3A_1025, %get3A_1026] {strides = array<i32>} : memref<2x128x128xf32, #tpu.memory_space<vmem>>, vector<16xf32>,
        %get3A_1028 = arith.index_cast %rem3A_94 : i32 to index
        %get3A_1029 = arith.index_cast %add3A_998 : i32 to index
        %get3A_1030 = arith.constant 16 : index
        %get3A_1031 = tpu.vector_load %arg14[%get3A_1028, %get3A_1029, %get3A_1030] {strides = array<i32>} : memref<2x128x128xf32, #tpu.memory_space<vmem>>, vector<16xf32>,
        %get3A_1032 = arith.index_cast %rem3A_94 : i32 to index
        %get3A_1033 = arith.index_cast %add3A_998 : i32 to index
        %get3A_1034 = arith.constant 16 : index
        %get3A_1035 = tpu.vector_load %arg15[%get3A_1032, %get3A_1033, %get3A_1034] {strides = array<i32>} : memref<2x128x128xf32, #tpu.memory_space<vmem>>, vector<16xf32>,
        %sub3A_1036 = arith.subf %get3A_1027, %get3A_1031 : vector<16xf32>
        %add3A_1037 = arith.addf %get3A_1027, %get3A_1031 : vector<16xf32>
        %mul3A_1038 = arith.mulf %add3A_1037, %add3A_1037 : vector<16xf32>
        %mul3A_1039 = arith.mulf %get3A_1027, %get3A_1031 : vector<16xf32>
        %sub3A_1040 = arith.subf %mul3A_1038, %mul3A_1039 : vector<16xf32>
        %mul3A_1041 = arith.constant 0.020833334 : f32
        %mul3A_1042 = vector.broadcast %mul3A_1041 : f32 to vector<16xf32>
        %mul3A_1043 = arith.mulf %sub3A_1040, %mul3A_1042 : vector<16xf32>
        %sub3A_1044 = arith.constant 2.500000e-01 : f32
        %sub3A_1045 = vector.broadcast %sub3A_1044 : f32 to vector<16xf32>
        %sub3A_1046 = arith.subf %sub3A_1045, %mul3A_1043 : vector<16xf32>
        %mul3A_1047 = arith.mulf %sub3A_1036, %sub3A_1046 : vector<16xf32>
        %mul3A_1048 = arith.mulf %get3A_1035, %mul3A_1047 : vector<16xf32>
        %get3A_1049 = arith.index_cast %rem3A_94 : i32 to index
        %get3A_1050 = arith.index_cast %add3A_998 : i32 to index
        %get3A_1051 = arith.constant 32 : index
        %get3A_1052 = tpu.vector_load %arg13[%get3A_1049, %get3A_1050, %get3A_1051] {strides = array<i32>} : memref<2x128x128xf32, #tpu.memory_space<vmem>>, vector<16xf32>,
        %get3A_1053 = arith.index_cast %rem3A_94 : i32 to index
        %get3A_1054 = arith.index_cast %add3A_998 : i32 to index
        %get3A_1055 = arith.constant 32 : index
        %get3A_1056 = tpu.vector_load %arg14[%get3A_1053, %get3A_1054, %get3A_1055] {strides = array<i32>} : memref<2x128x128xf32, #tpu.memory_space<vmem>>, vector<16xf32>,
        %get3A_1057 = arith.index_cast %rem3A_94 : i32 to index
        %get3A_1058 = arith.index_cast %add3A_998 : i32 to index
        %get3A_1059 = arith.constant 32 : index
        %get3A_1060 = tpu.vector_load %arg15[%get3A_1057, %get3A_1058, %get3A_1059] {strides = array<i32>} : memref<2x128x128xf32, #tpu.memory_space<vmem>>, vector<16xf32>,
        %sub3A_1061 = arith.subf %get3A_1052, %get3A_1056 : vector<16xf32>
        %add3A_1062 = arith.addf %get3A_1052, %get3A_1056 : vector<16xf32>
        %mul3A_1063 = arith.mulf %add3A_1062, %add3A_1062 : vector<16xf32>
        %mul3A_1064 = arith.mulf %get3A_1052, %get3A_1056 : vector<16xf32>
        %sub3A_1065 = arith.subf %mul3A_1063, %mul3A_1064 : vector<16xf32>
        %mul3A_1066 = arith.constant 0.020833334 : f32
        %mul3A_1067 = vector.broadcast %mul3A_1066 : f32 to vector<16xf32>
        %mul3A_1068 = arith.mulf %sub3A_1065, %mul3A_1067 : vector<16xf32>
        %sub3A_1069 = arith.constant 2.500000e-01 : f32
        %sub3A_1070 = vector.broadcast %sub3A_1069 : f32 to vector<16xf32>
        %sub3A_1071 = arith.subf %sub3A_1070, %mul3A_1068 : vector<16xf32>
        %mul3A_1072 = arith.mulf %sub3A_1061, %sub3A_1071 : vector<16xf32>
        %mul3A_1073 = arith.mulf %get3A_1060, %mul3A_1072 : vector<16xf32>
        %get3A_1074 = arith.index_cast %rem3A_94 : i32 to index
        %get3A_1075 = arith.index_cast %add3A_998 : i32 to index
        %get3A_1076 = arith.constant 48 : index
        %get3A_1077 = tpu.vector_load %arg13[%get3A_1074, %get3A_1075, %get3A_1076] {strides = array<i32>} : memref<2x128x128xf32, #tpu.memory_space<vmem>>, vector<16xf32>,
        %get3A_1078 = arith.index_cast %rem3A_94 : i32 to index
        %get3A_1079 = arith.index_cast %add3A_998 : i32 to index
        %get3A_1080 = arith.constant 48 : index
        %get3A_1081 = tpu.vector_load %arg14[%get3A_1078, %get3A_1079, %get3A_1080] {strides = array<i32>} : memref<2x128x128xf32, #tpu.memory_space<vmem>>, vector<16xf32>,
        %get3A_1082 = arith.index_cast %rem3A_94 : i32 to index
        %get3A_1083 = arith.index_cast %add3A_998 : i32 to index
        %get3A_1084 = arith.constant 48 : index
        %get3A_1085 = tpu.vector_load %arg15[%get3A_1082, %get3A_1083, %get3A_1084] {strides = array<i32>} : memref<2x128x128xf32, #tpu.memory_space<vmem>>, vector<16xf32>,
        %sub3A_1086 = arith.subf %get3A_1077, %get3A_1081 : vector<16xf32>
        %add3A_1087 = arith.addf %get3A_1077, %get3A_1081 : vector<16xf32>
        %mul3A_1088 = arith.mulf %add3A_1087, %add3A_1087 : vector<16xf32>
        %mul3A_1089 = arith.mulf %get3A_1077, %get3A_1081 : vector<16xf32>
        %sub3A_1090 = arith.subf %mul3A_1088, %mul3A_1089 : vector<16xf32>
        %mul3A_1091 = arith.constant 0.020833334 : f32
        %mul3A_1092 = vector.broadcast %mul3A_1091 : f32 to vector<16xf32>
        %mul3A_1093 = arith.mulf %sub3A_1090, %mul3A_1092 : vector<16xf32>
        %sub3A_1094 = arith.constant 2.500000e-01 : f32
        %sub3A_1095 = vector.broadcast %sub3A_1094 : f32 to vector<16xf32>
        %sub3A_1096 = arith.subf %sub3A_1095, %mul3A_1093 : vector<16xf32>
        %mul3A_1097 = arith.mulf %sub3A_1086, %sub3A_1096 : vector<16xf32>
        %mul3A_1098 = arith.mulf %get3A_1085, %mul3A_1097 : vector<16xf32>
        %get3A_1099 = arith.index_cast %rem3A_94 : i32 to index
        %get3A_1100 = arith.index_cast %add3A_998 : i32 to index
        %get3A_1101 = arith.constant 64 : index
        %get3A_1102 = tpu.vector_load %arg13[%get3A_1099, %get3A_1100, %get3A_1101] {strides = array<i32>} : memref<2x128x128xf32, #tpu.memory_space<vmem>>, vector<16xf32>,
        %get3A_1103 = arith.index_cast %rem3A_94 : i32 to index
        %get3A_1104 = arith.index_cast %add3A_998 : i32 to index
        %get3A_1105 = arith.constant 64 : index
        %get3A_1106 = tpu.vector_load %arg14[%get3A_1103, %get3A_1104, %get3A_1105] {strides = array<i32>} : memref<2x128x128xf32, #tpu.memory_space<vmem>>, vector<16xf32>,
        %get3A_1107 = arith.index_cast %rem3A_94 : i32 to index
        %get3A_1108 = arith.index_cast %add3A_998 : i32 to index
        %get3A_1109 = arith.constant 64 : index
        %get3A_1110 = tpu.vector_load %arg15[%get3A_1107, %get3A_1108, %get3A_1109] {strides = array<i32>} : memref<2x128x128xf32, #tpu.memory_space<vmem>>, vector<16xf32>,
        %sub3A_1111 = arith.subf %get3A_1102, %get3A_1106 : vector<16xf32>
        %add3A_1112 = arith.addf %get3A_1102, %get3A_1106 : vector<16xf32>
        %mul3A_1113 = arith.mulf %add3A_1112, %add3A_1112 : vector<16xf32>
        %mul3A_1114 = arith.mulf %get3A_1102, %get3A_1106 : vector<16xf32>
        %sub3A_1115 = arith.subf %mul3A_1113, %mul3A_1114 : vector<16xf32>
        %mul3A_1116 = arith.constant 0.020833334 : f32
        %mul3A_1117 = vector.broadcast %mul3A_1116 : f32 to vector<16xf32>
        %mul3A_1118 = arith.mulf %sub3A_1115, %mul3A_1117 : vector<16xf32>
        %sub3A_1119 = arith.constant 2.500000e-01 : f32
        %sub3A_1120 = vector.broadcast %sub3A_1119 : f32 to vector<16xf32>
        %sub3A_1121 = arith.subf %sub3A_1120, %mul3A_1118 : vector<16xf32>
        %mul3A_1122 = arith.mulf %sub3A_1111, %sub3A_1121 : vector<16xf32>
        %mul3A_1123 = arith.mulf %get3A_1110, %mul3A_1122 : vector<16xf32>
        %get3A_1124 = arith.index_cast %rem3A_94 : i32 to index
        %get3A_1125 = arith.index_cast %add3A_998 : i32 to index
        %get3A_1126 = arith.constant 80 : index
        %get3A_1127 = tpu.vector_load %arg13[%get3A_1124, %get3A_1125, %get3A_1126] {strides = array<i32>} : memref<2x128x128xf32, #tpu.memory_space<vmem>>, vector<16xf32>,
        %get3A_1128 = arith.index_cast %rem3A_94 : i32 to index
        %get3A_1129 = arith.index_cast %add3A_998 : i32 to index
        %get3A_1130 = arith.constant 80 : index
        %get3A_1131 = tpu.vector_load %arg14[%get3A_1128, %get3A_1129, %get3A_1130] {strides = array<i32>} : memref<2x128x128xf32, #tpu.memory_space<vmem>>, vector<16xf32>,
        %get3A_1132 = arith.index_cast %rem3A_94 : i32 to index
        %get3A_1133 = arith.index_cast %add3A_998 : i32 to index
        %get3A_1134 = arith.constant 80 : index
        %get3A_1135 = tpu.vector_load %arg15[%get3A_1132, %get3A_1133, %get3A_1134] {strides = array<i32>} : memref<2x128x128xf32, #tpu.memory_space<vmem>>, vector<16xf32>,
        %sub3A_1136 = arith.subf %get3A_1127, %get3A_1131 : vector<16xf32>
        %add3A_1137 = arith.addf %get3A_1127, %get3A_1131 : vector<16xf32>
        %mul3A_1138 = arith.mulf %add3A_1137, %add3A_1137 : vector<16xf32>
        %mul3A_1139 = arith.mulf %get3A_1127, %get3A_1131 : vector<16xf32>
        %sub3A_1140 = arith.subf %mul3A_1138, %mul3A_1139 : vector<16xf32>
        %mul3A_1141 = arith.constant 0.020833334 : f32
        %mul3A_1142 = vector.broadcast %mul3A_1141 : f32 to vector<16xf32>
        %mul3A_1143 = arith.mulf %sub3A_1140, %mul3A_1142 : vector<16xf32>
        %sub3A_1144 = arith.constant 2.500000e-01 : f32
        %sub3A_1145 = vector.broadcast %sub3A_1144 : f32 to vector<16xf32>
        %sub3A_1146 = arith.subf %sub3A_1145, %mul3A_1143 : vector<16xf32>
        %mul3A_1147 = arith.mulf %sub3A_1136, %sub3A_1146 : vector<16xf32>
        %mul3A_1148 = arith.mulf %get3A_1135, %mul3A_1147 : vector<16xf32>
        %get3A_1149 = arith.index_cast %rem3A_94 : i32 to index
        %get3A_1150 = arith.index_cast %add3A_998 : i32 to index
        %get3A_1151 = arith.constant 96 : index
        %get3A_1152 = tpu.vector_load %arg13[%get3A_1149, %get3A_1150, %get3A_1151] {strides = array<i32>} : memref<2x128x128xf32, #tpu.memory_space<vmem>>, vector<16xf32>,
        %get3A_1153 = arith.index_cast %rem3A_94 : i32 to index
        %get3A_1154 = arith.index_cast %add3A_998 : i32 to index
        %get3A_1155 = arith.constant 96 : index
        %get3A_1156 = tpu.vector_load %arg14[%get3A_1153, %get3A_1154, %get3A_1155] {strides = array<i32>} : memref<2x128x128xf32, #tpu.memory_space<vmem>>, vector<16xf32>,
        %get3A_1157 = arith.index_cast %rem3A_94 : i32 to index
        %get3A_1158 = arith.index_cast %add3A_998 : i32 to index
        %get3A_1159 = arith.constant 96 : index
        %get3A_1160 = tpu.vector_load %arg15[%get3A_1157, %get3A_1158, %get3A_1159] {strides = array<i32>} : memref<2x128x128xf32, #tpu.memory_space<vmem>>, vector<16xf32>,
        %sub3A_1161 = arith.subf %get3A_1152, %get3A_1156 : vector<16xf32>
        %add3A_1162 = arith.addf %get3A_1152, %get3A_1156 : vector<16xf32>
        %mul3A_1163 = arith.mulf %add3A_1162, %add3A_1162 : vector<16xf32>
        %mul3A_1164 = arith.mulf %get3A_1152, %get3A_1156 : vector<16xf32>
        %sub3A_1165 = arith.subf %mul3A_1163, %mul3A_1164 : vector<16xf32>
        %mul3A_1166 = arith.constant 0.020833334 : f32
        %mul3A_1167 = vector.broadcast %mul3A_1166 : f32 to vector<16xf32>
        %mul3A_1168 = arith.mulf %sub3A_1165, %mul3A_1167 : vector<16xf32>
        %sub3A_1169 = arith.constant 2.500000e-01 : f32
        %sub3A_1170 = vector.broadcast %sub3A_1169 : f32 to vector<16xf32>
        %sub3A_1171 = arith.subf %sub3A_1170, %mul3A_1168 : vector<16xf32>
        %mul3A_1172 = arith.mulf %sub3A_1161, %sub3A_1171 : vector<16xf32>
        %mul3A_1173 = arith.mulf %get3A_1160, %mul3A_1172 : vector<16xf32>
        %get3A_1174 = arith.index_cast %rem3A_94 : i32 to index
        %get3A_1175 = arith.index_cast %add3A_998 : i32 to index
        %get3A_1176 = arith.constant 112 : index
        %get3A_1177 = tpu.vector_load %arg13[%get3A_1174, %get3A_1175, %get3A_1176] {strides = array<i32>} : memref<2x128x128xf32, #tpu.memory_space<vmem>>, vector<16xf32>,
        %get3A_1178 = arith.index_cast %rem3A_94 : i32 to index
        %get3A_1179 = arith.index_cast %add3A_998 : i32 to index
        %get3A_1180 = arith.constant 112 : index
        %get3A_1181 = tpu.vector_load %arg14[%get3A_1178, %get3A_1179, %get3A_1180] {strides = array<i32>} : memref<2x128x128xf32, #tpu.memory_space<vmem>>, vector<16xf32>,
        %get3A_1182 = arith.index_cast %rem3A_94 : i32 to index
        %get3A_1183 = arith.index_cast %add3A_998 : i32 to index
        %get3A_1184 = arith.constant 112 : index
        %get3A_1185 = tpu.vector_load %arg15[%get3A_1182, %get3A_1183, %get3A_1184] {strides = array<i32>} : memref<2x128x128xf32, #tpu.memory_space<vmem>>, vector<16xf32>,
        %sub3A_1186 = arith.subf %get3A_1177, %get3A_1181 : vector<16xf32>
        %add3A_1187 = arith.addf %get3A_1177, %get3A_1181 : vector<16xf32>
        %mul3A_1188 = arith.mulf %add3A_1187, %add3A_1187 : vector<16xf32>
        %mul3A_1189 = arith.mulf %get3A_1177, %get3A_1181 : vector<16xf32>
        %sub3A_1190 = arith.subf %mul3A_1188, %mul3A_1189 : vector<16xf32>
        %mul3A_1191 = arith.constant 0.020833334 : f32
        %mul3A_1192 = vector.broadcast %mul3A_1191 : f32 to vector<16xf32>
        %mul3A_1193 = arith.mulf %sub3A_1190, %mul3A_1192 : vector<16xf32>
        %sub3A_1194 = arith.constant 2.500000e-01 : f32
        %sub3A_1195 = vector.broadcast %sub3A_1194 : f32 to vector<16xf32>
        %sub3A_1196 = arith.subf %sub3A_1195, %mul3A_1193 : vector<16xf32>
        %mul3A_1197 = arith.mulf %sub3A_1186, %sub3A_1196 : vector<16xf32>
        %mul3A_1198 = arith.mulf %get3A_1185, %mul3A_1197 : vector<16xf32>
        %add3A_1199 = arith.addf %mul3A_1023, %mul3A_1048 : vector<16xf32>
        %add3A_1200 = arith.addf %mul3A_1073, %mul3A_1098 : vector<16xf32>
        %add3A_1201 = arith.addf %mul3A_1123, %mul3A_1148 : vector<16xf32>
        %add3A_1202 = arith.addf %mul3A_1173, %mul3A_1198 : vector<16xf32>
        %add3A_1203 = arith.addf %add3A_1199, %add3A_1200 : vector<16xf32>
        %add3A_1204 = arith.addf %add3A_1201, %add3A_1202 : vector<16xf32>
        %add3A_1205 = arith.addf %add3A_1203, %add3A_1204 : vector<16xf32>
        %mul3A_1206 = arith.constant 16 : i32
        %mul3A_1207 = arith.muli %scan3A_152, %mul3A_1206 : i32
        %add3A_1208 = arith.constant 5 : i32
        %add3A_1209 = arith.addi %mul3A_1207, %add3A_1208 : i32
        %get3A_1210 = arith.index_cast %rem3A_94 : i32 to index
        %get3A_1211 = arith.index_cast %add3A_1209 : i32 to index
        %get3A_1212 = arith.constant 0 : index
        %get3A_1213 = tpu.vector_load %arg13[%get3A_1210, %get3A_1211, %get3A_1212] {strides = array<i32>} : memref<2x128x128xf32, #tpu.memory_space<vmem>>, vector<16xf32>,
        %get3A_1214 = arith.index_cast %rem3A_94 : i32 to index
        %get3A_1215 = arith.index_cast %add3A_1209 : i32 to index
        %get3A_1216 = arith.constant 0 : index
        %get3A_1217 = tpu.vector_load %arg14[%get3A_1214, %get3A_1215, %get3A_1216] {strides = array<i32>} : memref<2x128x128xf32, #tpu.memory_space<vmem>>, vector<16xf32>,
        %get3A_1218 = arith.index_cast %rem3A_94 : i32 to index
        %get3A_1219 = arith.index_cast %add3A_1209 : i32 to index
        %get3A_1220 = arith.constant 0 : index
        %get3A_1221 = tpu.vector_load %arg15[%get3A_1218, %get3A_1219, %get3A_1220] {strides = array<i32>} : memref<2x128x128xf32, #tpu.memory_space<vmem>>, vector<16xf32>,
        %sub3A_1222 = arith.subf %get3A_1213, %get3A_1217 : vector<16xf32>
        %add3A_1223 = arith.addf %get3A_1213, %get3A_1217 : vector<16xf32>
        %mul3A_1224 = arith.mulf %add3A_1223, %add3A_1223 : vector<16xf32>
        %mul3A_1225 = arith.mulf %get3A_1213, %get3A_1217 : vector<16xf32>
        %sub3A_1226 = arith.subf %mul3A_1224, %mul3A_1225 : vector<16xf32>
        %mul3A_1227 = arith.constant 0.020833334 : f32
        %mul3A_1228 = vector.broadcast %mul3A_1227 : f32 to vector<16xf32>
        %mul3A_1229 = arith.mulf %sub3A_1226, %mul3A_1228 : vector<16xf32>
        %sub3A_1230 = arith.constant 2.500000e-01 : f32
        %sub3A_1231 = vector.broadcast %sub3A_1230 : f32 to vector<16xf32>
        %sub3A_1232 = arith.subf %sub3A_1231, %mul3A_1229 : vector<16xf32>
        %mul3A_1233 = arith.mulf %sub3A_1222, %sub3A_1232 : vector<16xf32>
        %mul3A_1234 = arith.mulf %get3A_1221, %mul3A_1233 : vector<16xf32>
        %get3A_1235 = arith.index_cast %rem3A_94 : i32 to index
        %get3A_1236 = arith.index_cast %add3A_1209 : i32 to index
        %get3A_1237 = arith.constant 16 : index
        %get3A_1238 = tpu.vector_load %arg13[%get3A_1235, %get3A_1236, %get3A_1237] {strides = array<i32>} : memref<2x128x128xf32, #tpu.memory_space<vmem>>, vector<16xf32>,
        %get3A_1239 = arith.index_cast %rem3A_94 : i32 to index
        %get3A_1240 = arith.index_cast %add3A_1209 : i32 to index
        %get3A_1241 = arith.constant 16 : index
        %get3A_1242 = tpu.vector_load %arg14[%get3A_1239, %get3A_1240, %get3A_1241] {strides = array<i32>} : memref<2x128x128xf32, #tpu.memory_space<vmem>>, vector<16xf32>,
        %get3A_1243 = arith.index_cast %rem3A_94 : i32 to index
        %get3A_1244 = arith.index_cast %add3A_1209 : i32 to index
        %get3A_1245 = arith.constant 16 : index
        %get3A_1246 = tpu.vector_load %arg15[%get3A_1243, %get3A_1244, %get3A_1245] {strides = array<i32>} : memref<2x128x128xf32, #tpu.memory_space<vmem>>, vector<16xf32>,
        %sub3A_1247 = arith.subf %get3A_1238, %get3A_1242 : vector<16xf32>
        %add3A_1248 = arith.addf %get3A_1238, %get3A_1242 : vector<16xf32>
        %mul3A_1249 = arith.mulf %add3A_1248, %add3A_1248 : vector<16xf32>
        %mul3A_1250 = arith.mulf %get3A_1238, %get3A_1242 : vector<16xf32>
        %sub3A_1251 = arith.subf %mul3A_1249, %mul3A_1250 : vector<16xf32>
        %mul3A_1252 = arith.constant 0.020833334 : f32
        %mul3A_1253 = vector.broadcast %mul3A_1252 : f32 to vector<16xf32>
        %mul3A_1254 = arith.mulf %sub3A_1251, %mul3A_1253 : vector<16xf32>
        %sub3A_1255 = arith.constant 2.500000e-01 : f32
        %sub3A_1256 = vector.broadcast %sub3A_1255 : f32 to vector<16xf32>
        %sub3A_1257 = arith.subf %sub3A_1256, %mul3A_1254 : vector<16xf32>
        %mul3A_1258 = arith.mulf %sub3A_1247, %sub3A_1257 : vector<16xf32>
        %mul3A_1259 = arith.mulf %get3A_1246, %mul3A_1258 : vector<16xf32>
        %get3A_1260 = arith.index_cast %rem3A_94 : i32 to index
        %get3A_1261 = arith.index_cast %add3A_1209 : i32 to index
        %get3A_1262 = arith.constant 32 : index
        %get3A_1263 = tpu.vector_load %arg13[%get3A_1260, %get3A_1261, %get3A_1262] {strides = array<i32>} : memref<2x128x128xf32, #tpu.memory_space<vmem>>, vector<16xf32>,
        %get3A_1264 = arith.index_cast %rem3A_94 : i32 to index
        %get3A_1265 = arith.index_cast %add3A_1209 : i32 to index
        %get3A_1266 = arith.constant 32 : index
        %get3A_1267 = tpu.vector_load %arg14[%get3A_1264, %get3A_1265, %get3A_1266] {strides = array<i32>} : memref<2x128x128xf32, #tpu.memory_space<vmem>>, vector<16xf32>,
        %get3A_1268 = arith.index_cast %rem3A_94 : i32 to index
        %get3A_1269 = arith.index_cast %add3A_1209 : i32 to index
        %get3A_1270 = arith.constant 32 : index
        %get3A_1271 = tpu.vector_load %arg15[%get3A_1268, %get3A_1269, %get3A_1270] {strides = array<i32>} : memref<2x128x128xf32, #tpu.memory_space<vmem>>, vector<16xf32>,
        %sub3A_1272 = arith.subf %get3A_1263, %get3A_1267 : vector<16xf32>
        %add3A_1273 = arith.addf %get3A_1263, %get3A_1267 : vector<16xf32>
        %mul3A_1274 = arith.mulf %add3A_1273, %add3A_1273 : vector<16xf32>
        %mul3A_1275 = arith.mulf %get3A_1263, %get3A_1267 : vector<16xf32>
        %sub3A_1276 = arith.subf %mul3A_1274, %mul3A_1275 : vector<16xf32>
        %mul3A_1277 = arith.constant 0.020833334 : f32
        %mul3A_1278 = vector.broadcast %mul3A_1277 : f32 to vector<16xf32>
        %mul3A_1279 = arith.mulf %sub3A_1276, %mul3A_1278 : vector<16xf32>
        %sub3A_1280 = arith.constant 2.500000e-01 : f32
        %sub3A_1281 = vector.broadcast %sub3A_1280 : f32 to vector<16xf32>
        %sub3A_1282 = arith.subf %sub3A_1281, %mul3A_1279 : vector<16xf32>
        %mul3A_1283 = arith.mulf %sub3A_1272, %sub3A_1282 : vector<16xf32>
        %mul3A_1284 = arith.mulf %get3A_1271, %mul3A_1283 : vector<16xf32>
        %get3A_1285 = arith.index_cast %rem3A_94 : i32 to index
        %get3A_1286 = arith.index_cast %add3A_1209 : i32 to index
        %get3A_1287 = arith.constant 48 : index
        %get3A_1288 = tpu.vector_load %arg13[%get3A_1285, %get3A_1286, %get3A_1287] {strides = array<i32>} : memref<2x128x128xf32, #tpu.memory_space<vmem>>, vector<16xf32>,
        %get3A_1289 = arith.index_cast %rem3A_94 : i32 to index
        %get3A_1290 = arith.index_cast %add3A_1209 : i32 to index
        %get3A_1291 = arith.constant 48 : index
        %get3A_1292 = tpu.vector_load %arg14[%get3A_1289, %get3A_1290, %get3A_1291] {strides = array<i32>} : memref<2x128x128xf32, #tpu.memory_space<vmem>>, vector<16xf32>,
        %get3A_1293 = arith.index_cast %rem3A_94 : i32 to index
        %get3A_1294 = arith.index_cast %add3A_1209 : i32 to index
        %get3A_1295 = arith.constant 48 : index
        %get3A_1296 = tpu.vector_load %arg15[%get3A_1293, %get3A_1294, %get3A_1295] {strides = array<i32>} : memref<2x128x128xf32, #tpu.memory_space<vmem>>, vector<16xf32>,
        %sub3A_1297 = arith.subf %get3A_1288, %get3A_1292 : vector<16xf32>
        %add3A_1298 = arith.addf %get3A_1288, %get3A_1292 : vector<16xf32>
        %mul3A_1299 = arith.mulf %add3A_1298, %add3A_1298 : vector<16xf32>
        %mul3A_1300 = arith.mulf %get3A_1288, %get3A_1292 : vector<16xf32>
        %sub3A_1301 = arith.subf %mul3A_1299, %mul3A_1300 : vector<16xf32>
        %mul3A_1302 = arith.constant 0.020833334 : f32
        %mul3A_1303 = vector.broadcast %mul3A_1302 : f32 to vector<16xf32>
        %mul3A_1304 = arith.mulf %sub3A_1301, %mul3A_1303 : vector<16xf32>
        %sub3A_1305 = arith.constant 2.500000e-01 : f32
        %sub3A_1306 = vector.broadcast %sub3A_1305 : f32 to vector<16xf32>
        %sub3A_1307 = arith.subf %sub3A_1306, %mul3A_1304 : vector<16xf32>
        %mul3A_1308 = arith.mulf %sub3A_1297, %sub3A_1307 : vector<16xf32>
        %mul3A_1309 = arith.mulf %get3A_1296, %mul3A_1308 : vector<16xf32>
        %get3A_1310 = arith.index_cast %rem3A_94 : i32 to index
        %get3A_1311 = arith.index_cast %add3A_1209 : i32 to index
        %get3A_1312 = arith.constant 64 : index
        %get3A_1313 = tpu.vector_load %arg13[%get3A_1310, %get3A_1311, %get3A_1312] {strides = array<i32>} : memref<2x128x128xf32, #tpu.memory_space<vmem>>, vector<16xf32>,
        %get3A_1314 = arith.index_cast %rem3A_94 : i32 to index
        %get3A_1315 = arith.index_cast %add3A_1209 : i32 to index
        %get3A_1316 = arith.constant 64 : index
        %get3A_1317 = tpu.vector_load %arg14[%get3A_1314, %get3A_1315, %get3A_1316] {strides = array<i32>} : memref<2x128x128xf32, #tpu.memory_space<vmem>>, vector<16xf32>,
        %get3A_1318 = arith.index_cast %rem3A_94 : i32 to index
        %get3A_1319 = arith.index_cast %add3A_1209 : i32 to index
        %get3A_1320 = arith.constant 64 : index
        %get3A_1321 = tpu.vector_load %arg15[%get3A_1318, %get3A_1319, %get3A_1320] {strides = array<i32>} : memref<2x128x128xf32, #tpu.memory_space<vmem>>, vector<16xf32>,
        %sub3A_1322 = arith.subf %get3A_1313, %get3A_1317 : vector<16xf32>
        %add3A_1323 = arith.addf %get3A_1313, %get3A_1317 : vector<16xf32>
        %mul3A_1324 = arith.mulf %add3A_1323, %add3A_1323 : vector<16xf32>
        %mul3A_1325 = arith.mulf %get3A_1313, %get3A_1317 : vector<16xf32>
        %sub3A_1326 = arith.subf %mul3A_1324, %mul3A_1325 : vector<16xf32>
        %mul3A_1327 = arith.constant 0.020833334 : f32
        %mul3A_1328 = vector.broadcast %mul3A_1327 : f32 to vector<16xf32>
        %mul3A_1329 = arith.mulf %sub3A_1326, %mul3A_1328 : vector<16xf32>
        %sub3A_1330 = arith.constant 2.500000e-01 : f32
        %sub3A_1331 = vector.broadcast %sub3A_1330 : f32 to vector<16xf32>
        %sub3A_1332 = arith.subf %sub3A_1331, %mul3A_1329 : vector<16xf32>
        %mul3A_1333 = arith.mulf %sub3A_1322, %sub3A_1332 : vector<16xf32>
        %mul3A_1334 = arith.mulf %get3A_1321, %mul3A_1333 : vector<16xf32>
        %get3A_1335 = arith.index_cast %rem3A_94 : i32 to index
        %get3A_1336 = arith.index_cast %add3A_1209 : i32 to index
        %get3A_1337 = arith.constant 80 : index
        %get3A_1338 = tpu.vector_load %arg13[%get3A_1335, %get3A_1336, %get3A_1337] {strides = array<i32>} : memref<2x128x128xf32, #tpu.memory_space<vmem>>, vector<16xf32>,
        %get3A_1339 = arith.index_cast %rem3A_94 : i32 to index
        %get3A_1340 = arith.index_cast %add3A_1209 : i32 to index
        %get3A_1341 = arith.constant 80 : index
        %get3A_1342 = tpu.vector_load %arg14[%get3A_1339, %get3A_1340, %get3A_1341] {strides = array<i32>} : memref<2x128x128xf32, #tpu.memory_space<vmem>>, vector<16xf32>,
        %get3A_1343 = arith.index_cast %rem3A_94 : i32 to index
        %get3A_1344 = arith.index_cast %add3A_1209 : i32 to index
        %get3A_1345 = arith.constant 80 : index
        %get3A_1346 = tpu.vector_load %arg15[%get3A_1343, %get3A_1344, %get3A_1345] {strides = array<i32>} : memref<2x128x128xf32, #tpu.memory_space<vmem>>, vector<16xf32>,
        %sub3A_1347 = arith.subf %get3A_1338, %get3A_1342 : vector<16xf32>
        %add3A_1348 = arith.addf %get3A_1338, %get3A_1342 : vector<16xf32>
        %mul3A_1349 = arith.mulf %add3A_1348, %add3A_1348 : vector<16xf32>
        %mul3A_1350 = arith.mulf %get3A_1338, %get3A_1342 : vector<16xf32>
        %sub3A_1351 = arith.subf %mul3A_1349, %mul3A_1350 : vector<16xf32>
        %mul3A_1352 = arith.constant 0.020833334 : f32
        %mul3A_1353 = vector.broadcast %mul3A_1352 : f32 to vector<16xf32>
        %mul3A_1354 = arith.mulf %sub3A_1351, %mul3A_1353 : vector<16xf32>
        %sub3A_1355 = arith.constant 2.500000e-01 : f32
        %sub3A_1356 = vector.broadcast %sub3A_1355 : f32 to vector<16xf32>
        %sub3A_1357 = arith.subf %sub3A_1356, %mul3A_1354 : vector<16xf32>
        %mul3A_1358 = arith.mulf %sub3A_1347, %sub3A_1357 : vector<16xf32>
        %mul3A_1359 = arith.mulf %get3A_1346, %mul3A_1358 : vector<16xf32>
        %get3A_1360 = arith.index_cast %rem3A_94 : i32 to index
        %get3A_1361 = arith.index_cast %add3A_1209 : i32 to index
        %get3A_1362 = arith.constant 96 : index
        %get3A_1363 = tpu.vector_load %arg13[%get3A_1360, %get3A_1361, %get3A_1362] {strides = array<i32>} : memref<2x128x128xf32, #tpu.memory_space<vmem>>, vector<16xf32>,
        %get3A_1364 = arith.index_cast %rem3A_94 : i32 to index
        %get3A_1365 = arith.index_cast %add3A_1209 : i32 to index
        %get3A_1366 = arith.constant 96 : index
        %get3A_1367 = tpu.vector_load %arg14[%get3A_1364, %get3A_1365, %get3A_1366] {strides = array<i32>} : memref<2x128x128xf32, #tpu.memory_space<vmem>>, vector<16xf32>,
        %get3A_1368 = arith.index_cast %rem3A_94 : i32 to index
        %get3A_1369 = arith.index_cast %add3A_1209 : i32 to index
        %get3A_1370 = arith.constant 96 : index
        %get3A_1371 = tpu.vector_load %arg15[%get3A_1368, %get3A_1369, %get3A_1370] {strides = array<i32>} : memref<2x128x128xf32, #tpu.memory_space<vmem>>, vector<16xf32>,
        %sub3A_1372 = arith.subf %get3A_1363, %get3A_1367 : vector<16xf32>
        %add3A_1373 = arith.addf %get3A_1363, %get3A_1367 : vector<16xf32>
        %mul3A_1374 = arith.mulf %add3A_1373, %add3A_1373 : vector<16xf32>
        %mul3A_1375 = arith.mulf %get3A_1363, %get3A_1367 : vector<16xf32>
        %sub3A_1376 = arith.subf %mul3A_1374, %mul3A_1375 : vector<16xf32>
        %mul3A_1377 = arith.constant 0.020833334 : f32
        %mul3A_1378 = vector.broadcast %mul3A_1377 : f32 to vector<16xf32>
        %mul3A_1379 = arith.mulf %sub3A_1376, %mul3A_1378 : vector<16xf32>
        %sub3A_1380 = arith.constant 2.500000e-01 : f32
        %sub3A_1381 = vector.broadcast %sub3A_1380 : f32 to vector<16xf32>
        %sub3A_1382 = arith.subf %sub3A_1381, %mul3A_1379 : vector<16xf32>
        %mul3A_1383 = arith.mulf %sub3A_1372, %sub3A_1382 : vector<16xf32>
        %mul3A_1384 = arith.mulf %get3A_1371, %mul3A_1383 : vector<16xf32>
        %get3A_1385 = arith.index_cast %rem3A_94 : i32 to index
        %get3A_1386 = arith.index_cast %add3A_1209 : i32 to index
        %get3A_1387 = arith.constant 112 : index
        %get3A_1388 = tpu.vector_load %arg13[%get3A_1385, %get3A_1386, %get3A_1387] {strides = array<i32>} : memref<2x128x128xf32, #tpu.memory_space<vmem>>, vector<16xf32>,
        %get3A_1389 = arith.index_cast %rem3A_94 : i32 to index
        %get3A_1390 = arith.index_cast %add3A_1209 : i32 to index
        %get3A_1391 = arith.constant 112 : index
        %get3A_1392 = tpu.vector_load %arg14[%get3A_1389, %get3A_1390, %get3A_1391] {strides = array<i32>} : memref<2x128x128xf32, #tpu.memory_space<vmem>>, vector<16xf32>,
        %get3A_1393 = arith.index_cast %rem3A_94 : i32 to index
        %get3A_1394 = arith.index_cast %add3A_1209 : i32 to index
        %get3A_1395 = arith.constant 112 : index
        %get3A_1396 = tpu.vector_load %arg15[%get3A_1393, %get3A_1394, %get3A_1395] {strides = array<i32>} : memref<2x128x128xf32, #tpu.memory_space<vmem>>, vector<16xf32>,
        %sub3A_1397 = arith.subf %get3A_1388, %get3A_1392 : vector<16xf32>
        %add3A_1398 = arith.addf %get3A_1388, %get3A_1392 : vector<16xf32>
        %mul3A_1399 = arith.mulf %add3A_1398, %add3A_1398 : vector<16xf32>
        %mul3A_1400 = arith.mulf %get3A_1388, %get3A_1392 : vector<16xf32>
        %sub3A_1401 = arith.subf %mul3A_1399, %mul3A_1400 : vector<16xf32>
        %mul3A_1402 = arith.constant 0.020833334 : f32
        %mul3A_1403 = vector.broadcast %mul3A_1402 : f32 to vector<16xf32>
        %mul3A_1404 = arith.mulf %sub3A_1401, %mul3A_1403 : vector<16xf32>
        %sub3A_1405 = arith.constant 2.500000e-01 : f32
        %sub3A_1406 = vector.broadcast %sub3A_1405 : f32 to vector<16xf32>
        %sub3A_1407 = arith.subf %sub3A_1406, %mul3A_1404 : vector<16xf32>
        %mul3A_1408 = arith.mulf %sub3A_1397, %sub3A_1407 : vector<16xf32>
        %mul3A_1409 = arith.mulf %get3A_1396, %mul3A_1408 : vector<16xf32>
        %add3A_1410 = arith.addf %mul3A_1234, %mul3A_1259 : vector<16xf32>
        %add3A_1411 = arith.addf %mul3A_1284, %mul3A_1309 : vector<16xf32>
        %add3A_1412 = arith.addf %mul3A_1334, %mul3A_1359 : vector<16xf32>
        %add3A_1413 = arith.addf %mul3A_1384, %mul3A_1409 : vector<16xf32>
        %add3A_1414 = arith.addf %add3A_1410, %add3A_1411 : vector<16xf32>
        %add3A_1415 = arith.addf %add3A_1412, %add3A_1413 : vector<16xf32>
        %add3A_1416 = arith.addf %add3A_1414, %add3A_1415 : vector<16xf32>
        %mul3A_1417 = arith.constant 16 : i32
        %mul3A_1418 = arith.muli %scan3A_152, %mul3A_1417 : i32
        %add3A_1419 = arith.constant 6 : i32
        %add3A_1420 = arith.addi %mul3A_1418, %add3A_1419 : i32
        %get3A_1421 = arith.index_cast %rem3A_94 : i32 to index
        %get3A_1422 = arith.index_cast %add3A_1420 : i32 to index
        %get3A_1423 = arith.constant 0 : index
        %get3A_1424 = tpu.vector_load %arg13[%get3A_1421, %get3A_1422, %get3A_1423] {strides = array<i32>} : memref<2x128x128xf32, #tpu.memory_space<vmem>>, vector<16xf32>,
        %get3A_1425 = arith.index_cast %rem3A_94 : i32 to index
        %get3A_1426 = arith.index_cast %add3A_1420 : i32 to index
        %get3A_1427 = arith.constant 0 : index
        %get3A_1428 = tpu.vector_load %arg14[%get3A_1425, %get3A_1426, %get3A_1427] {strides = array<i32>} : memref<2x128x128xf32, #tpu.memory_space<vmem>>, vector<16xf32>,
        %get3A_1429 = arith.index_cast %rem3A_94 : i32 to index
        %get3A_1430 = arith.index_cast %add3A_1420 : i32 to index
        %get3A_1431 = arith.constant 0 : index
        %get3A_1432 = tpu.vector_load %arg15[%get3A_1429, %get3A_1430, %get3A_1431] {strides = array<i32>} : memref<2x128x128xf32, #tpu.memory_space<vmem>>, vector<16xf32>,
        %sub3A_1433 = arith.subf %get3A_1424, %get3A_1428 : vector<16xf32>
        %add3A_1434 = arith.addf %get3A_1424, %get3A_1428 : vector<16xf32>
        %mul3A_1435 = arith.mulf %add3A_1434, %add3A_1434 : vector<16xf32>
        %mul3A_1436 = arith.mulf %get3A_1424, %get3A_1428 : vector<16xf32>
        %sub3A_1437 = arith.subf %mul3A_1435, %mul3A_1436 : vector<16xf32>
        %mul3A_1438 = arith.constant 0.020833334 : f32
        %mul3A_1439 = vector.broadcast %mul3A_1438 : f32 to vector<16xf32>
        %mul3A_1440 = arith.mulf %sub3A_1437, %mul3A_1439 : vector<16xf32>
        %sub3A_1441 = arith.constant 2.500000e-01 : f32
        %sub3A_1442 = vector.broadcast %sub3A_1441 : f32 to vector<16xf32>
        %sub3A_1443 = arith.subf %sub3A_1442, %mul3A_1440 : vector<16xf32>
        %mul3A_1444 = arith.mulf %sub3A_1433, %sub3A_1443 : vector<16xf32>
        %mul3A_1445 = arith.mulf %get3A_1432, %mul3A_1444 : vector<16xf32>
        %get3A_1446 = arith.index_cast %rem3A_94 : i32 to index
        %get3A_1447 = arith.index_cast %add3A_1420 : i32 to index
        %get3A_1448 = arith.constant 16 : index
        %get3A_1449 = tpu.vector_load %arg13[%get3A_1446, %get3A_1447, %get3A_1448] {strides = array<i32>} : memref<2x128x128xf32, #tpu.memory_space<vmem>>, vector<16xf32>,
        %get3A_1450 = arith.index_cast %rem3A_94 : i32 to index
        %get3A_1451 = arith.index_cast %add3A_1420 : i32 to index
        %get3A_1452 = arith.constant 16 : index
        %get3A_1453 = tpu.vector_load %arg14[%get3A_1450, %get3A_1451, %get3A_1452] {strides = array<i32>} : memref<2x128x128xf32, #tpu.memory_space<vmem>>, vector<16xf32>,
        %get3A_1454 = arith.index_cast %rem3A_94 : i32 to index
        %get3A_1455 = arith.index_cast %add3A_1420 : i32 to index
        %get3A_1456 = arith.constant 16 : index
        %get3A_1457 = tpu.vector_load %arg15[%get3A_1454, %get3A_1455, %get3A_1456] {strides = array<i32>} : memref<2x128x128xf32, #tpu.memory_space<vmem>>, vector<16xf32>,
        %sub3A_1458 = arith.subf %get3A_1449, %get3A_1453 : vector<16xf32>
        %add3A_1459 = arith.addf %get3A_1449, %get3A_1453 : vector<16xf32>
        %mul3A_1460 = arith.mulf %add3A_1459, %add3A_1459 : vector<16xf32>
        %mul3A_1461 = arith.mulf %get3A_1449, %get3A_1453 : vector<16xf32>
        %sub3A_1462 = arith.subf %mul3A_1460, %mul3A_1461 : vector<16xf32>
        %mul3A_1463 = arith.constant 0.020833334 : f32
        %mul3A_1464 = vector.broadcast %mul3A_1463 : f32 to vector<16xf32>
        %mul3A_1465 = arith.mulf %sub3A_1462, %mul3A_1464 : vector<16xf32>
        %sub3A_1466 = arith.constant 2.500000e-01 : f32
        %sub3A_1467 = vector.broadcast %sub3A_1466 : f32 to vector<16xf32>
        %sub3A_1468 = arith.subf %sub3A_1467, %mul3A_1465 : vector<16xf32>
        %mul3A_1469 = arith.mulf %sub3A_1458, %sub3A_1468 : vector<16xf32>
        %mul3A_1470 = arith.mulf %get3A_1457, %mul3A_1469 : vector<16xf32>
        %get3A_1471 = arith.index_cast %rem3A_94 : i32 to index
        %get3A_1472 = arith.index_cast %add3A_1420 : i32 to index
        %get3A_1473 = arith.constant 32 : index
        %get3A_1474 = tpu.vector_load %arg13[%get3A_1471, %get3A_1472, %get3A_1473] {strides = array<i32>} : memref<2x128x128xf32, #tpu.memory_space<vmem>>, vector<16xf32>,
        %get3A_1475 = arith.index_cast %rem3A_94 : i32 to index
        %get3A_1476 = arith.index_cast %add3A_1420 : i32 to index
        %get3A_1477 = arith.constant 32 : index
        %get3A_1478 = tpu.vector_load %arg14[%get3A_1475, %get3A_1476, %get3A_1477] {strides = array<i32>} : memref<2x128x128xf32, #tpu.memory_space<vmem>>, vector<16xf32>,
        %get3A_1479 = arith.index_cast %rem3A_94 : i32 to index
        %get3A_1480 = arith.index_cast %add3A_1420 : i32 to index
        %get3A_1481 = arith.constant 32 : index
        %get3A_1482 = tpu.vector_load %arg15[%get3A_1479, %get3A_1480, %get3A_1481] {strides = array<i32>} : memref<2x128x128xf32, #tpu.memory_space<vmem>>, vector<16xf32>,
        %sub3A_1483 = arith.subf %get3A_1474, %get3A_1478 : vector<16xf32>
        %add3A_1484 = arith.addf %get3A_1474, %get3A_1478 : vector<16xf32>
        %mul3A_1485 = arith.mulf %add3A_1484, %add3A_1484 : vector<16xf32>
        %mul3A_1486 = arith.mulf %get3A_1474, %get3A_1478 : vector<16xf32>
        %sub3A_1487 = arith.subf %mul3A_1485, %mul3A_1486 : vector<16xf32>
        %mul3A_1488 = arith.constant 0.020833334 : f32
        %mul3A_1489 = vector.broadcast %mul3A_1488 : f32 to vector<16xf32>
        %mul3A_1490 = arith.mulf %sub3A_1487, %mul3A_1489 : vector<16xf32>
        %sub3A_1491 = arith.constant 2.500000e-01 : f32
        %sub3A_1492 = vector.broadcast %sub3A_1491 : f32 to vector<16xf32>
        %sub3A_1493 = arith.subf %sub3A_1492, %mul3A_1490 : vector<16xf32>
        %mul3A_1494 = arith.mulf %sub3A_1483, %sub3A_1493 : vector<16xf32>
        %mul3A_1495 = arith.mulf %get3A_1482, %mul3A_1494 : vector<16xf32>
        %get3A_1496 = arith.index_cast %rem3A_94 : i32 to index
        %get3A_1497 = arith.index_cast %add3A_1420 : i32 to index
        %get3A_1498 = arith.constant 48 : index
        %get3A_1499 = tpu.vector_load %arg13[%get3A_1496, %get3A_1497, %get3A_1498] {strides = array<i32>} : memref<2x128x128xf32, #tpu.memory_space<vmem>>, vector<16xf32>,
        %get3A_1500 = arith.index_cast %rem3A_94 : i32 to index
        %get3A_1501 = arith.index_cast %add3A_1420 : i32 to index
        %get3A_1502 = arith.constant 48 : index
        %get3A_1503 = tpu.vector_load %arg14[%get3A_1500, %get3A_1501, %get3A_1502] {strides = array<i32>} : memref<2x128x128xf32, #tpu.memory_space<vmem>>, vector<16xf32>,
        %get3A_1504 = arith.index_cast %rem3A_94 : i32 to index
        %get3A_1505 = arith.index_cast %add3A_1420 : i32 to index
        %get3A_1506 = arith.constant 48 : index
        %get3A_1507 = tpu.vector_load %arg15[%get3A_1504, %get3A_1505, %get3A_1506] {strides = array<i32>} : memref<2x128x128xf32, #tpu.memory_space<vmem>>, vector<16xf32>,
        %sub3A_1508 = arith.subf %get3A_1499, %get3A_1503 : vector<16xf32>
        %add3A_1509 = arith.addf %get3A_1499, %get3A_1503 : vector<16xf32>
        %mul3A_1510 = arith.mulf %add3A_1509, %add3A_1509 : vector<16xf32>
        %mul3A_1511 = arith.mulf %get3A_1499, %get3A_1503 : vector<16xf32>
        %sub3A_1512 = arith.subf %mul3A_1510, %mul3A_1511 : vector<16xf32>
        %mul3A_1513 = arith.constant 0.020833334 : f32
        %mul3A_1514 = vector.broadcast %mul3A_1513 : f32 to vector<16xf32>
        %mul3A_1515 = arith.mulf %sub3A_1512, %mul3A_1514 : vector<16xf32>
        %sub3A_1516 = arith.constant 2.500000e-01 : f32
        %sub3A_1517 = vector.broadcast %sub3A_1516 : f32 to vector<16xf32>
        %sub3A_1518 = arith.subf %sub3A_1517, %mul3A_1515 : vector<16xf32>
        %mul3A_1519 = arith.mulf %sub3A_1508, %sub3A_1518 : vector<16xf32>
        %mul3A_1520 = arith.mulf %get3A_1507, %mul3A_1519 : vector<16xf32>
        %get3A_1521 = arith.index_cast %rem3A_94 : i32 to index
        %get3A_1522 = arith.index_cast %add3A_1420 : i32 to index
        %get3A_1523 = arith.constant 64 : index
        %get3A_1524 = tpu.vector_load %arg13[%get3A_1521, %get3A_1522, %get3A_1523] {strides = array<i32>} : memref<2x128x128xf32, #tpu.memory_space<vmem>>, vector<16xf32>,
        %get3A_1525 = arith.index_cast %rem3A_94 : i32 to index
        %get3A_1526 = arith.index_cast %add3A_1420 : i32 to index
        %get3A_1527 = arith.constant 64 : index
        %get3A_1528 = tpu.vector_load %arg14[%get3A_1525, %get3A_1526, %get3A_1527] {strides = array<i32>} : memref<2x128x128xf32, #tpu.memory_space<vmem>>, vector<16xf32>,
        %get3A_1529 = arith.index_cast %rem3A_94 : i32 to index
        %get3A_1530 = arith.index_cast %add3A_1420 : i32 to index
        %get3A_1531 = arith.constant 64 : index
        %get3A_1532 = tpu.vector_load %arg15[%get3A_1529, %get3A_1530, %get3A_1531] {strides = array<i32>} : memref<2x128x128xf32, #tpu.memory_space<vmem>>, vector<16xf32>,
        %sub3A_1533 = arith.subf %get3A_1524, %get3A_1528 : vector<16xf32>
        %add3A_1534 = arith.addf %get3A_1524, %get3A_1528 : vector<16xf32>
        %mul3A_1535 = arith.mulf %add3A_1534, %add3A_1534 : vector<16xf32>
        %mul3A_1536 = arith.mulf %get3A_1524, %get3A_1528 : vector<16xf32>
        %sub3A_1537 = arith.subf %mul3A_1535, %mul3A_1536 : vector<16xf32>
        %mul3A_1538 = arith.constant 0.020833334 : f32
        %mul3A_1539 = vector.broadcast %mul3A_1538 : f32 to vector<16xf32>
        %mul3A_1540 = arith.mulf %sub3A_1537, %mul3A_1539 : vector<16xf32>
        %sub3A_1541 = arith.constant 2.500000e-01 : f32
        %sub3A_1542 = vector.broadcast %sub3A_1541 : f32 to vector<16xf32>
        %sub3A_1543 = arith.subf %sub3A_1542, %mul3A_1540 : vector<16xf32>
        %mul3A_1544 = arith.mulf %sub3A_1533, %sub3A_1543 : vector<16xf32>
        %mul3A_1545 = arith.mulf %get3A_1532, %mul3A_1544 : vector<16xf32>
        %get3A_1546 = arith.index_cast %rem3A_94 : i32 to index
        %get3A_1547 = arith.index_cast %add3A_1420 : i32 to index
        %get3A_1548 = arith.constant 80 : index
        %get3A_1549 = tpu.vector_load %arg13[%get3A_1546, %get3A_1547, %get3A_1548] {strides = array<i32>} : memref<2x128x128xf32, #tpu.memory_space<vmem>>, vector<16xf32>,
        %get3A_1550 = arith.index_cast %rem3A_94 : i32 to index
        %get3A_1551 = arith.index_cast %add3A_1420 : i32 to index
        %get3A_1552 = arith.constant 80 : index
        %get3A_1553 = tpu.vector_load %arg14[%get3A_1550, %get3A_1551, %get3A_1552] {strides = array<i32>} : memref<2x128x128xf32, #tpu.memory_space<vmem>>, vector<16xf32>,
        %get3A_1554 = arith.index_cast %rem3A_94 : i32 to index
        %get3A_1555 = arith.index_cast %add3A_1420 : i32 to index
        %get3A_1556 = arith.constant 80 : index
        %get3A_1557 = tpu.vector_load %arg15[%get3A_1554, %get3A_1555, %get3A_1556] {strides = array<i32>} : memref<2x128x128xf32, #tpu.memory_space<vmem>>, vector<16xf32>,
        %sub3A_1558 = arith.subf %get3A_1549, %get3A_1553 : vector<16xf32>
        %add3A_1559 = arith.addf %get3A_1549, %get3A_1553 : vector<16xf32>
        %mul3A_1560 = arith.mulf %add3A_1559, %add3A_1559 : vector<16xf32>
        %mul3A_1561 = arith.mulf %get3A_1549, %get3A_1553 : vector<16xf32>
        %sub3A_1562 = arith.subf %mul3A_1560, %mul3A_1561 : vector<16xf32>
        %mul3A_1563 = arith.constant 0.020833334 : f32
        %mul3A_1564 = vector.broadcast %mul3A_1563 : f32 to vector<16xf32>
        %mul3A_1565 = arith.mulf %sub3A_1562, %mul3A_1564 : vector<16xf32>
        %sub3A_1566 = arith.constant 2.500000e-01 : f32
        %sub3A_1567 = vector.broadcast %sub3A_1566 : f32 to vector<16xf32>
        %sub3A_1568 = arith.subf %sub3A_1567, %mul3A_1565 : vector<16xf32>
        %mul3A_1569 = arith.mulf %sub3A_1558, %sub3A_1568 : vector<16xf32>
        %mul3A_1570 = arith.mulf %get3A_1557, %mul3A_1569 : vector<16xf32>
        %get3A_1571 = arith.index_cast %rem3A_94 : i32 to index
        %get3A_1572 = arith.index_cast %add3A_1420 : i32 to index
        %get3A_1573 = arith.constant 96 : index
        %get3A_1574 = tpu.vector_load %arg13[%get3A_1571, %get3A_1572, %get3A_1573] {strides = array<i32>} : memref<2x128x128xf32, #tpu.memory_space<vmem>>, vector<16xf32>,
        %get3A_1575 = arith.index_cast %rem3A_94 : i32 to index
        %get3A_1576 = arith.index_cast %add3A_1420 : i32 to index
        %get3A_1577 = arith.constant 96 : index
        %get3A_1578 = tpu.vector_load %arg14[%get3A_1575, %get3A_1576, %get3A_1577] {strides = array<i32>} : memref<2x128x128xf32, #tpu.memory_space<vmem>>, vector<16xf32>,
        %get3A_1579 = arith.index_cast %rem3A_94 : i32 to index
        %get3A_1580 = arith.index_cast %add3A_1420 : i32 to index
        %get3A_1581 = arith.constant 96 : index
        %get3A_1582 = tpu.vector_load %arg15[%get3A_1579, %get3A_1580, %get3A_1581] {strides = array<i32>} : memref<2x128x128xf32, #tpu.memory_space<vmem>>, vector<16xf32>,
        %sub3A_1583 = arith.subf %get3A_1574, %get3A_1578 : vector<16xf32>
        %add3A_1584 = arith.addf %get3A_1574, %get3A_1578 : vector<16xf32>
        %mul3A_1585 = arith.mulf %add3A_1584, %add3A_1584 : vector<16xf32>
        %mul3A_1586 = arith.mulf %get3A_1574, %get3A_1578 : vector<16xf32>
        %sub3A_1587 = arith.subf %mul3A_1585, %mul3A_1586 : vector<16xf32>
        %mul3A_1588 = arith.constant 0.020833334 : f32
        %mul3A_1589 = vector.broadcast %mul3A_1588 : f32 to vector<16xf32>
        %mul3A_1590 = arith.mulf %sub3A_1587, %mul3A_1589 : vector<16xf32>
        %sub3A_1591 = arith.constant 2.500000e-01 : f32
        %sub3A_1592 = vector.broadcast %sub3A_1591 : f32 to vector<16xf32>
        %sub3A_1593 = arith.subf %sub3A_1592, %mul3A_1590 : vector<16xf32>
        %mul3A_1594 = arith.mulf %sub3A_1583, %sub3A_1593 : vector<16xf32>
        %mul3A_1595 = arith.mulf %get3A_1582, %mul3A_1594 : vector<16xf32>
        %get3A_1596 = arith.index_cast %rem3A_94 : i32 to index
        %get3A_1597 = arith.index_cast %add3A_1420 : i32 to index
        %get3A_1598 = arith.constant 112 : index
        %get3A_1599 = tpu.vector_load %arg13[%get3A_1596, %get3A_1597, %get3A_1598] {strides = array<i32>} : memref<2x128x128xf32, #tpu.memory_space<vmem>>, vector<16xf32>,
        %get3A_1600 = arith.index_cast %rem3A_94 : i32 to index
        %get3A_1601 = arith.index_cast %add3A_1420 : i32 to index
        %get3A_1602 = arith.constant 112 : index
        %get3A_1603 = tpu.vector_load %arg14[%get3A_1600, %get3A_1601, %get3A_1602] {strides = array<i32>} : memref<2x128x128xf32, #tpu.memory_space<vmem>>, vector<16xf32>,
        %get3A_1604 = arith.index_cast %rem3A_94 : i32 to index
        %get3A_1605 = arith.index_cast %add3A_1420 : i32 to index
        %get3A_1606 = arith.constant 112 : index
        %get3A_1607 = tpu.vector_load %arg15[%get3A_1604, %get3A_1605, %get3A_1606] {strides = array<i32>} : memref<2x128x128xf32, #tpu.memory_space<vmem>>, vector<16xf32>,
        %sub3A_1608 = arith.subf %get3A_1599, %get3A_1603 : vector<16xf32>
        %add3A_1609 = arith.addf %get3A_1599, %get3A_1603 : vector<16xf32>
        %mul3A_1610 = arith.mulf %add3A_1609, %add3A_1609 : vector<16xf32>
        %mul3A_1611 = arith.mulf %get3A_1599, %get3A_1603 : vector<16xf32>
        %sub3A_1612 = arith.subf %mul3A_1610, %mul3A_1611 : vector<16xf32>
        %mul3A_1613 = arith.constant 0.020833334 : f32
        %mul3A_1614 = vector.broadcast %mul3A_1613 : f32 to vector<16xf32>
        %mul3A_1615 = arith.mulf %sub3A_1612, %mul3A_1614 : vector<16xf32>
        %sub3A_1616 = arith.constant 2.500000e-01 : f32
        %sub3A_1617 = vector.broadcast %sub3A_1616 : f32 to vector<16xf32>
        %sub3A_1618 = arith.subf %sub3A_1617, %mul3A_1615 : vector<16xf32>
        %mul3A_1619 = arith.mulf %sub3A_1608, %sub3A_1618 : vector<16xf32>
        %mul3A_1620 = arith.mulf %get3A_1607, %mul3A_1619 : vector<16xf32>
        %add3A_1621 = arith.addf %mul3A_1445, %mul3A_1470 : vector<16xf32>
        %add3A_1622 = arith.addf %mul3A_1495, %mul3A_1520 : vector<16xf32>
        %add3A_1623 = arith.addf %mul3A_1545, %mul3A_1570 : vector<16xf32>
        %add3A_1624 = arith.addf %mul3A_1595, %mul3A_1620 : vector<16xf32>
        %add3A_1625 = arith.addf %add3A_1621, %add3A_1622 : vector<16xf32>
        %add3A_1626 = arith.addf %add3A_1623, %add3A_1624 : vector<16xf32>
        %add3A_1627 = arith.addf %add3A_1625, %add3A_1626 : vector<16xf32>
        %mul3A_1628 = arith.constant 16 : i32
        %mul3A_1629 = arith.muli %scan3A_152, %mul3A_1628 : i32
        %add3A_1630 = arith.constant 7 : i32
        %add3A_1631 = arith.addi %mul3A_1629, %add3A_1630 : i32
        %get3A_1632 = arith.index_cast %rem3A_94 : i32 to index
        %get3A_1633 = arith.index_cast %add3A_1631 : i32 to index
        %get3A_1634 = arith.constant 0 : index
        %get3A_1635 = tpu.vector_load %arg13[%get3A_1632, %get3A_1633, %get3A_1634] {strides = array<i32>} : memref<2x128x128xf32, #tpu.memory_space<vmem>>, vector<16xf32>,
        %get3A_1636 = arith.index_cast %rem3A_94 : i32 to index
        %get3A_1637 = arith.index_cast %add3A_1631 : i32 to index
        %get3A_1638 = arith.constant 0 : index
        %get3A_1639 = tpu.vector_load %arg14[%get3A_1636, %get3A_1637, %get3A_1638] {strides = array<i32>} : memref<2x128x128xf32, #tpu.memory_space<vmem>>, vector<16xf32>,
        %get3A_1640 = arith.index_cast %rem3A_94 : i32 to index
        %get3A_1641 = arith.index_cast %add3A_1631 : i32 to index
        %get3A_1642 = arith.constant 0 : index
        %get3A_1643 = tpu.vector_load %arg15[%get3A_1640, %get3A_1641, %get3A_1642] {strides = array<i32>} : memref<2x128x128xf32, #tpu.memory_space<vmem>>, vector<16xf32>,
        %sub3A_1644 = arith.subf %get3A_1635, %get3A_1639 : vector<16xf32>
        %add3A_1645 = arith.addf %get3A_1635, %get3A_1639 : vector<16xf32>
        %mul3A_1646 = arith.mulf %add3A_1645, %add3A_1645 : vector<16xf32>
        %mul3A_1647 = arith.mulf %get3A_1635, %get3A_1639 : vector<16xf32>
        %sub3A_1648 = arith.subf %mul3A_1646, %mul3A_1647 : vector<16xf32>
        %mul3A_1649 = arith.constant 0.020833334 : f32
        %mul3A_1650 = vector.broadcast %mul3A_1649 : f32 to vector<16xf32>
        %mul3A_1651 = arith.mulf %sub3A_1648, %mul3A_1650 : vector<16xf32>
        %sub3A_1652 = arith.constant 2.500000e-01 : f32
        %sub3A_1653 = vector.broadcast %sub3A_1652 : f32 to vector<16xf32>
        %sub3A_1654 = arith.subf %sub3A_1653, %mul3A_1651 : vector<16xf32>
        %mul3A_1655 = arith.mulf %sub3A_1644, %sub3A_1654 : vector<16xf32>
        %mul3A_1656 = arith.mulf %get3A_1643, %mul3A_1655 : vector<16xf32>
        %get3A_1657 = arith.index_cast %rem3A_94 : i32 to index
        %get3A_1658 = arith.index_cast %add3A_1631 : i32 to index
        %get3A_1659 = arith.constant 16 : index
        %get3A_1660 = tpu.vector_load %arg13[%get3A_1657, %get3A_1658, %get3A_1659] {strides = array<i32>} : memref<2x128x128xf32, #tpu.memory_space<vmem>>, vector<16xf32>,
        %get3A_1661 = arith.index_cast %rem3A_94 : i32 to index
        %get3A_1662 = arith.index_cast %add3A_1631 : i32 to index
        %get3A_1663 = arith.constant 16 : index
        %get3A_1664 = tpu.vector_load %arg14[%get3A_1661, %get3A_1662, %get3A_1663] {strides = array<i32>} : memref<2x128x128xf32, #tpu.memory_space<vmem>>, vector<16xf32>,
        %get3A_1665 = arith.index_cast %rem3A_94 : i32 to index
        %get3A_1666 = arith.index_cast %add3A_1631 : i32 to index
        %get3A_1667 = arith.constant 16 : index
        %get3A_1668 = tpu.vector_load %arg15[%get3A_1665, %get3A_1666, %get3A_1667] {strides = array<i32>} : memref<2x128x128xf32, #tpu.memory_space<vmem>>, vector<16xf32>,
        %sub3A_1669 = arith.subf %get3A_1660, %get3A_1664 : vector<16xf32>
        %add3A_1670 = arith.addf %get3A_1660, %get3A_1664 : vector<16xf32>
        %mul3A_1671 = arith.mulf %add3A_1670, %add3A_1670 : vector<16xf32>
        %mul3A_1672 = arith.mulf %get3A_1660, %get3A_1664 : vector<16xf32>
        %sub3A_1673 = arith.subf %mul3A_1671, %mul3A_1672 : vector<16xf32>
        %mul3A_1674 = arith.constant 0.020833334 : f32
        %mul3A_1675 = vector.broadcast %mul3A_1674 : f32 to vector<16xf32>
        %mul3A_1676 = arith.mulf %sub3A_1673, %mul3A_1675 : vector<16xf32>
        %sub3A_1677 = arith.constant 2.500000e-01 : f32
        %sub3A_1678 = vector.broadcast %sub3A_1677 : f32 to vector<16xf32>
        %sub3A_1679 = arith.subf %sub3A_1678, %mul3A_1676 : vector<16xf32>
        %mul3A_1680 = arith.mulf %sub3A_1669, %sub3A_1679 : vector<16xf32>
        %mul3A_1681 = arith.mulf %get3A_1668, %mul3A_1680 : vector<16xf32>
        %get3A_1682 = arith.index_cast %rem3A_94 : i32 to index
        %get3A_1683 = arith.index_cast %add3A_1631 : i32 to index
        %get3A_1684 = arith.constant 32 : index
        %get3A_1685 = tpu.vector_load %arg13[%get3A_1682, %get3A_1683, %get3A_1684] {strides = array<i32>} : memref<2x128x128xf32, #tpu.memory_space<vmem>>, vector<16xf32>,
        %get3A_1686 = arith.index_cast %rem3A_94 : i32 to index
        %get3A_1687 = arith.index_cast %add3A_1631 : i32 to index
        %get3A_1688 = arith.constant 32 : index
        %get3A_1689 = tpu.vector_load %arg14[%get3A_1686, %get3A_1687, %get3A_1688] {strides = array<i32>} : memref<2x128x128xf32, #tpu.memory_space<vmem>>, vector<16xf32>,
        %get3A_1690 = arith.index_cast %rem3A_94 : i32 to index
        %get3A_1691 = arith.index_cast %add3A_1631 : i32 to index
        %get3A_1692 = arith.constant 32 : index
        %get3A_1693 = tpu.vector_load %arg15[%get3A_1690, %get3A_1691, %get3A_1692] {strides = array<i32>} : memref<2x128x128xf32, #tpu.memory_space<vmem>>, vector<16xf32>,
        %sub3A_1694 = arith.subf %get3A_1685, %get3A_1689 : vector<16xf32>
        %add3A_1695 = arith.addf %get3A_1685, %get3A_1689 : vector<16xf32>
        %mul3A_1696 = arith.mulf %add3A_1695, %add3A_1695 : vector<16xf32>
        %mul3A_1697 = arith.mulf %get3A_1685, %get3A_1689 : vector<16xf32>
        %sub3A_1698 = arith.subf %mul3A_1696, %mul3A_1697 : vector<16xf32>
        %mul3A_1699 = arith.constant 0.020833334 : f32
        %mul3A_1700 = vector.broadcast %mul3A_1699 : f32 to vector<16xf32>
        %mul3A_1701 = arith.mulf %sub3A_1698, %mul3A_1700 : vector<16xf32>
        %sub3A_1702 = arith.constant 2.500000e-01 : f32
        %sub3A_1703 = vector.broadcast %sub3A_1702 : f32 to vector<16xf32>
        %sub3A_1704 = arith.subf %sub3A_1703, %mul3A_1701 : vector<16xf32>
        %mul3A_1705 = arith.mulf %sub3A_1694, %sub3A_1704 : vector<16xf32>
        %mul3A_1706 = arith.mulf %get3A_1693, %mul3A_1705 : vector<16xf32>
        %get3A_1707 = arith.index_cast %rem3A_94 : i32 to index
        %get3A_1708 = arith.index_cast %add3A_1631 : i32 to index
        %get3A_1709 = arith.constant 48 : index
        %get3A_1710 = tpu.vector_load %arg13[%get3A_1707, %get3A_1708, %get3A_1709] {strides = array<i32>} : memref<2x128x128xf32, #tpu.memory_space<vmem>>, vector<16xf32>,
        %get3A_1711 = arith.index_cast %rem3A_94 : i32 to index
        %get3A_1712 = arith.index_cast %add3A_1631 : i32 to index
        %get3A_1713 = arith.constant 48 : index
        %get3A_1714 = tpu.vector_load %arg14[%get3A_1711, %get3A_1712, %get3A_1713] {strides = array<i32>} : memref<2x128x128xf32, #tpu.memory_space<vmem>>, vector<16xf32>,
        %get3A_1715 = arith.index_cast %rem3A_94 : i32 to index
        %get3A_1716 = arith.index_cast %add3A_1631 : i32 to index
        %get3A_1717 = arith.constant 48 : index
        %get3A_1718 = tpu.vector_load %arg15[%get3A_1715, %get3A_1716, %get3A_1717] {strides = array<i32>} : memref<2x128x128xf32, #tpu.memory_space<vmem>>, vector<16xf32>,
        %sub3A_1719 = arith.subf %get3A_1710, %get3A_1714 : vector<16xf32>
        %add3A_1720 = arith.addf %get3A_1710, %get3A_1714 : vector<16xf32>
        %mul3A_1721 = arith.mulf %add3A_1720, %add3A_1720 : vector<16xf32>
        %mul3A_1722 = arith.mulf %get3A_1710, %get3A_1714 : vector<16xf32>
        %sub3A_1723 = arith.subf %mul3A_1721, %mul3A_1722 : vector<16xf32>
        %mul3A_1724 = arith.constant 0.020833334 : f32
        %mul3A_1725 = vector.broadcast %mul3A_1724 : f32 to vector<16xf32>
        %mul3A_1726 = arith.mulf %sub3A_1723, %mul3A_1725 : vector<16xf32>
        %sub3A_1727 = arith.constant 2.500000e-01 : f32
        %sub3A_1728 = vector.broadcast %sub3A_1727 : f32 to vector<16xf32>
        %sub3A_1729 = arith.subf %sub3A_1728, %mul3A_1726 : vector<16xf32>
        %mul3A_1730 = arith.mulf %sub3A_1719, %sub3A_1729 : vector<16xf32>
        %mul3A_1731 = arith.mulf %get3A_1718, %mul3A_1730 : vector<16xf32>
        %get3A_1732 = arith.index_cast %rem3A_94 : i32 to index
        %get3A_1733 = arith.index_cast %add3A_1631 : i32 to index
        %get3A_1734 = arith.constant 64 : index
        %get3A_1735 = tpu.vector_load %arg13[%get3A_1732, %get3A_1733, %get3A_1734] {strides = array<i32>} : memref<2x128x128xf32, #tpu.memory_space<vmem>>, vector<16xf32>,
        %get3A_1736 = arith.index_cast %rem3A_94 : i32 to index
        %get3A_1737 = arith.index_cast %add3A_1631 : i32 to index
        %get3A_1738 = arith.constant 64 : index
        %get3A_1739 = tpu.vector_load %arg14[%get3A_1736, %get3A_1737, %get3A_1738] {strides = array<i32>} : memref<2x128x128xf32, #tpu.memory_space<vmem>>, vector<16xf32>,
        %get3A_1740 = arith.index_cast %rem3A_94 : i32 to index
        %get3A_1741 = arith.index_cast %add3A_1631 : i32 to index
        %get3A_1742 = arith.constant 64 : index
        %get3A_1743 = tpu.vector_load %arg15[%get3A_1740, %get3A_1741, %get3A_1742] {strides = array<i32>} : memref<2x128x128xf32, #tpu.memory_space<vmem>>, vector<16xf32>,
        %sub3A_1744 = arith.subf %get3A_1735, %get3A_1739 : vector<16xf32>
        %add3A_1745 = arith.addf %get3A_1735, %get3A_1739 : vector<16xf32>
        %mul3A_1746 = arith.mulf %add3A_1745, %add3A_1745 : vector<16xf32>
        %mul3A_1747 = arith.mulf %get3A_1735, %get3A_1739 : vector<16xf32>
        %sub3A_1748 = arith.subf %mul3A_1746, %mul3A_1747 : vector<16xf32>
        %mul3A_1749 = arith.constant 0.020833334 : f32
        %mul3A_1750 = vector.broadcast %mul3A_1749 : f32 to vector<16xf32>
        %mul3A_1751 = arith.mulf %sub3A_1748, %mul3A_1750 : vector<16xf32>
        %sub3A_1752 = arith.constant 2.500000e-01 : f32
        %sub3A_1753 = vector.broadcast %sub3A_1752 : f32 to vector<16xf32>
        %sub3A_1754 = arith.subf %sub3A_1753, %mul3A_1751 : vector<16xf32>
        %mul3A_1755 = arith.mulf %sub3A_1744, %sub3A_1754 : vector<16xf32>
        %mul3A_1756 = arith.mulf %get3A_1743, %mul3A_1755 : vector<16xf32>
        %get3A_1757 = arith.index_cast %rem3A_94 : i32 to index
        %get3A_1758 = arith.index_cast %add3A_1631 : i32 to index
        %get3A_1759 = arith.constant 80 : index
        %get3A_1760 = tpu.vector_load %arg13[%get3A_1757, %get3A_1758, %get3A_1759] {strides = array<i32>} : memref<2x128x128xf32, #tpu.memory_space<vmem>>, vector<16xf32>,
        %get3A_1761 = arith.index_cast %rem3A_94 : i32 to index
        %get3A_1762 = arith.index_cast %add3A_1631 : i32 to index
        %get3A_1763 = arith.constant 80 : index
        %get3A_1764 = tpu.vector_load %arg14[%get3A_1761, %get3A_1762, %get3A_1763] {strides = array<i32>} : memref<2x128x128xf32, #tpu.memory_space<vmem>>, vector<16xf32>,
        %get3A_1765 = arith.index_cast %rem3A_94 : i32 to index
        %get3A_1766 = arith.index_cast %add3A_1631 : i32 to index
        %get3A_1767 = arith.constant 80 : index
        %get3A_1768 = tpu.vector_load %arg15[%get3A_1765, %get3A_1766, %get3A_1767] {strides = array<i32>} : memref<2x128x128xf32, #tpu.memory_space<vmem>>, vector<16xf32>,
        %sub3A_1769 = arith.subf %get3A_1760, %get3A_1764 : vector<16xf32>
        %add3A_1770 = arith.addf %get3A_1760, %get3A_1764 : vector<16xf32>
        %mul3A_1771 = arith.mulf %add3A_1770, %add3A_1770 : vector<16xf32>
        %mul3A_1772 = arith.mulf %get3A_1760, %get3A_1764 : vector<16xf32>
        %sub3A_1773 = arith.subf %mul3A_1771, %mul3A_1772 : vector<16xf32>
        %mul3A_1774 = arith.constant 0.020833334 : f32
        %mul3A_1775 = vector.broadcast %mul3A_1774 : f32 to vector<16xf32>
        %mul3A_1776 = arith.mulf %sub3A_1773, %mul3A_1775 : vector<16xf32>
        %sub3A_1777 = arith.constant 2.500000e-01 : f32
        %sub3A_1778 = vector.broadcast %sub3A_1777 : f32 to vector<16xf32>
        %sub3A_1779 = arith.subf %sub3A_1778, %mul3A_1776 : vector<16xf32>
        %mul3A_1780 = arith.mulf %sub3A_1769, %sub3A_1779 : vector<16xf32>
        %mul3A_1781 = arith.mulf %get3A_1768, %mul3A_1780 : vector<16xf32>
        %get3A_1782 = arith.index_cast %rem3A_94 : i32 to index
        %get3A_1783 = arith.index_cast %add3A_1631 : i32 to index
        %get3A_1784 = arith.constant 96 : index
        %get3A_1785 = tpu.vector_load %arg13[%get3A_1782, %get3A_1783, %get3A_1784] {strides = array<i32>} : memref<2x128x128xf32, #tpu.memory_space<vmem>>, vector<16xf32>,
        %get3A_1786 = arith.index_cast %rem3A_94 : i32 to index
        %get3A_1787 = arith.index_cast %add3A_1631 : i32 to index
        %get3A_1788 = arith.constant 96 : index
        %get3A_1789 = tpu.vector_load %arg14[%get3A_1786, %get3A_1787, %get3A_1788] {strides = array<i32>} : memref<2x128x128xf32, #tpu.memory_space<vmem>>, vector<16xf32>,
        %get3A_1790 = arith.index_cast %rem3A_94 : i32 to index
        %get3A_1791 = arith.index_cast %add3A_1631 : i32 to index
        %get3A_1792 = arith.constant 96 : index
        %get3A_1793 = tpu.vector_load %arg15[%get3A_1790, %get3A_1791, %get3A_1792] {strides = array<i32>} : memref<2x128x128xf32, #tpu.memory_space<vmem>>, vector<16xf32>,
        %sub3A_1794 = arith.subf %get3A_1785, %get3A_1789 : vector<16xf32>
        %add3A_1795 = arith.addf %get3A_1785, %get3A_1789 : vector<16xf32>
        %mul3A_1796 = arith.mulf %add3A_1795, %add3A_1795 : vector<16xf32>
        %mul3A_1797 = arith.mulf %get3A_1785, %get3A_1789 : vector<16xf32>
        %sub3A_1798 = arith.subf %mul3A_1796, %mul3A_1797 : vector<16xf32>
        %mul3A_1799 = arith.constant 0.020833334 : f32
        %mul3A_1800 = vector.broadcast %mul3A_1799 : f32 to vector<16xf32>
        %mul3A_1801 = arith.mulf %sub3A_1798, %mul3A_1800 : vector<16xf32>
        %sub3A_1802 = arith.constant 2.500000e-01 : f32
        %sub3A_1803 = vector.broadcast %sub3A_1802 : f32 to vector<16xf32>
        %sub3A_1804 = arith.subf %sub3A_1803, %mul3A_1801 : vector<16xf32>
        %mul3A_1805 = arith.mulf %sub3A_1794, %sub3A_1804 : vector<16xf32>
        %mul3A_1806 = arith.mulf %get3A_1793, %mul3A_1805 : vector<16xf32>
        %get3A_1807 = arith.index_cast %rem3A_94 : i32 to index
        %get3A_1808 = arith.index_cast %add3A_1631 : i32 to index
        %get3A_1809 = arith.constant 112 : index
        %get3A_1810 = tpu.vector_load %arg13[%get3A_1807, %get3A_1808, %get3A_1809] {strides = array<i32>} : memref<2x128x128xf32, #tpu.memory_space<vmem>>, vector<16xf32>,
        %get3A_1811 = arith.index_cast %rem3A_94 : i32 to index
        %get3A_1812 = arith.index_cast %add3A_1631 : i32 to index
        %get3A_1813 = arith.constant 112 : index
        %get3A_1814 = tpu.vector_load %arg14[%get3A_1811, %get3A_1812, %get3A_1813] {strides = array<i32>} : memref<2x128x128xf32, #tpu.memory_space<vmem>>, vector<16xf32>,
        %get3A_1815 = arith.index_cast %rem3A_94 : i32 to index
        %get3A_1816 = arith.index_cast %add3A_1631 : i32 to index
        %get3A_1817 = arith.constant 112 : index
        %get3A_1818 = tpu.vector_load %arg15[%get3A_1815, %get3A_1816, %get3A_1817] {strides = array<i32>} : memref<2x128x128xf32, #tpu.memory_space<vmem>>, vector<16xf32>,
        %sub3A_1819 = arith.subf %get3A_1810, %get3A_1814 : vector<16xf32>
        %add3A_1820 = arith.addf %get3A_1810, %get3A_1814 : vector<16xf32>
        %mul3A_1821 = arith.mulf %add3A_1820, %add3A_1820 : vector<16xf32>
        %mul3A_1822 = arith.mulf %get3A_1810, %get3A_1814 : vector<16xf32>
        %sub3A_1823 = arith.subf %mul3A_1821, %mul3A_1822 : vector<16xf32>
        %mul3A_1824 = arith.constant 0.020833334 : f32
        %mul3A_1825 = vector.broadcast %mul3A_1824 : f32 to vector<16xf32>
        %mul3A_1826 = arith.mulf %sub3A_1823, %mul3A_1825 : vector<16xf32>
        %sub3A_1827 = arith.constant 2.500000e-01 : f32
        %sub3A_1828 = vector.broadcast %sub3A_1827 : f32 to vector<16xf32>
        %sub3A_1829 = arith.subf %sub3A_1828, %mul3A_1826 : vector<16xf32>
        %mul3A_1830 = arith.mulf %sub3A_1819, %sub3A_1829 : vector<16xf32>
        %mul3A_1831 = arith.mulf %get3A_1818, %mul3A_1830 : vector<16xf32>
        %add3A_1832 = arith.addf %mul3A_1656, %mul3A_1681 : vector<16xf32>
        %add3A_1833 = arith.addf %mul3A_1706, %mul3A_1731 : vector<16xf32>
        %add3A_1834 = arith.addf %mul3A_1756, %mul3A_1781 : vector<16xf32>
        %add3A_1835 = arith.addf %mul3A_1806, %mul3A_1831 : vector<16xf32>
        %add3A_1836 = arith.addf %add3A_1832, %add3A_1833 : vector<16xf32>
        %add3A_1837 = arith.addf %add3A_1834, %add3A_1835 : vector<16xf32>
        %add3A_1838 = arith.addf %add3A_1836, %add3A_1837 : vector<16xf32>
        %mul3A_1839 = arith.constant 16 : i32
        %mul3A_1840 = arith.muli %scan3A_152, %mul3A_1839 : i32
        %add3A_1841 = arith.constant 8 : i32
        %add3A_1842 = arith.addi %mul3A_1840, %add3A_1841 : i32
        %get3A_1843 = arith.index_cast %rem3A_94 : i32 to index
        %get3A_1844 = arith.index_cast %add3A_1842 : i32 to index
        %get3A_1845 = arith.constant 0 : index
        %get3A_1846 = tpu.vector_load %arg13[%get3A_1843, %get3A_1844, %get3A_1845] {strides = array<i32>} : memref<2x128x128xf32, #tpu.memory_space<vmem>>, vector<16xf32>,
        %get3A_1847 = arith.index_cast %rem3A_94 : i32 to index
        %get3A_1848 = arith.index_cast %add3A_1842 : i32 to index
        %get3A_1849 = arith.constant 0 : index
        %get3A_1850 = tpu.vector_load %arg14[%get3A_1847, %get3A_1848, %get3A_1849] {strides = array<i32>} : memref<2x128x128xf32, #tpu.memory_space<vmem>>, vector<16xf32>,
        %get3A_1851 = arith.index_cast %rem3A_94 : i32 to index
        %get3A_1852 = arith.index_cast %add3A_1842 : i32 to index
        %get3A_1853 = arith.constant 0 : index
        %get3A_1854 = tpu.vector_load %arg15[%get3A_1851, %get3A_1852, %get3A_1853] {strides = array<i32>} : memref<2x128x128xf32, #tpu.memory_space<vmem>>, vector<16xf32>,
        %sub3A_1855 = arith.subf %get3A_1846, %get3A_1850 : vector<16xf32>
        %add3A_1856 = arith.addf %get3A_1846, %get3A_1850 : vector<16xf32>
        %mul3A_1857 = arith.mulf %add3A_1856, %add3A_1856 : vector<16xf32>
        %mul3A_1858 = arith.mulf %get3A_1846, %get3A_1850 : vector<16xf32>
        %sub3A_1859 = arith.subf %mul3A_1857, %mul3A_1858 : vector<16xf32>
        %mul3A_1860 = arith.constant 0.020833334 : f32
        %mul3A_1861 = vector.broadcast %mul3A_1860 : f32 to vector<16xf32>
        %mul3A_1862 = arith.mulf %sub3A_1859, %mul3A_1861 : vector<16xf32>
        %sub3A_1863 = arith.constant 2.500000e-01 : f32
        %sub3A_1864 = vector.broadcast %sub3A_1863 : f32 to vector<16xf32>
        %sub3A_1865 = arith.subf %sub3A_1864, %mul3A_1862 : vector<16xf32>
        %mul3A_1866 = arith.mulf %sub3A_1855, %sub3A_1865 : vector<16xf32>
        %mul3A_1867 = arith.mulf %get3A_1854, %mul3A_1866 : vector<16xf32>
        %get3A_1868 = arith.index_cast %rem3A_94 : i32 to index
        %get3A_1869 = arith.index_cast %add3A_1842 : i32 to index
        %get3A_1870 = arith.constant 16 : index
        %get3A_1871 = tpu.vector_load %arg13[%get3A_1868, %get3A_1869, %get3A_1870] {strides = array<i32>} : memref<2x128x128xf32, #tpu.memory_space<vmem>>, vector<16xf32>,
        %get3A_1872 = arith.index_cast %rem3A_94 : i32 to index
        %get3A_1873 = arith.index_cast %add3A_1842 : i32 to index
        %get3A_1874 = arith.constant 16 : index
        %get3A_1875 = tpu.vector_load %arg14[%get3A_1872, %get3A_1873, %get3A_1874] {strides = array<i32>} : memref<2x128x128xf32, #tpu.memory_space<vmem>>, vector<16xf32>,
        %get3A_1876 = arith.index_cast %rem3A_94 : i32 to index
        %get3A_1877 = arith.index_cast %add3A_1842 : i32 to index
        %get3A_1878 = arith.constant 16 : index
        %get3A_1879 = tpu.vector_load %arg15[%get3A_1876, %get3A_1877, %get3A_1878] {strides = array<i32>} : memref<2x128x128xf32, #tpu.memory_space<vmem>>, vector<16xf32>,
        %sub3A_1880 = arith.subf %get3A_1871, %get3A_1875 : vector<16xf32>
        %add3A_1881 = arith.addf %get3A_1871, %get3A_1875 : vector<16xf32>
        %mul3A_1882 = arith.mulf %add3A_1881, %add3A_1881 : vector<16xf32>
        %mul3A_1883 = arith.mulf %get3A_1871, %get3A_1875 : vector<16xf32>
        %sub3A_1884 = arith.subf %mul3A_1882, %mul3A_1883 : vector<16xf32>
        %mul3A_1885 = arith.constant 0.020833334 : f32
        %mul3A_1886 = vector.broadcast %mul3A_1885 : f32 to vector<16xf32>
        %mul3A_1887 = arith.mulf %sub3A_1884, %mul3A_1886 : vector<16xf32>
        %sub3A_1888 = arith.constant 2.500000e-01 : f32
        %sub3A_1889 = vector.broadcast %sub3A_1888 : f32 to vector<16xf32>
        %sub3A_1890 = arith.subf %sub3A_1889, %mul3A_1887 : vector<16xf32>
        %mul3A_1891 = arith.mulf %sub3A_1880, %sub3A_1890 : vector<16xf32>
        %mul3A_1892 = arith.mulf %get3A_1879, %mul3A_1891 : vector<16xf32>
        %get3A_1893 = arith.index_cast %rem3A_94 : i32 to index
        %get3A_1894 = arith.index_cast %add3A_1842 : i32 to index
        %get3A_1895 = arith.constant 32 : index
        %get3A_1896 = tpu.vector_load %arg13[%get3A_1893, %get3A_1894, %get3A_1895] {strides = array<i32>} : memref<2x128x128xf32, #tpu.memory_space<vmem>>, vector<16xf32>,
        %get3A_1897 = arith.index_cast %rem3A_94 : i32 to index
        %get3A_1898 = arith.index_cast %add3A_1842 : i32 to index
        %get3A_1899 = arith.constant 32 : index
        %get3A_1900 = tpu.vector_load %arg14[%get3A_1897, %get3A_1898, %get3A_1899] {strides = array<i32>} : memref<2x128x128xf32, #tpu.memory_space<vmem>>, vector<16xf32>,
        %get3A_1901 = arith.index_cast %rem3A_94 : i32 to index
        %get3A_1902 = arith.index_cast %add3A_1842 : i32 to index
        %get3A_1903 = arith.constant 32 : index
        %get3A_1904 = tpu.vector_load %arg15[%get3A_1901, %get3A_1902, %get3A_1903] {strides = array<i32>} : memref<2x128x128xf32, #tpu.memory_space<vmem>>, vector<16xf32>,
        %sub3A_1905 = arith.subf %get3A_1896, %get3A_1900 : vector<16xf32>
        %add3A_1906 = arith.addf %get3A_1896, %get3A_1900 : vector<16xf32>
        %mul3A_1907 = arith.mulf %add3A_1906, %add3A_1906 : vector<16xf32>
        %mul3A_1908 = arith.mulf %get3A_1896, %get3A_1900 : vector<16xf32>
        %sub3A_1909 = arith.subf %mul3A_1907, %mul3A_1908 : vector<16xf32>
        %mul3A_1910 = arith.constant 0.020833334 : f32
        %mul3A_1911 = vector.broadcast %mul3A_1910 : f32 to vector<16xf32>
        %mul3A_1912 = arith.mulf %sub3A_1909, %mul3A_1911 : vector<16xf32>
        %sub3A_1913 = arith.constant 2.500000e-01 : f32
        %sub3A_1914 = vector.broadcast %sub3A_1913 : f32 to vector<16xf32>
        %sub3A_1915 = arith.subf %sub3A_1914, %mul3A_1912 : vector<16xf32>
        %mul3A_1916 = arith.mulf %sub3A_1905, %sub3A_1915 : vector<16xf32>
        %mul3A_1917 = arith.mulf %get3A_1904, %mul3A_1916 : vector<16xf32>
        %get3A_1918 = arith.index_cast %rem3A_94 : i32 to index
        %get3A_1919 = arith.index_cast %add3A_1842 : i32 to index
        %get3A_1920 = arith.constant 48 : index
        %get3A_1921 = tpu.vector_load %arg13[%get3A_1918, %get3A_1919, %get3A_1920] {strides = array<i32>} : memref<2x128x128xf32, #tpu.memory_space<vmem>>, vector<16xf32>,
        %get3A_1922 = arith.index_cast %rem3A_94 : i32 to index
        %get3A_1923 = arith.index_cast %add3A_1842 : i32 to index
        %get3A_1924 = arith.constant 48 : index
        %get3A_1925 = tpu.vector_load %arg14[%get3A_1922, %get3A_1923, %get3A_1924] {strides = array<i32>} : memref<2x128x128xf32, #tpu.memory_space<vmem>>, vector<16xf32>,
        %get3A_1926 = arith.index_cast %rem3A_94 : i32 to index
        %get3A_1927 = arith.index_cast %add3A_1842 : i32 to index
        %get3A_1928 = arith.constant 48 : index
        %get3A_1929 = tpu.vector_load %arg15[%get3A_1926, %get3A_1927, %get3A_1928] {strides = array<i32>} : memref<2x128x128xf32, #tpu.memory_space<vmem>>, vector<16xf32>,
        %sub3A_1930 = arith.subf %get3A_1921, %get3A_1925 : vector<16xf32>
        %add3A_1931 = arith.addf %get3A_1921, %get3A_1925 : vector<16xf32>
        %mul3A_1932 = arith.mulf %add3A_1931, %add3A_1931 : vector<16xf32>
        %mul3A_1933 = arith.mulf %get3A_1921, %get3A_1925 : vector<16xf32>
        %sub3A_1934 = arith.subf %mul3A_1932, %mul3A_1933 : vector<16xf32>
        %mul3A_1935 = arith.constant 0.020833334 : f32
        %mul3A_1936 = vector.broadcast %mul3A_1935 : f32 to vector<16xf32>
        %mul3A_1937 = arith.mulf %sub3A_1934, %mul3A_1936 : vector<16xf32>
        %sub3A_1938 = arith.constant 2.500000e-01 : f32
        %sub3A_1939 = vector.broadcast %sub3A_1938 : f32 to vector<16xf32>
        %sub3A_1940 = arith.subf %sub3A_1939, %mul3A_1937 : vector<16xf32>
        %mul3A_1941 = arith.mulf %sub3A_1930, %sub3A_1940 : vector<16xf32>
        %mul3A_1942 = arith.mulf %get3A_1929, %mul3A_1941 : vector<16xf32>
        %get3A_1943 = arith.index_cast %rem3A_94 : i32 to index
        %get3A_1944 = arith.index_cast %add3A_1842 : i32 to index
        %get3A_1945 = arith.constant 64 : index
        %get3A_1946 = tpu.vector_load %arg13[%get3A_1943, %get3A_1944, %get3A_1945] {strides = array<i32>} : memref<2x128x128xf32, #tpu.memory_space<vmem>>, vector<16xf32>,
        %get3A_1947 = arith.index_cast %rem3A_94 : i32 to index
        %get3A_1948 = arith.index_cast %add3A_1842 : i32 to index
        %get3A_1949 = arith.constant 64 : index
        %get3A_1950 = tpu.vector_load %arg14[%get3A_1947, %get3A_1948, %get3A_1949] {strides = array<i32>} : memref<2x128x128xf32, #tpu.memory_space<vmem>>, vector<16xf32>,
        %get3A_1951 = arith.index_cast %rem3A_94 : i32 to index
        %get3A_1952 = arith.index_cast %add3A_1842 : i32 to index
        %get3A_1953 = arith.constant 64 : index
        %get3A_1954 = tpu.vector_load %arg15[%get3A_1951, %get3A_1952, %get3A_1953] {strides = array<i32>} : memref<2x128x128xf32, #tpu.memory_space<vmem>>, vector<16xf32>,
        %sub3A_1955 = arith.subf %get3A_1946, %get3A_1950 : vector<16xf32>
        %add3A_1956 = arith.addf %get3A_1946, %get3A_1950 : vector<16xf32>
        %mul3A_1957 = arith.mulf %add3A_1956, %add3A_1956 : vector<16xf32>
        %mul3A_1958 = arith.mulf %get3A_1946, %get3A_1950 : vector<16xf32>
        %sub3A_1959 = arith.subf %mul3A_1957, %mul3A_1958 : vector<16xf32>
        %mul3A_1960 = arith.constant 0.020833334 : f32
        %mul3A_1961 = vector.broadcast %mul3A_1960 : f32 to vector<16xf32>
        %mul3A_1962 = arith.mulf %sub3A_1959, %mul3A_1961 : vector<16xf32>
        %sub3A_1963 = arith.constant 2.500000e-01 : f32
        %sub3A_1964 = vector.broadcast %sub3A_1963 : f32 to vector<16xf32>
        %sub3A_1965 = arith.subf %sub3A_1964, %mul3A_1962 : vector<16xf32>
        %mul3A_1966 = arith.mulf %sub3A_1955, %sub3A_1965 : vector<16xf32>
        %mul3A_1967 = arith.mulf %get3A_1954, %mul3A_1966 : vector<16xf32>
        %get3A_1968 = arith.index_cast %rem3A_94 : i32 to index
        %get3A_1969 = arith.index_cast %add3A_1842 : i32 to index
        %get3A_1970 = arith.constant 80 : index
        %get3A_1971 = tpu.vector_load %arg13[%get3A_1968, %get3A_1969, %get3A_1970] {strides = array<i32>} : memref<2x128x128xf32, #tpu.memory_space<vmem>>, vector<16xf32>,
        %get3A_1972 = arith.index_cast %rem3A_94 : i32 to index
        %get3A_1973 = arith.index_cast %add3A_1842 : i32 to index
        %get3A_1974 = arith.constant 80 : index
        %get3A_1975 = tpu.vector_load %arg14[%get3A_1972, %get3A_1973, %get3A_1974] {strides = array<i32>} : memref<2x128x128xf32, #tpu.memory_space<vmem>>, vector<16xf32>,
        %get3A_1976 = arith.index_cast %rem3A_94 : i32 to index
        %get3A_1977 = arith.index_cast %add3A_1842 : i32 to index
        %get3A_1978 = arith.constant 80 : index
        %get3A_1979 = tpu.vector_load %arg15[%get3A_1976, %get3A_1977, %get3A_1978] {strides = array<i32>} : memref<2x128x128xf32, #tpu.memory_space<vmem>>, vector<16xf32>,
        %sub3A_1980 = arith.subf %get3A_1971, %get3A_1975 : vector<16xf32>
        %add3A_1981 = arith.addf %get3A_1971, %get3A_1975 : vector<16xf32>
        %mul3A_1982 = arith.mulf %add3A_1981, %add3A_1981 : vector<16xf32>
        %mul3A_1983 = arith.mulf %get3A_1971, %get3A_1975 : vector<16xf32>
        %sub3A_1984 = arith.subf %mul3A_1982, %mul3A_1983 : vector<16xf32>
        %mul3A_1985 = arith.constant 0.020833334 : f32
        %mul3A_1986 = vector.broadcast %mul3A_1985 : f32 to vector<16xf32>
        %mul3A_1987 = arith.mulf %sub3A_1984, %mul3A_1986 : vector<16xf32>
        %sub3A_1988 = arith.constant 2.500000e-01 : f32
        %sub3A_1989 = vector.broadcast %sub3A_1988 : f32 to vector<16xf32>
        %sub3A_1990 = arith.subf %sub3A_1989, %mul3A_1987 : vector<16xf32>
        %mul3A_1991 = arith.mulf %sub3A_1980, %sub3A_1990 : vector<16xf32>
        %mul3A_1992 = arith.mulf %get3A_1979, %mul3A_1991 : vector<16xf32>
        %get3A_1993 = arith.index_cast %rem3A_94 : i32 to index
        %get3A_1994 = arith.index_cast %add3A_1842 : i32 to index
        %get3A_1995 = arith.constant 96 : index
        %get3A_1996 = tpu.vector_load %arg13[%get3A_1993, %get3A_1994, %get3A_1995] {strides = array<i32>} : memref<2x128x128xf32, #tpu.memory_space<vmem>>, vector<16xf32>,
        %get3A_1997 = arith.index_cast %rem3A_94 : i32 to index
        %get3A_1998 = arith.index_cast %add3A_1842 : i32 to index
        %get3A_1999 = arith.constant 96 : index
        %get3A_2000 = tpu.vector_load %arg14[%get3A_1997, %get3A_1998, %get3A_1999] {strides = array<i32>} : memref<2x128x128xf32, #tpu.memory_space<vmem>>, vector<16xf32>,
        %get3A_2001 = arith.index_cast %rem3A_94 : i32 to index
        %get3A_2002 = arith.index_cast %add3A_1842 : i32 to index
        %get3A_2003 = arith.constant 96 : index
        %get3A_2004 = tpu.vector_load %arg15[%get3A_2001, %get3A_2002, %get3A_2003] {strides = array<i32>} : memref<2x128x128xf32, #tpu.memory_space<vmem>>, vector<16xf32>,
        %sub3A_2005 = arith.subf %get3A_1996, %get3A_2000 : vector<16xf32>
        %add3A_2006 = arith.addf %get3A_1996, %get3A_2000 : vector<16xf32>
        %mul3A_2007 = arith.mulf %add3A_2006, %add3A_2006 : vector<16xf32>
        %mul3A_2008 = arith.mulf %get3A_1996, %get3A_2000 : vector<16xf32>
        %sub3A_2009 = arith.subf %mul3A_2007, %mul3A_2008 : vector<16xf32>
        %mul3A_2010 = arith.constant 0.020833334 : f32
        %mul3A_2011 = vector.broadcast %mul3A_2010 : f32 to vector<16xf32>
        %mul3A_2012 = arith.mulf %sub3A_2009, %mul3A_2011 : vector<16xf32>
        %sub3A_2013 = arith.constant 2.500000e-01 : f32
        %sub3A_2014 = vector.broadcast %sub3A_2013 : f32 to vector<16xf32>
        %sub3A_2015 = arith.subf %sub3A_2014, %mul3A_2012 : vector<16xf32>
        %mul3A_2016 = arith.mulf %sub3A_2005, %sub3A_2015 : vector<16xf32>
        %mul3A_2017 = arith.mulf %get3A_2004, %mul3A_2016 : vector<16xf32>
        %get3A_2018 = arith.index_cast %rem3A_94 : i32 to index
        %get3A_2019 = arith.index_cast %add3A_1842 : i32 to index
        %get3A_2020 = arith.constant 112 : index
        %get3A_2021 = tpu.vector_load %arg13[%get3A_2018, %get3A_2019, %get3A_2020] {strides = array<i32>} : memref<2x128x128xf32, #tpu.memory_space<vmem>>, vector<16xf32>,
        %get3A_2022 = arith.index_cast %rem3A_94 : i32 to index
        %get3A_2023 = arith.index_cast %add3A_1842 : i32 to index
        %get3A_2024 = arith.constant 112 : index
        %get3A_2025 = tpu.vector_load %arg14[%get3A_2022, %get3A_2023, %get3A_2024] {strides = array<i32>} : memref<2x128x128xf32, #tpu.memory_space<vmem>>, vector<16xf32>,
        %get3A_2026 = arith.index_cast %rem3A_94 : i32 to index
        %get3A_2027 = arith.index_cast %add3A_1842 : i32 to index
        %get3A_2028 = arith.constant 112 : index
        %get3A_2029 = tpu.vector_load %arg15[%get3A_2026, %get3A_2027, %get3A_2028] {strides = array<i32>} : memref<2x128x128xf32, #tpu.memory_space<vmem>>, vector<16xf32>,
        %sub3A_2030 = arith.subf %get3A_2021, %get3A_2025 : vector<16xf32>
        %add3A_2031 = arith.addf %get3A_2021, %get3A_2025 : vector<16xf32>
        %mul3A_2032 = arith.mulf %add3A_2031, %add3A_2031 : vector<16xf32>
        %mul3A_2033 = arith.mulf %get3A_2021, %get3A_2025 : vector<16xf32>
        %sub3A_2034 = arith.subf %mul3A_2032, %mul3A_2033 : vector<16xf32>
        %mul3A_2035 = arith.constant 0.020833334 : f32
        %mul3A_2036 = vector.broadcast %mul3A_2035 : f32 to vector<16xf32>
        %mul3A_2037 = arith.mulf %sub3A_2034, %mul3A_2036 : vector<16xf32>
        %sub3A_2038 = arith.constant 2.500000e-01 : f32
        %sub3A_2039 = vector.broadcast %sub3A_2038 : f32 to vector<16xf32>
        %sub3A_2040 = arith.subf %sub3A_2039, %mul3A_2037 : vector<16xf32>
        %mul3A_2041 = arith.mulf %sub3A_2030, %sub3A_2040 : vector<16xf32>
        %mul3A_2042 = arith.mulf %get3A_2029, %mul3A_2041 : vector<16xf32>
        %add3A_2043 = arith.addf %mul3A_1867, %mul3A_1892 : vector<16xf32>
        %add3A_2044 = arith.addf %mul3A_1917, %mul3A_1942 : vector<16xf32>
        %add3A_2045 = arith.addf %mul3A_1967, %mul3A_1992 : vector<16xf32>
        %add3A_2046 = arith.addf %mul3A_2017, %mul3A_2042 : vector<16xf32>
        %add3A_2047 = arith.addf %add3A_2043, %add3A_2044 : vector<16xf32>
        %add3A_2048 = arith.addf %add3A_2045, %add3A_2046 : vector<16xf32>
        %add3A_2049 = arith.addf %add3A_2047, %add3A_2048 : vector<16xf32>
        %mul3A_2050 = arith.constant 16 : i32
        %mul3A_2051 = arith.muli %scan3A_152, %mul3A_2050 : i32
        %add3A_2052 = arith.constant 9 : i32
        %add3A_2053 = arith.addi %mul3A_2051, %add3A_2052 : i32
        %get3A_2054 = arith.index_cast %rem3A_94 : i32 to index
        %get3A_2055 = arith.index_cast %add3A_2053 : i32 to index
        %get3A_2056 = arith.constant 0 : index
        %get3A_2057 = tpu.vector_load %arg13[%get3A_2054, %get3A_2055, %get3A_2056] {strides = array<i32>} : memref<2x128x128xf32, #tpu.memory_space<vmem>>, vector<16xf32>,
        %get3A_2058 = arith.index_cast %rem3A_94 : i32 to index
        %get3A_2059 = arith.index_cast %add3A_2053 : i32 to index
        %get3A_2060 = arith.constant 0 : index
        %get3A_2061 = tpu.vector_load %arg14[%get3A_2058, %get3A_2059, %get3A_2060] {strides = array<i32>} : memref<2x128x128xf32, #tpu.memory_space<vmem>>, vector<16xf32>,
        %get3A_2062 = arith.index_cast %rem3A_94 : i32 to index
        %get3A_2063 = arith.index_cast %add3A_2053 : i32 to index
        %get3A_2064 = arith.constant 0 : index
        %get3A_2065 = tpu.vector_load %arg15[%get3A_2062, %get3A_2063, %get3A_2064] {strides = array<i32>} : memref<2x128x128xf32, #tpu.memory_space<vmem>>, vector<16xf32>,
        %sub3A_2066 = arith.subf %get3A_2057, %get3A_2061 : vector<16xf32>
        %add3A_2067 = arith.addf %get3A_2057, %get3A_2061 : vector<16xf32>
        %mul3A_2068 = arith.mulf %add3A_2067, %add3A_2067 : vector<16xf32>
        %mul3A_2069 = arith.mulf %get3A_2057, %get3A_2061 : vector<16xf32>
        %sub3A_2070 = arith.subf %mul3A_2068, %mul3A_2069 : vector<16xf32>
        %mul3A_2071 = arith.constant 0.020833334 : f32
        %mul3A_2072 = vector.broadcast %mul3A_2071 : f32 to vector<16xf32>
        %mul3A_2073 = arith.mulf %sub3A_2070, %mul3A_2072 : vector<16xf32>
        %sub3A_2074 = arith.constant 2.500000e-01 : f32
        %sub3A_2075 = vector.broadcast %sub3A_2074 : f32 to vector<16xf32>
        %sub3A_2076 = arith.subf %sub3A_2075, %mul3A_2073 : vector<16xf32>
        %mul3A_2077 = arith.mulf %sub3A_2066, %sub3A_2076 : vector<16xf32>
        %mul3A_2078 = arith.mulf %get3A_2065, %mul3A_2077 : vector<16xf32>
        %get3A_2079 = arith.index_cast %rem3A_94 : i32 to index
        %get3A_2080 = arith.index_cast %add3A_2053 : i32 to index
        %get3A_2081 = arith.constant 16 : index
        %get3A_2082 = tpu.vector_load %arg13[%get3A_2079, %get3A_2080, %get3A_2081] {strides = array<i32>} : memref<2x128x128xf32, #tpu.memory_space<vmem>>, vector<16xf32>,
        %get3A_2083 = arith.index_cast %rem3A_94 : i32 to index
        %get3A_2084 = arith.index_cast %add3A_2053 : i32 to index
        %get3A_2085 = arith.constant 16 : index
        %get3A_2086 = tpu.vector_load %arg14[%get3A_2083, %get3A_2084, %get3A_2085] {strides = array<i32>} : memref<2x128x128xf32, #tpu.memory_space<vmem>>, vector<16xf32>,
        %get3A_2087 = arith.index_cast %rem3A_94 : i32 to index
        %get3A_2088 = arith.index_cast %add3A_2053 : i32 to index
        %get3A_2089 = arith.constant 16 : index
        %get3A_2090 = tpu.vector_load %arg15[%get3A_2087, %get3A_2088, %get3A_2089] {strides = array<i32>} : memref<2x128x128xf32, #tpu.memory_space<vmem>>, vector<16xf32>,
        %sub3A_2091 = arith.subf %get3A_2082, %get3A_2086 : vector<16xf32>
        %add3A_2092 = arith.addf %get3A_2082, %get3A_2086 : vector<16xf32>
        %mul3A_2093 = arith.mulf %add3A_2092, %add3A_2092 : vector<16xf32>
        %mul3A_2094 = arith.mulf %get3A_2082, %get3A_2086 : vector<16xf32>
        %sub3A_2095 = arith.subf %mul3A_2093, %mul3A_2094 : vector<16xf32>
        %mul3A_2096 = arith.constant 0.020833334 : f32
        %mul3A_2097 = vector.broadcast %mul3A_2096 : f32 to vector<16xf32>
        %mul3A_2098 = arith.mulf %sub3A_2095, %mul3A_2097 : vector<16xf32>
        %sub3A_2099 = arith.constant 2.500000e-01 : f32
        %sub3A_2100 = vector.broadcast %sub3A_2099 : f32 to vector<16xf32>
        %sub3A_2101 = arith.subf %sub3A_2100, %mul3A_2098 : vector<16xf32>
        %mul3A_2102 = arith.mulf %sub3A_2091, %sub3A_2101 : vector<16xf32>
        %mul3A_2103 = arith.mulf %get3A_2090, %mul3A_2102 : vector<16xf32>
        %get3A_2104 = arith.index_cast %rem3A_94 : i32 to index
        %get3A_2105 = arith.index_cast %add3A_2053 : i32 to index
        %get3A_2106 = arith.constant 32 : index
        %get3A_2107 = tpu.vector_load %arg13[%get3A_2104, %get3A_2105, %get3A_2106] {strides = array<i32>} : memref<2x128x128xf32, #tpu.memory_space<vmem>>, vector<16xf32>,
        %get3A_2108 = arith.index_cast %rem3A_94 : i32 to index
        %get3A_2109 = arith.index_cast %add3A_2053 : i32 to index
        %get3A_2110 = arith.constant 32 : index
        %get3A_2111 = tpu.vector_load %arg14[%get3A_2108, %get3A_2109, %get3A_2110] {strides = array<i32>} : memref<2x128x128xf32, #tpu.memory_space<vmem>>, vector<16xf32>,
        %get3A_2112 = arith.index_cast %rem3A_94 : i32 to index
        %get3A_2113 = arith.index_cast %add3A_2053 : i32 to index
        %get3A_2114 = arith.constant 32 : index
        %get3A_2115 = tpu.vector_load %arg15[%get3A_2112, %get3A_2113, %get3A_2114] {strides = array<i32>} : memref<2x128x128xf32, #tpu.memory_space<vmem>>, vector<16xf32>,
        %sub3A_2116 = arith.subf %get3A_2107, %get3A_2111 : vector<16xf32>
        %add3A_2117 = arith.addf %get3A_2107, %get3A_2111 : vector<16xf32>
        %mul3A_2118 = arith.mulf %add3A_2117, %add3A_2117 : vector<16xf32>
        %mul3A_2119 = arith.mulf %get3A_2107, %get3A_2111 : vector<16xf32>
        %sub3A_2120 = arith.subf %mul3A_2118, %mul3A_2119 : vector<16xf32>
        %mul3A_2121 = arith.constant 0.020833334 : f32
        %mul3A_2122 = vector.broadcast %mul3A_2121 : f32 to vector<16xf32>
        %mul3A_2123 = arith.mulf %sub3A_2120, %mul3A_2122 : vector<16xf32>
        %sub3A_2124 = arith.constant 2.500000e-01 : f32
        %sub3A_2125 = vector.broadcast %sub3A_2124 : f32 to vector<16xf32>
        %sub3A_2126 = arith.subf %sub3A_2125, %mul3A_2123 : vector<16xf32>
        %mul3A_2127 = arith.mulf %sub3A_2116, %sub3A_2126 : vector<16xf32>
        %mul3A_2128 = arith.mulf %get3A_2115, %mul3A_2127 : vector<16xf32>
        %get3A_2129 = arith.index_cast %rem3A_94 : i32 to index
        %get3A_2130 = arith.index_cast %add3A_2053 : i32 to index
        %get3A_2131 = arith.constant 48 : index
        %get3A_2132 = tpu.vector_load %arg13[%get3A_2129, %get3A_2130, %get3A_2131] {strides = array<i32>} : memref<2x128x128xf32, #tpu.memory_space<vmem>>, vector<16xf32>,
        %get3A_2133 = arith.index_cast %rem3A_94 : i32 to index
        %get3A_2134 = arith.index_cast %add3A_2053 : i32 to index
        %get3A_2135 = arith.constant 48 : index
        %get3A_2136 = tpu.vector_load %arg14[%get3A_2133, %get3A_2134, %get3A_2135] {strides = array<i32>} : memref<2x128x128xf32, #tpu.memory_space<vmem>>, vector<16xf32>,
        %get3A_2137 = arith.index_cast %rem3A_94 : i32 to index
        %get3A_2138 = arith.index_cast %add3A_2053 : i32 to index
        %get3A_2139 = arith.constant 48 : index
        %get3A_2140 = tpu.vector_load %arg15[%get3A_2137, %get3A_2138, %get3A_2139] {strides = array<i32>} : memref<2x128x128xf32, #tpu.memory_space<vmem>>, vector<16xf32>,
        %sub3A_2141 = arith.subf %get3A_2132, %get3A_2136 : vector<16xf32>
        %add3A_2142 = arith.addf %get3A_2132, %get3A_2136 : vector<16xf32>
        %mul3A_2143 = arith.mulf %add3A_2142, %add3A_2142 : vector<16xf32>
        %mul3A_2144 = arith.mulf %get3A_2132, %get3A_2136 : vector<16xf32>
        %sub3A_2145 = arith.subf %mul3A_2143, %mul3A_2144 : vector<16xf32>
        %mul3A_2146 = arith.constant 0.020833334 : f32
        %mul3A_2147 = vector.broadcast %mul3A_2146 : f32 to vector<16xf32>
        %mul3A_2148 = arith.mulf %sub3A_2145, %mul3A_2147 : vector<16xf32>
        %sub3A_2149 = arith.constant 2.500000e-01 : f32
        %sub3A_2150 = vector.broadcast %sub3A_2149 : f32 to vector<16xf32>
        %sub3A_2151 = arith.subf %sub3A_2150, %mul3A_2148 : vector<16xf32>
        %mul3A_2152 = arith.mulf %sub3A_2141, %sub3A_2151 : vector<16xf32>
        %mul3A_2153 = arith.mulf %get3A_2140, %mul3A_2152 : vector<16xf32>
        %get3A_2154 = arith.index_cast %rem3A_94 : i32 to index
        %get3A_2155 = arith.index_cast %add3A_2053 : i32 to index
        %get3A_2156 = arith.constant 64 : index
        %get3A_2157 = tpu.vector_load %arg13[%get3A_2154, %get3A_2155, %get3A_2156] {strides = array<i32>} : memref<2x128x128xf32, #tpu.memory_space<vmem>>, vector<16xf32>,
        %get3A_2158 = arith.index_cast %rem3A_94 : i32 to index
        %get3A_2159 = arith.index_cast %add3A_2053 : i32 to index
        %get3A_2160 = arith.constant 64 : index
        %get3A_2161 = tpu.vector_load %arg14[%get3A_2158, %get3A_2159, %get3A_2160] {strides = array<i32>} : memref<2x128x128xf32, #tpu.memory_space<vmem>>, vector<16xf32>,
        %get3A_2162 = arith.index_cast %rem3A_94 : i32 to index
        %get3A_2163 = arith.index_cast %add3A_2053 : i32 to index
        %get3A_2164 = arith.constant 64 : index
        %get3A_2165 = tpu.vector_load %arg15[%get3A_2162, %get3A_2163, %get3A_2164] {strides = array<i32>} : memref<2x128x128xf32, #tpu.memory_space<vmem>>, vector<16xf32>,
        %sub3A_2166 = arith.subf %get3A_2157, %get3A_2161 : vector<16xf32>
        %add3A_2167 = arith.addf %get3A_2157, %get3A_2161 : vector<16xf32>
        %mul3A_2168 = arith.mulf %add3A_2167, %add3A_2167 : vector<16xf32>
        %mul3A_2169 = arith.mulf %get3A_2157, %get3A_2161 : vector<16xf32>
        %sub3A_2170 = arith.subf %mul3A_2168, %mul3A_2169 : vector<16xf32>
        %mul3A_2171 = arith.constant 0.020833334 : f32
        %mul3A_2172 = vector.broadcast %mul3A_2171 : f32 to vector<16xf32>
        %mul3A_2173 = arith.mulf %sub3A_2170, %mul3A_2172 : vector<16xf32>
        %sub3A_2174 = arith.constant 2.500000e-01 : f32
        %sub3A_2175 = vector.broadcast %sub3A_2174 : f32 to vector<16xf32>
        %sub3A_2176 = arith.subf %sub3A_2175, %mul3A_2173 : vector<16xf32>
        %mul3A_2177 = arith.mulf %sub3A_2166, %sub3A_2176 : vector<16xf32>
        %mul3A_2178 = arith.mulf %get3A_2165, %mul3A_2177 : vector<16xf32>
        %get3A_2179 = arith.index_cast %rem3A_94 : i32 to index
        %get3A_2180 = arith.index_cast %add3A_2053 : i32 to index
        %get3A_2181 = arith.constant 80 : index
        %get3A_2182 = tpu.vector_load %arg13[%get3A_2179, %get3A_2180, %get3A_2181] {strides = array<i32>} : memref<2x128x128xf32, #tpu.memory_space<vmem>>, vector<16xf32>,
        %get3A_2183 = arith.index_cast %rem3A_94 : i32 to index
        %get3A_2184 = arith.index_cast %add3A_2053 : i32 to index
        %get3A_2185 = arith.constant 80 : index
        %get3A_2186 = tpu.vector_load %arg14[%get3A_2183, %get3A_2184, %get3A_2185] {strides = array<i32>} : memref<2x128x128xf32, #tpu.memory_space<vmem>>, vector<16xf32>,
        %get3A_2187 = arith.index_cast %rem3A_94 : i32 to index
        %get3A_2188 = arith.index_cast %add3A_2053 : i32 to index
        %get3A_2189 = arith.constant 80 : index
        %get3A_2190 = tpu.vector_load %arg15[%get3A_2187, %get3A_2188, %get3A_2189] {strides = array<i32>} : memref<2x128x128xf32, #tpu.memory_space<vmem>>, vector<16xf32>,
        %sub3A_2191 = arith.subf %get3A_2182, %get3A_2186 : vector<16xf32>
        %add3A_2192 = arith.addf %get3A_2182, %get3A_2186 : vector<16xf32>
        %mul3A_2193 = arith.mulf %add3A_2192, %add3A_2192 : vector<16xf32>
        %mul3A_2194 = arith.mulf %get3A_2182, %get3A_2186 : vector<16xf32>
        %sub3A_2195 = arith.subf %mul3A_2193, %mul3A_2194 : vector<16xf32>
        %mul3A_2196 = arith.constant 0.020833334 : f32
        %mul3A_2197 = vector.broadcast %mul3A_2196 : f32 to vector<16xf32>
        %mul3A_2198 = arith.mulf %sub3A_2195, %mul3A_2197 : vector<16xf32>
        %sub3A_2199 = arith.constant 2.500000e-01 : f32
        %sub3A_2200 = vector.broadcast %sub3A_2199 : f32 to vector<16xf32>
        %sub3A_2201 = arith.subf %sub3A_2200, %mul3A_2198 : vector<16xf32>
        %mul3A_2202 = arith.mulf %sub3A_2191, %sub3A_2201 : vector<16xf32>
        %mul3A_2203 = arith.mulf %get3A_2190, %mul3A_2202 : vector<16xf32>
        %get3A_2204 = arith.index_cast %rem3A_94 : i32 to index
        %get3A_2205 = arith.index_cast %add3A_2053 : i32 to index
        %get3A_2206 = arith.constant 96 : index
        %get3A_2207 = tpu.vector_load %arg13[%get3A_2204, %get3A_2205, %get3A_2206] {strides = array<i32>} : memref<2x128x128xf32, #tpu.memory_space<vmem>>, vector<16xf32>,
        %get3A_2208 = arith.index_cast %rem3A_94 : i32 to index
        %get3A_2209 = arith.index_cast %add3A_2053 : i32 to index
        %get3A_2210 = arith.constant 96 : index
        %get3A_2211 = tpu.vector_load %arg14[%get3A_2208, %get3A_2209, %get3A_2210] {strides = array<i32>} : memref<2x128x128xf32, #tpu.memory_space<vmem>>, vector<16xf32>,
        %get3A_2212 = arith.index_cast %rem3A_94 : i32 to index
        %get3A_2213 = arith.index_cast %add3A_2053 : i32 to index
        %get3A_2214 = arith.constant 96 : index
        %get3A_2215 = tpu.vector_load %arg15[%get3A_2212, %get3A_2213, %get3A_2214] {strides = array<i32>} : memref<2x128x128xf32, #tpu.memory_space<vmem>>, vector<16xf32>,
        %sub3A_2216 = arith.subf %get3A_2207, %get3A_2211 : vector<16xf32>
        %add3A_2217 = arith.addf %get3A_2207, %get3A_2211 : vector<16xf32>
        %mul3A_2218 = arith.mulf %add3A_2217, %add3A_2217 : vector<16xf32>
        %mul3A_2219 = arith.mulf %get3A_2207, %get3A_2211 : vector<16xf32>
        %sub3A_2220 = arith.subf %mul3A_2218, %mul3A_2219 : vector<16xf32>
        %mul3A_2221 = arith.constant 0.020833334 : f32
        %mul3A_2222 = vector.broadcast %mul3A_2221 : f32 to vector<16xf32>
        %mul3A_2223 = arith.mulf %sub3A_2220, %mul3A_2222 : vector<16xf32>
        %sub3A_2224 = arith.constant 2.500000e-01 : f32
        %sub3A_2225 = vector.broadcast %sub3A_2224 : f32 to vector<16xf32>
        %sub3A_2226 = arith.subf %sub3A_2225, %mul3A_2223 : vector<16xf32>
        %mul3A_2227 = arith.mulf %sub3A_2216, %sub3A_2226 : vector<16xf32>
        %mul3A_2228 = arith.mulf %get3A_2215, %mul3A_2227 : vector<16xf32>
        %get3A_2229 = arith.index_cast %rem3A_94 : i32 to index
        %get3A_2230 = arith.index_cast %add3A_2053 : i32 to index
        %get3A_2231 = arith.constant 112 : index
        %get3A_2232 = tpu.vector_load %arg13[%get3A_2229, %get3A_2230, %get3A_2231] {strides = array<i32>} : memref<2x128x128xf32, #tpu.memory_space<vmem>>, vector<16xf32>,
        %get3A_2233 = arith.index_cast %rem3A_94 : i32 to index
        %get3A_2234 = arith.index_cast %add3A_2053 : i32 to index
        %get3A_2235 = arith.constant 112 : index
        %get3A_2236 = tpu.vector_load %arg14[%get3A_2233, %get3A_2234, %get3A_2235] {strides = array<i32>} : memref<2x128x128xf32, #tpu.memory_space<vmem>>, vector<16xf32>,
        %get3A_2237 = arith.index_cast %rem3A_94 : i32 to index
        %get3A_2238 = arith.index_cast %add3A_2053 : i32 to index
        %get3A_2239 = arith.constant 112 : index
        %get3A_2240 = tpu.vector_load %arg15[%get3A_2237, %get3A_2238, %get3A_2239] {strides = array<i32>} : memref<2x128x128xf32, #tpu.memory_space<vmem>>, vector<16xf32>,
        %sub3A_2241 = arith.subf %get3A_2232, %get3A_2236 : vector<16xf32>
        %add3A_2242 = arith.addf %get3A_2232, %get3A_2236 : vector<16xf32>
        %mul3A_2243 = arith.mulf %add3A_2242, %add3A_2242 : vector<16xf32>
        %mul3A_2244 = arith.mulf %get3A_2232, %get3A_2236 : vector<16xf32>
        %sub3A_2245 = arith.subf %mul3A_2243, %mul3A_2244 : vector<16xf32>
        %mul3A_2246 = arith.constant 0.020833334 : f32
        %mul3A_2247 = vector.broadcast %mul3A_2246 : f32 to vector<16xf32>
        %mul3A_2248 = arith.mulf %sub3A_2245, %mul3A_2247 : vector<16xf32>
        %sub3A_2249 = arith.constant 2.500000e-01 : f32
        %sub3A_2250 = vector.broadcast %sub3A_2249 : f32 to vector<16xf32>
        %sub3A_2251 = arith.subf %sub3A_2250, %mul3A_2248 : vector<16xf32>
        %mul3A_2252 = arith.mulf %sub3A_2241, %sub3A_2251 : vector<16xf32>
        %mul3A_2253 = arith.mulf %get3A_2240, %mul3A_2252 : vector<16xf32>
        %add3A_2254 = arith.addf %mul3A_2078, %mul3A_2103 : vector<16xf32>
        %add3A_2255 = arith.addf %mul3A_2128, %mul3A_2153 : vector<16xf32>
        %add3A_2256 = arith.addf %mul3A_2178, %mul3A_2203 : vector<16xf32>
        %add3A_2257 = arith.addf %mul3A_2228, %mul3A_2253 : vector<16xf32>
        %add3A_2258 = arith.addf %add3A_2254, %add3A_2255 : vector<16xf32>
        %add3A_2259 = arith.addf %add3A_2256, %add3A_2257 : vector<16xf32>
        %add3A_2260 = arith.addf %add3A_2258, %add3A_2259 : vector<16xf32>
        %mul3A_2261 = arith.constant 16 : i32
        %mul3A_2262 = arith.muli %scan3A_152, %mul3A_2261 : i32
        %add3A_2263 = arith.constant 10 : i32
        %add3A_2264 = arith.addi %mul3A_2262, %add3A_2263 : i32
        %get3A_2265 = arith.index_cast %rem3A_94 : i32 to index
        %get3A_2266 = arith.index_cast %add3A_2264 : i32 to index
        %get3A_2267 = arith.constant 0 : index
        %get3A_2268 = tpu.vector_load %arg13[%get3A_2265, %get3A_2266, %get3A_2267] {strides = array<i32>} : memref<2x128x128xf32, #tpu.memory_space<vmem>>, vector<16xf32>,
        %get3A_2269 = arith.index_cast %rem3A_94 : i32 to index
        %get3A_2270 = arith.index_cast %add3A_2264 : i32 to index
        %get3A_2271 = arith.constant 0 : index
        %get3A_2272 = tpu.vector_load %arg14[%get3A_2269, %get3A_2270, %get3A_2271] {strides = array<i32>} : memref<2x128x128xf32, #tpu.memory_space<vmem>>, vector<16xf32>,
        %get3A_2273 = arith.index_cast %rem3A_94 : i32 to index
        %get3A_2274 = arith.index_cast %add3A_2264 : i32 to index
        %get3A_2275 = arith.constant 0 : index
        %get3A_2276 = tpu.vector_load %arg15[%get3A_2273, %get3A_2274, %get3A_2275] {strides = array<i32>} : memref<2x128x128xf32, #tpu.memory_space<vmem>>, vector<16xf32>,
        %sub3A_2277 = arith.subf %get3A_2268, %get3A_2272 : vector<16xf32>
        %add3A_2278 = arith.addf %get3A_2268, %get3A_2272 : vector<16xf32>
        %mul3A_2279 = arith.mulf %add3A_2278, %add3A_2278 : vector<16xf32>
        %mul3A_2280 = arith.mulf %get3A_2268, %get3A_2272 : vector<16xf32>
        %sub3A_2281 = arith.subf %mul3A_2279, %mul3A_2280 : vector<16xf32>
        %mul3A_2282 = arith.constant 0.020833334 : f32
        %mul3A_2283 = vector.broadcast %mul3A_2282 : f32 to vector<16xf32>
        %mul3A_2284 = arith.mulf %sub3A_2281, %mul3A_2283 : vector<16xf32>
        %sub3A_2285 = arith.constant 2.500000e-01 : f32
        %sub3A_2286 = vector.broadcast %sub3A_2285 : f32 to vector<16xf32>
        %sub3A_2287 = arith.subf %sub3A_2286, %mul3A_2284 : vector<16xf32>
        %mul3A_2288 = arith.mulf %sub3A_2277, %sub3A_2287 : vector<16xf32>
        %mul3A_2289 = arith.mulf %get3A_2276, %mul3A_2288 : vector<16xf32>
        %get3A_2290 = arith.index_cast %rem3A_94 : i32 to index
        %get3A_2291 = arith.index_cast %add3A_2264 : i32 to index
        %get3A_2292 = arith.constant 16 : index
        %get3A_2293 = tpu.vector_load %arg13[%get3A_2290, %get3A_2291, %get3A_2292] {strides = array<i32>} : memref<2x128x128xf32, #tpu.memory_space<vmem>>, vector<16xf32>,
        %get3A_2294 = arith.index_cast %rem3A_94 : i32 to index
        %get3A_2295 = arith.index_cast %add3A_2264 : i32 to index
        %get3A_2296 = arith.constant 16 : index
        %get3A_2297 = tpu.vector_load %arg14[%get3A_2294, %get3A_2295, %get3A_2296] {strides = array<i32>} : memref<2x128x128xf32, #tpu.memory_space<vmem>>, vector<16xf32>,
        %get3A_2298 = arith.index_cast %rem3A_94 : i32 to index
        %get3A_2299 = arith.index_cast %add3A_2264 : i32 to index
        %get3A_2300 = arith.constant 16 : index
        %get3A_2301 = tpu.vector_load %arg15[%get3A_2298, %get3A_2299, %get3A_2300] {strides = array<i32>} : memref<2x128x128xf32, #tpu.memory_space<vmem>>, vector<16xf32>,
        %sub3A_2302 = arith.subf %get3A_2293, %get3A_2297 : vector<16xf32>
        %add3A_2303 = arith.addf %get3A_2293, %get3A_2297 : vector<16xf32>
        %mul3A_2304 = arith.mulf %add3A_2303, %add3A_2303 : vector<16xf32>
        %mul3A_2305 = arith.mulf %get3A_2293, %get3A_2297 : vector<16xf32>
        %sub3A_2306 = arith.subf %mul3A_2304, %mul3A_2305 : vector<16xf32>
        %mul3A_2307 = arith.constant 0.020833334 : f32
        %mul3A_2308 = vector.broadcast %mul3A_2307 : f32 to vector<16xf32>
        %mul3A_2309 = arith.mulf %sub3A_2306, %mul3A_2308 : vector<16xf32>
        %sub3A_2310 = arith.constant 2.500000e-01 : f32
        %sub3A_2311 = vector.broadcast %sub3A_2310 : f32 to vector<16xf32>
        %sub3A_2312 = arith.subf %sub3A_2311, %mul3A_2309 : vector<16xf32>
        %mul3A_2313 = arith.mulf %sub3A_2302, %sub3A_2312 : vector<16xf32>
        %mul3A_2314 = arith.mulf %get3A_2301, %mul3A_2313 : vector<16xf32>
        %get3A_2315 = arith.index_cast %rem3A_94 : i32 to index
        %get3A_2316 = arith.index_cast %add3A_2264 : i32 to index
        %get3A_2317 = arith.constant 32 : index
        %get3A_2318 = tpu.vector_load %arg13[%get3A_2315, %get3A_2316, %get3A_2317] {strides = array<i32>} : memref<2x128x128xf32, #tpu.memory_space<vmem>>, vector<16xf32>,
        %get3A_2319 = arith.index_cast %rem3A_94 : i32 to index
        %get3A_2320 = arith.index_cast %add3A_2264 : i32 to index
        %get3A_2321 = arith.constant 32 : index
        %get3A_2322 = tpu.vector_load %arg14[%get3A_2319, %get3A_2320, %get3A_2321] {strides = array<i32>} : memref<2x128x128xf32, #tpu.memory_space<vmem>>, vector<16xf32>,
        %get3A_2323 = arith.index_cast %rem3A_94 : i32 to index
        %get3A_2324 = arith.index_cast %add3A_2264 : i32 to index
        %get3A_2325 = arith.constant 32 : index
        %get3A_2326 = tpu.vector_load %arg15[%get3A_2323, %get3A_2324, %get3A_2325] {strides = array<i32>} : memref<2x128x128xf32, #tpu.memory_space<vmem>>, vector<16xf32>,
        %sub3A_2327 = arith.subf %get3A_2318, %get3A_2322 : vector<16xf32>
        %add3A_2328 = arith.addf %get3A_2318, %get3A_2322 : vector<16xf32>
        %mul3A_2329 = arith.mulf %add3A_2328, %add3A_2328 : vector<16xf32>
        %mul3A_2330 = arith.mulf %get3A_2318, %get3A_2322 : vector<16xf32>
        %sub3A_2331 = arith.subf %mul3A_2329, %mul3A_2330 : vector<16xf32>
        %mul3A_2332 = arith.constant 0.020833334 : f32
        %mul3A_2333 = vector.broadcast %mul3A_2332 : f32 to vector<16xf32>
        %mul3A_2334 = arith.mulf %sub3A_2331, %mul3A_2333 : vector<16xf32>
        %sub3A_2335 = arith.constant 2.500000e-01 : f32
        %sub3A_2336 = vector.broadcast %sub3A_2335 : f32 to vector<16xf32>
        %sub3A_2337 = arith.subf %sub3A_2336, %mul3A_2334 : vector<16xf32>
        %mul3A_2338 = arith.mulf %sub3A_2327, %sub3A_2337 : vector<16xf32>
        %mul3A_2339 = arith.mulf %get3A_2326, %mul3A_2338 : vector<16xf32>
        %get3A_2340 = arith.index_cast %rem3A_94 : i32 to index
        %get3A_2341 = arith.index_cast %add3A_2264 : i32 to index
        %get3A_2342 = arith.constant 48 : index
        %get3A_2343 = tpu.vector_load %arg13[%get3A_2340, %get3A_2341, %get3A_2342] {strides = array<i32>} : memref<2x128x128xf32, #tpu.memory_space<vmem>>, vector<16xf32>,
        %get3A_2344 = arith.index_cast %rem3A_94 : i32 to index
        %get3A_2345 = arith.index_cast %add3A_2264 : i32 to index
        %get3A_2346 = arith.constant 48 : index
        %get3A_2347 = tpu.vector_load %arg14[%get3A_2344, %get3A_2345, %get3A_2346] {strides = array<i32>} : memref<2x128x128xf32, #tpu.memory_space<vmem>>, vector<16xf32>,
        %get3A_2348 = arith.index_cast %rem3A_94 : i32 to index
        %get3A_2349 = arith.index_cast %add3A_2264 : i32 to index
        %get3A_2350 = arith.constant 48 : index
        %get3A_2351 = tpu.vector_load %arg15[%get3A_2348, %get3A_2349, %get3A_2350] {strides = array<i32>} : memref<2x128x128xf32, #tpu.memory_space<vmem>>, vector<16xf32>,
        %sub3A_2352 = arith.subf %get3A_2343, %get3A_2347 : vector<16xf32>
        %add3A_2353 = arith.addf %get3A_2343, %get3A_2347 : vector<16xf32>
        %mul3A_2354 = arith.mulf %add3A_2353, %add3A_2353 : vector<16xf32>
        %mul3A_2355 = arith.mulf %get3A_2343, %get3A_2347 : vector<16xf32>
        %sub3A_2356 = arith.subf %mul3A_2354, %mul3A_2355 : vector<16xf32>
        %mul3A_2357 = arith.constant 0.020833334 : f32
        %mul3A_2358 = vector.broadcast %mul3A_2357 : f32 to vector<16xf32>
        %mul3A_2359 = arith.mulf %sub3A_2356, %mul3A_2358 : vector<16xf32>
        %sub3A_2360 = arith.constant 2.500000e-01 : f32
        %sub3A_2361 = vector.broadcast %sub3A_2360 : f32 to vector<16xf32>
        %sub3A_2362 = arith.subf %sub3A_2361, %mul3A_2359 : vector<16xf32>
        %mul3A_2363 = arith.mulf %sub3A_2352, %sub3A_2362 : vector<16xf32>
        %mul3A_2364 = arith.mulf %get3A_2351, %mul3A_2363 : vector<16xf32>
        %get3A_2365 = arith.index_cast %rem3A_94 : i32 to index
        %get3A_2366 = arith.index_cast %add3A_2264 : i32 to index
        %get3A_2367 = arith.constant 64 : index
        %get3A_2368 = tpu.vector_load %arg13[%get3A_2365, %get3A_2366, %get3A_2367] {strides = array<i32>} : memref<2x128x128xf32, #tpu.memory_space<vmem>>, vector<16xf32>,
        %get3A_2369 = arith.index_cast %rem3A_94 : i32 to index
        %get3A_2370 = arith.index_cast %add3A_2264 : i32 to index
        %get3A_2371 = arith.constant 64 : index
        %get3A_2372 = tpu.vector_load %arg14[%get3A_2369, %get3A_2370, %get3A_2371] {strides = array<i32>} : memref<2x128x128xf32, #tpu.memory_space<vmem>>, vector<16xf32>,
        %get3A_2373 = arith.index_cast %rem3A_94 : i32 to index
        %get3A_2374 = arith.index_cast %add3A_2264 : i32 to index
        %get3A_2375 = arith.constant 64 : index
        %get3A_2376 = tpu.vector_load %arg15[%get3A_2373, %get3A_2374, %get3A_2375] {strides = array<i32>} : memref<2x128x128xf32, #tpu.memory_space<vmem>>, vector<16xf32>,
        %sub3A_2377 = arith.subf %get3A_2368, %get3A_2372 : vector<16xf32>
        %add3A_2378 = arith.addf %get3A_2368, %get3A_2372 : vector<16xf32>
        %mul3A_2379 = arith.mulf %add3A_2378, %add3A_2378 : vector<16xf32>
        %mul3A_2380 = arith.mulf %get3A_2368, %get3A_2372 : vector<16xf32>
        %sub3A_2381 = arith.subf %mul3A_2379, %mul3A_2380 : vector<16xf32>
        %mul3A_2382 = arith.constant 0.020833334 : f32
        %mul3A_2383 = vector.broadcast %mul3A_2382 : f32 to vector<16xf32>
        %mul3A_2384 = arith.mulf %sub3A_2381, %mul3A_2383 : vector<16xf32>
        %sub3A_2385 = arith.constant 2.500000e-01 : f32
        %sub3A_2386 = vector.broadcast %sub3A_2385 : f32 to vector<16xf32>
        %sub3A_2387 = arith.subf %sub3A_2386, %mul3A_2384 : vector<16xf32>
        %mul3A_2388 = arith.mulf %sub3A_2377, %sub3A_2387 : vector<16xf32>
        %mul3A_2389 = arith.mulf %get3A_2376, %mul3A_2388 : vector<16xf32>
        %get3A_2390 = arith.index_cast %rem3A_94 : i32 to index
        %get3A_2391 = arith.index_cast %add3A_2264 : i32 to index
        %get3A_2392 = arith.constant 80 : index
        %get3A_2393 = tpu.vector_load %arg13[%get3A_2390, %get3A_2391, %get3A_2392] {strides = array<i32>} : memref<2x128x128xf32, #tpu.memory_space<vmem>>, vector<16xf32>,
        %get3A_2394 = arith.index_cast %rem3A_94 : i32 to index
        %get3A_2395 = arith.index_cast %add3A_2264 : i32 to index
        %get3A_2396 = arith.constant 80 : index
        %get3A_2397 = tpu.vector_load %arg14[%get3A_2394, %get3A_2395, %get3A_2396] {strides = array<i32>} : memref<2x128x128xf32, #tpu.memory_space<vmem>>, vector<16xf32>,
        %get3A_2398 = arith.index_cast %rem3A_94 : i32 to index
        %get3A_2399 = arith.index_cast %add3A_2264 : i32 to index
        %get3A_2400 = arith.constant 80 : index
        %get3A_2401 = tpu.vector_load %arg15[%get3A_2398, %get3A_2399, %get3A_2400] {strides = array<i32>} : memref<2x128x128xf32, #tpu.memory_space<vmem>>, vector<16xf32>,
        %sub3A_2402 = arith.subf %get3A_2393, %get3A_2397 : vector<16xf32>
        %add3A_2403 = arith.addf %get3A_2393, %get3A_2397 : vector<16xf32>
        %mul3A_2404 = arith.mulf %add3A_2403, %add3A_2403 : vector<16xf32>
        %mul3A_2405 = arith.mulf %get3A_2393, %get3A_2397 : vector<16xf32>
        %sub3A_2406 = arith.subf %mul3A_2404, %mul3A_2405 : vector<16xf32>
        %mul3A_2407 = arith.constant 0.020833334 : f32
        %mul3A_2408 = vector.broadcast %mul3A_2407 : f32 to vector<16xf32>
        %mul3A_2409 = arith.mulf %sub3A_2406, %mul3A_2408 : vector<16xf32>
        %sub3A_2410 = arith.constant 2.500000e-01 : f32
        %sub3A_2411 = vector.broadcast %sub3A_2410 : f32 to vector<16xf32>
        %sub3A_2412 = arith.subf %sub3A_2411, %mul3A_2409 : vector<16xf32>
        %mul3A_2413 = arith.mulf %sub3A_2402, %sub3A_2412 : vector<16xf32>
        %mul3A_2414 = arith.mulf %get3A_2401, %mul3A_2413 : vector<16xf32>
        %get3A_2415 = arith.index_cast %rem3A_94 : i32 to index
        %get3A_2416 = arith.index_cast %add3A_2264 : i32 to index
        %get3A_2417 = arith.constant 96 : index
        %get3A_2418 = tpu.vector_load %arg13[%get3A_2415, %get3A_2416, %get3A_2417] {strides = array<i32>} : memref<2x128x128xf32, #tpu.memory_space<vmem>>, vector<16xf32>,
        %get3A_2419 = arith.index_cast %rem3A_94 : i32 to index
        %get3A_2420 = arith.index_cast %add3A_2264 : i32 to index
        %get3A_2421 = arith.constant 96 : index
        %get3A_2422 = tpu.vector_load %arg14[%get3A_2419, %get3A_2420, %get3A_2421] {strides = array<i32>} : memref<2x128x128xf32, #tpu.memory_space<vmem>>, vector<16xf32>,
        %get3A_2423 = arith.index_cast %rem3A_94 : i32 to index
        %get3A_2424 = arith.index_cast %add3A_2264 : i32 to index
        %get3A_2425 = arith.constant 96 : index
        %get3A_2426 = tpu.vector_load %arg15[%get3A_2423, %get3A_2424, %get3A_2425] {strides = array<i32>} : memref<2x128x128xf32, #tpu.memory_space<vmem>>, vector<16xf32>,
        %sub3A_2427 = arith.subf %get3A_2418, %get3A_2422 : vector<16xf32>
        %add3A_2428 = arith.addf %get3A_2418, %get3A_2422 : vector<16xf32>
        %mul3A_2429 = arith.mulf %add3A_2428, %add3A_2428 : vector<16xf32>
        %mul3A_2430 = arith.mulf %get3A_2418, %get3A_2422 : vector<16xf32>
        %sub3A_2431 = arith.subf %mul3A_2429, %mul3A_2430 : vector<16xf32>
        %mul3A_2432 = arith.constant 0.020833334 : f32
        %mul3A_2433 = vector.broadcast %mul3A_2432 : f32 to vector<16xf32>
        %mul3A_2434 = arith.mulf %sub3A_2431, %mul3A_2433 : vector<16xf32>
        %sub3A_2435 = arith.constant 2.500000e-01 : f32
        %sub3A_2436 = vector.broadcast %sub3A_2435 : f32 to vector<16xf32>
        %sub3A_2437 = arith.subf %sub3A_2436, %mul3A_2434 : vector<16xf32>
        %mul3A_2438 = arith.mulf %sub3A_2427, %sub3A_2437 : vector<16xf32>
        %mul3A_2439 = arith.mulf %get3A_2426, %mul3A_2438 : vector<16xf32>
        %get3A_2440 = arith.index_cast %rem3A_94 : i32 to index
        %get3A_2441 = arith.index_cast %add3A_2264 : i32 to index
        %get3A_2442 = arith.constant 112 : index
        %get3A_2443 = tpu.vector_load %arg13[%get3A_2440, %get3A_2441, %get3A_2442] {strides = array<i32>} : memref<2x128x128xf32, #tpu.memory_space<vmem>>, vector<16xf32>,
        %get3A_2444 = arith.index_cast %rem3A_94 : i32 to index
        %get3A_2445 = arith.index_cast %add3A_2264 : i32 to index
        %get3A_2446 = arith.constant 112 : index
        %get3A_2447 = tpu.vector_load %arg14[%get3A_2444, %get3A_2445, %get3A_2446] {strides = array<i32>} : memref<2x128x128xf32, #tpu.memory_space<vmem>>, vector<16xf32>,
        %get3A_2448 = arith.index_cast %rem3A_94 : i32 to index
        %get3A_2449 = arith.index_cast %add3A_2264 : i32 to index
        %get3A_2450 = arith.constant 112 : index
        %get3A_2451 = tpu.vector_load %arg15[%get3A_2448, %get3A_2449, %get3A_2450] {strides = array<i32>} : memref<2x128x128xf32, #tpu.memory_space<vmem>>, vector<16xf32>,
        %sub3A_2452 = arith.subf %get3A_2443, %get3A_2447 : vector<16xf32>
        %add3A_2453 = arith.addf %get3A_2443, %get3A_2447 : vector<16xf32>
        %mul3A_2454 = arith.mulf %add3A_2453, %add3A_2453 : vector<16xf32>
        %mul3A_2455 = arith.mulf %get3A_2443, %get3A_2447 : vector<16xf32>
        %sub3A_2456 = arith.subf %mul3A_2454, %mul3A_2455 : vector<16xf32>
        %mul3A_2457 = arith.constant 0.020833334 : f32
        %mul3A_2458 = vector.broadcast %mul3A_2457 : f32 to vector<16xf32>
        %mul3A_2459 = arith.mulf %sub3A_2456, %mul3A_2458 : vector<16xf32>
        %sub3A_2460 = arith.constant 2.500000e-01 : f32
        %sub3A_2461 = vector.broadcast %sub3A_2460 : f32 to vector<16xf32>
        %sub3A_2462 = arith.subf %sub3A_2461, %mul3A_2459 : vector<16xf32>
        %mul3A_2463 = arith.mulf %sub3A_2452, %sub3A_2462 : vector<16xf32>
        %mul3A_2464 = arith.mulf %get3A_2451, %mul3A_2463 : vector<16xf32>
        %add3A_2465 = arith.addf %mul3A_2289, %mul3A_2314 : vector<16xf32>
        %add3A_2466 = arith.addf %mul3A_2339, %mul3A_2364 : vector<16xf32>
        %add3A_2467 = arith.addf %mul3A_2389, %mul3A_2414 : vector<16xf32>
        %add3A_2468 = arith.addf %mul3A_2439, %mul3A_2464 : vector<16xf32>
        %add3A_2469 = arith.addf %add3A_2465, %add3A_2466 : vector<16xf32>
        %add3A_2470 = arith.addf %add3A_2467, %add3A_2468 : vector<16xf32>
        %add3A_2471 = arith.addf %add3A_2469, %add3A_2470 : vector<16xf32>
        %mul3A_2472 = arith.constant 16 : i32
        %mul3A_2473 = arith.muli %scan3A_152, %mul3A_2472 : i32
        %add3A_2474 = arith.constant 11 : i32
        %add3A_2475 = arith.addi %mul3A_2473, %add3A_2474 : i32
        %get3A_2476 = arith.index_cast %rem3A_94 : i32 to index
        %get3A_2477 = arith.index_cast %add3A_2475 : i32 to index
        %get3A_2478 = arith.constant 0 : index
        %get3A_2479 = tpu.vector_load %arg13[%get3A_2476, %get3A_2477, %get3A_2478] {strides = array<i32>} : memref<2x128x128xf32, #tpu.memory_space<vmem>>, vector<16xf32>,
        %get3A_2480 = arith.index_cast %rem3A_94 : i32 to index
        %get3A_2481 = arith.index_cast %add3A_2475 : i32 to index
        %get3A_2482 = arith.constant 0 : index
        %get3A_2483 = tpu.vector_load %arg14[%get3A_2480, %get3A_2481, %get3A_2482] {strides = array<i32>} : memref<2x128x128xf32, #tpu.memory_space<vmem>>, vector<16xf32>,
        %get3A_2484 = arith.index_cast %rem3A_94 : i32 to index
        %get3A_2485 = arith.index_cast %add3A_2475 : i32 to index
        %get3A_2486 = arith.constant 0 : index
        %get3A_2487 = tpu.vector_load %arg15[%get3A_2484, %get3A_2485, %get3A_2486] {strides = array<i32>} : memref<2x128x128xf32, #tpu.memory_space<vmem>>, vector<16xf32>,
        %sub3A_2488 = arith.subf %get3A_2479, %get3A_2483 : vector<16xf32>
        %add3A_2489 = arith.addf %get3A_2479, %get3A_2483 : vector<16xf32>
        %mul3A_2490 = arith.mulf %add3A_2489, %add3A_2489 : vector<16xf32>
        %mul3A_2491 = arith.mulf %get3A_2479, %get3A_2483 : vector<16xf32>
        %sub3A_2492 = arith.subf %mul3A_2490, %mul3A_2491 : vector<16xf32>
        %mul3A_2493 = arith.constant 0.020833334 : f32
        %mul3A_2494 = vector.broadcast %mul3A_2493 : f32 to vector<16xf32>
        %mul3A_2495 = arith.mulf %sub3A_2492, %mul3A_2494 : vector<16xf32>
        %sub3A_2496 = arith.constant 2.500000e-01 : f32
        %sub3A_2497 = vector.broadcast %sub3A_2496 : f32 to vector<16xf32>
        %sub3A_2498 = arith.subf %sub3A_2497, %mul3A_2495 : vector<16xf32>
        %mul3A_2499 = arith.mulf %sub3A_2488, %sub3A_2498 : vector<16xf32>
        %mul3A_2500 = arith.mulf %get3A_2487, %mul3A_2499 : vector<16xf32>
        %get3A_2501 = arith.index_cast %rem3A_94 : i32 to index
        %get3A_2502 = arith.index_cast %add3A_2475 : i32 to index
        %get3A_2503 = arith.constant 16 : index
        %get3A_2504 = tpu.vector_load %arg13[%get3A_2501, %get3A_2502, %get3A_2503] {strides = array<i32>} : memref<2x128x128xf32, #tpu.memory_space<vmem>>, vector<16xf32>,
        %get3A_2505 = arith.index_cast %rem3A_94 : i32 to index
        %get3A_2506 = arith.index_cast %add3A_2475 : i32 to index
        %get3A_2507 = arith.constant 16 : index
        %get3A_2508 = tpu.vector_load %arg14[%get3A_2505, %get3A_2506, %get3A_2507] {strides = array<i32>} : memref<2x128x128xf32, #tpu.memory_space<vmem>>, vector<16xf32>,
        %get3A_2509 = arith.index_cast %rem3A_94 : i32 to index
        %get3A_2510 = arith.index_cast %add3A_2475 : i32 to index
        %get3A_2511 = arith.constant 16 : index
        %get3A_2512 = tpu.vector_load %arg15[%get3A_2509, %get3A_2510, %get3A_2511] {strides = array<i32>} : memref<2x128x128xf32, #tpu.memory_space<vmem>>, vector<16xf32>,
        %sub3A_2513 = arith.subf %get3A_2504, %get3A_2508 : vector<16xf32>
        %add3A_2514 = arith.addf %get3A_2504, %get3A_2508 : vector<16xf32>
        %mul3A_2515 = arith.mulf %add3A_2514, %add3A_2514 : vector<16xf32>
        %mul3A_2516 = arith.mulf %get3A_2504, %get3A_2508 : vector<16xf32>
        %sub3A_2517 = arith.subf %mul3A_2515, %mul3A_2516 : vector<16xf32>
        %mul3A_2518 = arith.constant 0.020833334 : f32
        %mul3A_2519 = vector.broadcast %mul3A_2518 : f32 to vector<16xf32>
        %mul3A_2520 = arith.mulf %sub3A_2517, %mul3A_2519 : vector<16xf32>
        %sub3A_2521 = arith.constant 2.500000e-01 : f32
        %sub3A_2522 = vector.broadcast %sub3A_2521 : f32 to vector<16xf32>
        %sub3A_2523 = arith.subf %sub3A_2522, %mul3A_2520 : vector<16xf32>
        %mul3A_2524 = arith.mulf %sub3A_2513, %sub3A_2523 : vector<16xf32>
        %mul3A_2525 = arith.mulf %get3A_2512, %mul3A_2524 : vector<16xf32>
        %get3A_2526 = arith.index_cast %rem3A_94 : i32 to index
        %get3A_2527 = arith.index_cast %add3A_2475 : i32 to index
        %get3A_2528 = arith.constant 32 : index
        %get3A_2529 = tpu.vector_load %arg13[%get3A_2526, %get3A_2527, %get3A_2528] {strides = array<i32>} : memref<2x128x128xf32, #tpu.memory_space<vmem>>, vector<16xf32>,
        %get3A_2530 = arith.index_cast %rem3A_94 : i32 to index
        %get3A_2531 = arith.index_cast %add3A_2475 : i32 to index
        %get3A_2532 = arith.constant 32 : index
        %get3A_2533 = tpu.vector_load %arg14[%get3A_2530, %get3A_2531, %get3A_2532] {strides = array<i32>} : memref<2x128x128xf32, #tpu.memory_space<vmem>>, vector<16xf32>,
        %get3A_2534 = arith.index_cast %rem3A_94 : i32 to index
        %get3A_2535 = arith.index_cast %add3A_2475 : i32 to index
        %get3A_2536 = arith.constant 32 : index
        %get3A_2537 = tpu.vector_load %arg15[%get3A_2534, %get3A_2535, %get3A_2536] {strides = array<i32>} : memref<2x128x128xf32, #tpu.memory_space<vmem>>, vector<16xf32>,
        %sub3A_2538 = arith.subf %get3A_2529, %get3A_2533 : vector<16xf32>
        %add3A_2539 = arith.addf %get3A_2529, %get3A_2533 : vector<16xf32>
        %mul3A_2540 = arith.mulf %add3A_2539, %add3A_2539 : vector<16xf32>
        %mul3A_2541 = arith.mulf %get3A_2529, %get3A_2533 : vector<16xf32>
        %sub3A_2542 = arith.subf %mul3A_2540, %mul3A_2541 : vector<16xf32>
        %mul3A_2543 = arith.constant 0.020833334 : f32
        %mul3A_2544 = vector.broadcast %mul3A_2543 : f32 to vector<16xf32>
        %mul3A_2545 = arith.mulf %sub3A_2542, %mul3A_2544 : vector<16xf32>
        %sub3A_2546 = arith.constant 2.500000e-01 : f32
        %sub3A_2547 = vector.broadcast %sub3A_2546 : f32 to vector<16xf32>
        %sub3A_2548 = arith.subf %sub3A_2547, %mul3A_2545 : vector<16xf32>
        %mul3A_2549 = arith.mulf %sub3A_2538, %sub3A_2548 : vector<16xf32>
        %mul3A_2550 = arith.mulf %get3A_2537, %mul3A_2549 : vector<16xf32>
        %get3A_2551 = arith.index_cast %rem3A_94 : i32 to index
        %get3A_2552 = arith.index_cast %add3A_2475 : i32 to index
        %get3A_2553 = arith.constant 48 : index
        %get3A_2554 = tpu.vector_load %arg13[%get3A_2551, %get3A_2552, %get3A_2553] {strides = array<i32>} : memref<2x128x128xf32, #tpu.memory_space<vmem>>, vector<16xf32>,
        %get3A_2555 = arith.index_cast %rem3A_94 : i32 to index
        %get3A_2556 = arith.index_cast %add3A_2475 : i32 to index
        %get3A_2557 = arith.constant 48 : index
        %get3A_2558 = tpu.vector_load %arg14[%get3A_2555, %get3A_2556, %get3A_2557] {strides = array<i32>} : memref<2x128x128xf32, #tpu.memory_space<vmem>>, vector<16xf32>,
        %get3A_2559 = arith.index_cast %rem3A_94 : i32 to index
        %get3A_2560 = arith.index_cast %add3A_2475 : i32 to index
        %get3A_2561 = arith.constant 48 : index
        %get3A_2562 = tpu.vector_load %arg15[%get3A_2559, %get3A_2560, %get3A_2561] {strides = array<i32>} : memref<2x128x128xf32, #tpu.memory_space<vmem>>, vector<16xf32>,
        %sub3A_2563 = arith.subf %get3A_2554, %get3A_2558 : vector<16xf32>
        %add3A_2564 = arith.addf %get3A_2554, %get3A_2558 : vector<16xf32>
        %mul3A_2565 = arith.mulf %add3A_2564, %add3A_2564 : vector<16xf32>
        %mul3A_2566 = arith.mulf %get3A_2554, %get3A_2558 : vector<16xf32>
        %sub3A_2567 = arith.subf %mul3A_2565, %mul3A_2566 : vector<16xf32>
        %mul3A_2568 = arith.constant 0.020833334 : f32
        %mul3A_2569 = vector.broadcast %mul3A_2568 : f32 to vector<16xf32>
        %mul3A_2570 = arith.mulf %sub3A_2567, %mul3A_2569 : vector<16xf32>
        %sub3A_2571 = arith.constant 2.500000e-01 : f32
        %sub3A_2572 = vector.broadcast %sub3A_2571 : f32 to vector<16xf32>
        %sub3A_2573 = arith.subf %sub3A_2572, %mul3A_2570 : vector<16xf32>
        %mul3A_2574 = arith.mulf %sub3A_2563, %sub3A_2573 : vector<16xf32>
        %mul3A_2575 = arith.mulf %get3A_2562, %mul3A_2574 : vector<16xf32>
        %get3A_2576 = arith.index_cast %rem3A_94 : i32 to index
        %get3A_2577 = arith.index_cast %add3A_2475 : i32 to index
        %get3A_2578 = arith.constant 64 : index
        %get3A_2579 = tpu.vector_load %arg13[%get3A_2576, %get3A_2577, %get3A_2578] {strides = array<i32>} : memref<2x128x128xf32, #tpu.memory_space<vmem>>, vector<16xf32>,
        %get3A_2580 = arith.index_cast %rem3A_94 : i32 to index
        %get3A_2581 = arith.index_cast %add3A_2475 : i32 to index
        %get3A_2582 = arith.constant 64 : index
        %get3A_2583 = tpu.vector_load %arg14[%get3A_2580, %get3A_2581, %get3A_2582] {strides = array<i32>} : memref<2x128x128xf32, #tpu.memory_space<vmem>>, vector<16xf32>,
        %get3A_2584 = arith.index_cast %rem3A_94 : i32 to index
        %get3A_2585 = arith.index_cast %add3A_2475 : i32 to index
        %get3A_2586 = arith.constant 64 : index
        %get3A_2587 = tpu.vector_load %arg15[%get3A_2584, %get3A_2585, %get3A_2586] {strides = array<i32>} : memref<2x128x128xf32, #tpu.memory_space<vmem>>, vector<16xf32>,
        %sub3A_2588 = arith.subf %get3A_2579, %get3A_2583 : vector<16xf32>
        %add3A_2589 = arith.addf %get3A_2579, %get3A_2583 : vector<16xf32>
        %mul3A_2590 = arith.mulf %add3A_2589, %add3A_2589 : vector<16xf32>
        %mul3A_2591 = arith.mulf %get3A_2579, %get3A_2583 : vector<16xf32>
        %sub3A_2592 = arith.subf %mul3A_2590, %mul3A_2591 : vector<16xf32>
        %mul3A_2593 = arith.constant 0.020833334 : f32
        %mul3A_2594 = vector.broadcast %mul3A_2593 : f32 to vector<16xf32>
        %mul3A_2595 = arith.mulf %sub3A_2592, %mul3A_2594 : vector<16xf32>
        %sub3A_2596 = arith.constant 2.500000e-01 : f32
        %sub3A_2597 = vector.broadcast %sub3A_2596 : f32 to vector<16xf32>
        %sub3A_2598 = arith.subf %sub3A_2597, %mul3A_2595 : vector<16xf32>
        %mul3A_2599 = arith.mulf %sub3A_2588, %sub3A_2598 : vector<16xf32>
        %mul3A_2600 = arith.mulf %get3A_2587, %mul3A_2599 : vector<16xf32>
        %get3A_2601 = arith.index_cast %rem3A_94 : i32 to index
        %get3A_2602 = arith.index_cast %add3A_2475 : i32 to index
        %get3A_2603 = arith.constant 80 : index
        %get3A_2604 = tpu.vector_load %arg13[%get3A_2601, %get3A_2602, %get3A_2603] {strides = array<i32>} : memref<2x128x128xf32, #tpu.memory_space<vmem>>, vector<16xf32>,
        %get3A_2605 = arith.index_cast %rem3A_94 : i32 to index
        %get3A_2606 = arith.index_cast %add3A_2475 : i32 to index
        %get3A_2607 = arith.constant 80 : index
        %get3A_2608 = tpu.vector_load %arg14[%get3A_2605, %get3A_2606, %get3A_2607] {strides = array<i32>} : memref<2x128x128xf32, #tpu.memory_space<vmem>>, vector<16xf32>,
        %get3A_2609 = arith.index_cast %rem3A_94 : i32 to index
        %get3A_2610 = arith.index_cast %add3A_2475 : i32 to index
        %get3A_2611 = arith.constant 80 : index
        %get3A_2612 = tpu.vector_load %arg15[%get3A_2609, %get3A_2610, %get3A_2611] {strides = array<i32>} : memref<2x128x128xf32, #tpu.memory_space<vmem>>, vector<16xf32>,
        %sub3A_2613 = arith.subf %get3A_2604, %get3A_2608 : vector<16xf32>
        %add3A_2614 = arith.addf %get3A_2604, %get3A_2608 : vector<16xf32>
        %mul3A_2615 = arith.mulf %add3A_2614, %add3A_2614 : vector<16xf32>
        %mul3A_2616 = arith.mulf %get3A_2604, %get3A_2608 : vector<16xf32>
        %sub3A_2617 = arith.subf %mul3A_2615, %mul3A_2616 : vector<16xf32>
        %mul3A_2618 = arith.constant 0.020833334 : f32
        %mul3A_2619 = vector.broadcast %mul3A_2618 : f32 to vector<16xf32>
        %mul3A_2620 = arith.mulf %sub3A_2617, %mul3A_2619 : vector<16xf32>
        %sub3A_2621 = arith.constant 2.500000e-01 : f32
        %sub3A_2622 = vector.broadcast %sub3A_2621 : f32 to vector<16xf32>
        %sub3A_2623 = arith.subf %sub3A_2622, %mul3A_2620 : vector<16xf32>
        %mul3A_2624 = arith.mulf %sub3A_2613, %sub3A_2623 : vector<16xf32>
        %mul3A_2625 = arith.mulf %get3A_2612, %mul3A_2624 : vector<16xf32>
        %get3A_2626 = arith.index_cast %rem3A_94 : i32 to index
        %get3A_2627 = arith.index_cast %add3A_2475 : i32 to index
        %get3A_2628 = arith.constant 96 : index
        %get3A_2629 = tpu.vector_load %arg13[%get3A_2626, %get3A_2627, %get3A_2628] {strides = array<i32>} : memref<2x128x128xf32, #tpu.memory_space<vmem>>, vector<16xf32>,
        %get3A_2630 = arith.index_cast %rem3A_94 : i32 to index
        %get3A_2631 = arith.index_cast %add3A_2475 : i32 to index
        %get3A_2632 = arith.constant 96 : index
        %get3A_2633 = tpu.vector_load %arg14[%get3A_2630, %get3A_2631, %get3A_2632] {strides = array<i32>} : memref<2x128x128xf32, #tpu.memory_space<vmem>>, vector<16xf32>,
        %get3A_2634 = arith.index_cast %rem3A_94 : i32 to index
        %get3A_2635 = arith.index_cast %add3A_2475 : i32 to index
        %get3A_2636 = arith.constant 96 : index
        %get3A_2637 = tpu.vector_load %arg15[%get3A_2634, %get3A_2635, %get3A_2636] {strides = array<i32>} : memref<2x128x128xf32, #tpu.memory_space<vmem>>, vector<16xf32>,
        %sub3A_2638 = arith.subf %get3A_2629, %get3A_2633 : vector<16xf32>
        %add3A_2639 = arith.addf %get3A_2629, %get3A_2633 : vector<16xf32>
        %mul3A_2640 = arith.mulf %add3A_2639, %add3A_2639 : vector<16xf32>
        %mul3A_2641 = arith.mulf %get3A_2629, %get3A_2633 : vector<16xf32>
        %sub3A_2642 = arith.subf %mul3A_2640, %mul3A_2641 : vector<16xf32>
        %mul3A_2643 = arith.constant 0.020833334 : f32
        %mul3A_2644 = vector.broadcast %mul3A_2643 : f32 to vector<16xf32>
        %mul3A_2645 = arith.mulf %sub3A_2642, %mul3A_2644 : vector<16xf32>
        %sub3A_2646 = arith.constant 2.500000e-01 : f32
        %sub3A_2647 = vector.broadcast %sub3A_2646 : f32 to vector<16xf32>
        %sub3A_2648 = arith.subf %sub3A_2647, %mul3A_2645 : vector<16xf32>
        %mul3A_2649 = arith.mulf %sub3A_2638, %sub3A_2648 : vector<16xf32>
        %mul3A_2650 = arith.mulf %get3A_2637, %mul3A_2649 : vector<16xf32>
        %get3A_2651 = arith.index_cast %rem3A_94 : i32 to index
        %get3A_2652 = arith.index_cast %add3A_2475 : i32 to index
        %get3A_2653 = arith.constant 112 : index
        %get3A_2654 = tpu.vector_load %arg13[%get3A_2651, %get3A_2652, %get3A_2653] {strides = array<i32>} : memref<2x128x128xf32, #tpu.memory_space<vmem>>, vector<16xf32>,
        %get3A_2655 = arith.index_cast %rem3A_94 : i32 to index
        %get3A_2656 = arith.index_cast %add3A_2475 : i32 to index
        %get3A_2657 = arith.constant 112 : index
        %get3A_2658 = tpu.vector_load %arg14[%get3A_2655, %get3A_2656, %get3A_2657] {strides = array<i32>} : memref<2x128x128xf32, #tpu.memory_space<vmem>>, vector<16xf32>,
        %get3A_2659 = arith.index_cast %rem3A_94 : i32 to index
        %get3A_2660 = arith.index_cast %add3A_2475 : i32 to index
        %get3A_2661 = arith.constant 112 : index
        %get3A_2662 = tpu.vector_load %arg15[%get3A_2659, %get3A_2660, %get3A_2661] {strides = array<i32>} : memref<2x128x128xf32, #tpu.memory_space<vmem>>, vector<16xf32>,
        %sub3A_2663 = arith.subf %get3A_2654, %get3A_2658 : vector<16xf32>
        %add3A_2664 = arith.addf %get3A_2654, %get3A_2658 : vector<16xf32>
        %mul3A_2665 = arith.mulf %add3A_2664, %add3A_2664 : vector<16xf32>
        %mul3A_2666 = arith.mulf %get3A_2654, %get3A_2658 : vector<16xf32>
        %sub3A_2667 = arith.subf %mul3A_2665, %mul3A_2666 : vector<16xf32>
        %mul3A_2668 = arith.constant 0.020833334 : f32
        %mul3A_2669 = vector.broadcast %mul3A_2668 : f32 to vector<16xf32>
        %mul3A_2670 = arith.mulf %sub3A_2667, %mul3A_2669 : vector<16xf32>
        %sub3A_2671 = arith.constant 2.500000e-01 : f32
        %sub3A_2672 = vector.broadcast %sub3A_2671 : f32 to vector<16xf32>
        %sub3A_2673 = arith.subf %sub3A_2672, %mul3A_2670 : vector<16xf32>
        %mul3A_2674 = arith.mulf %sub3A_2663, %sub3A_2673 : vector<16xf32>
        %mul3A_2675 = arith.mulf %get3A_2662, %mul3A_2674 : vector<16xf32>
        %add3A_2676 = arith.addf %mul3A_2500, %mul3A_2525 : vector<16xf32>
        %add3A_2677 = arith.addf %mul3A_2550, %mul3A_2575 : vector<16xf32>
        %add3A_2678 = arith.addf %mul3A_2600, %mul3A_2625 : vector<16xf32>
        %add3A_2679 = arith.addf %mul3A_2650, %mul3A_2675 : vector<16xf32>
        %add3A_2680 = arith.addf %add3A_2676, %add3A_2677 : vector<16xf32>
        %add3A_2681 = arith.addf %add3A_2678, %add3A_2679 : vector<16xf32>
        %add3A_2682 = arith.addf %add3A_2680, %add3A_2681 : vector<16xf32>
        %mul3A_2683 = arith.constant 16 : i32
        %mul3A_2684 = arith.muli %scan3A_152, %mul3A_2683 : i32
        %add3A_2685 = arith.constant 12 : i32
        %add3A_2686 = arith.addi %mul3A_2684, %add3A_2685 : i32
        %get3A_2687 = arith.index_cast %rem3A_94 : i32 to index
        %get3A_2688 = arith.index_cast %add3A_2686 : i32 to index
        %get3A_2689 = arith.constant 0 : index
        %get3A_2690 = tpu.vector_load %arg13[%get3A_2687, %get3A_2688, %get3A_2689] {strides = array<i32>} : memref<2x128x128xf32, #tpu.memory_space<vmem>>, vector<16xf32>,
        %get3A_2691 = arith.index_cast %rem3A_94 : i32 to index
        %get3A_2692 = arith.index_cast %add3A_2686 : i32 to index
        %get3A_2693 = arith.constant 0 : index
        %get3A_2694 = tpu.vector_load %arg14[%get3A_2691, %get3A_2692, %get3A_2693] {strides = array<i32>} : memref<2x128x128xf32, #tpu.memory_space<vmem>>, vector<16xf32>,
        %get3A_2695 = arith.index_cast %rem3A_94 : i32 to index
        %get3A_2696 = arith.index_cast %add3A_2686 : i32 to index
        %get3A_2697 = arith.constant 0 : index
        %get3A_2698 = tpu.vector_load %arg15[%get3A_2695, %get3A_2696, %get3A_2697] {strides = array<i32>} : memref<2x128x128xf32, #tpu.memory_space<vmem>>, vector<16xf32>,
        %sub3A_2699 = arith.subf %get3A_2690, %get3A_2694 : vector<16xf32>
        %add3A_2700 = arith.addf %get3A_2690, %get3A_2694 : vector<16xf32>
        %mul3A_2701 = arith.mulf %add3A_2700, %add3A_2700 : vector<16xf32>
        %mul3A_2702 = arith.mulf %get3A_2690, %get3A_2694 : vector<16xf32>
        %sub3A_2703 = arith.subf %mul3A_2701, %mul3A_2702 : vector<16xf32>
        %mul3A_2704 = arith.constant 0.020833334 : f32
        %mul3A_2705 = vector.broadcast %mul3A_2704 : f32 to vector<16xf32>
        %mul3A_2706 = arith.mulf %sub3A_2703, %mul3A_2705 : vector<16xf32>
        %sub3A_2707 = arith.constant 2.500000e-01 : f32
        %sub3A_2708 = vector.broadcast %sub3A_2707 : f32 to vector<16xf32>
        %sub3A_2709 = arith.subf %sub3A_2708, %mul3A_2706 : vector<16xf32>
        %mul3A_2710 = arith.mulf %sub3A_2699, %sub3A_2709 : vector<16xf32>
        %mul3A_2711 = arith.mulf %get3A_2698, %mul3A_2710 : vector<16xf32>
        %get3A_2712 = arith.index_cast %rem3A_94 : i32 to index
        %get3A_2713 = arith.index_cast %add3A_2686 : i32 to index
        %get3A_2714 = arith.constant 16 : index
        %get3A_2715 = tpu.vector_load %arg13[%get3A_2712, %get3A_2713, %get3A_2714] {strides = array<i32>} : memref<2x128x128xf32, #tpu.memory_space<vmem>>, vector<16xf32>,
        %get3A_2716 = arith.index_cast %rem3A_94 : i32 to index
        %get3A_2717 = arith.index_cast %add3A_2686 : i32 to index
        %get3A_2718 = arith.constant 16 : index
        %get3A_2719 = tpu.vector_load %arg14[%get3A_2716, %get3A_2717, %get3A_2718] {strides = array<i32>} : memref<2x128x128xf32, #tpu.memory_space<vmem>>, vector<16xf32>,
        %get3A_2720 = arith.index_cast %rem3A_94 : i32 to index
        %get3A_2721 = arith.index_cast %add3A_2686 : i32 to index
        %get3A_2722 = arith.constant 16 : index
        %get3A_2723 = tpu.vector_load %arg15[%get3A_2720, %get3A_2721, %get3A_2722] {strides = array<i32>} : memref<2x128x128xf32, #tpu.memory_space<vmem>>, vector<16xf32>,
        %sub3A_2724 = arith.subf %get3A_2715, %get3A_2719 : vector<16xf32>
        %add3A_2725 = arith.addf %get3A_2715, %get3A_2719 : vector<16xf32>
        %mul3A_2726 = arith.mulf %add3A_2725, %add3A_2725 : vector<16xf32>
        %mul3A_2727 = arith.mulf %get3A_2715, %get3A_2719 : vector<16xf32>
        %sub3A_2728 = arith.subf %mul3A_2726, %mul3A_2727 : vector<16xf32>
        %mul3A_2729 = arith.constant 0.020833334 : f32
        %mul3A_2730 = vector.broadcast %mul3A_2729 : f32 to vector<16xf32>
        %mul3A_2731 = arith.mulf %sub3A_2728, %mul3A_2730 : vector<16xf32>
        %sub3A_2732 = arith.constant 2.500000e-01 : f32
        %sub3A_2733 = vector.broadcast %sub3A_2732 : f32 to vector<16xf32>
        %sub3A_2734 = arith.subf %sub3A_2733, %mul3A_2731 : vector<16xf32>
        %mul3A_2735 = arith.mulf %sub3A_2724, %sub3A_2734 : vector<16xf32>
        %mul3A_2736 = arith.mulf %get3A_2723, %mul3A_2735 : vector<16xf32>
        %get3A_2737 = arith.index_cast %rem3A_94 : i32 to index
        %get3A_2738 = arith.index_cast %add3A_2686 : i32 to index
        %get3A_2739 = arith.constant 32 : index
        %get3A_2740 = tpu.vector_load %arg13[%get3A_2737, %get3A_2738, %get3A_2739] {strides = array<i32>} : memref<2x128x128xf32, #tpu.memory_space<vmem>>, vector<16xf32>,
        %get3A_2741 = arith.index_cast %rem3A_94 : i32 to index
        %get3A_2742 = arith.index_cast %add3A_2686 : i32 to index
        %get3A_2743 = arith.constant 32 : index
        %get3A_2744 = tpu.vector_load %arg14[%get3A_2741, %get3A_2742, %get3A_2743] {strides = array<i32>} : memref<2x128x128xf32, #tpu.memory_space<vmem>>, vector<16xf32>,
        %get3A_2745 = arith.index_cast %rem3A_94 : i32 to index
        %get3A_2746 = arith.index_cast %add3A_2686 : i32 to index
        %get3A_2747 = arith.constant 32 : index
        %get3A_2748 = tpu.vector_load %arg15[%get3A_2745, %get3A_2746, %get3A_2747] {strides = array<i32>} : memref<2x128x128xf32, #tpu.memory_space<vmem>>, vector<16xf32>,
        %sub3A_2749 = arith.subf %get3A_2740, %get3A_2744 : vector<16xf32>
        %add3A_2750 = arith.addf %get3A_2740, %get3A_2744 : vector<16xf32>
        %mul3A_2751 = arith.mulf %add3A_2750, %add3A_2750 : vector<16xf32>
        %mul3A_2752 = arith.mulf %get3A_2740, %get3A_2744 : vector<16xf32>
        %sub3A_2753 = arith.subf %mul3A_2751, %mul3A_2752 : vector<16xf32>
        %mul3A_2754 = arith.constant 0.020833334 : f32
        %mul3A_2755 = vector.broadcast %mul3A_2754 : f32 to vector<16xf32>
        %mul3A_2756 = arith.mulf %sub3A_2753, %mul3A_2755 : vector<16xf32>
        %sub3A_2757 = arith.constant 2.500000e-01 : f32
        %sub3A_2758 = vector.broadcast %sub3A_2757 : f32 to vector<16xf32>
        %sub3A_2759 = arith.subf %sub3A_2758, %mul3A_2756 : vector<16xf32>
        %mul3A_2760 = arith.mulf %sub3A_2749, %sub3A_2759 : vector<16xf32>
        %mul3A_2761 = arith.mulf %get3A_2748, %mul3A_2760 : vector<16xf32>
        %get3A_2762 = arith.index_cast %rem3A_94 : i32 to index
        %get3A_2763 = arith.index_cast %add3A_2686 : i32 to index
        %get3A_2764 = arith.constant 48 : index
        %get3A_2765 = tpu.vector_load %arg13[%get3A_2762, %get3A_2763, %get3A_2764] {strides = array<i32>} : memref<2x128x128xf32, #tpu.memory_space<vmem>>, vector<16xf32>,
        %get3A_2766 = arith.index_cast %rem3A_94 : i32 to index
        %get3A_2767 = arith.index_cast %add3A_2686 : i32 to index
        %get3A_2768 = arith.constant 48 : index
        %get3A_2769 = tpu.vector_load %arg14[%get3A_2766, %get3A_2767, %get3A_2768] {strides = array<i32>} : memref<2x128x128xf32, #tpu.memory_space<vmem>>, vector<16xf32>,
        %get3A_2770 = arith.index_cast %rem3A_94 : i32 to index
        %get3A_2771 = arith.index_cast %add3A_2686 : i32 to index
        %get3A_2772 = arith.constant 48 : index
        %get3A_2773 = tpu.vector_load %arg15[%get3A_2770, %get3A_2771, %get3A_2772] {strides = array<i32>} : memref<2x128x128xf32, #tpu.memory_space<vmem>>, vector<16xf32>,
        %sub3A_2774 = arith.subf %get3A_2765, %get3A_2769 : vector<16xf32>
        %add3A_2775 = arith.addf %get3A_2765, %get3A_2769 : vector<16xf32>
        %mul3A_2776 = arith.mulf %add3A_2775, %add3A_2775 : vector<16xf32>
        %mul3A_2777 = arith.mulf %get3A_2765, %get3A_2769 : vector<16xf32>
        %sub3A_2778 = arith.subf %mul3A_2776, %mul3A_2777 : vector<16xf32>
        %mul3A_2779 = arith.constant 0.020833334 : f32
        %mul3A_2780 = vector.broadcast %mul3A_2779 : f32 to vector<16xf32>
        %mul3A_2781 = arith.mulf %sub3A_2778, %mul3A_2780 : vector<16xf32>
        %sub3A_2782 = arith.constant 2.500000e-01 : f32
        %sub3A_2783 = vector.broadcast %sub3A_2782 : f32 to vector<16xf32>
        %sub3A_2784 = arith.subf %sub3A_2783, %mul3A_2781 : vector<16xf32>
        %mul3A_2785 = arith.mulf %sub3A_2774, %sub3A_2784 : vector<16xf32>
        %mul3A_2786 = arith.mulf %get3A_2773, %mul3A_2785 : vector<16xf32>
        %get3A_2787 = arith.index_cast %rem3A_94 : i32 to index
        %get3A_2788 = arith.index_cast %add3A_2686 : i32 to index
        %get3A_2789 = arith.constant 64 : index
        %get3A_2790 = tpu.vector_load %arg13[%get3A_2787, %get3A_2788, %get3A_2789] {strides = array<i32>} : memref<2x128x128xf32, #tpu.memory_space<vmem>>, vector<16xf32>,
        %get3A_2791 = arith.index_cast %rem3A_94 : i32 to index
        %get3A_2792 = arith.index_cast %add3A_2686 : i32 to index
        %get3A_2793 = arith.constant 64 : index
        %get3A_2794 = tpu.vector_load %arg14[%get3A_2791, %get3A_2792, %get3A_2793] {strides = array<i32>} : memref<2x128x128xf32, #tpu.memory_space<vmem>>, vector<16xf32>,
        %get3A_2795 = arith.index_cast %rem3A_94 : i32 to index
        %get3A_2796 = arith.index_cast %add3A_2686 : i32 to index
        %get3A_2797 = arith.constant 64 : index
        %get3A_2798 = tpu.vector_load %arg15[%get3A_2795, %get3A_2796, %get3A_2797] {strides = array<i32>} : memref<2x128x128xf32, #tpu.memory_space<vmem>>, vector<16xf32>,
        %sub3A_2799 = arith.subf %get3A_2790, %get3A_2794 : vector<16xf32>
        %add3A_2800 = arith.addf %get3A_2790, %get3A_2794 : vector<16xf32>
        %mul3A_2801 = arith.mulf %add3A_2800, %add3A_2800 : vector<16xf32>
        %mul3A_2802 = arith.mulf %get3A_2790, %get3A_2794 : vector<16xf32>
        %sub3A_2803 = arith.subf %mul3A_2801, %mul3A_2802 : vector<16xf32>
        %mul3A_2804 = arith.constant 0.020833334 : f32
        %mul3A_2805 = vector.broadcast %mul3A_2804 : f32 to vector<16xf32>
        %mul3A_2806 = arith.mulf %sub3A_2803, %mul3A_2805 : vector<16xf32>
        %sub3A_2807 = arith.constant 2.500000e-01 : f32
        %sub3A_2808 = vector.broadcast %sub3A_2807 : f32 to vector<16xf32>
        %sub3A_2809 = arith.subf %sub3A_2808, %mul3A_2806 : vector<16xf32>
        %mul3A_2810 = arith.mulf %sub3A_2799, %sub3A_2809 : vector<16xf32>
        %mul3A_2811 = arith.mulf %get3A_2798, %mul3A_2810 : vector<16xf32>
        %get3A_2812 = arith.index_cast %rem3A_94 : i32 to index
        %get3A_2813 = arith.index_cast %add3A_2686 : i32 to index
        %get3A_2814 = arith.constant 80 : index
        %get3A_2815 = tpu.vector_load %arg13[%get3A_2812, %get3A_2813, %get3A_2814] {strides = array<i32>} : memref<2x128x128xf32, #tpu.memory_space<vmem>>, vector<16xf32>,
        %get3A_2816 = arith.index_cast %rem3A_94 : i32 to index
        %get3A_2817 = arith.index_cast %add3A_2686 : i32 to index
        %get3A_2818 = arith.constant 80 : index
        %get3A_2819 = tpu.vector_load %arg14[%get3A_2816, %get3A_2817, %get3A_2818] {strides = array<i32>} : memref<2x128x128xf32, #tpu.memory_space<vmem>>, vector<16xf32>,
        %get3A_2820 = arith.index_cast %rem3A_94 : i32 to index
        %get3A_2821 = arith.index_cast %add3A_2686 : i32 to index
        %get3A_2822 = arith.constant 80 : index
        %get3A_2823 = tpu.vector_load %arg15[%get3A_2820, %get3A_2821, %get3A_2822] {strides = array<i32>} : memref<2x128x128xf32, #tpu.memory_space<vmem>>, vector<16xf32>,
        %sub3A_2824 = arith.subf %get3A_2815, %get3A_2819 : vector<16xf32>
        %add3A_2825 = arith.addf %get3A_2815, %get3A_2819 : vector<16xf32>
        %mul3A_2826 = arith.mulf %add3A_2825, %add3A_2825 : vector<16xf32>
        %mul3A_2827 = arith.mulf %get3A_2815, %get3A_2819 : vector<16xf32>
        %sub3A_2828 = arith.subf %mul3A_2826, %mul3A_2827 : vector<16xf32>
        %mul3A_2829 = arith.constant 0.020833334 : f32
        %mul3A_2830 = vector.broadcast %mul3A_2829 : f32 to vector<16xf32>
        %mul3A_2831 = arith.mulf %sub3A_2828, %mul3A_2830 : vector<16xf32>
        %sub3A_2832 = arith.constant 2.500000e-01 : f32
        %sub3A_2833 = vector.broadcast %sub3A_2832 : f32 to vector<16xf32>
        %sub3A_2834 = arith.subf %sub3A_2833, %mul3A_2831 : vector<16xf32>
        %mul3A_2835 = arith.mulf %sub3A_2824, %sub3A_2834 : vector<16xf32>
        %mul3A_2836 = arith.mulf %get3A_2823, %mul3A_2835 : vector<16xf32>
        %get3A_2837 = arith.index_cast %rem3A_94 : i32 to index
        %get3A_2838 = arith.index_cast %add3A_2686 : i32 to index
        %get3A_2839 = arith.constant 96 : index
        %get3A_2840 = tpu.vector_load %arg13[%get3A_2837, %get3A_2838, %get3A_2839] {strides = array<i32>} : memref<2x128x128xf32, #tpu.memory_space<vmem>>, vector<16xf32>,
        %get3A_2841 = arith.index_cast %rem3A_94 : i32 to index
        %get3A_2842 = arith.index_cast %add3A_2686 : i32 to index
        %get3A_2843 = arith.constant 96 : index
        %get3A_2844 = tpu.vector_load %arg14[%get3A_2841, %get3A_2842, %get3A_2843] {strides = array<i32>} : memref<2x128x128xf32, #tpu.memory_space<vmem>>, vector<16xf32>,
        %get3A_2845 = arith.index_cast %rem3A_94 : i32 to index
        %get3A_2846 = arith.index_cast %add3A_2686 : i32 to index
        %get3A_2847 = arith.constant 96 : index
        %get3A_2848 = tpu.vector_load %arg15[%get3A_2845, %get3A_2846, %get3A_2847] {strides = array<i32>} : memref<2x128x128xf32, #tpu.memory_space<vmem>>, vector<16xf32>,
        %sub3A_2849 = arith.subf %get3A_2840, %get3A_2844 : vector<16xf32>
        %add3A_2850 = arith.addf %get3A_2840, %get3A_2844 : vector<16xf32>
        %mul3A_2851 = arith.mulf %add3A_2850, %add3A_2850 : vector<16xf32>
        %mul3A_2852 = arith.mulf %get3A_2840, %get3A_2844 : vector<16xf32>
        %sub3A_2853 = arith.subf %mul3A_2851, %mul3A_2852 : vector<16xf32>
        %mul3A_2854 = arith.constant 0.020833334 : f32
        %mul3A_2855 = vector.broadcast %mul3A_2854 : f32 to vector<16xf32>
        %mul3A_2856 = arith.mulf %sub3A_2853, %mul3A_2855 : vector<16xf32>
        %sub3A_2857 = arith.constant 2.500000e-01 : f32
        %sub3A_2858 = vector.broadcast %sub3A_2857 : f32 to vector<16xf32>
        %sub3A_2859 = arith.subf %sub3A_2858, %mul3A_2856 : vector<16xf32>
        %mul3A_2860 = arith.mulf %sub3A_2849, %sub3A_2859 : vector<16xf32>
        %mul3A_2861 = arith.mulf %get3A_2848, %mul3A_2860 : vector<16xf32>
        %get3A_2862 = arith.index_cast %rem3A_94 : i32 to index
        %get3A_2863 = arith.index_cast %add3A_2686 : i32 to index
        %get3A_2864 = arith.constant 112 : index
        %get3A_2865 = tpu.vector_load %arg13[%get3A_2862, %get3A_2863, %get3A_2864] {strides = array<i32>} : memref<2x128x128xf32, #tpu.memory_space<vmem>>, vector<16xf32>,
        %get3A_2866 = arith.index_cast %rem3A_94 : i32 to index
        %get3A_2867 = arith.index_cast %add3A_2686 : i32 to index
        %get3A_2868 = arith.constant 112 : index
        %get3A_2869 = tpu.vector_load %arg14[%get3A_2866, %get3A_2867, %get3A_2868] {strides = array<i32>} : memref<2x128x128xf32, #tpu.memory_space<vmem>>, vector<16xf32>,
        %get3A_2870 = arith.index_cast %rem3A_94 : i32 to index
        %get3A_2871 = arith.index_cast %add3A_2686 : i32 to index
        %get3A_2872 = arith.constant 112 : index
        %get3A_2873 = tpu.vector_load %arg15[%get3A_2870, %get3A_2871, %get3A_2872] {strides = array<i32>} : memref<2x128x128xf32, #tpu.memory_space<vmem>>, vector<16xf32>,
        %sub3A_2874 = arith.subf %get3A_2865, %get3A_2869 : vector<16xf32>
        %add3A_2875 = arith.addf %get3A_2865, %get3A_2869 : vector<16xf32>
        %mul3A_2876 = arith.mulf %add3A_2875, %add3A_2875 : vector<16xf32>
        %mul3A_2877 = arith.mulf %get3A_2865, %get3A_2869 : vector<16xf32>
        %sub3A_2878 = arith.subf %mul3A_2876, %mul3A_2877 : vector<16xf32>
        %mul3A_2879 = arith.constant 0.020833334 : f32
        %mul3A_2880 = vector.broadcast %mul3A_2879 : f32 to vector<16xf32>
        %mul3A_2881 = arith.mulf %sub3A_2878, %mul3A_2880 : vector<16xf32>
        %sub3A_2882 = arith.constant 2.500000e-01 : f32
        %sub3A_2883 = vector.broadcast %sub3A_2882 : f32 to vector<16xf32>
        %sub3A_2884 = arith.subf %sub3A_2883, %mul3A_2881 : vector<16xf32>
        %mul3A_2885 = arith.mulf %sub3A_2874, %sub3A_2884 : vector<16xf32>
        %mul3A_2886 = arith.mulf %get3A_2873, %mul3A_2885 : vector<16xf32>
        %add3A_2887 = arith.addf %mul3A_2711, %mul3A_2736 : vector<16xf32>
        %add3A_2888 = arith.addf %mul3A_2761, %mul3A_2786 : vector<16xf32>
        %add3A_2889 = arith.addf %mul3A_2811, %mul3A_2836 : vector<16xf32>
        %add3A_2890 = arith.addf %mul3A_2861, %mul3A_2886 : vector<16xf32>
        %add3A_2891 = arith.addf %add3A_2887, %add3A_2888 : vector<16xf32>
        %add3A_2892 = arith.addf %add3A_2889, %add3A_2890 : vector<16xf32>
        %add3A_2893 = arith.addf %add3A_2891, %add3A_2892 : vector<16xf32>
        %mul3A_2894 = arith.constant 16 : i32
        %mul3A_2895 = arith.muli %scan3A_152, %mul3A_2894 : i32
        %add3A_2896 = arith.constant 13 : i32
        %add3A_2897 = arith.addi %mul3A_2895, %add3A_2896 : i32
        %get3A_2898 = arith.index_cast %rem3A_94 : i32 to index
        %get3A_2899 = arith.index_cast %add3A_2897 : i32 to index
        %get3A_2900 = arith.constant 0 : index
        %get3A_2901 = tpu.vector_load %arg13[%get3A_2898, %get3A_2899, %get3A_2900] {strides = array<i32>} : memref<2x128x128xf32, #tpu.memory_space<vmem>>, vector<16xf32>,
        %get3A_2902 = arith.index_cast %rem3A_94 : i32 to index
        %get3A_2903 = arith.index_cast %add3A_2897 : i32 to index
        %get3A_2904 = arith.constant 0 : index
        %get3A_2905 = tpu.vector_load %arg14[%get3A_2902, %get3A_2903, %get3A_2904] {strides = array<i32>} : memref<2x128x128xf32, #tpu.memory_space<vmem>>, vector<16xf32>,
        %get3A_2906 = arith.index_cast %rem3A_94 : i32 to index
        %get3A_2907 = arith.index_cast %add3A_2897 : i32 to index
        %get3A_2908 = arith.constant 0 : index
        %get3A_2909 = tpu.vector_load %arg15[%get3A_2906, %get3A_2907, %get3A_2908] {strides = array<i32>} : memref<2x128x128xf32, #tpu.memory_space<vmem>>, vector<16xf32>,
        %sub3A_2910 = arith.subf %get3A_2901, %get3A_2905 : vector<16xf32>
        %add3A_2911 = arith.addf %get3A_2901, %get3A_2905 : vector<16xf32>
        %mul3A_2912 = arith.mulf %add3A_2911, %add3A_2911 : vector<16xf32>
        %mul3A_2913 = arith.mulf %get3A_2901, %get3A_2905 : vector<16xf32>
        %sub3A_2914 = arith.subf %mul3A_2912, %mul3A_2913 : vector<16xf32>
        %mul3A_2915 = arith.constant 0.020833334 : f32
        %mul3A_2916 = vector.broadcast %mul3A_2915 : f32 to vector<16xf32>
        %mul3A_2917 = arith.mulf %sub3A_2914, %mul3A_2916 : vector<16xf32>
        %sub3A_2918 = arith.constant 2.500000e-01 : f32
        %sub3A_2919 = vector.broadcast %sub3A_2918 : f32 to vector<16xf32>
        %sub3A_2920 = arith.subf %sub3A_2919, %mul3A_2917 : vector<16xf32>
        %mul3A_2921 = arith.mulf %sub3A_2910, %sub3A_2920 : vector<16xf32>
        %mul3A_2922 = arith.mulf %get3A_2909, %mul3A_2921 : vector<16xf32>
        %get3A_2923 = arith.index_cast %rem3A_94 : i32 to index
        %get3A_2924 = arith.index_cast %add3A_2897 : i32 to index
        %get3A_2925 = arith.constant 16 : index
        %get3A_2926 = tpu.vector_load %arg13[%get3A_2923, %get3A_2924, %get3A_2925] {strides = array<i32>} : memref<2x128x128xf32, #tpu.memory_space<vmem>>, vector<16xf32>,
        %get3A_2927 = arith.index_cast %rem3A_94 : i32 to index
        %get3A_2928 = arith.index_cast %add3A_2897 : i32 to index
        %get3A_2929 = arith.constant 16 : index
        %get3A_2930 = tpu.vector_load %arg14[%get3A_2927, %get3A_2928, %get3A_2929] {strides = array<i32>} : memref<2x128x128xf32, #tpu.memory_space<vmem>>, vector<16xf32>,
        %get3A_2931 = arith.index_cast %rem3A_94 : i32 to index
        %get3A_2932 = arith.index_cast %add3A_2897 : i32 to index
        %get3A_2933 = arith.constant 16 : index
        %get3A_2934 = tpu.vector_load %arg15[%get3A_2931, %get3A_2932, %get3A_2933] {strides = array<i32>} : memref<2x128x128xf32, #tpu.memory_space<vmem>>, vector<16xf32>,
        %sub3A_2935 = arith.subf %get3A_2926, %get3A_2930 : vector<16xf32>
        %add3A_2936 = arith.addf %get3A_2926, %get3A_2930 : vector<16xf32>
        %mul3A_2937 = arith.mulf %add3A_2936, %add3A_2936 : vector<16xf32>
        %mul3A_2938 = arith.mulf %get3A_2926, %get3A_2930 : vector<16xf32>
        %sub3A_2939 = arith.subf %mul3A_2937, %mul3A_2938 : vector<16xf32>
        %mul3A_2940 = arith.constant 0.020833334 : f32
        %mul3A_2941 = vector.broadcast %mul3A_2940 : f32 to vector<16xf32>
        %mul3A_2942 = arith.mulf %sub3A_2939, %mul3A_2941 : vector<16xf32>
        %sub3A_2943 = arith.constant 2.500000e-01 : f32
        %sub3A_2944 = vector.broadcast %sub3A_2943 : f32 to vector<16xf32>
        %sub3A_2945 = arith.subf %sub3A_2944, %mul3A_2942 : vector<16xf32>
        %mul3A_2946 = arith.mulf %sub3A_2935, %sub3A_2945 : vector<16xf32>
        %mul3A_2947 = arith.mulf %get3A_2934, %mul3A_2946 : vector<16xf32>
        %get3A_2948 = arith.index_cast %rem3A_94 : i32 to index
        %get3A_2949 = arith.index_cast %add3A_2897 : i32 to index
        %get3A_2950 = arith.constant 32 : index
        %get3A_2951 = tpu.vector_load %arg13[%get3A_2948, %get3A_2949, %get3A_2950] {strides = array<i32>} : memref<2x128x128xf32, #tpu.memory_space<vmem>>, vector<16xf32>,
        %get3A_2952 = arith.index_cast %rem3A_94 : i32 to index
        %get3A_2953 = arith.index_cast %add3A_2897 : i32 to index
        %get3A_2954 = arith.constant 32 : index
        %get3A_2955 = tpu.vector_load %arg14[%get3A_2952, %get3A_2953, %get3A_2954] {strides = array<i32>} : memref<2x128x128xf32, #tpu.memory_space<vmem>>, vector<16xf32>,
        %get3A_2956 = arith.index_cast %rem3A_94 : i32 to index
        %get3A_2957 = arith.index_cast %add3A_2897 : i32 to index
        %get3A_2958 = arith.constant 32 : index
        %get3A_2959 = tpu.vector_load %arg15[%get3A_2956, %get3A_2957, %get3A_2958] {strides = array<i32>} : memref<2x128x128xf32, #tpu.memory_space<vmem>>, vector<16xf32>,
        %sub3A_2960 = arith.subf %get3A_2951, %get3A_2955 : vector<16xf32>
        %add3A_2961 = arith.addf %get3A_2951, %get3A_2955 : vector<16xf32>
        %mul3A_2962 = arith.mulf %add3A_2961, %add3A_2961 : vector<16xf32>
        %mul3A_2963 = arith.mulf %get3A_2951, %get3A_2955 : vector<16xf32>
        %sub3A_2964 = arith.subf %mul3A_2962, %mul3A_2963 : vector<16xf32>
        %mul3A_2965 = arith.constant 0.020833334 : f32
        %mul3A_2966 = vector.broadcast %mul3A_2965 : f32 to vector<16xf32>
        %mul3A_2967 = arith.mulf %sub3A_2964, %mul3A_2966 : vector<16xf32>
        %sub3A_2968 = arith.constant 2.500000e-01 : f32
        %sub3A_2969 = vector.broadcast %sub3A_2968 : f32 to vector<16xf32>
        %sub3A_2970 = arith.subf %sub3A_2969, %mul3A_2967 : vector<16xf32>
        %mul3A_2971 = arith.mulf %sub3A_2960, %sub3A_2970 : vector<16xf32>
        %mul3A_2972 = arith.mulf %get3A_2959, %mul3A_2971 : vector<16xf32>
        %get3A_2973 = arith.index_cast %rem3A_94 : i32 to index
        %get3A_2974 = arith.index_cast %add3A_2897 : i32 to index
        %get3A_2975 = arith.constant 48 : index
        %get3A_2976 = tpu.vector_load %arg13[%get3A_2973, %get3A_2974, %get3A_2975] {strides = array<i32>} : memref<2x128x128xf32, #tpu.memory_space<vmem>>, vector<16xf32>,
        %get3A_2977 = arith.index_cast %rem3A_94 : i32 to index
        %get3A_2978 = arith.index_cast %add3A_2897 : i32 to index
        %get3A_2979 = arith.constant 48 : index
        %get3A_2980 = tpu.vector_load %arg14[%get3A_2977, %get3A_2978, %get3A_2979] {strides = array<i32>} : memref<2x128x128xf32, #tpu.memory_space<vmem>>, vector<16xf32>,
        %get3A_2981 = arith.index_cast %rem3A_94 : i32 to index
        %get3A_2982 = arith.index_cast %add3A_2897 : i32 to index
        %get3A_2983 = arith.constant 48 : index
        %get3A_2984 = tpu.vector_load %arg15[%get3A_2981, %get3A_2982, %get3A_2983] {strides = array<i32>} : memref<2x128x128xf32, #tpu.memory_space<vmem>>, vector<16xf32>,
        %sub3A_2985 = arith.subf %get3A_2976, %get3A_2980 : vector<16xf32>
        %add3A_2986 = arith.addf %get3A_2976, %get3A_2980 : vector<16xf32>
        %mul3A_2987 = arith.mulf %add3A_2986, %add3A_2986 : vector<16xf32>
        %mul3A_2988 = arith.mulf %get3A_2976, %get3A_2980 : vector<16xf32>
        %sub3A_2989 = arith.subf %mul3A_2987, %mul3A_2988 : vector<16xf32>
        %mul3A_2990 = arith.constant 0.020833334 : f32
        %mul3A_2991 = vector.broadcast %mul3A_2990 : f32 to vector<16xf32>
        %mul3A_2992 = arith.mulf %sub3A_2989, %mul3A_2991 : vector<16xf32>
        %sub3A_2993 = arith.constant 2.500000e-01 : f32
        %sub3A_2994 = vector.broadcast %sub3A_2993 : f32 to vector<16xf32>
        %sub3A_2995 = arith.subf %sub3A_2994, %mul3A_2992 : vector<16xf32>
        %mul3A_2996 = arith.mulf %sub3A_2985, %sub3A_2995 : vector<16xf32>
        %mul3A_2997 = arith.mulf %get3A_2984, %mul3A_2996 : vector<16xf32>
        %get3A_2998 = arith.index_cast %rem3A_94 : i32 to index
        %get3A_2999 = arith.index_cast %add3A_2897 : i32 to index
        %get3A_3000 = arith.constant 64 : index
        %get3A_3001 = tpu.vector_load %arg13[%get3A_2998, %get3A_2999, %get3A_3000] {strides = array<i32>} : memref<2x128x128xf32, #tpu.memory_space<vmem>>, vector<16xf32>,
        %get3A_3002 = arith.index_cast %rem3A_94 : i32 to index
        %get3A_3003 = arith.index_cast %add3A_2897 : i32 to index
        %get3A_3004 = arith.constant 64 : index
        %get3A_3005 = tpu.vector_load %arg14[%get3A_3002, %get3A_3003, %get3A_3004] {strides = array<i32>} : memref<2x128x128xf32, #tpu.memory_space<vmem>>, vector<16xf32>,
        %get3A_3006 = arith.index_cast %rem3A_94 : i32 to index
        %get3A_3007 = arith.index_cast %add3A_2897 : i32 to index
        %get3A_3008 = arith.constant 64 : index
        %get3A_3009 = tpu.vector_load %arg15[%get3A_3006, %get3A_3007, %get3A_3008] {strides = array<i32>} : memref<2x128x128xf32, #tpu.memory_space<vmem>>, vector<16xf32>,
        %sub3A_3010 = arith.subf %get3A_3001, %get3A_3005 : vector<16xf32>
        %add3A_3011 = arith.addf %get3A_3001, %get3A_3005 : vector<16xf32>
        %mul3A_3012 = arith.mulf %add3A_3011, %add3A_3011 : vector<16xf32>
        %mul3A_3013 = arith.mulf %get3A_3001, %get3A_3005 : vector<16xf32>
        %sub3A_3014 = arith.subf %mul3A_3012, %mul3A_3013 : vector<16xf32>
        %mul3A_3015 = arith.constant 0.020833334 : f32
        %mul3A_3016 = vector.broadcast %mul3A_3015 : f32 to vector<16xf32>
        %mul3A_3017 = arith.mulf %sub3A_3014, %mul3A_3016 : vector<16xf32>
        %sub3A_3018 = arith.constant 2.500000e-01 : f32
        %sub3A_3019 = vector.broadcast %sub3A_3018 : f32 to vector<16xf32>
        %sub3A_3020 = arith.subf %sub3A_3019, %mul3A_3017 : vector<16xf32>
        %mul3A_3021 = arith.mulf %sub3A_3010, %sub3A_3020 : vector<16xf32>
        %mul3A_3022 = arith.mulf %get3A_3009, %mul3A_3021 : vector<16xf32>
        %get3A_3023 = arith.index_cast %rem3A_94 : i32 to index
        %get3A_3024 = arith.index_cast %add3A_2897 : i32 to index
        %get3A_3025 = arith.constant 80 : index
        %get3A_3026 = tpu.vector_load %arg13[%get3A_3023, %get3A_3024, %get3A_3025] {strides = array<i32>} : memref<2x128x128xf32, #tpu.memory_space<vmem>>, vector<16xf32>,
        %get3A_3027 = arith.index_cast %rem3A_94 : i32 to index
        %get3A_3028 = arith.index_cast %add3A_2897 : i32 to index
        %get3A_3029 = arith.constant 80 : index
        %get3A_3030 = tpu.vector_load %arg14[%get3A_3027, %get3A_3028, %get3A_3029] {strides = array<i32>} : memref<2x128x128xf32, #tpu.memory_space<vmem>>, vector<16xf32>,
        %get3A_3031 = arith.index_cast %rem3A_94 : i32 to index
        %get3A_3032 = arith.index_cast %add3A_2897 : i32 to index
        %get3A_3033 = arith.constant 80 : index
        %get3A_3034 = tpu.vector_load %arg15[%get3A_3031, %get3A_3032, %get3A_3033] {strides = array<i32>} : memref<2x128x128xf32, #tpu.memory_space<vmem>>, vector<16xf32>,
        %sub3A_3035 = arith.subf %get3A_3026, %get3A_3030 : vector<16xf32>
        %add3A_3036 = arith.addf %get3A_3026, %get3A_3030 : vector<16xf32>
        %mul3A_3037 = arith.mulf %add3A_3036, %add3A_3036 : vector<16xf32>
        %mul3A_3038 = arith.mulf %get3A_3026, %get3A_3030 : vector<16xf32>
        %sub3A_3039 = arith.subf %mul3A_3037, %mul3A_3038 : vector<16xf32>
        %mul3A_3040 = arith.constant 0.020833334 : f32
        %mul3A_3041 = vector.broadcast %mul3A_3040 : f32 to vector<16xf32>
        %mul3A_3042 = arith.mulf %sub3A_3039, %mul3A_3041 : vector<16xf32>
        %sub3A_3043 = arith.constant 2.500000e-01 : f32
        %sub3A_3044 = vector.broadcast %sub3A_3043 : f32 to vector<16xf32>
        %sub3A_3045 = arith.subf %sub3A_3044, %mul3A_3042 : vector<16xf32>
        %mul3A_3046 = arith.mulf %sub3A_3035, %sub3A_3045 : vector<16xf32>
        %mul3A_3047 = arith.mulf %get3A_3034, %mul3A_3046 : vector<16xf32>
        %get3A_3048 = arith.index_cast %rem3A_94 : i32 to index
        %get3A_3049 = arith.index_cast %add3A_2897 : i32 to index
        %get3A_3050 = arith.constant 96 : index
        %get3A_3051 = tpu.vector_load %arg13[%get3A_3048, %get3A_3049, %get3A_3050] {strides = array<i32>} : memref<2x128x128xf32, #tpu.memory_space<vmem>>, vector<16xf32>,
        %get3A_3052 = arith.index_cast %rem3A_94 : i32 to index
        %get3A_3053 = arith.index_cast %add3A_2897 : i32 to index
        %get3A_3054 = arith.constant 96 : index
        %get3A_3055 = tpu.vector_load %arg14[%get3A_3052, %get3A_3053, %get3A_3054] {strides = array<i32>} : memref<2x128x128xf32, #tpu.memory_space<vmem>>, vector<16xf32>,
        %get3A_3056 = arith.index_cast %rem3A_94 : i32 to index
        %get3A_3057 = arith.index_cast %add3A_2897 : i32 to index
        %get3A_3058 = arith.constant 96 : index
        %get3A_3059 = tpu.vector_load %arg15[%get3A_3056, %get3A_3057, %get3A_3058] {strides = array<i32>} : memref<2x128x128xf32, #tpu.memory_space<vmem>>, vector<16xf32>,
        %sub3A_3060 = arith.subf %get3A_3051, %get3A_3055 : vector<16xf32>
        %add3A_3061 = arith.addf %get3A_3051, %get3A_3055 : vector<16xf32>
        %mul3A_3062 = arith.mulf %add3A_3061, %add3A_3061 : vector<16xf32>
        %mul3A_3063 = arith.mulf %get3A_3051, %get3A_3055 : vector<16xf32>
        %sub3A_3064 = arith.subf %mul3A_3062, %mul3A_3063 : vector<16xf32>
        %mul3A_3065 = arith.constant 0.020833334 : f32
        %mul3A_3066 = vector.broadcast %mul3A_3065 : f32 to vector<16xf32>
        %mul3A_3067 = arith.mulf %sub3A_3064, %mul3A_3066 : vector<16xf32>
        %sub3A_3068 = arith.constant 2.500000e-01 : f32
        %sub3A_3069 = vector.broadcast %sub3A_3068 : f32 to vector<16xf32>
        %sub3A_3070 = arith.subf %sub3A_3069, %mul3A_3067 : vector<16xf32>
        %mul3A_3071 = arith.mulf %sub3A_3060, %sub3A_3070 : vector<16xf32>
        %mul3A_3072 = arith.mulf %get3A_3059, %mul3A_3071 : vector<16xf32>
        %get3A_3073 = arith.index_cast %rem3A_94 : i32 to index
        %get3A_3074 = arith.index_cast %add3A_2897 : i32 to index
        %get3A_3075 = arith.constant 112 : index
        %get3A_3076 = tpu.vector_load %arg13[%get3A_3073, %get3A_3074, %get3A_3075] {strides = array<i32>} : memref<2x128x128xf32, #tpu.memory_space<vmem>>, vector<16xf32>,
        %get3A_3077 = arith.index_cast %rem3A_94 : i32 to index
        %get3A_3078 = arith.index_cast %add3A_2897 : i32 to index
        %get3A_3079 = arith.constant 112 : index
        %get3A_3080 = tpu.vector_load %arg14[%get3A_3077, %get3A_3078, %get3A_3079] {strides = array<i32>} : memref<2x128x128xf32, #tpu.memory_space<vmem>>, vector<16xf32>,
        %get3A_3081 = arith.index_cast %rem3A_94 : i32 to index
        %get3A_3082 = arith.index_cast %add3A_2897 : i32 to index
        %get3A_3083 = arith.constant 112 : index
        %get3A_3084 = tpu.vector_load %arg15[%get3A_3081, %get3A_3082, %get3A_3083] {strides = array<i32>} : memref<2x128x128xf32, #tpu.memory_space<vmem>>, vector<16xf32>,
        %sub3A_3085 = arith.subf %get3A_3076, %get3A_3080 : vector<16xf32>
        %add3A_3086 = arith.addf %get3A_3076, %get3A_3080 : vector<16xf32>
        %mul3A_3087 = arith.mulf %add3A_3086, %add3A_3086 : vector<16xf32>
        %mul3A_3088 = arith.mulf %get3A_3076, %get3A_3080 : vector<16xf32>
        %sub3A_3089 = arith.subf %mul3A_3087, %mul3A_3088 : vector<16xf32>
        %mul3A_3090 = arith.constant 0.020833334 : f32
        %mul3A_3091 = vector.broadcast %mul3A_3090 : f32 to vector<16xf32>
        %mul3A_3092 = arith.mulf %sub3A_3089, %mul3A_3091 : vector<16xf32>
        %sub3A_3093 = arith.constant 2.500000e-01 : f32
        %sub3A_3094 = vector.broadcast %sub3A_3093 : f32 to vector<16xf32>
        %sub3A_3095 = arith.subf %sub3A_3094, %mul3A_3092 : vector<16xf32>
        %mul3A_3096 = arith.mulf %sub3A_3085, %sub3A_3095 : vector<16xf32>
        %mul3A_3097 = arith.mulf %get3A_3084, %mul3A_3096 : vector<16xf32>
        %add3A_3098 = arith.addf %mul3A_2922, %mul3A_2947 : vector<16xf32>
        %add3A_3099 = arith.addf %mul3A_2972, %mul3A_2997 : vector<16xf32>
        %add3A_3100 = arith.addf %mul3A_3022, %mul3A_3047 : vector<16xf32>
        %add3A_3101 = arith.addf %mul3A_3072, %mul3A_3097 : vector<16xf32>
        %add3A_3102 = arith.addf %add3A_3098, %add3A_3099 : vector<16xf32>
        %add3A_3103 = arith.addf %add3A_3100, %add3A_3101 : vector<16xf32>
        %add3A_3104 = arith.addf %add3A_3102, %add3A_3103 : vector<16xf32>
        %mul3A_3105 = arith.constant 16 : i32
        %mul3A_3106 = arith.muli %scan3A_152, %mul3A_3105 : i32
        %add3A_3107 = arith.constant 14 : i32
        %add3A_3108 = arith.addi %mul3A_3106, %add3A_3107 : i32
        %get3A_3109 = arith.index_cast %rem3A_94 : i32 to index
        %get3A_3110 = arith.index_cast %add3A_3108 : i32 to index
        %get3A_3111 = arith.constant 0 : index
        %get3A_3112 = tpu.vector_load %arg13[%get3A_3109, %get3A_3110, %get3A_3111] {strides = array<i32>} : memref<2x128x128xf32, #tpu.memory_space<vmem>>, vector<16xf32>,
        %get3A_3113 = arith.index_cast %rem3A_94 : i32 to index
        %get3A_3114 = arith.index_cast %add3A_3108 : i32 to index
        %get3A_3115 = arith.constant 0 : index
        %get3A_3116 = tpu.vector_load %arg14[%get3A_3113, %get3A_3114, %get3A_3115] {strides = array<i32>} : memref<2x128x128xf32, #tpu.memory_space<vmem>>, vector<16xf32>,
        %get3A_3117 = arith.index_cast %rem3A_94 : i32 to index
        %get3A_3118 = arith.index_cast %add3A_3108 : i32 to index
        %get3A_3119 = arith.constant 0 : index
        %get3A_3120 = tpu.vector_load %arg15[%get3A_3117, %get3A_3118, %get3A_3119] {strides = array<i32>} : memref<2x128x128xf32, #tpu.memory_space<vmem>>, vector<16xf32>,
        %sub3A_3121 = arith.subf %get3A_3112, %get3A_3116 : vector<16xf32>
        %add3A_3122 = arith.addf %get3A_3112, %get3A_3116 : vector<16xf32>
        %mul3A_3123 = arith.mulf %add3A_3122, %add3A_3122 : vector<16xf32>
        %mul3A_3124 = arith.mulf %get3A_3112, %get3A_3116 : vector<16xf32>
        %sub3A_3125 = arith.subf %mul3A_3123, %mul3A_3124 : vector<16xf32>
        %mul3A_3126 = arith.constant 0.020833334 : f32
        %mul3A_3127 = vector.broadcast %mul3A_3126 : f32 to vector<16xf32>
        %mul3A_3128 = arith.mulf %sub3A_3125, %mul3A_3127 : vector<16xf32>
        %sub3A_3129 = arith.constant 2.500000e-01 : f32
        %sub3A_3130 = vector.broadcast %sub3A_3129 : f32 to vector<16xf32>
        %sub3A_3131 = arith.subf %sub3A_3130, %mul3A_3128 : vector<16xf32>
        %mul3A_3132 = arith.mulf %sub3A_3121, %sub3A_3131 : vector<16xf32>
        %mul3A_3133 = arith.mulf %get3A_3120, %mul3A_3132 : vector<16xf32>
        %get3A_3134 = arith.index_cast %rem3A_94 : i32 to index
        %get3A_3135 = arith.index_cast %add3A_3108 : i32 to index
        %get3A_3136 = arith.constant 16 : index
        %get3A_3137 = tpu.vector_load %arg13[%get3A_3134, %get3A_3135, %get3A_3136] {strides = array<i32>} : memref<2x128x128xf32, #tpu.memory_space<vmem>>, vector<16xf32>,
        %get3A_3138 = arith.index_cast %rem3A_94 : i32 to index
        %get3A_3139 = arith.index_cast %add3A_3108 : i32 to index
        %get3A_3140 = arith.constant 16 : index
        %get3A_3141 = tpu.vector_load %arg14[%get3A_3138, %get3A_3139, %get3A_3140] {strides = array<i32>} : memref<2x128x128xf32, #tpu.memory_space<vmem>>, vector<16xf32>,
        %get3A_3142 = arith.index_cast %rem3A_94 : i32 to index
        %get3A_3143 = arith.index_cast %add3A_3108 : i32 to index
        %get3A_3144 = arith.constant 16 : index
        %get3A_3145 = tpu.vector_load %arg15[%get3A_3142, %get3A_3143, %get3A_3144] {strides = array<i32>} : memref<2x128x128xf32, #tpu.memory_space<vmem>>, vector<16xf32>,
        %sub3A_3146 = arith.subf %get3A_3137, %get3A_3141 : vector<16xf32>
        %add3A_3147 = arith.addf %get3A_3137, %get3A_3141 : vector<16xf32>
        %mul3A_3148 = arith.mulf %add3A_3147, %add3A_3147 : vector<16xf32>
        %mul3A_3149 = arith.mulf %get3A_3137, %get3A_3141 : vector<16xf32>
        %sub3A_3150 = arith.subf %mul3A_3148, %mul3A_3149 : vector<16xf32>
        %mul3A_3151 = arith.constant 0.020833334 : f32
        %mul3A_3152 = vector.broadcast %mul3A_3151 : f32 to vector<16xf32>
        %mul3A_3153 = arith.mulf %sub3A_3150, %mul3A_3152 : vector<16xf32>
        %sub3A_3154 = arith.constant 2.500000e-01 : f32
        %sub3A_3155 = vector.broadcast %sub3A_3154 : f32 to vector<16xf32>
        %sub3A_3156 = arith.subf %sub3A_3155, %mul3A_3153 : vector<16xf32>
        %mul3A_3157 = arith.mulf %sub3A_3146, %sub3A_3156 : vector<16xf32>
        %mul3A_3158 = arith.mulf %get3A_3145, %mul3A_3157 : vector<16xf32>
        %get3A_3159 = arith.index_cast %rem3A_94 : i32 to index
        %get3A_3160 = arith.index_cast %add3A_3108 : i32 to index
        %get3A_3161 = arith.constant 32 : index
        %get3A_3162 = tpu.vector_load %arg13[%get3A_3159, %get3A_3160, %get3A_3161] {strides = array<i32>} : memref<2x128x128xf32, #tpu.memory_space<vmem>>, vector<16xf32>,
        %get3A_3163 = arith.index_cast %rem3A_94 : i32 to index
        %get3A_3164 = arith.index_cast %add3A_3108 : i32 to index
        %get3A_3165 = arith.constant 32 : index
        %get3A_3166 = tpu.vector_load %arg14[%get3A_3163, %get3A_3164, %get3A_3165] {strides = array<i32>} : memref<2x128x128xf32, #tpu.memory_space<vmem>>, vector<16xf32>,
        %get3A_3167 = arith.index_cast %rem3A_94 : i32 to index
        %get3A_3168 = arith.index_cast %add3A_3108 : i32 to index
        %get3A_3169 = arith.constant 32 : index
        %get3A_3170 = tpu.vector_load %arg15[%get3A_3167, %get3A_3168, %get3A_3169] {strides = array<i32>} : memref<2x128x128xf32, #tpu.memory_space<vmem>>, vector<16xf32>,
        %sub3A_3171 = arith.subf %get3A_3162, %get3A_3166 : vector<16xf32>
        %add3A_3172 = arith.addf %get3A_3162, %get3A_3166 : vector<16xf32>
        %mul3A_3173 = arith.mulf %add3A_3172, %add3A_3172 : vector<16xf32>
        %mul3A_3174 = arith.mulf %get3A_3162, %get3A_3166 : vector<16xf32>
        %sub3A_3175 = arith.subf %mul3A_3173, %mul3A_3174 : vector<16xf32>
        %mul3A_3176 = arith.constant 0.020833334 : f32
        %mul3A_3177 = vector.broadcast %mul3A_3176 : f32 to vector<16xf32>
        %mul3A_3178 = arith.mulf %sub3A_3175, %mul3A_3177 : vector<16xf32>
        %sub3A_3179 = arith.constant 2.500000e-01 : f32
        %sub3A_3180 = vector.broadcast %sub3A_3179 : f32 to vector<16xf32>
        %sub3A_3181 = arith.subf %sub3A_3180, %mul3A_3178 : vector<16xf32>
        %mul3A_3182 = arith.mulf %sub3A_3171, %sub3A_3181 : vector<16xf32>
        %mul3A_3183 = arith.mulf %get3A_3170, %mul3A_3182 : vector<16xf32>
        %get3A_3184 = arith.index_cast %rem3A_94 : i32 to index
        %get3A_3185 = arith.index_cast %add3A_3108 : i32 to index
        %get3A_3186 = arith.constant 48 : index
        %get3A_3187 = tpu.vector_load %arg13[%get3A_3184, %get3A_3185, %get3A_3186] {strides = array<i32>} : memref<2x128x128xf32, #tpu.memory_space<vmem>>, vector<16xf32>,
        %get3A_3188 = arith.index_cast %rem3A_94 : i32 to index
        %get3A_3189 = arith.index_cast %add3A_3108 : i32 to index
        %get3A_3190 = arith.constant 48 : index
        %get3A_3191 = tpu.vector_load %arg14[%get3A_3188, %get3A_3189, %get3A_3190] {strides = array<i32>} : memref<2x128x128xf32, #tpu.memory_space<vmem>>, vector<16xf32>,
        %get3A_3192 = arith.index_cast %rem3A_94 : i32 to index
        %get3A_3193 = arith.index_cast %add3A_3108 : i32 to index
        %get3A_3194 = arith.constant 48 : index
        %get3A_3195 = tpu.vector_load %arg15[%get3A_3192, %get3A_3193, %get3A_3194] {strides = array<i32>} : memref<2x128x128xf32, #tpu.memory_space<vmem>>, vector<16xf32>,
        %sub3A_3196 = arith.subf %get3A_3187, %get3A_3191 : vector<16xf32>
        %add3A_3197 = arith.addf %get3A_3187, %get3A_3191 : vector<16xf32>
        %mul3A_3198 = arith.mulf %add3A_3197, %add3A_3197 : vector<16xf32>
        %mul3A_3199 = arith.mulf %get3A_3187, %get3A_3191 : vector<16xf32>
        %sub3A_3200 = arith.subf %mul3A_3198, %mul3A_3199 : vector<16xf32>
        %mul3A_3201 = arith.constant 0.020833334 : f32
        %mul3A_3202 = vector.broadcast %mul3A_3201 : f32 to vector<16xf32>
        %mul3A_3203 = arith.mulf %sub3A_3200, %mul3A_3202 : vector<16xf32>
        %sub3A_3204 = arith.constant 2.500000e-01 : f32
        %sub3A_3205 = vector.broadcast %sub3A_3204 : f32 to vector<16xf32>
        %sub3A_3206 = arith.subf %sub3A_3205, %mul3A_3203 : vector<16xf32>
        %mul3A_3207 = arith.mulf %sub3A_3196, %sub3A_3206 : vector<16xf32>
        %mul3A_3208 = arith.mulf %get3A_3195, %mul3A_3207 : vector<16xf32>
        %get3A_3209 = arith.index_cast %rem3A_94 : i32 to index
        %get3A_3210 = arith.index_cast %add3A_3108 : i32 to index
        %get3A_3211 = arith.constant 64 : index
        %get3A_3212 = tpu.vector_load %arg13[%get3A_3209, %get3A_3210, %get3A_3211] {strides = array<i32>} : memref<2x128x128xf32, #tpu.memory_space<vmem>>, vector<16xf32>,
        %get3A_3213 = arith.index_cast %rem3A_94 : i32 to index
        %get3A_3214 = arith.index_cast %add3A_3108 : i32 to index
        %get3A_3215 = arith.constant 64 : index
        %get3A_3216 = tpu.vector_load %arg14[%get3A_3213, %get3A_3214, %get3A_3215] {strides = array<i32>} : memref<2x128x128xf32, #tpu.memory_space<vmem>>, vector<16xf32>,
        %get3A_3217 = arith.index_cast %rem3A_94 : i32 to index
        %get3A_3218 = arith.index_cast %add3A_3108 : i32 to index
        %get3A_3219 = arith.constant 64 : index
        %get3A_3220 = tpu.vector_load %arg15[%get3A_3217, %get3A_3218, %get3A_3219] {strides = array<i32>} : memref<2x128x128xf32, #tpu.memory_space<vmem>>, vector<16xf32>,
        %sub3A_3221 = arith.subf %get3A_3212, %get3A_3216 : vector<16xf32>
        %add3A_3222 = arith.addf %get3A_3212, %get3A_3216 : vector<16xf32>
        %mul3A_3223 = arith.mulf %add3A_3222, %add3A_3222 : vector<16xf32>
        %mul3A_3224 = arith.mulf %get3A_3212, %get3A_3216 : vector<16xf32>
        %sub3A_3225 = arith.subf %mul3A_3223, %mul3A_3224 : vector<16xf32>
        %mul3A_3226 = arith.constant 0.020833334 : f32
        %mul3A_3227 = vector.broadcast %mul3A_3226 : f32 to vector<16xf32>
        %mul3A_3228 = arith.mulf %sub3A_3225, %mul3A_3227 : vector<16xf32>
        %sub3A_3229 = arith.constant 2.500000e-01 : f32
        %sub3A_3230 = vector.broadcast %sub3A_3229 : f32 to vector<16xf32>
        %sub3A_3231 = arith.subf %sub3A_3230, %mul3A_3228 : vector<16xf32>
        %mul3A_3232 = arith.mulf %sub3A_3221, %sub3A_3231 : vector<16xf32>
        %mul3A_3233 = arith.mulf %get3A_3220, %mul3A_3232 : vector<16xf32>
        %get3A_3234 = arith.index_cast %rem3A_94 : i32 to index
        %get3A_3235 = arith.index_cast %add3A_3108 : i32 to index
        %get3A_3236 = arith.constant 80 : index
        %get3A_3237 = tpu.vector_load %arg13[%get3A_3234, %get3A_3235, %get3A_3236] {strides = array<i32>} : memref<2x128x128xf32, #tpu.memory_space<vmem>>, vector<16xf32>,
        %get3A_3238 = arith.index_cast %rem3A_94 : i32 to index
        %get3A_3239 = arith.index_cast %add3A_3108 : i32 to index
        %get3A_3240 = arith.constant 80 : index
        %get3A_3241 = tpu.vector_load %arg14[%get3A_3238, %get3A_3239, %get3A_3240] {strides = array<i32>} : memref<2x128x128xf32, #tpu.memory_space<vmem>>, vector<16xf32>,
        %get3A_3242 = arith.index_cast %rem3A_94 : i32 to index
        %get3A_3243 = arith.index_cast %add3A_3108 : i32 to index
        %get3A_3244 = arith.constant 80 : index
        %get3A_3245 = tpu.vector_load %arg15[%get3A_3242, %get3A_3243, %get3A_3244] {strides = array<i32>} : memref<2x128x128xf32, #tpu.memory_space<vmem>>, vector<16xf32>,
        %sub3A_3246 = arith.subf %get3A_3237, %get3A_3241 : vector<16xf32>
        %add3A_3247 = arith.addf %get3A_3237, %get3A_3241 : vector<16xf32>
        %mul3A_3248 = arith.mulf %add3A_3247, %add3A_3247 : vector<16xf32>
        %mul3A_3249 = arith.mulf %get3A_3237, %get3A_3241 : vector<16xf32>
        %sub3A_3250 = arith.subf %mul3A_3248, %mul3A_3249 : vector<16xf32>
        %mul3A_3251 = arith.constant 0.020833334 : f32
        %mul3A_3252 = vector.broadcast %mul3A_3251 : f32 to vector<16xf32>
        %mul3A_3253 = arith.mulf %sub3A_3250, %mul3A_3252 : vector<16xf32>
        %sub3A_3254 = arith.constant 2.500000e-01 : f32
        %sub3A_3255 = vector.broadcast %sub3A_3254 : f32 to vector<16xf32>
        %sub3A_3256 = arith.subf %sub3A_3255, %mul3A_3253 : vector<16xf32>
        %mul3A_3257 = arith.mulf %sub3A_3246, %sub3A_3256 : vector<16xf32>
        %mul3A_3258 = arith.mulf %get3A_3245, %mul3A_3257 : vector<16xf32>
        %get3A_3259 = arith.index_cast %rem3A_94 : i32 to index
        %get3A_3260 = arith.index_cast %add3A_3108 : i32 to index
        %get3A_3261 = arith.constant 96 : index
        %get3A_3262 = tpu.vector_load %arg13[%get3A_3259, %get3A_3260, %get3A_3261] {strides = array<i32>} : memref<2x128x128xf32, #tpu.memory_space<vmem>>, vector<16xf32>,
        %get3A_3263 = arith.index_cast %rem3A_94 : i32 to index
        %get3A_3264 = arith.index_cast %add3A_3108 : i32 to index
        %get3A_3265 = arith.constant 96 : index
        %get3A_3266 = tpu.vector_load %arg14[%get3A_3263, %get3A_3264, %get3A_3265] {strides = array<i32>} : memref<2x128x128xf32, #tpu.memory_space<vmem>>, vector<16xf32>,
        %get3A_3267 = arith.index_cast %rem3A_94 : i32 to index
        %get3A_3268 = arith.index_cast %add3A_3108 : i32 to index
        %get3A_3269 = arith.constant 96 : index
        %get3A_3270 = tpu.vector_load %arg15[%get3A_3267, %get3A_3268, %get3A_3269] {strides = array<i32>} : memref<2x128x128xf32, #tpu.memory_space<vmem>>, vector<16xf32>,
        %sub3A_3271 = arith.subf %get3A_3262, %get3A_3266 : vector<16xf32>
        %add3A_3272 = arith.addf %get3A_3262, %get3A_3266 : vector<16xf32>
        %mul3A_3273 = arith.mulf %add3A_3272, %add3A_3272 : vector<16xf32>
        %mul3A_3274 = arith.mulf %get3A_3262, %get3A_3266 : vector<16xf32>
        %sub3A_3275 = arith.subf %mul3A_3273, %mul3A_3274 : vector<16xf32>
        %mul3A_3276 = arith.constant 0.020833334 : f32
        %mul3A_3277 = vector.broadcast %mul3A_3276 : f32 to vector<16xf32>
        %mul3A_3278 = arith.mulf %sub3A_3275, %mul3A_3277 : vector<16xf32>
        %sub3A_3279 = arith.constant 2.500000e-01 : f32
        %sub3A_3280 = vector.broadcast %sub3A_3279 : f32 to vector<16xf32>
        %sub3A_3281 = arith.subf %sub3A_3280, %mul3A_3278 : vector<16xf32>
        %mul3A_3282 = arith.mulf %sub3A_3271, %sub3A_3281 : vector<16xf32>
        %mul3A_3283 = arith.mulf %get3A_3270, %mul3A_3282 : vector<16xf32>
        %get3A_3284 = arith.index_cast %rem3A_94 : i32 to index
        %get3A_3285 = arith.index_cast %add3A_3108 : i32 to index
        %get3A_3286 = arith.constant 112 : index
        %get3A_3287 = tpu.vector_load %arg13[%get3A_3284, %get3A_3285, %get3A_3286] {strides = array<i32>} : memref<2x128x128xf32, #tpu.memory_space<vmem>>, vector<16xf32>,
        %get3A_3288 = arith.index_cast %rem3A_94 : i32 to index
        %get3A_3289 = arith.index_cast %add3A_3108 : i32 to index
        %get3A_3290 = arith.constant 112 : index
        %get3A_3291 = tpu.vector_load %arg14[%get3A_3288, %get3A_3289, %get3A_3290] {strides = array<i32>} : memref<2x128x128xf32, #tpu.memory_space<vmem>>, vector<16xf32>,
        %get3A_3292 = arith.index_cast %rem3A_94 : i32 to index
        %get3A_3293 = arith.index_cast %add3A_3108 : i32 to index
        %get3A_3294 = arith.constant 112 : index
        %get3A_3295 = tpu.vector_load %arg15[%get3A_3292, %get3A_3293, %get3A_3294] {strides = array<i32>} : memref<2x128x128xf32, #tpu.memory_space<vmem>>, vector<16xf32>,
        %sub3A_3296 = arith.subf %get3A_3287, %get3A_3291 : vector<16xf32>
        %add3A_3297 = arith.addf %get3A_3287, %get3A_3291 : vector<16xf32>
        %mul3A_3298 = arith.mulf %add3A_3297, %add3A_3297 : vector<16xf32>
        %mul3A_3299 = arith.mulf %get3A_3287, %get3A_3291 : vector<16xf32>
        %sub3A_3300 = arith.subf %mul3A_3298, %mul3A_3299 : vector<16xf32>
        %mul3A_3301 = arith.constant 0.020833334 : f32
        %mul3A_3302 = vector.broadcast %mul3A_3301 : f32 to vector<16xf32>
        %mul3A_3303 = arith.mulf %sub3A_3300, %mul3A_3302 : vector<16xf32>
        %sub3A_3304 = arith.constant 2.500000e-01 : f32
        %sub3A_3305 = vector.broadcast %sub3A_3304 : f32 to vector<16xf32>
        %sub3A_3306 = arith.subf %sub3A_3305, %mul3A_3303 : vector<16xf32>
        %mul3A_3307 = arith.mulf %sub3A_3296, %sub3A_3306 : vector<16xf32>
        %mul3A_3308 = arith.mulf %get3A_3295, %mul3A_3307 : vector<16xf32>
        %add3A_3309 = arith.addf %mul3A_3133, %mul3A_3158 : vector<16xf32>
        %add3A_3310 = arith.addf %mul3A_3183, %mul3A_3208 : vector<16xf32>
        %add3A_3311 = arith.addf %mul3A_3233, %mul3A_3258 : vector<16xf32>
        %add3A_3312 = arith.addf %mul3A_3283, %mul3A_3308 : vector<16xf32>
        %add3A_3313 = arith.addf %add3A_3309, %add3A_3310 : vector<16xf32>
        %add3A_3314 = arith.addf %add3A_3311, %add3A_3312 : vector<16xf32>
        %add3A_3315 = arith.addf %add3A_3313, %add3A_3314 : vector<16xf32>
        %mul3A_3316 = arith.constant 16 : i32
        %mul3A_3317 = arith.muli %scan3A_152, %mul3A_3316 : i32
        %add3A_3318 = arith.constant 15 : i32
        %add3A_3319 = arith.addi %mul3A_3317, %add3A_3318 : i32
        %get3A_3320 = arith.index_cast %rem3A_94 : i32 to index
        %get3A_3321 = arith.index_cast %add3A_3319 : i32 to index
        %get3A_3322 = arith.constant 0 : index
        %get3A_3323 = tpu.vector_load %arg13[%get3A_3320, %get3A_3321, %get3A_3322] {strides = array<i32>} : memref<2x128x128xf32, #tpu.memory_space<vmem>>, vector<16xf32>,
        %get3A_3324 = arith.index_cast %rem3A_94 : i32 to index
        %get3A_3325 = arith.index_cast %add3A_3319 : i32 to index
        %get3A_3326 = arith.constant 0 : index
        %get3A_3327 = tpu.vector_load %arg14[%get3A_3324, %get3A_3325, %get3A_3326] {strides = array<i32>} : memref<2x128x128xf32, #tpu.memory_space<vmem>>, vector<16xf32>,
        %get3A_3328 = arith.index_cast %rem3A_94 : i32 to index
        %get3A_3329 = arith.index_cast %add3A_3319 : i32 to index
        %get3A_3330 = arith.constant 0 : index
        %get3A_3331 = tpu.vector_load %arg15[%get3A_3328, %get3A_3329, %get3A_3330] {strides = array<i32>} : memref<2x128x128xf32, #tpu.memory_space<vmem>>, vector<16xf32>,
        %sub3A_3332 = arith.subf %get3A_3323, %get3A_3327 : vector<16xf32>
        %add3A_3333 = arith.addf %get3A_3323, %get3A_3327 : vector<16xf32>
        %mul3A_3334 = arith.mulf %add3A_3333, %add3A_3333 : vector<16xf32>
        %mul3A_3335 = arith.mulf %get3A_3323, %get3A_3327 : vector<16xf32>
        %sub3A_3336 = arith.subf %mul3A_3334, %mul3A_3335 : vector<16xf32>
        %mul3A_3337 = arith.constant 0.020833334 : f32
        %mul3A_3338 = vector.broadcast %mul3A_3337 : f32 to vector<16xf32>
        %mul3A_3339 = arith.mulf %sub3A_3336, %mul3A_3338 : vector<16xf32>
        %sub3A_3340 = arith.constant 2.500000e-01 : f32
        %sub3A_3341 = vector.broadcast %sub3A_3340 : f32 to vector<16xf32>
        %sub3A_3342 = arith.subf %sub3A_3341, %mul3A_3339 : vector<16xf32>
        %mul3A_3343 = arith.mulf %sub3A_3332, %sub3A_3342 : vector<16xf32>
        %mul3A_3344 = arith.mulf %get3A_3331, %mul3A_3343 : vector<16xf32>
        %get3A_3345 = arith.index_cast %rem3A_94 : i32 to index
        %get3A_3346 = arith.index_cast %add3A_3319 : i32 to index
        %get3A_3347 = arith.constant 16 : index
        %get3A_3348 = tpu.vector_load %arg13[%get3A_3345, %get3A_3346, %get3A_3347] {strides = array<i32>} : memref<2x128x128xf32, #tpu.memory_space<vmem>>, vector<16xf32>,
        %get3A_3349 = arith.index_cast %rem3A_94 : i32 to index
        %get3A_3350 = arith.index_cast %add3A_3319 : i32 to index
        %get3A_3351 = arith.constant 16 : index
        %get3A_3352 = tpu.vector_load %arg14[%get3A_3349, %get3A_3350, %get3A_3351] {strides = array<i32>} : memref<2x128x128xf32, #tpu.memory_space<vmem>>, vector<16xf32>,
        %get3A_3353 = arith.index_cast %rem3A_94 : i32 to index
        %get3A_3354 = arith.index_cast %add3A_3319 : i32 to index
        %get3A_3355 = arith.constant 16 : index
        %get3A_3356 = tpu.vector_load %arg15[%get3A_3353, %get3A_3354, %get3A_3355] {strides = array<i32>} : memref<2x128x128xf32, #tpu.memory_space<vmem>>, vector<16xf32>,
        %sub3A_3357 = arith.subf %get3A_3348, %get3A_3352 : vector<16xf32>
        %add3A_3358 = arith.addf %get3A_3348, %get3A_3352 : vector<16xf32>
        %mul3A_3359 = arith.mulf %add3A_3358, %add3A_3358 : vector<16xf32>
        %mul3A_3360 = arith.mulf %get3A_3348, %get3A_3352 : vector<16xf32>
        %sub3A_3361 = arith.subf %mul3A_3359, %mul3A_3360 : vector<16xf32>
        %mul3A_3362 = arith.constant 0.020833334 : f32
        %mul3A_3363 = vector.broadcast %mul3A_3362 : f32 to vector<16xf32>
        %mul3A_3364 = arith.mulf %sub3A_3361, %mul3A_3363 : vector<16xf32>
        %sub3A_3365 = arith.constant 2.500000e-01 : f32
        %sub3A_3366 = vector.broadcast %sub3A_3365 : f32 to vector<16xf32>
        %sub3A_3367 = arith.subf %sub3A_3366, %mul3A_3364 : vector<16xf32>
        %mul3A_3368 = arith.mulf %sub3A_3357, %sub3A_3367 : vector<16xf32>
        %mul3A_3369 = arith.mulf %get3A_3356, %mul3A_3368 : vector<16xf32>
        %get3A_3370 = arith.index_cast %rem3A_94 : i32 to index
        %get3A_3371 = arith.index_cast %add3A_3319 : i32 to index
        %get3A_3372 = arith.constant 32 : index
        %get3A_3373 = tpu.vector_load %arg13[%get3A_3370, %get3A_3371, %get3A_3372] {strides = array<i32>} : memref<2x128x128xf32, #tpu.memory_space<vmem>>, vector<16xf32>,
        %get3A_3374 = arith.index_cast %rem3A_94 : i32 to index
        %get3A_3375 = arith.index_cast %add3A_3319 : i32 to index
        %get3A_3376 = arith.constant 32 : index
        %get3A_3377 = tpu.vector_load %arg14[%get3A_3374, %get3A_3375, %get3A_3376] {strides = array<i32>} : memref<2x128x128xf32, #tpu.memory_space<vmem>>, vector<16xf32>,
        %get3A_3378 = arith.index_cast %rem3A_94 : i32 to index
        %get3A_3379 = arith.index_cast %add3A_3319 : i32 to index
        %get3A_3380 = arith.constant 32 : index
        %get3A_3381 = tpu.vector_load %arg15[%get3A_3378, %get3A_3379, %get3A_3380] {strides = array<i32>} : memref<2x128x128xf32, #tpu.memory_space<vmem>>, vector<16xf32>,
        %sub3A_3382 = arith.subf %get3A_3373, %get3A_3377 : vector<16xf32>
        %add3A_3383 = arith.addf %get3A_3373, %get3A_3377 : vector<16xf32>
        %mul3A_3384 = arith.mulf %add3A_3383, %add3A_3383 : vector<16xf32>
        %mul3A_3385 = arith.mulf %get3A_3373, %get3A_3377 : vector<16xf32>
        %sub3A_3386 = arith.subf %mul3A_3384, %mul3A_3385 : vector<16xf32>
        %mul3A_3387 = arith.constant 0.020833334 : f32
        %mul3A_3388 = vector.broadcast %mul3A_3387 : f32 to vector<16xf32>
        %mul3A_3389 = arith.mulf %sub3A_3386, %mul3A_3388 : vector<16xf32>
        %sub3A_3390 = arith.constant 2.500000e-01 : f32
        %sub3A_3391 = vector.broadcast %sub3A_3390 : f32 to vector<16xf32>
        %sub3A_3392 = arith.subf %sub3A_3391, %mul3A_3389 : vector<16xf32>
        %mul3A_3393 = arith.mulf %sub3A_3382, %sub3A_3392 : vector<16xf32>
        %mul3A_3394 = arith.mulf %get3A_3381, %mul3A_3393 : vector<16xf32>
        %get3A_3395 = arith.index_cast %rem3A_94 : i32 to index
        %get3A_3396 = arith.index_cast %add3A_3319 : i32 to index
        %get3A_3397 = arith.constant 48 : index
        %get3A_3398 = tpu.vector_load %arg13[%get3A_3395, %get3A_3396, %get3A_3397] {strides = array<i32>} : memref<2x128x128xf32, #tpu.memory_space<vmem>>, vector<16xf32>,
        %get3A_3399 = arith.index_cast %rem3A_94 : i32 to index
        %get3A_3400 = arith.index_cast %add3A_3319 : i32 to index
        %get3A_3401 = arith.constant 48 : index
        %get3A_3402 = tpu.vector_load %arg14[%get3A_3399, %get3A_3400, %get3A_3401] {strides = array<i32>} : memref<2x128x128xf32, #tpu.memory_space<vmem>>, vector<16xf32>,
        %get3A_3403 = arith.index_cast %rem3A_94 : i32 to index
        %get3A_3404 = arith.index_cast %add3A_3319 : i32 to index
        %get3A_3405 = arith.constant 48 : index
        %get3A_3406 = tpu.vector_load %arg15[%get3A_3403, %get3A_3404, %get3A_3405] {strides = array<i32>} : memref<2x128x128xf32, #tpu.memory_space<vmem>>, vector<16xf32>,
        %sub3A_3407 = arith.subf %get3A_3398, %get3A_3402 : vector<16xf32>
        %add3A_3408 = arith.addf %get3A_3398, %get3A_3402 : vector<16xf32>
        %mul3A_3409 = arith.mulf %add3A_3408, %add3A_3408 : vector<16xf32>
        %mul3A_3410 = arith.mulf %get3A_3398, %get3A_3402 : vector<16xf32>
        %sub3A_3411 = arith.subf %mul3A_3409, %mul3A_3410 : vector<16xf32>
        %mul3A_3412 = arith.constant 0.020833334 : f32
        %mul3A_3413 = vector.broadcast %mul3A_3412 : f32 to vector<16xf32>
        %mul3A_3414 = arith.mulf %sub3A_3411, %mul3A_3413 : vector<16xf32>
        %sub3A_3415 = arith.constant 2.500000e-01 : f32
        %sub3A_3416 = vector.broadcast %sub3A_3415 : f32 to vector<16xf32>
        %sub3A_3417 = arith.subf %sub3A_3416, %mul3A_3414 : vector<16xf32>
        %mul3A_3418 = arith.mulf %sub3A_3407, %sub3A_3417 : vector<16xf32>
        %mul3A_3419 = arith.mulf %get3A_3406, %mul3A_3418 : vector<16xf32>
        %get3A_3420 = arith.index_cast %rem3A_94 : i32 to index
        %get3A_3421 = arith.index_cast %add3A_3319 : i32 to index
        %get3A_3422 = arith.constant 64 : index
        %get3A_3423 = tpu.vector_load %arg13[%get3A_3420, %get3A_3421, %get3A_3422] {strides = array<i32>} : memref<2x128x128xf32, #tpu.memory_space<vmem>>, vector<16xf32>,
        %get3A_3424 = arith.index_cast %rem3A_94 : i32 to index
        %get3A_3425 = arith.index_cast %add3A_3319 : i32 to index
        %get3A_3426 = arith.constant 64 : index
        %get3A_3427 = tpu.vector_load %arg14[%get3A_3424, %get3A_3425, %get3A_3426] {strides = array<i32>} : memref<2x128x128xf32, #tpu.memory_space<vmem>>, vector<16xf32>,
        %get3A_3428 = arith.index_cast %rem3A_94 : i32 to index
        %get3A_3429 = arith.index_cast %add3A_3319 : i32 to index
        %get3A_3430 = arith.constant 64 : index
        %get3A_3431 = tpu.vector_load %arg15[%get3A_3428, %get3A_3429, %get3A_3430] {strides = array<i32>} : memref<2x128x128xf32, #tpu.memory_space<vmem>>, vector<16xf32>,
        %sub3A_3432 = arith.subf %get3A_3423, %get3A_3427 : vector<16xf32>
        %add3A_3433 = arith.addf %get3A_3423, %get3A_3427 : vector<16xf32>
        %mul3A_3434 = arith.mulf %add3A_3433, %add3A_3433 : vector<16xf32>
        %mul3A_3435 = arith.mulf %get3A_3423, %get3A_3427 : vector<16xf32>
        %sub3A_3436 = arith.subf %mul3A_3434, %mul3A_3435 : vector<16xf32>
        %mul3A_3437 = arith.constant 0.020833334 : f32
        %mul3A_3438 = vector.broadcast %mul3A_3437 : f32 to vector<16xf32>
        %mul3A_3439 = arith.mulf %sub3A_3436, %mul3A_3438 : vector<16xf32>
        %sub3A_3440 = arith.constant 2.500000e-01 : f32
        %sub3A_3441 = vector.broadcast %sub3A_3440 : f32 to vector<16xf32>
        %sub3A_3442 = arith.subf %sub3A_3441, %mul3A_3439 : vector<16xf32>
        %mul3A_3443 = arith.mulf %sub3A_3432, %sub3A_3442 : vector<16xf32>
        %mul3A_3444 = arith.mulf %get3A_3431, %mul3A_3443 : vector<16xf32>
        %get3A_3445 = arith.index_cast %rem3A_94 : i32 to index
        %get3A_3446 = arith.index_cast %add3A_3319 : i32 to index
        %get3A_3447 = arith.constant 80 : index
        %get3A_3448 = tpu.vector_load %arg13[%get3A_3445, %get3A_3446, %get3A_3447] {strides = array<i32>} : memref<2x128x128xf32, #tpu.memory_space<vmem>>, vector<16xf32>,
        %get3A_3449 = arith.index_cast %rem3A_94 : i32 to index
        %get3A_3450 = arith.index_cast %add3A_3319 : i32 to index
        %get3A_3451 = arith.constant 80 : index
        %get3A_3452 = tpu.vector_load %arg14[%get3A_3449, %get3A_3450, %get3A_3451] {strides = array<i32>} : memref<2x128x128xf32, #tpu.memory_space<vmem>>, vector<16xf32>,
        %get3A_3453 = arith.index_cast %rem3A_94 : i32 to index
        %get3A_3454 = arith.index_cast %add3A_3319 : i32 to index
        %get3A_3455 = arith.constant 80 : index
        %get3A_3456 = tpu.vector_load %arg15[%get3A_3453, %get3A_3454, %get3A_3455] {strides = array<i32>} : memref<2x128x128xf32, #tpu.memory_space<vmem>>, vector<16xf32>,
        %sub3A_3457 = arith.subf %get3A_3448, %get3A_3452 : vector<16xf32>
        %add3A_3458 = arith.addf %get3A_3448, %get3A_3452 : vector<16xf32>
        %mul3A_3459 = arith.mulf %add3A_3458, %add3A_3458 : vector<16xf32>
        %mul3A_3460 = arith.mulf %get3A_3448, %get3A_3452 : vector<16xf32>
        %sub3A_3461 = arith.subf %mul3A_3459, %mul3A_3460 : vector<16xf32>
        %mul3A_3462 = arith.constant 0.020833334 : f32
        %mul3A_3463 = vector.broadcast %mul3A_3462 : f32 to vector<16xf32>
        %mul3A_3464 = arith.mulf %sub3A_3461, %mul3A_3463 : vector<16xf32>
        %sub3A_3465 = arith.constant 2.500000e-01 : f32
        %sub3A_3466 = vector.broadcast %sub3A_3465 : f32 to vector<16xf32>
        %sub3A_3467 = arith.subf %sub3A_3466, %mul3A_3464 : vector<16xf32>
        %mul3A_3468 = arith.mulf %sub3A_3457, %sub3A_3467 : vector<16xf32>
        %mul3A_3469 = arith.mulf %get3A_3456, %mul3A_3468 : vector<16xf32>
        %get3A_3470 = arith.index_cast %rem3A_94 : i32 to index
        %get3A_3471 = arith.index_cast %add3A_3319 : i32 to index
        %get3A_3472 = arith.constant 96 : index
        %get3A_3473 = tpu.vector_load %arg13[%get3A_3470, %get3A_3471, %get3A_3472] {strides = array<i32>} : memref<2x128x128xf32, #tpu.memory_space<vmem>>, vector<16xf32>,
        %get3A_3474 = arith.index_cast %rem3A_94 : i32 to index
        %get3A_3475 = arith.index_cast %add3A_3319 : i32 to index
        %get3A_3476 = arith.constant 96 : index
        %get3A_3477 = tpu.vector_load %arg14[%get3A_3474, %get3A_3475, %get3A_3476] {strides = array<i32>} : memref<2x128x128xf32, #tpu.memory_space<vmem>>, vector<16xf32>,
        %get3A_3478 = arith.index_cast %rem3A_94 : i32 to index
        %get3A_3479 = arith.index_cast %add3A_3319 : i32 to index
        %get3A_3480 = arith.constant 96 : index
        %get3A_3481 = tpu.vector_load %arg15[%get3A_3478, %get3A_3479, %get3A_3480] {strides = array<i32>} : memref<2x128x128xf32, #tpu.memory_space<vmem>>, vector<16xf32>,
        %sub3A_3482 = arith.subf %get3A_3473, %get3A_3477 : vector<16xf32>
        %add3A_3483 = arith.addf %get3A_3473, %get3A_3477 : vector<16xf32>
        %mul3A_3484 = arith.mulf %add3A_3483, %add3A_3483 : vector<16xf32>
        %mul3A_3485 = arith.mulf %get3A_3473, %get3A_3477 : vector<16xf32>
        %sub3A_3486 = arith.subf %mul3A_3484, %mul3A_3485 : vector<16xf32>
        %mul3A_3487 = arith.constant 0.020833334 : f32
        %mul3A_3488 = vector.broadcast %mul3A_3487 : f32 to vector<16xf32>
        %mul3A_3489 = arith.mulf %sub3A_3486, %mul3A_3488 : vector<16xf32>
        %sub3A_3490 = arith.constant 2.500000e-01 : f32
        %sub3A_3491 = vector.broadcast %sub3A_3490 : f32 to vector<16xf32>
        %sub3A_3492 = arith.subf %sub3A_3491, %mul3A_3489 : vector<16xf32>
        %mul3A_3493 = arith.mulf %sub3A_3482, %sub3A_3492 : vector<16xf32>
        %mul3A_3494 = arith.mulf %get3A_3481, %mul3A_3493 : vector<16xf32>
        %get3A_3495 = arith.index_cast %rem3A_94 : i32 to index
        %get3A_3496 = arith.index_cast %add3A_3319 : i32 to index
        %get3A_3497 = arith.constant 112 : index
        %get3A_3498 = tpu.vector_load %arg13[%get3A_3495, %get3A_3496, %get3A_3497] {strides = array<i32>} : memref<2x128x128xf32, #tpu.memory_space<vmem>>, vector<16xf32>,
        %get3A_3499 = arith.index_cast %rem3A_94 : i32 to index
        %get3A_3500 = arith.index_cast %add3A_3319 : i32 to index
        %get3A_3501 = arith.constant 112 : index
        %get3A_3502 = tpu.vector_load %arg14[%get3A_3499, %get3A_3500, %get3A_3501] {strides = array<i32>} : memref<2x128x128xf32, #tpu.memory_space<vmem>>, vector<16xf32>,
        %get3A_3503 = arith.index_cast %rem3A_94 : i32 to index
        %get3A_3504 = arith.index_cast %add3A_3319 : i32 to index
        %get3A_3505 = arith.constant 112 : index
        %get3A_3506 = tpu.vector_load %arg15[%get3A_3503, %get3A_3504, %get3A_3505] {strides = array<i32>} : memref<2x128x128xf32, #tpu.memory_space<vmem>>, vector<16xf32>,
        %sub3A_3507 = arith.subf %get3A_3498, %get3A_3502 : vector<16xf32>
        %add3A_3508 = arith.addf %get3A_3498, %get3A_3502 : vector<16xf32>
        %mul3A_3509 = arith.mulf %add3A_3508, %add3A_3508 : vector<16xf32>
        %mul3A_3510 = arith.mulf %get3A_3498, %get3A_3502 : vector<16xf32>
        %sub3A_3511 = arith.subf %mul3A_3509, %mul3A_3510 : vector<16xf32>
        %mul3A_3512 = arith.constant 0.020833334 : f32
        %mul3A_3513 = vector.broadcast %mul3A_3512 : f32 to vector<16xf32>
        %mul3A_3514 = arith.mulf %sub3A_3511, %mul3A_3513 : vector<16xf32>
        %sub3A_3515 = arith.constant 2.500000e-01 : f32
        %sub3A_3516 = vector.broadcast %sub3A_3515 : f32 to vector<16xf32>
        %sub3A_3517 = arith.subf %sub3A_3516, %mul3A_3514 : vector<16xf32>
        %mul3A_3518 = arith.mulf %sub3A_3507, %sub3A_3517 : vector<16xf32>
        %mul3A_3519 = arith.mulf %get3A_3506, %mul3A_3518 : vector<16xf32>
        %add3A_3520 = arith.addf %mul3A_3344, %mul3A_3369 : vector<16xf32>
        %add3A_3521 = arith.addf %mul3A_3394, %mul3A_3419 : vector<16xf32>
        %add3A_3522 = arith.addf %mul3A_3444, %mul3A_3469 : vector<16xf32>
        %add3A_3523 = arith.addf %mul3A_3494, %mul3A_3519 : vector<16xf32>
        %add3A_3524 = arith.addf %add3A_3520, %add3A_3521 : vector<16xf32>
        %add3A_3525 = arith.addf %add3A_3522, %add3A_3523 : vector<16xf32>
        %add3A_3526 = arith.addf %add3A_3524, %add3A_3525 : vector<16xf32>
        %broadcast_in_dim3A = vector.shape_cast %xor3A_2 : vector<16xi32> to vector<16x1xi32>
        %gather3A = vector.shape_cast %broadcast_in_dim3A : vector<16x1xi32> to vector<16xi32>
        %gather3A_3527 = tpu.dynamic_gather %add3A_572[%gather3A] in [0] : vector<16xf32>, vector<16xi32> -> vector<16xf32>
        %select_n3A = arith.select %ne3A_15, %gather3A_3527, %add3A_361 : vector<16xi1>, vector<16xf32>
        %broadcast_in_dim3A_3528 = vector.shape_cast %xor3A_2 : vector<16xi32> to vector<16x1xi32>
        %gather3A_3529 = vector.shape_cast %broadcast_in_dim3A_3528 : vector<16x1xi32> to vector<16xi32>
        %gather3A_3530 = tpu.dynamic_gather %add3A_361[%gather3A_3529] in [0] : vector<16xf32>, vector<16xi32> -> vector<16xf32>
        %select_n3A_3531 = arith.select %ne3A_15, %add3A_572, %gather3A_3530 : vector<16xi1>, vector<16xf32>
        %add3A_3532 = arith.addf %select_n3A, %select_n3A_3531 : vector<16xf32>
        %broadcast_in_dim3A_3533 = vector.shape_cast %xor3A_2 : vector<16xi32> to vector<16x1xi32>
        %gather3A_3534 = vector.shape_cast %broadcast_in_dim3A_3533 : vector<16x1xi32> to vector<16xi32>
        %gather3A_3535 = tpu.dynamic_gather %add3A_994[%gather3A_3534] in [0] : vector<16xf32>, vector<16xi32> -> vector<16xf32>
        %select_n3A_3536 = arith.select %ne3A_15, %gather3A_3535, %add3A_783 : vector<16xi1>, vector<16xf32>
        %broadcast_in_dim3A_3537 = vector.shape_cast %xor3A_2 : vector<16xi32> to vector<16x1xi32>
        %gather3A_3538 = vector.shape_cast %broadcast_in_dim3A_3537 : vector<16x1xi32> to vector<16xi32>
        %gather3A_3539 = tpu.dynamic_gather %add3A_783[%gather3A_3538] in [0] : vector<16xf32>, vector<16xi32> -> vector<16xf32>
        %select_n3A_3540 = arith.select %ne3A_15, %add3A_994, %gather3A_3539 : vector<16xi1>, vector<16xf32>
        %add3A_3541 = arith.addf %select_n3A_3536, %select_n3A_3540 : vector<16xf32>
        %broadcast_in_dim3A_3542 = vector.shape_cast %xor3A_2 : vector<16xi32> to vector<16x1xi32>
        %gather3A_3543 = vector.shape_cast %broadcast_in_dim3A_3542 : vector<16x1xi32> to vector<16xi32>
        %gather3A_3544 = tpu.dynamic_gather %add3A_1416[%gather3A_3543] in [0] : vector<16xf32>, vector<16xi32> -> vector<16xf32>
        %select_n3A_3545 = arith.select %ne3A_15, %gather3A_3544, %add3A_1205 : vector<16xi1>, vector<16xf32>
        %broadcast_in_dim3A_3546 = vector.shape_cast %xor3A_2 : vector<16xi32> to vector<16x1xi32>
        %gather3A_3547 = vector.shape_cast %broadcast_in_dim3A_3546 : vector<16x1xi32> to vector<16xi32>
        %gather3A_3548 = tpu.dynamic_gather %add3A_1205[%gather3A_3547] in [0] : vector<16xf32>, vector<16xi32> -> vector<16xf32>
        %select_n3A_3549 = arith.select %ne3A_15, %add3A_1416, %gather3A_3548 : vector<16xi1>, vector<16xf32>
        %add3A_3550 = arith.addf %select_n3A_3545, %select_n3A_3549 : vector<16xf32>
        %broadcast_in_dim3A_3551 = vector.shape_cast %xor3A_2 : vector<16xi32> to vector<16x1xi32>
        %gather3A_3552 = vector.shape_cast %broadcast_in_dim3A_3551 : vector<16x1xi32> to vector<16xi32>
        %gather3A_3553 = tpu.dynamic_gather %add3A_1838[%gather3A_3552] in [0] : vector<16xf32>, vector<16xi32> -> vector<16xf32>
        %select_n3A_3554 = arith.select %ne3A_15, %gather3A_3553, %add3A_1627 : vector<16xi1>, vector<16xf32>
        %broadcast_in_dim3A_3555 = vector.shape_cast %xor3A_2 : vector<16xi32> to vector<16x1xi32>
        %gather3A_3556 = vector.shape_cast %broadcast_in_dim3A_3555 : vector<16x1xi32> to vector<16xi32>
        %gather3A_3557 = tpu.dynamic_gather %add3A_1627[%gather3A_3556] in [0] : vector<16xf32>, vector<16xi32> -> vector<16xf32>
        %select_n3A_3558 = arith.select %ne3A_15, %add3A_1838, %gather3A_3557 : vector<16xi1>, vector<16xf32>
        %add3A_3559 = arith.addf %select_n3A_3554, %select_n3A_3558 : vector<16xf32>
        %broadcast_in_dim3A_3560 = vector.shape_cast %xor3A_2 : vector<16xi32> to vector<16x1xi32>
        %gather3A_3561 = vector.shape_cast %broadcast_in_dim3A_3560 : vector<16x1xi32> to vector<16xi32>
        %gather3A_3562 = tpu.dynamic_gather %add3A_2260[%gather3A_3561] in [0] : vector<16xf32>, vector<16xi32> -> vector<16xf32>
        %select_n3A_3563 = arith.select %ne3A_15, %gather3A_3562, %add3A_2049 : vector<16xi1>, vector<16xf32>
        %broadcast_in_dim3A_3564 = vector.shape_cast %xor3A_2 : vector<16xi32> to vector<16x1xi32>
        %gather3A_3565 = vector.shape_cast %broadcast_in_dim3A_3564 : vector<16x1xi32> to vector<16xi32>
        %gather3A_3566 = tpu.dynamic_gather %add3A_2049[%gather3A_3565] in [0] : vector<16xf32>, vector<16xi32> -> vector<16xf32>
        %select_n3A_3567 = arith.select %ne3A_15, %add3A_2260, %gather3A_3566 : vector<16xi1>, vector<16xf32>
        %add3A_3568 = arith.addf %select_n3A_3563, %select_n3A_3567 : vector<16xf32>
        %broadcast_in_dim3A_3569 = vector.shape_cast %xor3A_2 : vector<16xi32> to vector<16x1xi32>
        %gather3A_3570 = vector.shape_cast %broadcast_in_dim3A_3569 : vector<16x1xi32> to vector<16xi32>
        %gather3A_3571 = tpu.dynamic_gather %add3A_2682[%gather3A_3570] in [0] : vector<16xf32>, vector<16xi32> -> vector<16xf32>
        %select_n3A_3572 = arith.select %ne3A_15, %gather3A_3571, %add3A_2471 : vector<16xi1>, vector<16xf32>
        %broadcast_in_dim3A_3573 = vector.shape_cast %xor3A_2 : vector<16xi32> to vector<16x1xi32>
        %gather3A_3574 = vector.shape_cast %broadcast_in_dim3A_3573 : vector<16x1xi32> to vector<16xi32>
        %gather3A_3575 = tpu.dynamic_gather %add3A_2471[%gather3A_3574] in [0] : vector<16xf32>, vector<16xi32> -> vector<16xf32>
        %select_n3A_3576 = arith.select %ne3A_15, %add3A_2682, %gather3A_3575 : vector<16xi1>, vector<16xf32>
        %add3A_3577 = arith.addf %select_n3A_3572, %select_n3A_3576 : vector<16xf32>
        %broadcast_in_dim3A_3578 = vector.shape_cast %xor3A_2 : vector<16xi32> to vector<16x1xi32>
        %gather3A_3579 = vector.shape_cast %broadcast_in_dim3A_3578 : vector<16x1xi32> to vector<16xi32>
        %gather3A_3580 = tpu.dynamic_gather %add3A_3104[%gather3A_3579] in [0] : vector<16xf32>, vector<16xi32> -> vector<16xf32>
        %select_n3A_3581 = arith.select %ne3A_15, %gather3A_3580, %add3A_2893 : vector<16xi1>, vector<16xf32>
        %broadcast_in_dim3A_3582 = vector.shape_cast %xor3A_2 : vector<16xi32> to vector<16x1xi32>
        %gather3A_3583 = vector.shape_cast %broadcast_in_dim3A_3582 : vector<16x1xi32> to vector<16xi32>
        %gather3A_3584 = tpu.dynamic_gather %add3A_2893[%gather3A_3583] in [0] : vector<16xf32>, vector<16xi32> -> vector<16xf32>
        %select_n3A_3585 = arith.select %ne3A_15, %add3A_3104, %gather3A_3584 : vector<16xi1>, vector<16xf32>
        %add3A_3586 = arith.addf %select_n3A_3581, %select_n3A_3585 : vector<16xf32>
        %broadcast_in_dim3A_3587 = vector.shape_cast %xor3A_2 : vector<16xi32> to vector<16x1xi32>
        %gather3A_3588 = vector.shape_cast %broadcast_in_dim3A_3587 : vector<16x1xi32> to vector<16xi32>
        %gather3A_3589 = tpu.dynamic_gather %add3A_3526[%gather3A_3588] in [0] : vector<16xf32>, vector<16xi32> -> vector<16xf32>
        %select_n3A_3590 = arith.select %ne3A_15, %gather3A_3589, %add3A_3315 : vector<16xi1>, vector<16xf32>
        %broadcast_in_dim3A_3591 = vector.shape_cast %xor3A_2 : vector<16xi32> to vector<16x1xi32>
        %gather3A_3592 = vector.shape_cast %broadcast_in_dim3A_3591 : vector<16x1xi32> to vector<16xi32>
        %gather3A_3593 = tpu.dynamic_gather %add3A_3315[%gather3A_3592] in [0] : vector<16xf32>, vector<16xi32> -> vector<16xf32>
        %select_n3A_3594 = arith.select %ne3A_15, %add3A_3526, %gather3A_3593 : vector<16xi1>, vector<16xf32>
        %add3A_3595 = arith.addf %select_n3A_3590, %select_n3A_3594 : vector<16xf32>
        %broadcast_in_dim3A_3596 = vector.shape_cast %xor3A_5 : vector<16xi32> to vector<16x1xi32>
        %gather3A_3597 = vector.shape_cast %broadcast_in_dim3A_3596 : vector<16x1xi32> to vector<16xi32>
        %gather3A_3598 = tpu.dynamic_gather %add3A_3541[%gather3A_3597] in [0] : vector<16xf32>, vector<16xi32> -> vector<16xf32>
        %select_n3A_3599 = arith.select %ne3A_21, %gather3A_3598, %add3A_3532 : vector<16xi1>, vector<16xf32>
        %broadcast_in_dim3A_3600 = vector.shape_cast %xor3A_5 : vector<16xi32> to vector<16x1xi32>
        %gather3A_3601 = vector.shape_cast %broadcast_in_dim3A_3600 : vector<16x1xi32> to vector<16xi32>
        %gather3A_3602 = tpu.dynamic_gather %add3A_3532[%gather3A_3601] in [0] : vector<16xf32>, vector<16xi32> -> vector<16xf32>
        %select_n3A_3603 = arith.select %ne3A_21, %add3A_3541, %gather3A_3602 : vector<16xi1>, vector<16xf32>
        %add3A_3604 = arith.addf %select_n3A_3599, %select_n3A_3603 : vector<16xf32>
        %broadcast_in_dim3A_3605 = vector.shape_cast %xor3A_5 : vector<16xi32> to vector<16x1xi32>
        %gather3A_3606 = vector.shape_cast %broadcast_in_dim3A_3605 : vector<16x1xi32> to vector<16xi32>
        %gather3A_3607 = tpu.dynamic_gather %add3A_3559[%gather3A_3606] in [0] : vector<16xf32>, vector<16xi32> -> vector<16xf32>
        %select_n3A_3608 = arith.select %ne3A_21, %gather3A_3607, %add3A_3550 : vector<16xi1>, vector<16xf32>
        %broadcast_in_dim3A_3609 = vector.shape_cast %xor3A_5 : vector<16xi32> to vector<16x1xi32>
        %gather3A_3610 = vector.shape_cast %broadcast_in_dim3A_3609 : vector<16x1xi32> to vector<16xi32>
        %gather3A_3611 = tpu.dynamic_gather %add3A_3550[%gather3A_3610] in [0] : vector<16xf32>, vector<16xi32> -> vector<16xf32>
        %select_n3A_3612 = arith.select %ne3A_21, %add3A_3559, %gather3A_3611 : vector<16xi1>, vector<16xf32>
        %add3A_3613 = arith.addf %select_n3A_3608, %select_n3A_3612 : vector<16xf32>
        %broadcast_in_dim3A_3614 = vector.shape_cast %xor3A_5 : vector<16xi32> to vector<16x1xi32>
        %gather3A_3615 = vector.shape_cast %broadcast_in_dim3A_3614 : vector<16x1xi32> to vector<16xi32>
        %gather3A_3616 = tpu.dynamic_gather %add3A_3577[%gather3A_3615] in [0] : vector<16xf32>, vector<16xi32> -> vector<16xf32>
        %select_n3A_3617 = arith.select %ne3A_21, %gather3A_3616, %add3A_3568 : vector<16xi1>, vector<16xf32>
        %broadcast_in_dim3A_3618 = vector.shape_cast %xor3A_5 : vector<16xi32> to vector<16x1xi32>
        %gather3A_3619 = vector.shape_cast %broadcast_in_dim3A_3618 : vector<16x1xi32> to vector<16xi32>
        %gather3A_3620 = tpu.dynamic_gather %add3A_3568[%gather3A_3619] in [0] : vector<16xf32>, vector<16xi32> -> vector<16xf32>
        %select_n3A_3621 = arith.select %ne3A_21, %add3A_3577, %gather3A_3620 : vector<16xi1>, vector<16xf32>
        %add3A_3622 = arith.addf %select_n3A_3617, %select_n3A_3621 : vector<16xf32>
        %broadcast_in_dim3A_3623 = vector.shape_cast %xor3A_5 : vector<16xi32> to vector<16x1xi32>
        %gather3A_3624 = vector.shape_cast %broadcast_in_dim3A_3623 : vector<16x1xi32> to vector<16xi32>
        %gather3A_3625 = tpu.dynamic_gather %add3A_3595[%gather3A_3624] in [0] : vector<16xf32>, vector<16xi32> -> vector<16xf32>
        %select_n3A_3626 = arith.select %ne3A_21, %gather3A_3625, %add3A_3586 : vector<16xi1>, vector<16xf32>
        %broadcast_in_dim3A_3627 = vector.shape_cast %xor3A_5 : vector<16xi32> to vector<16x1xi32>
        %gather3A_3628 = vector.shape_cast %broadcast_in_dim3A_3627 : vector<16x1xi32> to vector<16xi32>
        %gather3A_3629 = tpu.dynamic_gather %add3A_3586[%gather3A_3628] in [0] : vector<16xf32>, vector<16xi32> -> vector<16xf32>
        %select_n3A_3630 = arith.select %ne3A_21, %add3A_3595, %gather3A_3629 : vector<16xi1>, vector<16xf32>
        %add3A_3631 = arith.addf %select_n3A_3626, %select_n3A_3630 : vector<16xf32>
        %broadcast_in_dim3A_3632 = vector.shape_cast %xor3A_8 : vector<16xi32> to vector<16x1xi32>
        %gather3A_3633 = vector.shape_cast %broadcast_in_dim3A_3632 : vector<16x1xi32> to vector<16xi32>
        %gather3A_3634 = tpu.dynamic_gather %add3A_3613[%gather3A_3633] in [0] : vector<16xf32>, vector<16xi32> -> vector<16xf32>
        %select_n3A_3635 = arith.select %ne3A_27, %gather3A_3634, %add3A_3604 : vector<16xi1>, vector<16xf32>
        %broadcast_in_dim3A_3636 = vector.shape_cast %xor3A_8 : vector<16xi32> to vector<16x1xi32>
        %gather3A_3637 = vector.shape_cast %broadcast_in_dim3A_3636 : vector<16x1xi32> to vector<16xi32>
        %gather3A_3638 = tpu.dynamic_gather %add3A_3604[%gather3A_3637] in [0] : vector<16xf32>, vector<16xi32> -> vector<16xf32>
        %select_n3A_3639 = arith.select %ne3A_27, %add3A_3613, %gather3A_3638 : vector<16xi1>, vector<16xf32>
        %add3A_3640 = arith.addf %select_n3A_3635, %select_n3A_3639 : vector<16xf32>
        %broadcast_in_dim3A_3641 = vector.shape_cast %xor3A_8 : vector<16xi32> to vector<16x1xi32>
        %gather3A_3642 = vector.shape_cast %broadcast_in_dim3A_3641 : vector<16x1xi32> to vector<16xi32>
        %gather3A_3643 = tpu.dynamic_gather %add3A_3631[%gather3A_3642] in [0] : vector<16xf32>, vector<16xi32> -> vector<16xf32>
        %select_n3A_3644 = arith.select %ne3A_27, %gather3A_3643, %add3A_3622 : vector<16xi1>, vector<16xf32>
        %broadcast_in_dim3A_3645 = vector.shape_cast %xor3A_8 : vector<16xi32> to vector<16x1xi32>
        %gather3A_3646 = vector.shape_cast %broadcast_in_dim3A_3645 : vector<16x1xi32> to vector<16xi32>
        %gather3A_3647 = tpu.dynamic_gather %add3A_3622[%gather3A_3646] in [0] : vector<16xf32>, vector<16xi32> -> vector<16xf32>
        %select_n3A_3648 = arith.select %ne3A_27, %add3A_3631, %gather3A_3647 : vector<16xi1>, vector<16xf32>
        %add3A_3649 = arith.addf %select_n3A_3644, %select_n3A_3648 : vector<16xf32>
        %broadcast_in_dim3A_3650 = vector.shape_cast %xor3A_11 : vector<16xi32> to vector<16x1xi32>
        %gather3A_3651 = vector.shape_cast %broadcast_in_dim3A_3650 : vector<16x1xi32> to vector<16xi32>
        %gather3A_3652 = tpu.dynamic_gather %add3A_3649[%gather3A_3651] in [0] : vector<16xf32>, vector<16xi32> -> vector<16xf32>
        %select_n3A_3653 = arith.select %ne3A_33, %gather3A_3652, %add3A_3640 : vector<16xi1>, vector<16xf32>
        %broadcast_in_dim3A_3654 = vector.shape_cast %xor3A_11 : vector<16xi32> to vector<16x1xi32>
        %gather3A_3655 = vector.shape_cast %broadcast_in_dim3A_3654 : vector<16x1xi32> to vector<16xi32>
        %gather3A_3656 = tpu.dynamic_gather %add3A_3640[%gather3A_3655] in [0] : vector<16xf32>, vector<16xi32> -> vector<16xf32>
        %select_n3A_3657 = arith.select %ne3A_33, %add3A_3649, %gather3A_3656 : vector<16xi1>, vector<16xf32>
        %add3A_3658 = arith.addf %select_n3A_3653, %select_n3A_3657 : vector<16xf32>
        %mul3A_3659 = arith.constant 128 : i32
        %mul3A_3660 = arith.muli %scan3A_93, %mul3A_3659 : i32
        %mul3A_3661 = arith.constant 16 : i32
        %mul3A_3662 = arith.muli %scan3A_152, %mul3A_3661 : i32
        %add3A_3663 = arith.addi %mul3A_3660, %mul3A_3662 : i32
        %get3A_3664 = arith.index_cast %add3A_3663 : i32 to index
        %get3A_3665 = tpu.vector_load %arg11[%get3A_3664] {strides = array<i32>} : memref<512xf32, #tpu.memory_space<vmem>>, vector<16xf32>,
        %neg3A = arith.constant 0.000000e+00 : f32
        %neg3A_3666 = vector.broadcast %neg3A : f32 to vector<16xf32>
        %neg3A_3667 = arith.subf %neg3A_3666, %get3A_3665 : vector<16xf32>
        %exp3A = math.exp %neg3A_3667 : vector<16xf32>
        %add3A_3668 = arith.constant 1.000000e+00 : f32
        %add3A_3669 = vector.broadcast %add3A_3668 : f32 to vector<16xf32>
        %add3A_3670 = arith.addf %add3A_3669, %exp3A : vector<16xf32>
        %div3A = arith.constant 1.000000e+00 : f32
        %div3A_3671 = vector.broadcast %div3A : f32 to vector<16xf32>
        %div3A_3672 = arith.divf %div3A_3671, %add3A_3670 : vector<16xf32>
        %mul3A_3673 = arith.mulf %div3A_3672, %add3A_3658 : vector<16xf32>
        %neg3A_3674 = arith.constant 0.000000e+00 : f32
        %neg3A_3675 = vector.broadcast %neg3A_3674 : f32 to vector<16xf32>
        %neg3A_3676 = arith.subf %neg3A_3675, %mul3A_3673 : vector<16xf32>
        %exp3A_3677 = math.exp %neg3A_3676 : vector<16xf32>
        %add3A_3678 = arith.constant 1.000000e+00 : f32
        %add3A_3679 = vector.broadcast %add3A_3678 : f32 to vector<16xf32>
        %add3A_3680 = arith.addf %add3A_3679, %exp3A_3677 : vector<16xf32>
        %div3A_3681 = arith.constant 1.000000e+00 : f32
        %div3A_3682 = vector.broadcast %div3A_3681 : f32 to vector<16xf32>
        %div3A_3683 = arith.divf %div3A_3682, %add3A_3680 : vector<16xf32>
        %mul3A_3684 = arith.constant 16 : i32
        %mul3A_3685 = arith.muli %scan3A_152, %mul3A_3684 : i32
        %swap3A = arith.index_cast %mul3A_3685 : i32 to index
        %swap3A_3686 = tpu.vector_load %arg16[%swap3A] {strides = array<i32>} : memref<128xf32, #tpu.memory_space<vmem>>, vector<16xf32>,
        tpu.vector_store %arg16[%swap3A], %div3A_3683 {strides = array<i32>} : memref<128xf32, #tpu.memory_space<vmem>>, vector<16xf32>,
      }
      %scan3A_146 = arith.constant 8 : i32
      %mul3A_147 = arith.constant 512 : i32
      %mul3A_148 = arith.muli %add3A, %mul3A_147 : i32
      %mul3A_149 = arith.constant 128 : i32
      %mul3A_150 = arith.muli %scan3A_93, %mul3A_149 : i32
      %add3A_151 = arith.addi %mul3A_148, %mul3A_150 : i32
      "tpu.region"() ({
        %run_scoped3A = tpu.sem_alloc : memref<!tpu.dma_semaphore, #tpu.memory_space<semaphore_mem>>
        %dma_start3A_152 = tpu.memref_slice %arg8[%add3A_151] : memref<16384xf32, #tpu.memory_space<hbm>> -> memref<128xf32, #tpu.memory_space<hbm>>
        %dma_start3A_153 = tpu.memref_slice %arg8[%add3A_151] : memref<16384xf32, #tpu.memory_space<hbm>> -> memref<128xf32, #tpu.memory_space<hbm>>
        tpu.enqueue_dma source(%arg16 : memref<128xf32, #tpu.memory_space<vmem>>) target(%dma_start3A_153 : memref<128xf32, #tpu.memory_space<hbm>>) target_semaphore(%run_scoped3A : memref<!tpu.dma_semaphore, #tpu.memory_space<semaphore_mem>>)
        %dma_wait3A_154 = tpu.memref_slice %arg8[%add3A_151] : memref<16384xf32, #tpu.memory_space<hbm>> -> memref<128xf32, #tpu.memory_space<hbm>>
        %dma_wait3A_155 = tpu.memref_slice %arg8[%add3A_151] : memref<16384xf32, #tpu.memory_space<hbm>> -> memref<128xf32, #tpu.memory_space<hbm>>
        tpu.wait_dma2 semaphore(%run_scoped3A : memref<!tpu.dma_semaphore, #tpu.memory_space<semaphore_mem>>) src(%arg16 : memref<128xf32, #tpu.memory_space<vmem>>) dst(%dma_wait3A_155 : memref<128xf32, #tpu.memory_space<hbm>>)
        tpu.yield
      }) : () -> ()
    }
    %scan3A_92 = arith.constant 4 : i32
    return
  }
}

</mosaic_0001>

<sc_bundles>
// kernel: kernel.3.cloned.1.call-start
scs
__scs_entry_jumppad:
0x0: {  	(pc) =	sbr.rel $0x88, $3  }
0x1: {  	(tag) =	ssettag $0x0;
	lr =	simm.s32 $0x1  }
0x2: {  	[smem:$0x3F9B] =	sst lr;
	_ =	strace $0xD0000000  }
0x3: {  	_ = 	snop  }
0x4: {  	_ = 	snop  }
0x5: {  	_ = 	snop  }
0x6: {  	_ = 	snop  }
0x7: {  	_ = 	snop  }
__scs_overlays_trampoline_lowered:
0x8: {  	[smem:$0x3FAA] =	sst s0  }
0x9: {  	[smem:$0x3FAB] =	sst s1  }
0xa: {  	[smem:$0x3FAC] =	sst s2  }
0xb: {  	[smem:$0x3FAD] =	sst s3  }
0xc: {  	[smem:$0x3FAE] =	sst s4  }
0xd: {  	[smem:$0x3FAF] =	sst s5  }
0xe: {  	[smem:$0x3FB0] =	sst s6  }
0xf: {  	[smem:$0x3FB1] =	sst s7  }
0x10: {  	[smem:$0x3FB2] =	sst s8  }
0x11: {  	[smem:$0x3FB3] =	sst s9;
	s0 =	simm.s32 @!p0 $0x0  }
0x12: {  	s1 =	sld [smem:$0x3F99];
	s0 =	simm.s32 @p0 $0x1  }
0x13: {  	[smem:$0x3FB4] =	sst s0;
	s0 =	simm.s32 @!p1 $0x0  }
0x14: {  	s2 =	sld [smem:$0x3F98];
	s0 =	simm.s32 @p1 $0x1  }
0x15: {  	[smem:$0x3FB5] =	sst s0;
	s0 =	simm.s32 @!p2 $0x0  }
0x16: {  	s3 =	sld [smem:$0x3FDB];
	s0 =	simm.s32 @p2 $0x1  }
0x17: {  	s4 =	simm.s32 $0x1BF5;
	[smem:$0x3FB7] =	sst s0  }
0x18: {  	s0 =	sld [smem:$0x3F9A];
	_ =	swait.ge [sflag:s4], $0x0  }
0x19: {  	s7 =	sld [smem:$0x3F9B]  }
0x1a: {  	s8 =	sadd.s32 $0xFFFFE003, lr  }
0x1b: {  	s9 =	sadd.s32 $0xFFFFFEF7, lr;
	s5 =	simm.s32 $0xFFFFFFFF;
	p2 =	slt.u32 s8, $0xFFFFF086  }
0x1c: {  	p1 =	slt.u32 s9, $0xF7A;
	s5 =	simm.s32 @!p2 $0x0  }
0x1d: {  	s5 =	simm.s32 @p1 $0x1;
	p0 =	seq.s32 s7, s2  }
0x1e: {  	s7 =	smul.u32 @!p0 $0xF7A, s2;
	p2 =	seq.s32 @!p0 s5, $0x0  }
0x1f: {  	s9 =	smul.u32 $0xF7A, s1;
	s8 =	simm.s32 @!p0 $0x1BF5;
	p2 =	por !p2, p0  }
0x20: {  	[sflag:s8] =	ssyncset.s32 @!p0 $0xFFFFF086;
	s6 =	sadd.s32 @!p0 s3, s7;
	s7 =	simm.s32 @!p0 $0x108  }
0x21: {  	s3 =	sadd.s32 s3, s9;
	s6 =	sadd.s32 @!p0 $0x88, s6;
	s7 =	simm.s32 @p2 $0x1082  }
0x22: {  	[simem:s7], [sflag:s8] =	dma.local @!p0 [hbm:s6], $0xF7A  }
0x23: {  	s9 =	sor.u32 $0xD0000000, s2;
	s6 =	simm.s32 $0x108;
	_ =	swait.ge @!p0 [sflag:s8], $0x0  }
0x24: {  	s3 =	sadd.s32 $0x88, s3;
	s6 =	simm.s32 @!p1 $0x1082;
	[sflag:s4] =	ssyncset.s32 $0xFFFFF086  }
0x25: {  	[simem:s6], [sflag:s4] =	dma.local [hbm:s3], $0xF7A  }
0x26: {  	[smem:$0x3F9B] =	sst s1;
	(tag) =	ssettag s2;
	_ =	strace s9  }
0x27: {  	s1 =	sld [smem:$0x3FAB]  }
0x28: {  	s2 =	sld [smem:$0x3FAC]  }
0x29: {  	s4 =	sld [smem:$0x3FAE]  }
0x2a: {  	p0 =	seq.s32 s5, $0x0;
	s5 =	sld [smem:$0x3FAF]  }
0x2b: {  	s6 =	sld [smem:$0x3FB0]  }
0x2c: {  	s7 =	sld [smem:$0x3FB1]  }
0x2d: {  	s3 =	simm.s32 $0x108;
	s8 =	sld [smem:$0x3FB2]  }
0x2e: {  	s3 =	simm.s32 @!p0 $0x1082;
	s9 =	sld [smem:$0x3FB3]  }
0x2f: {  	lr =	sadd.s32 s0, s3;
	s0 =	sld [smem:$0x3FAA]  }
0x30: {  	s3 =	sld [smem:$0x3FAD]  }
0x31: {  	[smem:$0x3FB6] =	sst s10  }
0x32: {  	s10 =	sld [smem:$0x3FB4];
	_ =	sdelay $0x3  }
0x33: {  	p0 =	seq.s32 s10, $0x1;
	s10 =	sld [smem:$0x3FB6];
	_ =	sdelay $0x3  }
0x34: {  	[smem:$0x3FB6] =	sst s10  }
0x35: {  	s10 =	sld [smem:$0x3FB5];
	_ =	sdelay $0x3  }
0x36: {  	p1 =	seq.s32 s10, $0x1;
	s10 =	sld [smem:$0x3FB6];
	_ =	sdelay $0x3  }
0x37: {  	[smem:$0x3FB6] =	sst s10  }
0x38: {  	s10 =	sld [smem:$0x3FB7]  }
0x39: {  	_ = 	snop;
	(pc) =	sbr.ind lr, $3  }
0x3a: {  	_ = 	snop  }
0x3b: {  	_ = 	snop  }
0x3c: {  	p2 =	seq.s32 s10, $0x1;
	s10 =	sld [smem:$0x3FB6]  }
0x3d: {  	_ =	shalt  }
0x3e: {  	_ =	shalt  }
0x3f: {  	_ =	shalt  }
0x40: {  	_ =	shalt  }
0x41: {  	_ =	shalt  }
0x42: {  	_ =	shalt  }
0x43: {  	_ =	shalt  }
0x44: {  	_ =	shalt  }
0x45: {  	_ =	shalt  }
0x46: {  	_ =	shalt  }
0x47: {  	_ =	shalt  }
0x48: {  	_ =	shalt  }
0x49: {  	_ =	shalt  }
0x4a: {  	_ =	shalt  }
0x4b: {  	_ =	shalt  }
0x4c: {  	_ =	shalt  }
0x4d: {  	_ =	shalt  }
0x4e: {  	_ =	shalt  }
0x4f: {  	_ =	shalt  }
0x50: {  	_ =	shalt  }
0x51: {  	_ =	shalt  }
0x52: {  	_ =	shalt  }
0x53: {  	_ =	shalt  }
0x54: {  	_ =	shalt  }
0x55: {  	_ =	shalt  }
0x56: {  	_ =	shalt  }
0x57: {  	_ =	shalt  }
0x58: {  	_ =	shalt  }
0x59: {  	_ =	shalt  }
0x5a: {  	_ =	shalt  }
0x5b: {  	_ =	shalt  }
0x5c: {  	_ =	shalt  }
0x5d: {  	_ =	shalt  }
0x5e: {  	_ =	shalt  }
0x5f: {  	_ =	shalt  }
0x60: {  	_ =	shalt  }
0x61: {  	_ =	shalt  }
0x62: {  	_ =	shalt  }
0x63: {  	_ =	shalt  }
0x64: {  	_ =	shalt  }
0x65: {  	_ =	shalt  }
0x66: {  	_ =	shalt  }
0x67: {  	_ =	shalt  }
0x68: {  	_ =	shalt  }
0x69: {  	_ =	shalt  }
0x6a: {  	_ =	shalt  }
0x6b: {  	_ =	shalt  }
0x6c: {  	_ =	shalt  }
0x6d: {  	_ =	shalt  }
0x6e: {  	_ =	shalt  }
0x6f: {  	_ =	shalt  }
0x70: {  	_ =	shalt  }
0x71: {  	_ =	shalt  }
0x72: {  	_ =	shalt  }
0x73: {  	_ =	shalt  }
0x74: {  	_ =	shalt  }
0x75: {  	_ =	shalt  }
0x76: {  	_ =	shalt  }
0x77: {  	_ =	shalt  }
0x78: {  	_ =	shalt  }
0x79: {  	_ =	shalt  }
0x7a: {  	_ =	shalt  }
0x7b: {  	_ =	shalt  }
0x7c: {  	_ =	shalt  }
0x7d: {  	_ =	shalt  }
0x7e: {  	_ =	shalt  }
0x7f: {  	_ =	shalt  }
0x80: {  	_ =	shalt  }
0x81: {  	_ =	shalt  }
0x82: {  	_ =	shalt  }
0x83: {  	_ =	shalt  }
0x84: {  	_ =	shalt  }
0x85: {  	_ =	shalt  }
0x86: {  	_ =	shalt  }
0x87: {  	_ =	shalt  }
.Lfunc_end0:
.L_simem_size_0:
called_computation_lowered:
.L_overlay_start_0:
0x88: {  	s2 =	sld [smem:$0x3FD9]  }
0x89: {  	s3 =	sld [smem:$0x3FFE];
	_ =	sdelay $0x1  }
0x8a: {  	s1 =	srdreg.scid  }
0x8b: {  	s0 =	sand.u32 $0x1, s1  }
0x8c: {  	s17 =	sshll.u32 s0, $0xA;
	s2 =	sadd.s32 s3, s2  }
0x8d: {  	s2 =	sadd.s32 s2, s17  }
0x8e: {  	[smem:$0x3FC2] =	sst s2  }
0x8f: {  	_ = 	snop  }
0x90: {  	s2 =	sld [smem:$0x3FC9]  }
0x91: {  	s18 =	sld [smem:$0x3FC8]  }
0x92: {  	s4 =	sld [smem:$0x3FC7]  }
0x93: {  	s5 =	sld [smem:$0x3FC6]  }
0x94: {  	s6 =	sld [smem:$0x3FC5]  }
0x95: {  	s7 =	sld [smem:$0x3FD0];
	(tm) =	ssettm $0x1  }
0x96: {  	s8 =	sld [smem:$0x3FFB];
	_ =	sdelay $0x3  }
0x97: {  	_ =	strace s8  }
0x98: {  	s8 =	sld [smem:$0x3FFC];
	_ =	sdelay $0x3  }
0x99: {  	_ =	strace s8  }
0x9a: {  	s8 =	sld [smem:$0x3FFD];
	_ =	sdelay $0x3  }
0x9b: {  	_ =	strace s8  }
0x9c: {  	_ =	strace $0x8FFFFFFF  }
0x9d: {  	s19 =	sld [smem:$0x3FDB];
	_ =	sdelay $0x1  }
0x9e: {  	s9 =	simm.s32 $_scs_section_size  }
0x9f: {  	s10 =	simm.s32 $_size__tile_overlayer_lowered;
	s11 =	simm.s32 $_tile_overlayer_lowered  }
0xa0: {  	s22 =	simm.s32 $0x1BFF;
	s21 =	sshll.u32 s11, $0x1;
	s8 =	sadd.s32 s9, s19  }
0xa1: {  	s12 =	simm.s32 $0x0;
	s20 =	sshll.u32 s10, $0x1;
	s10 =	sadd.s32 s21, s8  }
0xa2: {  	[timem:s12], [sflag:s22] =	dma.local [hbm:s10], s20  }
0xa3: {  	_ =	swait.ge [sflag:s22], s20  }
0xa4: {  	s9 =	ssub.s32 $0x0, s20;
	[sflag:s22] =	ssyncset.done $0x0  }
0xa5: {  	[sflag:s22] =	ssyncadd.s32 s9;
	_ =	sdelay $0x1  }
0xa6: {  	s23 =	simm.s32 $0x1B8B  }
0xa7: {  	_ =	swait.ge [sflag:s23], $0x1  }
0xa8: {  	[sflag:s23] =	ssyncset.done $0x0  }
0xa9: {  	s25 =	simm.s32 $0x1B8E;
	s24 =	sld [smem:$0x3FFE];
	[sflag:s23] =	ssyncadd.s32 $0xFFFFFFFF  }
0xaa: {  	s26 =	simm.s32 $execute0_lowered;
	[smem:$0x3FD2] =	sst s25  }
0xab: {  	s10 =	sshll.u32 s26, $0x1;
	_ =	strace $0x80000046;
	[dreg:$0x1] =	wrdreg $0xFFFFFFFF  }
0xac: {  	s28 =	simm.s32 $_size_execute0_lowered;
	s8 =	sadd.s32 s8, s10;
	[dreg:$0x0] =	wrdreg $0x0  }
0xad: {  	s10 =	sshll.u32 s28, $0x1;
	[dreg:$0x2] =	wrdreg s8  }
0xae: {  	[dreg:$0x3] =	wrdreg s10  }
0xaf: {  	[dreg:$0x4] =	wrdreg $0xC0  }
0xb0: {  	_ =	task [dreg:s12], $0x5FFFF  }
0xb1: {  	[dreg:$0x1] =	wrdreg $0xFFFFFFFF  }
0xb2: {  	[dreg:$0x0] =	wrdreg $0x60  }
0xb3: {  	[dreg:$0x2] =	wrdreg s2  }
0xb4: {  	[dreg:$0x3] =	wrdreg s18  }
0xb5: {  	[dreg:$0x4] =	wrdreg s4  }
0xb6: {  	[dreg:$0x5] =	wrdreg s5  }
0xb7: {  	[dreg:$0x6] =	wrdreg s6  }
0xb8: {  	[dreg:$0x7] =	wrdreg s24  }
0xb9: {  	[dreg:$0x8] =	wrdreg s7  }
0xba: {  	[dreg:$0x9] =	wrdreg $0x6000  }
0xbb: {  	[dreg:$0xa] =	wrdreg $0x9  }
0xbc: {  	_ =	task.clear_ibuf [dreg:s12], $0xBFFFF;
	_ =	strace $0x90000046  }
0xbd: {  	s29 =	simm.s32 $0x9;
	_ =	strace $0x80000048  }
0xbe: {  	_ =	swait.ge [sflag:s29], $0x1  }
0xbf: {  	[sflag:s29] =	ssyncadd.s32 $0xFFFFFFFF  }
0xc0: {  	_ =	strace $0x90000048  }
0xc1: {  	_ =	sfence  }
0xc2: {  	s30 =	sld [smem:$0x0];
	_ =	sdelay $0x2  }
0xc3: {  	s31 =	sshll.u32 s1, $0xD;
	s1 =	sshrl.u32 s1, $0x2  }
0xc4: {  	s3 =	sand.u32 $0x4000, s31;
	s1 =	sadd.s32 s1, s30  }
0xc5: {  	s0 =	sor.u32 s3, s0;
	s1 =	sshll.u32 s1, $0x11  }
0xc6: {  	s0 =	sor.u32 s1, s0  }
0xc7: {  	s0 =	sadd.s32 $0x8F2B, s0  }
0xc8: {  	[sflag:s0] =	ssyncadd.remote.s32 $0x1  }
0xc9: {  	_ =	sfence.sel $0xFFFF  }
0xca: {  	[dreg:$0x0] =	wrdreg $0xFFFFFFFF;
	(pc) =	sbr.abs _section_cstart, $3  }
0xcb: {  	[dreg:$0x1] =	wrdreg $0xFFFFFFFF  }
0xcc: {  	_ =	task.clear_ibuf [dreg:s12], $0x2FFFF;
	_ =	strace $0x9FFFFFFF  }
0xcd: {  	(tm) =	ssettm $0x7FFFFFFF  }
tec
execute0_lowered:
.L_overlay_start_1:
0x0: {  	(tag) =	ssettag $0x1  }
0x1: {  	v0 =	vimm.s32 $0xEFCDAB89  }
0x2: {  	vm0 =	vcmask $0xB08;
	vm1 =	vcmask $0x300;
	v1 =	vimm.s32 $0x67452301  }
0x3: {  	v2 =	vimm.s32 $0xDCFE98BA;
	v3 =	vimm.s32 $0x54761032;
	vm2 =	vcmask $0x700  }
0x4: {  	vm3 =	vcmask $0x3B38;
	v4 =	vimm.s32 $0xFEDCBA98;
	v5 =	vimm.s32 $0x76543210  }
0x5: {  	s2 =	rddreg [dreg:$0x0];
	v0 =	vunpack.c.l.s4.s8 v0;
	vm0 =	vmor vm1, vm0;
	vm1 =	vcmask $0x1310  }
0x6: {  	s4 =	rddreg [dreg:$0x1];
	v1 =	vunpack.c.l.s4.s8 v1;
	v2 =	vunpack.c.l.s4.s8 v2;
	v3 =	vunpack.c.l.s4.s8 v3  }
0x7: {  	s5 =	rddreg [dreg:$0x2];
	v4 =	vunpack.c.l.s4.s8 v4;
	vm0 =	vmor vm0, vm1;
	vm1 =	vcmask $0x1B18  }
0x8: {  	s0 =	rddreg [dreg:$0x3];
	v0 =	vunpack.c.0.s8.s32 v0;
	vm0 =	vmor vm0, vm1;
	vm1 =	vcmask $0x2320  }
0x9: {  	s1 =	rddreg [dreg:$0x4];
	v1 =	vunpack.c.0.s8.s32 v1;
	vm0 =	vmor vm0, vm1;
	vm1 =	vcmask $0x2B28  }
0xa: {  	s3 =	rddreg [dreg:$0x6];
	v4 =	vunpack.c.0.s8.s32 v4;
	vm0 =	vmor vm0, vm1;
	vm1 =	vcmask $0x3330  }
0xb: {  	s13 =	rddreg [dreg:$0x7];
	s6 =	srdreg.scid;
	v0 =	vcombine.low v1, v0;
	v1 =	vunpack.c.0.s8.s32 v2;
	v2 =	vunpack.c.0.s8.s32 v3  }
0xc: {  	s8 =	stileid.u32;
	s12 =	simm.s32 $0x4;
	s7 =	sand.u32 $0x1, s6;
	v3 =	vimm.s32 $0x32107654;
	vm0 =	vmor vm0, vm1;
	vm1 =	vcmask $0x1710  }
0xd: {  	s20 =	simm.s32 $0x3;
	s9 =	sshll.u32 s8, $0xA;
	s10 =	sshll.u32 s7, $0x9;
	v3 =	vunpack.c.l.s4.s8 v3;
	v1 =	vcombine.low v2, v1;
	v2 =	vimm.s32 $0xBA98FEDC  }
0xe: {  	s6 =	simm.s32 $0x0;
	s11 =	ssub.s32 $0x2, s7;
	s7 =	sor.u32 s10, s9;
	vm1 =	vmor vm2, vm1;
	vm2 =	vcmask $0x2720;
	v2 =	vunpack.c.l.s4.s8 v2  }
0xf: {  	s21 =	simm.s32 $0x19E70;
	v5 =	vunpack.c.l.s4.s8 v5;
	[smem:$0x7FF] =	sst s6;
	s10 =	sshrl.u32 s7, $0x3;
	v4 =	vand.u32 $0xF, v4;
	vm1 =	vmor vm1, vm2  }
0x10: {  	_ =	strace $0x80000047;
	s29 =	sshrl.u32 s11, $0x1;
	s2 =	sadd.s32 s2, s10;
	vm2 =	vcmask $0x3730;
	v3 =	vunpack.c.0.s8.s32 v3;
	v2 =	vunpack.c.0.s8.s32 v2  }
0x11: {  	s9 =	ssub.s32 s11, s29;
	s4 =	sadd.s32 s4, s10;
	[dreg:$0xb] =	wrdreg s2;
	vm0 =	vmor vm0, vm3;
	vm3 =	vcmask $0xF00;
	vm1 =	vmor vm1, vm2  }
0x12: {  	p0 =	sne.s32 s8, $0x0;
	s31 =	smax.u32 s9, $0x1;
	[dreg:$0xc] =	wrdreg s4;
	vm2 =	vcmask $0x2F20;
	v2 =	vcombine.low v3, v2;
	v3 =	vunpack.c.0.s8.s32 v5  }
0x13: {  	s30 =	sshll.u32 s7, $0x4;
	[dreg:$0xd] =	wrdreg s31;
	s2 =	sshrl.u32 @!p0 s13, $0x3;
	v0 =	vand.u32 $0xF, v0;
	v1 =	vand.u32 $0xF, v1;
	vm2 =	vmor vm3, vm2  }
0x14: {  	s22 =	simm.s32 $0x0;
	s10 =	sadd.s32 s5, s30;
	[dreg:$0xe] =	wrdreg s2;
	vm3 =	vmmov $0xff;
	v2 =	vand.u32 $0xF, v2;
	v3 =	vcombine.low v4, v3  }
.LBB2_1:
0x15: {  	s2 =	rddreg [dreg:$0xb]  }
0x16: {  	[tilespmem:s6], [sflag:$0x4] =	stream.linear.gather [hbm4b:s2+s6], $0x200, $0x38;
	[tilespmem:$0x19EF0] =	vst v63  }
0x17: {  	_ =	swait.ge [sflag:s12], $0x200  }
0x18: {  	[sflag:s12] =	ssyncset.done $0x0  }
0x19: {  	s5 =	simm.s32 $0x200;
	s25 =	rddreg [dreg:$0xc];
	[sflag:s12] =	ssyncadd.s32 $0xFFFFFE00  }
0x1a: {  	[tilespmem:s5], [sflag:$0x4] =	stream.linear.gather [hbm4b:s25+s6], $0x200, $0x38;
	[tilespmem:$0x19EF0] =	vst v63  }
0x1b: {  	_ =	swait.ge [sflag:s12], $0x200  }
0x1c: {  	[sflag:s12] =	ssyncset.done $0x0  }
0x1d: {  	s26 =	simm.s32 $0x80;
	s4 =	simm.s32 $0x1E70;
	[sflag:s12] =	ssyncadd.s32 $0xFFFFFE00  }
0x1e: {  	[tilespmem:s4], [sflag:$0x1] =	stream.indirect.gather [hbm4b:s0+s26], $0x80, s6, s26, $0xb8;
	[tilespmem:$0x19EF0] =	vst v63  }
0x1f: {  	s28 =	simm.s32 $0x9E70;
	s8 =	rddreg [dreg:$0xe]  }
0x20: {  	[tilespmem:s28], [sflag:$0x1] =	stream.indirect.gather [hbm4b:s1+s26], $0x80, s5, s26, $0xb8;
	[tilespmem:$0x19EF0] =	vst v63  }
0x21: {  	s29 =	simm.s32 $0x11E70;
	s2 =	simm.s32 @!p0 $0x1C04;
	s4 =	rddreg [dreg:$0x5]  }
0x22: {  	[tilespmem:s29], [sflag:$0x1] =	stream.linear.gather [hbm4b:s10+s6], $0x4000, $0x38;
	[tilespmem:$0x19EF0] =	vst v63  }
0x23: {  	[spmem:s8], [sflag:s2] =	dma.local @!p0 [hbm:s4], $0x30E0  }
0x24: {  	s2 =	simm.s32 @!p0 $0x4  }
0x25: {  	_ =	swait.ge @!p0 [sflag:s2], $0x30E0  }
0x26: {  	[sflag:s2] =	ssyncset.done @!p0 $0x0  }
0x27: {  	[sflag:s2] =	ssyncadd.s32 @!p0 $0xFFFFCF20  }
0x28: {  	[bflag:$0x0] =	sbarrier.arrive $0xFFFF  }
0x29: {  	s31 =	simm.s32 $0x400;
	s30 =	rddreg [dreg:$0x7]  }
0x2a: {  	[tilespmem:s31], [sflag:$0x3] =	stream.indirect.gather [spmem:s30], $0x1, s5, s5, $0xb8;
	[tilespmem:$0x19EF0] =	vst v63  }
0x2b: {  	_ =	swait.ge [sflag:s20], $0x200  }
0x2c: {  	[sflag:s20] =	ssyncset.done $0x0  }
0x2d: {  	s23 =	simm.s32 $0x0;
	[sflag:s20] =	ssyncadd.s32 $0xFFFFFE00  }
.LBB2_2:
0x2e: {  	s4 =	smov.u32 s23  }
0x2f: {  	s23 =	sadd.s32 $0x1, s23;
	p1 =	seq.s32 s4, $0x3  }
0x30: {  	s2 =	sand.u32 @!p1 $0x1, s23  }
0x31: {  	s9 =	sshll.u32 @!p1 s23, $0x7;
	s5 =	sshll.u32 @!p1 s2, $0xE  }
0x32: {  	s11 =	simm.s32 @!p1 $0x80;
	s2 =	sadd.s32 @!p1 $0x1, s2;
	s8 =	sor.u32 @!p1 $0x1E70, s5  }
0x33: {  	[tilespmem:s8], [sflag:s2] =	stream.indirect.gather @!p1 [hbm4b:s0+s11], $0x80, s9, s11, $0xb8;
	[tilespmem:$0x19EF0] =	vst v63  }
0x34: {  	s26 =	sand.u32 $0x1, s4;
	s8 =	sor.u32 @!p1 $0x9E70, s5;
	s9 =	sadd.s32 @!p1 $0x200, s9  }
0x35: {  	[tilespmem:s8], [sflag:s2] =	stream.indirect.gather @!p1 [hbm4b:s1+s11], $0x80, s9, s11, $0xb8;
	[tilespmem:$0x19EF0] =	vst v63  }
0x36: {  	s4 =	sshll.u32 s4, $0x7;
	s24 =	sshll.u32 s26, $0xE;
	s9 =	sshll.u32 @!p1 s23, $0xB  }
0x37: {  	s5 =	sor.u32 @!p1 $0x11E70, s5;
	s11 =	simm.s32 @!p1 $0x0;
	s9 =	sadd.s32 @!p1 s9, s10  }
0x38: {  	[tilespmem:s5], [sflag:s2] =	stream.linear.gather @!p1 [hbm4b:s9+s11], $0x4000, $0x38;
	[tilespmem:$0x19EF0] =	vst v63  }
0x39: {  	s14 =	sand.u32 $0x3FFFFF80, s4;
	s13 =	sor.u32 $0x100, s24;
	s9 =	sadd.s32 $0x1, s26  }
0x3a: {  	s25 =	sor.u32 $0x180, s24;
	s28 =	sor.u32 $0x280, s24;
	_ =	swait.ge [sflag:s9], $0x4000  }
0x3b: {  	s29 =	sor.u32 $0x300, s24;
	s30 =	sor.u32 $0x380, s24;
	[sflag:s9] =	ssyncset.done $0x0  }
0x3c: {  	s31 =	sor.u32 $0x400, s24;
	s15 =	sor.u32 $0x500, s24;
	[sflag:s9] =	ssyncadd.s32 $0xFFFFC000  }
0x3d: {  	s16 =	sor.u32 $0x580, s24;
	s17 =	sor.u32 $0x600, s24;
	_ =	swait.ge [sflag:s9], $0x4000  }
0x3e: {  	s19 =	sor.u32 $0x680, s24;
	s18 =	sadd.s32 $0x400, s14;
	[sflag:s9] =	ssyncset.done $0x0  }
0x3f: {  	s14 =	sor.u32 $0x780, s24;
	s8 =	simm.s32 $0x0;
	[sflag:s9] =	ssyncadd.s32 $0xFFFFC000  }
0x40: {  	s11 =	sor.u32 $0x80, s24;
	s26 =	sor.u32 $0x200, s24;
	_ =	swait.ge [sflag:s9], $0x4000  }
0x41: {  	s2 =	sor.u32 $0x480, s24;
	[dreg:$0x9] =	wrdreg s11;
	[sflag:s9] =	ssyncset.done $0x0  }
0x42: {  	v4 =	vmov s18;
	s5 =	sor.u32 $0x700, s24;
	[dreg:$0xa] =	wrdreg s13;
	[sflag:s9] =	ssyncadd.s32 $0xFFFFC000  }
.LBB2_3:
0x43: {  	s9 =	sshll.u32 s8, $0xB  }
0x44: {  	s11 =	sor.u32 s24, s9  }
0x45: {  	v5 =	vld [tilespmem:s11+$0x1E70]  }
0x46: {  	v6 =	vld [tilespmem:s11+$0x9E70]  }
0x47: {  	v7 =	vld [tilespmem:s11+$0x1E80]  }
0x48: {  	v8 =	vld [tilespmem:s11+$0x9E80]  }
0x49: {  	v10 =	vld [tilespmem:s11+$0x1E90]  }
0x4a: {  	v11 =	vld [tilespmem:s11+$0x9E90]  }
0x4b: {  	v13 =	vld [tilespmem:s11+$0x1EA0]  }
0x4c: {  	v14 =	vld [tilespmem:s11+$0x9EA0]  }
0x4d: {  	v17 =	vld [tilespmem:s11+$0x1EB0]  }
0x4e: {  	v20 =	vld [tilespmem:s11+$0x9EB0]  }
0x4f: {  	v30 =	vld [tilespmem:s11+$0x1EC0]  }
0x50: {  	v21 =	vld [tilespmem:s11+$0x9EC0]  }
0x51: {  	v36 =	vld [tilespmem:s11+$0x1ED0]  }
0x52: {  	v38 =	vld [tilespmem:s11+$0x9ED0]  }
0x53: {  	s13 =	rddreg [dreg:$0x9];
	v40 =	vld [tilespmem:s11+$0x1EE0]  }
0x54: {  	s13 =	sor.u32 s13, s9;
	v24 =	vld [tilespmem:s11+$0x9EE0];
	v9 =	vadd.f32 v6, v5;
	v28 =	vadd.f32 v8, v7  }
0x55: {  	v55 =	vld [tilespmem:s13+$0x1E80];
	v12 =	vmul.f32 v6, v5;
	v16 =	vadd.f32 v11, v10;
	v5 =	vsub.f32 v5, v6  }
0x56: {  	v57 =	vld [tilespmem:s13+$0x9E80];
	v29 =	vmul.f32 v8, v7;
	v18 =	vmul.f32 v11, v10;
	v19 =	vadd.f32 v14, v13  }
0x57: {  	v50 =	vld [tilespmem:s13+$0x1E70];
	v32 =	vmul.f32 v14, v13;
	v7 =	vsub.f32 v7, v8;
	v37 =	vadd.f32 v20, v17  }
0x58: {  	v27 =	vld [tilespmem:s13+$0x9E70];
	v10 =	vsub.f32 v10, v11;
	v22 =	vmul.f32 v20, v17;
	v23 =	vadd.f32 v21, v30  }
0x59: {  	v13 =	vsub.f32 v13, v14;
	v43 =	vmul.f32 v21, v30;
	v45 =	vadd.f32 v38, v36  }
0x5a: {  	v25 =	vmul.f32 v38, v36;
	v26 =	vadd.f32 v24, v40;
	v17 =	vsub.f32 v17, v20  }
0x5b: {  	v52 =	vmul.f32 v24, v40;
	v59 =	vsub.f32 v36, v38;
	v36 =	vmul.f32 v57, v55  }
0x5c: {  	v53 =	vsub.f32 v30, v21;
	v9 =	vmul.f32 v9, v9;
	v6 =	vmul.f32 v28, v28  }
0x5d: {  	v61 =	vadd.f32 v27, v50;
	v16 =	vmul.f32 v16, v16;
	v31 =	vmul.f32 v19, v19  }
0x5e: {  	v51 =	vmul.f32 v26, v26;
	v9 =	vsub.f32 v9, v12;
	v6 =	vsub.f32 v6, v29  }
0x5f: {  	v15 =	vld [tilespmem:s11+$0x11E70];
	v42 =	vmul.f32 v23, v23;
	v16 =	vsub.f32 v16, v18;
	v35 =	vsub.f32 v31, v32  }
0x60: {  	v33 =	vld [tilespmem:s11+$0x11E80];
	v56 =	vsub.f32 v51, v52;
	v31 =	vmul.f32 v27, v50;
	v9 =	vmul.f32 $2.083333400e-02, v9  }
0x61: {  	v60 =	vld [tilespmem:s13+$0x1E90];
	v32 =	vadd.f32 v57, v55;
	v6 =	vmul.f32 $2.083333400e-02, v6;
	v34 =	vmul.f32 $2.083333400e-02, v16  }
0x62: {  	v62 =	vld [tilespmem:s13+$0x9E90];
	v39 =	vmul.f32 $2.083333400e-02, v35;
	v16 =	vsub.f32 v40, v24;
	v9 =	vsub.f32 $2.500000000e-01, v9  }
0x63: {  	v41 =	vld [tilespmem:s11+$0x11EA0];
	v14 =	vmul.f32 $2.083333400e-02, v56;
	v6 =	vsub.f32 $2.500000000e-01, v6;
	v8 =	vsub.f32 $2.500000000e-01, v34  }
0x64: {  	v58 =	vld [tilespmem:s11+$0x11EE0];
	v35 =	vmul.f32 v32, v32;
	v11 =	vsub.f32 $2.500000000e-01, v39;
	v5 =	vmul.f32 v9, v5  }
0x65: {  	v63 =	vld [tilespmem:s13+$0x1EA0];
	v14 =	vsub.f32 $2.500000000e-01, v14;
	v6 =	vmul.f32 v6, v7;
	v8 =	vmul.f32 v8, v10  }
0x66: {  	v20 =	vsub.f32 v55, v57;
	v7 =	vld [tilespmem:s11+$0x11E90];
	v11 =	vmul.f32 v11, v13;
	v10 =	vmul.f32 v45, v45  }
0x67: {  	v38 =	vld [tilespmem:s13+$0x1EB0];
	v52 =	vsub.f32 v60, v62;
	v14 =	vmul.f32 v14, v16;
	v5 =	vmul.f32 v5, v15  }
0x68: {  	v15 =	vmul.f32 v37, v37;
	v6 =	vmul.f32 v6, v33;
	v10 =	vsub.f32 v10, v25;
	v33 =	vld [tilespmem:s13+$0x9EA0]  }
0x69: {  	v40 =	vsub.f32 v35, v36;
	v11 =	vmul.f32 v11, v41;
	v12 =	vmul.f32 v14, v58;
	v41 =	vld [tilespmem:s13+$0x9EB0]  }
0x6a: {  	v37 =	vadd.f32 v62, v60;
	v15 =	vsub.f32 v15, v22;
	v10 =	vmul.f32 $2.083333400e-02, v10  }
0x6b: {  	v44 =	vld [tilespmem:s11+$0x11EB0];
	v22 =	vsub.f32 v42, v43;
	v5 =	vadd.f32 v6, v5;
	v7 =	vmul.f32 v8, v7  }
0x6c: {  	v47 =	vld [tilespmem:s11+$0x11EC0];
	v42 =	vmul.f32 v62, v60;
	v46 =	vmul.f32 $2.083333400e-02, v15;
	v10 =	vsub.f32 $2.500000000e-01, v10  }
0x6d: {  	v48 =	vld [tilespmem:s11+$0x11ED0];
	v49 =	vmul.f32 $2.083333400e-02, v22;
	v22 =	vsub.f32 v50, v27;
	v7 =	vadd.f32 v11, v7  }
0x6e: {  	v51 =	vld [tilespmem:s13+$0x9EE0];
	v11 =	vmul.f32 v37, v37;
	v43 =	vadd.f32 v33, v63;
	v14 =	vsub.f32 v38, v41  }
0x6f: {  	s18 =	rddreg [dreg:$0xa];
	v50 =	vld [tilespmem:s13+$0x1EE0];
	v57 =	vmul.f32 v41, v38;
	v13 =	vsub.f32 $2.500000000e-01, v46;
	v54 =	vsub.f32 $2.500000000e-01, v49  }
0x70: {  	v28 =	vld [tilespmem:s13+$0x1ED0];
	s11 =	sor.u32 s18, s9;
	v10 =	vmul.f32 v10, v59;
	v11 =	vsub.f32 v11, v42;
	v46 =	vmul.f32 v43, v43  }
0x71: {  	v5 =	vadd.f32 v7, v5;
	v43 =	vld [tilespmem:s11+$0x9E80];
	v13 =	vmul.f32 v13, v17;
	v8 =	vmul.f32 v54, v53  }
0x72: {  	v10 =	vmul.f32 v10, v48;
	v48 =	vld [tilespmem:s13+$0x9ED0];
	v53 =	vsub.f32 v63, v33;
	v11 =	vmul.f32 $2.083333400e-02, v11  }
0x73: {  	v54 =	vadd.f32 v41, v38;
	v41 =	vld [tilespmem:s11+$0x1E80];
	v9 =	vmul.f32 v13, v44;
	v8 =	vmul.f32 v8, v47  }
0x74: {  	v45 =	vld [tilespmem:s13+$0x9EC0];
	v60 =	vadd.f32 v51, v50;
	v13 =	vmul.f32 v61, v61;
	v47 =	vmul.f32 v33, v63  }
0x75: {  	v35 =	vld [tilespmem:s11+$0x9E70];
	v10 =	vadd.f32 v12, v10;
	v16 =	vmul.f32 v54, v54;
	v11 =	vsub.f32 $2.500000000e-01, v11  }
0x76: {  	v44 =	vld [tilespmem:s13+$0x1EC0];
	v30 =	vmul.f32 v60, v60;
	v13 =	vsub.f32 v13, v31;
	v8 =	vadd.f32 v8, v9  }
0x77: {  	v33 =	vld [tilespmem:s11+$0x1E70];
	v49 =	vsub.f32 v46, v47;
	v31 =	vmul.f32 v51, v50;
	v11 =	vmul.f32 v11, v52  }
0x78: {  	v55 =	vld [tilespmem:s13+$0x11E90];
	v16 =	vsub.f32 v16, v57;
	v63 =	vmul.f32 v48, v28;
	v54 =	vmul.f32 v43, v41  }
0x79: {  	v58 =	vadd.f32 v48, v28;
	v39 =	vmul.f32 $2.083333400e-02, v13;
	v13 =	vmul.f32 $2.083333400e-02, v40  }
0x7a: {  	v12 =	vmul.f32 $2.083333400e-02, v49;
	v16 =	vmul.f32 $2.083333400e-02, v16;
	v8 =	vadd.f32 v10, v8  }
0x7b: {  	v29 =	vld [tilespmem:s13+$0x11EB0];
	v56 =	vadd.f32 v45, v44;
	v59 =	vmul.f32 v45, v44;
	v37 =	vsub.f32 v44, v45  }
0x7c: {  	v34 =	vld [tilespmem:s13+$0x11E80];
	v62 =	vmul.f32 v58, v58;
	v42 =	vadd.f32 v35, v33;
	v18 =	vsub.f32 v33, v35  }
0x7d: {  	v6 =	vld [tilespmem:s13+$0x11E70];
	v11 =	vmul.f32 v11, v55;
	v9 =	vsub.f32 $2.500000000e-01, v39;
	v13 =	vsub.f32 $2.500000000e-01, v13  }
0x7e: {  	v61 =	vld [tilespmem:s13+$0x11EA0];
	v47 =	vmul.f32 v35, v33;
	v12 =	vsub.f32 $2.500000000e-01, v12;
	v16 =	vsub.f32 $2.500000000e-01, v16  }
0x7f: {  	v45 =	vld [tilespmem:s11+$0x1E90];
	v39 =	vsub.f32 v28, v48;
	v46 =	vmul.f32 v42, v42;
	v9 =	vmul.f32 v9, v22  }
0x80: {  	v48 =	vld [tilespmem:s11+$0x9E90];
	v32 =	vsub.f32 v62, v63;
	v7 =	vmul.f32 v13, v20;
	v13 =	vmul.f32 v56, v56  }
0x81: {  	v35 =	vld [tilespmem:s11+$0x9EC0];
	v5 =	vadd.f32 v8, v5;
	v12 =	vmul.f32 v12, v53;
	v14 =	vmul.f32 v16, v14  }
0x82: {  	v63 =	vld [tilespmem:s11+$0x1EC0];
	v22 =	vsub.f32 v41, v43;
	v17 =	vmul.f32 $2.083333400e-02, v32;
	v6 =	vmul.f32 v9, v6  }
0x83: {  	v53 =	vld [tilespmem:s11+$0x1EB0];
	v7 =	vmul.f32 v7, v34;
	v13 =	vsub.f32 v13, v59;
	v34 =	vsub.f32 v30, v31  }
0x84: {  	v56 =	vld [tilespmem:s11+$0x9EB0];
	v12 =	vmul.f32 v12, v61;
	v9 =	vsub.f32 v50, v51;
	v51 =	vadd.f32 v43, v41  }
0x85: {  	v38 =	vld [tilespmem:s13+$0x11ED0];
	v14 =	vmul.f32 v14, v29;
	v17 =	vsub.f32 $2.500000000e-01, v17;
	v55 =	vadd.f32 v48, v45  }
0x86: {  	v52 =	vld [tilespmem:s11+$0x9EA0];
	v60 =	vmul.f32 v48, v45;
	v13 =	vmul.f32 $2.083333400e-02, v13;
	v6 =	vadd.f32 v7, v6  }
0x87: {  	v50 =	vld [tilespmem:s11+$0x1EA0];
	v15 =	vmul.f32 $2.083333400e-02, v34;
	v7 =	vsub.f32 v46, v47;
	v11 =	vadd.f32 v12, v11  }
0x88: {  	v12 =	vmul.f32 v51, v51;
	v43 =	vadd.f32 v35, v63;
	v47 =	vmul.f32 v35, v63  }
0x89: {  	v36 =	vld [tilespmem:s13+$0x11EC0];
	v44 =	vmul.f32 v17, v39;
	v34 =	vadd.f32 v56, v53;
	v17 =	vsub.f32 v63, v35  }
0x8a: {  	v57 =	vld [tilespmem:s11+$0x11E70];
	v59 =	vmul.f32 v55, v55;
	v13 =	vsub.f32 $2.500000000e-01, v13;
	v15 =	vsub.f32 $2.500000000e-01, v15  }
0x8b: {  	v40 =	vld [tilespmem:s13+$0x11EE0];
	v7 =	vmul.f32 $2.083333400e-02, v7;
	v12 =	vsub.f32 v12, v54;
	v10 =	vmul.f32 v44, v38  }
0x8c: {  	v58 =	vld [tilespmem:s11+$0x11E80];
	v6 =	vadd.f32 v11, v6;
	v33 =	vmul.f32 v52, v50;
	v38 =	vmul.f32 v56, v53  }
0x8d: {  	v42 =	vld [tilespmem:s11+$0x1EE0];
	v62 =	vadd.f32 v52, v50;
	v13 =	vmul.f32 v13, v37;
	v9 =	vmul.f32 v15, v9  }
0x8e: {  	v61 =	vld [tilespmem:s11+$0x11E90];
	v7 =	vsub.f32 $2.500000000e-01, v7;
	v12 =	vmul.f32 $2.083333400e-02, v12;
	v37 =	vmul.f32 v34, v34  }
0x8f: {  	v44 =	vld [tilespmem:s11+$0x9EE0];
	v15 =	vsub.f32 v45, v48;
	v32 =	vmul.f32 v62, v62;
	v49 =	vmul.f32 v13, v36  }
0x90: {  	v46 =	vld [tilespmem:s11+$0x11EB0];
	v9 =	vmul.f32 v9, v40;
	v12 =	vsub.f32 $2.500000000e-01, v12;
	v41 =	vsub.f32 v37, v38  }
0x91: {  	v39 =	vld [tilespmem:s11+$0x9ED0];
	v7 =	vmul.f32 v7, v18;
	v13 =	vsub.f32 v50, v52;
	v18 =	vsub.f32 v32, v33  }
0x92: {  	s13 =	sor.u32 s25, s9;
	v36 =	vld [tilespmem:s11+$0x1ED0];
	v8 =	vadd.f32 v49, v14;
	v9 =	vadd.f32 v9, v10;
	v12 =	vmul.f32 v12, v22  }
0x93: {  	v51 =	vld [tilespmem:s13+$0x9E70];
	v14 =	vsub.f32 v59, v60;
	v7 =	vmul.f32 v7, v57;
	v21 =	vmul.f32 $2.083333400e-02, v41  }
0x94: {  	v54 =	vld [tilespmem:s13+$0x1E80];
	v10 =	vsub.f32 v53, v56;
	v55 =	vadd.f32 v44, v42;
	v60 =	vmul.f32 v44, v42  }
0x95: {  	v49 =	vld [tilespmem:s13+$0x1E70];
	v20 =	vsub.f32 v42, v44;
	v18 =	vmul.f32 $2.083333400e-02, v18;
	v14 =	vmul.f32 $2.083333400e-02, v14  }
0x96: {  	v56 =	vld [tilespmem:s13+$0x9E80];
	v12 =	vmul.f32 v12, v58;
	v50 =	vsub.f32 $2.500000000e-01, v21;
	v8 =	vadd.f32 v9, v8  }
0x97: {  	v40 =	vld [tilespmem:s11+$0x11EA0];
	v59 =	vmul.f32 v55, v55;
	v45 =	vsub.f32 $2.500000000e-01, v18;
	v48 =	vadd.f32 v39, v36  }
0x98: {  	v38 =	vld [tilespmem:s11+$0x11EE0];
	v53 =	vmul.f32 v39, v36;
	v25 =	vsub.f32 v36, v39;
	v14 =	vsub.f32 $2.500000000e-01, v14  }
0x99: {  	v58 =	vld [tilespmem:s13+$0x1E90];
	v10 =	vmul.f32 v50, v10;
	v9 =	vsub.f32 v59, v60;
	v7 =	vadd.f32 v12, v7  }
0x9a: {  	v55 =	vld [tilespmem:s13+$0x1ED0];
	v13 =	vmul.f32 v45, v13;
	v52 =	vmul.f32 v48, v48;
	v37 =	vadd.f32 v51, v49  }
0x9b: {  	v36 =	vld [tilespmem:s11+$0x11ED0];
	v39 =	vadd.f32 v56, v54;
	v30 =	vmul.f32 v51, v49;
	v33 =	vmul.f32 v56, v54  }
0x9c: {  	v45 =	vld [tilespmem:s13+$0x9EA0];
	v50 =	vsub.f32 v54, v56;
	v14 =	vmul.f32 v14, v15;
	v15 =	vmul.f32 v43, v43  }
0x9d: {  	v10 =	vmul.f32 v10, v46;
	v9 =	vmul.f32 $2.083333400e-02, v9;
	v43 =	vld [tilespmem:s13+$0x1EA0];
	v57 =	vsub.f32 v52, v53  }
0x9e: {  	v13 =	vmul.f32 v13, v40;
	v23 =	vmul.f32 v39, v39;
	v52 =	vld [tilespmem:s13+$0x9EC0];
	v15 =	vsub.f32 v15, v47  }
0x9f: {  	v11 =	vmul.f32 v14, v61;
	v61 =	vld [tilespmem:s13+$0x9E90];
	v9 =	vsub.f32 $2.500000000e-01, v9;
	v16 =	vmul.f32 $2.083333400e-02, v57  }
0xa0: {  	v47 =	vsub.f32 v49, v51;
	v49 =	vld [tilespmem:s13+$0x9EB0];
	v42 =	vsub.f32 v23, v33;
	v15 =	vmul.f32 $2.083333400e-02, v15  }
0xa1: {  	v51 =	vld [tilespmem:s13+$0x1EC0];
	v9 =	vmul.f32 v9, v20;
	v11 =	vadd.f32 v13, v11;
	v16 =	vsub.f32 $2.500000000e-01, v16  }
0xa2: {  	v57 =	vld [tilespmem:s13+$0x9ED0];
	v46 =	vmul.f32 $2.083333400e-02, v42;
	v54 =	vadd.f32 v45, v43;
	v35 =	vmul.f32 v45, v43  }
0xa3: {  	v13 =	vld [tilespmem:s13+$0x1EB0];
	v23 =	vsub.f32 v43, v45;
	v15 =	vsub.f32 $2.500000000e-01, v15;
	v9 =	vmul.f32 v9, v38  }
0xa4: {  	v11 =	vadd.f32 v11, v7;
	v31 =	vadd.f32 v61, v58;
	v34 =	vmul.f32 v61, v58  }
0xa5: {  	v16 =	vmul.f32 v16, v25;
	v12 =	vsub.f32 $2.500000000e-01, v46;
	v7 =	vmul.f32 v54, v54  }
0xa6: {  	v62 =	vld [tilespmem:s11+$0x11EC0];
	v21 =	vsub.f32 v58, v61;
	v59 =	vmul.f32 v52, v51;
	v63 =	vmul.f32 v15, v17  }
0xa7: {  	v17 =	vmul.f32 v37, v37;
	v42 =	vadd.f32 v57, v55;
	v61 =	vmul.f32 v57, v55  }
0xa8: {  	v32 =	vld [tilespmem:s13+$0x11E80];
	v31 =	vmul.f32 v31, v31;
	v15 =	vmul.f32 v16, v36;
	v37 =	vadd.f32 v49, v13  }
0xa9: {  	v38 =	vld [tilespmem:s13+$0x9EE0];
	v7 =	vsub.f32 v7, v35;
	v39 =	vmul.f32 v49, v13;
	v13 =	vsub.f32 v13, v49  }
0xaa: {  	v12 =	vmul.f32 v12, v50;
	v36 =	vld [tilespmem:s13+$0x1EE0];
	v16 =	vsub.f32 v55, v57;
	v17 =	vsub.f32 v17, v30  }
0xab: {  	v41 =	vld [tilespmem:s13+$0x11E90];
	v14 =	vmul.f32 v63, v62;
	v25 =	vmul.f32 v42, v42;
	v44 =	vsub.f32 v31, v34  }
0xac: {  	v40 =	vld [tilespmem:s13+$0x11E70];
	v9 =	vadd.f32 v9, v15;
	v7 =	vmul.f32 $2.083333400e-02, v7;
	v17 =	vmul.f32 $2.083333400e-02, v17  }
0xad: {  	s18 =	sor.u32 s26, s9;
	v43 =	vld [tilespmem:s13+$0x11EB0];
	v10 =	vadd.f32 v14, v10;
	v14 =	vmul.f32 v37, v37;
	v25 =	vsub.f32 v25, v61  }
0xae: {  	v46 =	vld [tilespmem:s18+$0x9E70];
	v48 =	vmul.f32 $2.083333400e-02, v44;
	v7 =	vsub.f32 $2.500000000e-01, v7;
	v17 =	vsub.f32 $2.500000000e-01, v17  }
0xaf: {  	v63 =	vld [tilespmem:s18+$0x1E70];
	v12 =	vmul.f32 v12, v32;
	v14 =	vsub.f32 v14, v39;
	v62 =	vadd.f32 v38, v36  }
0xb0: {  	v50 =	vld [tilespmem:s18+$0x1E80];
	v45 =	vmul.f32 v38, v36;
	v19 =	vsub.f32 $2.500000000e-01, v48;
	v53 =	vmul.f32 v17, v47  }
0xb1: {  	v42 =	vld [tilespmem:s18+$0x1EB0];
	v9 =	vadd.f32 v9, v10;
	v14 =	vmul.f32 $2.083333400e-02, v14;
	v44 =	vmul.f32 v62, v62  }
0xb2: {  	v56 =	vmul.f32 v19, v21;
	v10 =	vmul.f32 v53, v40;
	v40 =	vadd.f32 v52, v51;
	v53 =	vld [tilespmem:s18+$0x9E80]  }
0xb3: {  	v7 =	vmul.f32 v7, v23;
	v14 =	vsub.f32 $2.500000000e-01, v14;
	v30 =	vsub.f32 v44, v45;
	v44 =	vld [tilespmem:s18+$0x9EB0]  }
0xb4: {  	v48 =	vmul.f32 $2.083333400e-02, v25;
	v55 =	vadd.f32 v46, v63;
	v15 =	vmul.f32 v56, v41;
	v41 =	vld [tilespmem:s13+$0x11EA0]  }
0xb5: {  	v57 =	vsub.f32 v36, v38;
	v58 =	vmul.f32 v40, v40;
	v13 =	vmul.f32 v14, v13  }
0xb6: {  	v33 =	vmul.f32 v46, v63;
	v61 =	vsub.f32 v63, v46;
	v31 =	vmul.f32 v55, v55  }
0xb7: {  	v56 =	vld [tilespmem:s18+$0x1E90];
	v10 =	vadd.f32 v12, v10;
	v17 =	vsub.f32 v58, v59;
	v34 =	vmul.f32 v13, v43  }
0xb8: {  	v59 =	vld [tilespmem:s18+$0x9E90];
	v39 =	vadd.f32 v53, v50;
	v43 =	vmul.f32 v53, v50;
	v22 =	vsub.f32 v50, v53  }
0xb9: {  	v60 =	vld [tilespmem:s13+$0x11EC0];
	v45 =	vadd.f32 v44, v42;
	v17 =	vmul.f32 $2.083333400e-02, v17;
	v27 =	vmul.f32 v7, v41  }
0xba: {  	v47 =	vld [tilespmem:s13+$0x11ED0];
	v7 =	vsub.f32 v51, v52;
	v51 =	vsub.f32 $2.500000000e-01, v48;
	v52 =	vmul.f32 $2.083333400e-02, v30  }
0xbb: {  	v38 =	vld [tilespmem:s18+$0x1EA0];
	v50 =	vmul.f32 v44, v42;
	v12 =	vmul.f32 v39, v39;
	v17 =	vsub.f32 $2.500000000e-01, v17  }
0xbc: {  	v40 =	vld [tilespmem:s18+$0x9EA0];
	v16 =	vmul.f32 v51, v16;
	v58 =	vsub.f32 $2.500000000e-01, v52;
	v15 =	vadd.f32 v27, v15  }
0xbd: {  	v49 =	vld [tilespmem:s13+$0x11EE0];
	v41 =	vadd.f32 v59, v56;
	v62 =	vmul.f32 v59, v56;
	v12 =	vsub.f32 v12, v43  }
0xbe: {  	v55 =	vld [tilespmem:s18+$0x1EE0];
	v21 =	vsub.f32 v56, v59;
	v54 =	vmul.f32 v17, v7;
	v7 =	vadd.f32 v8, v6  }
0xbf: {  	v51 =	vld [tilespmem:s18+$0x1ED0];
	v6 =	vadd.f32 v9, v11;
	v35 =	vmul.f32 v58, v57;
	v37 =	vmul.f32 v16, v47  }
0xc0: {  	v52 =	vld [tilespmem:s18+$0x9ED0];
	v8 =	vsub.f32 v31, v33;
	v10 =	vadd.f32 v15, v10;
	v18 =	vmul.f32 v41, v41  }
0xc1: {  	v57 =	vld [tilespmem:s18+$0x9EE0];
	v16 =	vsub.f32 v38, v40;
	v12 =	vmul.f32 $2.083333400e-02, v12;
	v36 =	vmul.f32 v54, v60  }
0xc2: {  	v11 =	vmul.f32 v35, v49;
	v8 =	vmul.f32 $2.083333400e-02, v8;
	v35 =	vadd.f32 v40, v38  }
0xc3: {  	v49 =	vmul.f32 v45, v45;
	v12 =	vsub.f32 $2.500000000e-01, v12;
	v9 =	vadd.f32 v36, v34  }
0xc4: {  	v63 =	vld [tilespmem:s18+$0x11E80];
	v48 =	vmul.f32 v40, v38;
	v8 =	vsub.f32 $2.500000000e-01, v8;
	v11 =	vadd.f32 v11, v37  }
0xc5: {  	v46 =	vld [tilespmem:s18+$0x9EC0];
	v38 =	vmul.f32 v52, v51;
	v34 =	vsub.f32 v18, v62;
	v54 =	vsub.f32 v49, v50  }
0xc6: {  	v60 =	vld [tilespmem:s18+$0x11E70];
	v18 =	vmul.f32 v35, v35;
	v62 =	vadd.f32 v52, v51;
	v39 =	vadd.f32 v57, v55  }
0xc7: {  	s13 =	sor.u32 s28, s9;
	v36 =	vld [tilespmem:s18+$0x1EC0];
	v12 =	vmul.f32 v12, v22;
	v22 =	vsub.f32 v51, v52;
	v15 =	vsub.f32 v55, v57  }
0xc8: {  	v41 =	vld [tilespmem:s13+$0x1E90];
	v8 =	vmul.f32 v8, v61;
	v14 =	vmul.f32 $2.083333400e-02, v34;
	v18 =	vsub.f32 v18, v48  }
0xc9: {  	v45 =	vld [tilespmem:s13+$0x9E90];
	v61 =	vsub.f32 v42, v44;
	v19 =	vmul.f32 v62, v62;
	v44 =	vmul.f32 v57, v55  }
0xca: {  	v29 =	vld [tilespmem:s13+$0x1E70];
	v9 =	vadd.f32 v11, v9;
	v12 =	vmul.f32 v12, v63;
	v43 =	vmul.f32 v39, v39  }
0xcb: {  	v33 =	vld [tilespmem:s18+$0x11E90];
	v23 =	vmul.f32 v8, v60;
	v53 =	vsub.f32 $2.500000000e-01, v14;
	v18 =	vmul.f32 $2.083333400e-02, v18  }
0xcc: {  	v32 =	vld [tilespmem:s13+$0x9E80];
	v14 =	vmul.f32 $2.083333400e-02, v54;
	v42 =	vsub.f32 v19, v38;
	v56 =	vadd.f32 v46, v36  }
0xcd: {  	v63 =	vld [tilespmem:s13+$0x9E70];
	v60 =	vmul.f32 v46, v36;
	v25 =	vsub.f32 v36, v46;
	v19 =	vsub.f32 v43, v44  }
0xce: {  	v47 =	vld [tilespmem:s18+$0x11EA0];
	v36 =	vmul.f32 v45, v41;
	v8 =	vmul.f32 v53, v21;
	v18 =	vsub.f32 $2.500000000e-01, v18  }
0xcf: {  	v58 =	vld [tilespmem:s18+$0x11EB0];
	v14 =	vsub.f32 $2.500000000e-01, v14;
	v59 =	vmul.f32 v56, v56;
	v19 =	vmul.f32 $2.083333400e-02, v19  }
0xd0: {  	v49 =	vld [tilespmem:s18+$0x11EE0];
	v53 =	vadd.f32 v45, v41;
	v13 =	vmul.f32 v8, v33;
	v16 =	vmul.f32 v18, v16  }
0xd1: {  	v21 =	vld [tilespmem:s13+$0x1E80];
	v12 =	vadd.f32 v12, v23;
	v8 =	vmul.f32 v14, v61;
	v18 =	vmul.f32 $2.083333400e-02, v42  }
0xd2: {  	v55 =	vld [tilespmem:s13+$0x11E90];
	v48 =	vadd.f32 v63, v29;
	v52 =	vmul.f32 v63, v29;
	v63 =	vsub.f32 v29, v63  }
0xd3: {  	v62 =	vld [tilespmem:s13+$0x1EB0];
	v34 =	vmul.f32 v53, v53;
	v14 =	vsub.f32 v41, v45;
	v37 =	vsub.f32 v59, v60  }
0xd4: {  	v56 =	vld [tilespmem:s13+$0x1EA0];
	v19 =	vsub.f32 $2.500000000e-01, v19;
	v16 =	vmul.f32 v16, v47;
	v18 =	vsub.f32 $2.500000000e-01, v18  }
0xd5: {  	v59 =	vld [tilespmem:s13+$0x9EA0];
	v17 =	vmul.f32 v8, v58;
	v58 =	vsub.f32 v34, v36;
	v8 =	vadd.f32 v9, v10  }
0xd6: {  	v47 =	vld [tilespmem:s18+$0x11ED0];
	v40 =	vmul.f32 $2.083333400e-02, v37;
	v50 =	vadd.f32 v32, v21;
	v35 =	vmul.f32 v32, v21  }
0xd7: {  	v36 =	vld [tilespmem:s13+$0x9EB0];
	v60 =	vmul.f32 v19, v15;
	v21 =	vsub.f32 v21, v32;
	v29 =	vmul.f32 $2.083333400e-02, v58  }
0xd8: {  	v38 =	vld [tilespmem:s13+$0x9EC0];
	v18 =	vmul.f32 v18, v22;
	v13 =	vadd.f32 v16, v13;
	v11 =	vsub.f32 $2.500000000e-01, v40  }
0xd9: {  	v37 =	vld [tilespmem:s13+$0x1EC0];
	v28 =	vmul.f32 v50, v50;
	v9 =	vmul.f32 v60, v49;
	v22 =	vsub.f32 $2.500000000e-01, v29  }
0xda: {  	v46 =	vld [tilespmem:s18+$0x11EC0];
	v39 =	vadd.f32 v59, v56;
	v43 =	vmul.f32 v59, v56;
	v49 =	vsub.f32 v56, v59  }
0xdb: {  	v41 =	vld [tilespmem:s13+$0x9ED0];
	v12 =	vadd.f32 v13, v12;
	v11 =	vmul.f32 v11, v25;
	v25 =	vmul.f32 v48, v48  }
0xdc: {  	v40 =	vld [tilespmem:s13+$0x1ED0];
	v28 =	vsub.f32 v28, v35;
	v18 =	vmul.f32 v18, v47;
	v45 =	vadd.f32 v36, v62  }
0xdd: {  	v47 =	vmul.f32 v36, v62;
	v15 =	vsub.f32 v62, v36;
	v14 =	vmul.f32 v22, v14  }
0xde: {  	v42 =	vmul.f32 v39, v39;
	v48 =	vadd.f32 v38, v37;
	v53 =	vmul.f32 v38, v37  }
0xdf: {  	v44 =	vld [tilespmem:s13+$0x1EE0];
	v24 =	vsub.f32 v37, v38;
	v25 =	vsub.f32 v25, v52;
	v11 =	vmul.f32 v11, v46  }
0xe0: {  	v61 =	vmul.f32 $2.083333400e-02, v28;
	v9 =	vadd.f32 v9, v18;
	v46 =	vld [tilespmem:s13+$0x9EE0];
	v14 =	vmul.f32 v14, v55  }
0xe1: {  	v51 =	vld [tilespmem:s13+$0x11E70];
	v50 =	vadd.f32 v41, v40;
	v52 =	vmul.f32 v48, v48;
	v55 =	vmul.f32 v41, v40  }
0xe2: {  	v54 =	vld [tilespmem:s13+$0x11E80];
	s18 =	sor.u32 s29, s9;
	v16 =	vsub.f32 v40, v41;
	v57 =	vmul.f32 $2.083333400e-02, v25;
	v10 =	vsub.f32 $2.500000000e-01, v61  }
0xe3: {  	v60 =	vld [tilespmem:s18+$0x9E70];
	v11 =	vadd.f32 v11, v17;
	v17 =	vsub.f32 v42, v43;
	v29 =	vmul.f32 v50, v50  }
0xe4: {  	v36 =	vld [tilespmem:s18+$0x1E80];
	v20 =	vsub.f32 v52, v53;
	v28 =	vsub.f32 $2.500000000e-01, v57;
	v10 =	vmul.f32 v10, v21  }
0xe5: {  	v39 =	vld [tilespmem:s18+$0x9E80];
	v17 =	vmul.f32 $2.083333400e-02, v17;
	v9 =	vadd.f32 v9, v11;
	v56 =	vadd.f32 v46, v44  }
0xe6: {  	v57 =	vld [tilespmem:s18+$0x1E70];
	v29 =	vsub.f32 v29, v55;
	v59 =	vmul.f32 v46, v44;
	v20 =	vmul.f32 $2.083333400e-02, v20  }
0xe7: {  	v48 =	vld [tilespmem:s18+$0x9E90];
	v21 =	vsub.f32 v44, v46;
	v19 =	vmul.f32 v28, v63;
	v10 =	vmul.f32 v10, v54  }
0xe8: {  	v46 =	vld [tilespmem:s18+$0x1E90];
	v17 =	vsub.f32 $2.500000000e-01, v17;
	v9 =	vadd.f32 v9, v12;
	v58 =	vmul.f32 v56, v56  }
0xe9: {  	v62 =	vld [tilespmem:s13+$0x11ED0];
	v29 =	vmul.f32 $2.083333400e-02, v29;
	v20 =	vsub.f32 $2.500000000e-01, v20;
	v18 =	vmul.f32 v19, v51  }
0xea: {  	v25 =	vld [tilespmem:s18+$0x1EC0];
	v19 =	vmul.f32 v45, v45;
	v17 =	vmul.f32 v17, v49;
	v32 =	vsub.f32 v58, v59  }
0xeb: {  	v52 =	vld [tilespmem:s18+$0x9EA0];
	v33 =	vsub.f32 $2.500000000e-01, v29;
	v37 =	vmul.f32 v20, v24;
	v38 =	vadd.f32 v60, v57  }
0xec: {  	v51 =	vld [tilespmem:s13+$0x11EA0];
	v42 =	vmul.f32 v60, v57;
	v53 =	vsub.f32 v57, v60;
	v24 =	vsub.f32 v36, v39  }
0xed: {  	v49 =	vld [tilespmem:s18+$0x1EA0];
	v19 =	vsub.f32 v19, v47;
	v47 =	vadd.f32 v39, v36;
	v60 =	vmul.f32 v48, v46  }
0xee: {  	v58 =	vld [tilespmem:s18+$0x9EC0];
	v55 =	vadd.f32 v48, v46;
	v35 =	vmul.f32 $2.083333400e-02, v32;
	v16 =	vmul.f32 v33, v16  }
0xef: {  	v23 =	vld [tilespmem:s18+$0x1EB0];
	v10 =	vadd.f32 v10, v18;
	v41 =	vmul.f32 v38, v38;
	v19 =	vmul.f32 $2.083333400e-02, v19  }
0xf0: {  	v61 =	vld [tilespmem:s13+$0x11EC0];
	v20 =	vsub.f32 v46, v48;
	v50 =	vmul.f32 v47, v47;
	v59 =	vmul.f32 v55, v55  }
0xf1: {  	v54 =	vld [tilespmem:s13+$0x11EB0];
	v17 =	vmul.f32 v17, v51;
	v40 =	vsub.f32 $2.500000000e-01, v35;
	v16 =	vmul.f32 v16, v62  }
0xf2: {  	v63 =	vld [tilespmem:s13+$0x11EE0];
	v13 =	vsub.f32 v41, v42;
	v51 =	vmul.f32 v39, v36;
	v62 =	vadd.f32 v52, v49  }
0xf3: {  	v45 =	vld [tilespmem:s18+$0x11E70];
	v35 =	vmul.f32 v52, v49;
	v19 =	vsub.f32 $2.500000000e-01, v19;
	v38 =	vadd.f32 v58, v25  }
0xf4: {  	v39 =	vld [tilespmem:s18+$0x1EE0];
	v44 =	vmul.f32 v40, v21;
	v14 =	vadd.f32 v17, v14;
	v13 =	vmul.f32 $2.083333400e-02, v13  }
0xf5: {  	v42 =	vld [tilespmem:s18+$0x9EE0];
	v34 =	vmul.f32 v62, v62;
	v17 =	vsub.f32 v49, v52;
	v15 =	vmul.f32 v19, v15  }
0xf6: {  	v47 =	vld [tilespmem:s18+$0x11EA0];
	v19 =	vmul.f32 v37, v61;
	v10 =	vadd.f32 v14, v10;
	v13 =	vsub.f32 $2.500000000e-01, v13  }
0xf7: {  	v37 =	vld [tilespmem:s18+$0x9ED0];
	v21 =	vsub.f32 v34, v35;
	v43 =	vmul.f32 v15, v54;
	v15 =	vmul.f32 v44, v63  }
0xf8: {  	v14 =	vsub.f32 v25, v58;
	v54 =	vld [tilespmem:s18+$0x9EB0];
	v44 =	vmul.f32 v58, v25;
	v56 =	vmul.f32 v13, v53  }
0xf9: {  	s11 =	sor.u32 s30, s9;
	v63 =	vld [tilespmem:s18+$0x1ED0];
	v46 =	vmul.f32 $2.083333400e-02, v21;
	v11 =	vadd.f32 v19, v43;
	v15 =	vadd.f32 v15, v16  }
0xfa: {  	v52 =	vld [tilespmem:s11+$0x9E70];
	v16 =	vsub.f32 v50, v51;
	v43 =	vmul.f32 v38, v38;
	v51 =	vadd.f32 v42, v39  }
0xfb: {  	v62 =	vld [tilespmem:s11+$0x9E80];
	v12 =	vmul.f32 v56, v45;
	v19 =	vsub.f32 $2.500000000e-01, v46;
	v56 =	vmul.f32 v42, v39  }
0xfc: {  	v50 =	vld [tilespmem:s11+$0x1E70];
	v11 =	vadd.f32 v15, v11;
	v57 =	vmul.f32 $2.083333400e-02, v16;
	v22 =	vsub.f32 v43, v44  }
0xfd: {  	v61 =	vld [tilespmem:s18+$0x11E80];
	v26 =	vmul.f32 v51, v51;
	v36 =	vadd.f32 v54, v23;
	v41 =	vmul.f32 v54, v23  }
0xfe: {  	v35 =	vld [tilespmem:s11+$0x1E90];
	v49 =	vadd.f32 v37, v63;
	v18 =	vsub.f32 v23, v54;
	v54 =	vmul.f32 v37, v63  }
0xff: {  	v25 =	vld [tilespmem:s11+$0x1EB0];
	v17 =	vmul.f32 v19, v17;
	v15 =	vsub.f32 v63, v37;
	v10 =	vadd.f32 v11, v10  }
0x100: {  	v37 =	vld [tilespmem:s11+$0x9E90];
	v13 =	vsub.f32 $2.500000000e-01, v57;
	v11 =	vsub.f32 v59, v60;
	v22 =	vmul.f32 $2.083333400e-02, v22  }
0x101: {  	v19 =	vld [tilespmem:s11+$0x9EB0];
	v59 =	vsub.f32 v26, v56;
	v40 =	vmul.f32 v36, v36;
	v34 =	vmul.f32 v52, v50  }
0x102: {  	v60 =	vld [tilespmem:s11+$0x1E80];
	v36 =	vsub.f32 v39, v42;
	v13 =	vmul.f32 v13, v24;
	v11 =	vmul.f32 $2.083333400e-02, v11  }
0x103: {  	v58 =	vsub.f32 $2.500000000e-01, v22;
	v22 =	vmul.f32 $2.083333400e-02, v59;
	v48 =	vsub.f32 v40, v41  }
0x104: {  	v55 =	vld [tilespmem:s18+$0x11EC0];
	v11 =	vsub.f32 $2.500000000e-01, v11;
	v13 =	vmul.f32 v13, v61;
	v61 =	vadd.f32 v52, v50  }
0x105: {  	v38 =	vld [tilespmem:s11+$0x1EA0];
	v16 =	vmul.f32 v17, v47;
	v22 =	vsub.f32 $2.500000000e-01, v22;
	v46 =	vadd.f32 v37, v35  }
0x106: {  	v45 =	vld [tilespmem:s18+$0x11E90];
	v14 =	vmul.f32 v58, v14;
	v58 =	vsub.f32 v35, v37;
	v59 =	vadd.f32 v19, v25  }
0x107: {  	v63 =	vld [tilespmem:s18+$0x11EE0];
	v21 =	vmul.f32 $2.083333400e-02, v48;
	v39 =	vadd.f32 v62, v60;
	v44 =	vmul.f32 v62, v60  }
0x108: {  	v40 =	vld [tilespmem:s11+$0x9EA0];
	v48 =	vmul.f32 v37, v35;
	v23 =	vsub.f32 v60, v62;
	v62 =	vmul.f32 v19, v25  }
0x109: {  	v19 =	vsub.f32 v25, v19;
	v11 =	vmul.f32 v11, v20;
	v20 =	vmul.f32 v49, v49  }
0x10a: {  	v53 =	vld [tilespmem:s18+$0x11EB0];
	v14 =	vmul.f32 v14, v55;
	v17 =	vmul.f32 v22, v36;
	v12 =	vadd.f32 v13, v12  }
0x10b: {  	v56 =	vld [tilespmem:s11+$0x9ED0];
	v47 =	vmul.f32 v46, v46;
	v24 =	vmul.f32 v59, v59;
	v21 =	vsub.f32 $2.500000000e-01, v21  }
0x10c: {  	v55 =	vld [tilespmem:s11+$0x1ED0];
	v43 =	vmul.f32 v39, v39;
	v11 =	vmul.f32 v11, v45;
	v20 =	vsub.f32 v20, v54  }
0x10d: {  	v45 =	vsub.f32 v50, v52;
	v17 =	vmul.f32 v17, v63;
	v49 =	vadd.f32 v40, v38  }
0x10e: {  	v50 =	vld [tilespmem:s11+$0x1EC0];
	v24 =	vsub.f32 v24, v62;
	v18 =	vmul.f32 v21, v18;
	v21 =	vmul.f32 v61, v61  }
0x10f: {  	v52 =	vld [tilespmem:s11+$0x9EC0];
	v54 =	vmul.f32 v40, v38;
	v22 =	vsub.f32 v38, v40;
	v20 =	vmul.f32 $2.083333400e-02, v20  }
0x110: {  	v29 =	vld [tilespmem:s11+$0x1EE0];
	v11 =	vadd.f32 v16, v11;
	v24 =	vmul.f32 $2.083333400e-02, v24;
	v21 =	vsub.f32 v21, v34  }
0x111: {  	v61 =	vld [tilespmem:s11+$0x9EE0];
	v18 =	vmul.f32 v18, v53;
	v39 =	vadd.f32 v56, v55;
	v20 =	vsub.f32 $2.500000000e-01, v20  }
0x112: {  	v53 =	vmul.f32 v49, v49;
	v24 =	vsub.f32 $2.500000000e-01, v24;
	v11 =	vadd.f32 v11, v12  }
0x113: {  	v57 =	vld [tilespmem:s18+$0x11ED0];
	v41 =	vmul.f32 $2.083333400e-02, v21;
	v14 =	vadd.f32 v14, v18;
	v18 =	vsub.f32 v43, v44  }
0x114: {  	v21 =	vsub.f32 v53, v54;
	v60 =	vadd.f32 v52, v50;
	v38 =	vmul.f32 v52, v50  }
0x115: {  	s13 =	sor.u32 s31, s9;
	v42 =	vld [tilespmem:s11+$0x11E70];
	v43 =	vmul.f32 v56, v55;
	v15 =	vmul.f32 v20, v15;
	v20 =	vsub.f32 v47, v48  }
0x116: {  	v25 =	vld [tilespmem:s13+$0x1E80];
	v47 =	vmul.f32 v61, v29;
	v13 =	vsub.f32 $2.500000000e-01, v41;
	v21 =	vmul.f32 $2.083333400e-02, v21  }
0x117: {  	v59 =	vld [tilespmem:s13+$0x9E90];
	v51 =	vmul.f32 $2.083333400e-02, v18;
	v31 =	vmul.f32 v60, v60;
	v18 =	vsub.f32 v50, v52  }
0x118: {  	v53 =	vld [tilespmem:s13+$0x9E80];
	v15 =	vmul.f32 v15, v57;
	v20 =	vmul.f32 $2.083333400e-02, v20;
	v21 =	vsub.f32 $2.500000000e-01, v21  }
0x119: {  	v48 =	vld [tilespmem:s13+$0x1E70];
	v13 =	vmul.f32 v13, v45;
	v31 =	vsub.f32 v31, v38;
	v45 =	vadd.f32 v61, v29  }
0x11a: {  	v54 =	vmul.f32 v24, v19;
	v41 =	vld [tilespmem:s11+$0x11EB0];
	v61 =	vsub.f32 v29, v61;
	v15 =	vadd.f32 v17, v15  }
0x11b: {  	v50 =	vld [tilespmem:s13+$0x9E70];
	v17 =	vsub.f32 $2.500000000e-01, v51;
	v20 =	vsub.f32 $2.500000000e-01, v20;
	v13 =	vmul.f32 v13, v42  }
0x11c: {  	v63 =	vld [tilespmem:s11+$0x11E90];
	v51 =	vsub.f32 v55, v56;
	v42 =	vmul.f32 v39, v39;
	v21 =	vmul.f32 v21, v22  }
0x11d: {  	v57 =	vld [tilespmem:s11+$0x11E80];
	v33 =	vadd.f32 v53, v25;
	v31 =	vmul.f32 $2.083333400e-02, v31;
	v39 =	vmul.f32 v53, v25  }
0x11e: {  	v40 =	vld [tilespmem:s11+$0x11EA0];
	v25 =	vsub.f32 v25, v53;
	v17 =	vmul.f32 v17, v23;
	v20 =	vmul.f32 v20, v58  }
0x11f: {  	v56 =	vld [tilespmem:s13+$0x1E90];
	v23 =	vmul.f32 v45, v45;
	v14 =	vadd.f32 v15, v14;
	v12 =	vmul.f32 v54, v41  }
0x120: {  	v62 =	vadd.f32 v50, v48;
	v37 =	vmul.f32 v50, v48;
	v48 =	vsub.f32 v48, v50  }
0x121: {  	v44 =	vld [tilespmem:s11+$0x11EC0];
	v26 =	vmul.f32 v33, v33;
	v34 =	vsub.f32 v42, v43;
	v31 =	vsub.f32 $2.500000000e-01, v31  }
0x122: {  	v38 =	vld [tilespmem:s13+$0x1EA0];
	v16 =	vmul.f32 v17, v57;
	v20 =	vmul.f32 v20, v63;
	v23 =	vsub.f32 v23, v47  }
0x123: {  	v41 =	vld [tilespmem:s13+$0x9EA0];
	v17 =	vmul.f32 v21, v40;
	v36 =	vmul.f32 v62, v62;
	v11 =	vadd.f32 v14, v11  }
0x124: {  	v27 =	vld [tilespmem:s13+$0x9EC0];
	v49 =	vmul.f32 $2.083333400e-02, v34;
	v57 =	vmul.f32 v31, v18;
	v40 =	vadd.f32 v59, v56  }
0x125: {  	v32 =	vld [tilespmem:s13+$0x1EC0];
	v47 =	vmul.f32 v59, v56;
	v21 =	vsub.f32 v56, v59;
	v13 =	vadd.f32 v16, v13  }
0x126: {  	v46 =	vld [tilespmem:s11+$0x11ED0];
	v55 =	vmul.f32 $2.083333400e-02, v23;
	v17 =	vadd.f32 v17, v20;
	v52 =	vsub.f32 $2.500000000e-01, v49  }
0x127: {  	v42 =	vsub.f32 v36, v37;
	v15 =	vmul.f32 v57, v44;
	v44 =	vsub.f32 v26, v39  }
0x128: {  	v60 =	vld [tilespmem:s11+$0x11EE0];
	v50 =	vadd.f32 v41, v38;
	v19 =	vsub.f32 $2.500000000e-01, v55;
	v58 =	vmul.f32 v52, v51  }
0x129: {  	v49 =	vld [tilespmem:s13+$0x9EB0];
	v12 =	vadd.f32 v15, v12;
	v15 =	vmul.f32 $2.083333400e-02, v42;
	v22 =	vmul.f32 $2.083333400e-02, v44  }
0x12a: {  	v13 =	vadd.f32 v17, v13;
	v17 =	vld [tilespmem:s13+$0x1EB0];
	v51 =	vmul.f32 v50, v50;
	v52 =	vmul.f32 v41, v38  }
0x12b: {  	v63 =	vld [tilespmem:s13+$0x11E70];
	v59 =	vadd.f32 v27, v32;
	v19 =	vmul.f32 v19, v61;
	v18 =	vmul.f32 v58, v46  }
0x12c: {  	v43 =	vld [tilespmem:s13+$0x11E80];
	v46 =	vmul.f32 v40, v40;
	v15 =	vsub.f32 $2.500000000e-01, v15;
	v22 =	vsub.f32 $2.500000000e-01, v22  }
0x12d: {  	v33 =	vld [tilespmem:s13+$0x1ED0];
	v57 =	vsub.f32 v38, v41;
	v40 =	vmul.f32 v27, v32;
	v19 =	vmul.f32 v19, v60  }
0x12e: {  	v56 =	vld [tilespmem:s13+$0x9EE0];
	v26 =	vsub.f32 v46, v47;
	v15 =	vmul.f32 v15, v48;
	v53 =	vmul.f32 v22, v25  }
0x12f: {  	v22 =	vld [tilespmem:s13+$0x9ED0];
	v55 =	vadd.f32 v49, v17;
	v58 =	vmul.f32 v49, v17;
	v18 =	vadd.f32 v19, v18  }
0x130: {  	v25 =	vld [tilespmem:s13+$0x1EE0];
	v17 =	vsub.f32 v17, v49;
	v26 =	vmul.f32 $2.083333400e-02, v26;
	v15 =	vmul.f32 v15, v63  }
0x131: {  	v45 =	vld [tilespmem:s13+$0x11E90];
	v16 =	vmul.f32 v53, v43;
	v19 =	vmul.f32 v55, v55;
	v12 =	vadd.f32 v18, v12  }
0x132: {  	s18 =	sor.u32 s2, s9;
	v62 =	vld [tilespmem:s13+$0x11EB0];
	v63 =	vmul.f32 v59, v59;
	v18 =	vsub.f32 v51, v52;
	v52 =	vsub.f32 v32, v27  }
0x133: {  	v38 =	vld [tilespmem:s18+$0x9EA0];
	v54 =	vsub.f32 $2.500000000e-01, v26;
	v19 =	vsub.f32 v19, v58  }
0x134: {  	v60 =	vld [tilespmem:s13+$0x11EA0];
	v44 =	vsub.f32 v63, v40;
	v15 =	vadd.f32 v16, v15;
	v18 =	vmul.f32 $2.083333400e-02, v18  }
0x135: {  	v48 =	vld [tilespmem:s18+$0x9E70];
	v61 =	vadd.f32 v22, v33;
	v42 =	vmul.f32 v22, v33;
	v43 =	vadd.f32 v56, v25  }
0x136: {  	v26 =	vld [tilespmem:s18+$0x1E70];
	v47 =	vmul.f32 v56, v25;
	v22 =	vsub.f32 v33, v22;
	v20 =	vsub.f32 v25, v56  }
0x137: {  	v53 =	vld [tilespmem:s18+$0x1E80];
	v12 =	vadd.f32 v12, v13;
	v21 =	vmul.f32 v54, v21;
	v19 =	vmul.f32 $2.083333400e-02, v19  }
0x138: {  	v63 =	vld [tilespmem:s18+$0x1EA0];
	v23 =	vmul.f32 $2.083333400e-02, v44;
	v18 =	vsub.f32 $2.500000000e-01, v18;
	v30 =	vmul.f32 v61, v61  }
0x139: {  	v40 =	vld [tilespmem:s18+$0x1EB0];
	v46 =	vmul.f32 v43, v43;
	v21 =	vmul.f32 v21, v45;
	v19 =	vsub.f32 $2.500000000e-01, v19  }
0x13a: {  	v54 =	vld [tilespmem:s18+$0x9E80];
	v23 =	vsub.f32 $2.500000000e-01, v23;
	v18 =	vmul.f32 v18, v57;
	v45 =	vsub.f32 v30, v42  }
0x13b: {  	v43 =	vld [tilespmem:s18+$0x9EB0];
	v30 =	vsub.f32 v46, v47;
	v55 =	vadd.f32 v48, v26;
	v59 =	vmul.f32 v48, v26  }
0x13c: {  	v41 =	vld [tilespmem:s13+$0x11EC0];
	v26 =	vsub.f32 v26, v48;
	v17 =	vmul.f32 v19, v17;
	v19 =	vmul.f32 v23, v52  }
0x13d: {  	v48 =	vadd.f32 v38, v63;
	v52 =	vmul.f32 v38, v63;
	v18 =	vmul.f32 v18, v60  }
0x13e: {  	v31 =	vld [tilespmem:s18+$0x1E90];
	v16 =	vsub.f32 v63, v38;
	v50 =	vmul.f32 $2.083333400e-02, v45;
	v30 =	vmul.f32 $2.083333400e-02, v30  }
0x13f: {  	v57 =	vld [tilespmem:s18+$0x9E90];
	v58 =	vmul.f32 v55, v55;
	v37 =	vadd.f32 v54, v53;
	v42 =	vmul.f32 v54, v53  }
0x140: {  	v27 =	vsub.f32 v53, v54;
	v17 =	vmul.f32 v17, v62;
	v63 =	vsub.f32 v40, v43  }
0x141: {  	v49 =	vld [tilespmem:s13+$0x11ED0];
	v60 =	vmul.f32 v19, v41;
	v24 =	vsub.f32 $2.500000000e-01, v50;
	v56 =	vsub.f32 $2.500000000e-01, v30  }
0x142: {  	v51 =	vld [tilespmem:s13+$0x11EE0];
	v54 =	vmul.f32 v43, v40;
	v14 =	vsub.f32 v58, v59;
	v18 =	vadd.f32 v18, v21  }
0x143: {  	v55 =	vld [tilespmem:s18+$0x1ED0];
	v41 =	vmul.f32 v37, v37;
	v21 =	vmul.f32 v48, v48;
	v13 =	vadd.f32 v60, v17  }
0x144: {  	v59 =	vld [tilespmem:s18+$0x9EE0];
	v39 =	vadd.f32 v57, v31;
	v45 =	vmul.f32 v57, v31;
	v22 =	vmul.f32 v24, v22  }
0x145: {  	s11 =	sor.u32 s15, s9;
	v25 =	vsub.f32 v31, v57;
	v57 =	vld [tilespmem:s18+$0x1EE0];
	v61 =	vmul.f32 v56, v20;
	v14 =	vmul.f32 $2.083333400e-02, v14  }
0x146: {  	v31 =	vld [tilespmem:s11+$0x1E70];
	v20 =	vsub.f32 v41, v42;
	v15 =	vadd.f32 v18, v15;
	v17 =	vmul.f32 v39, v39  }
0x147: {  	v21 =	vsub.f32 v21, v52;
	v56 =	vld [tilespmem:s18+$0x9ED0];
	v62 =	vmul.f32 v22, v49;
	v19 =	vmul.f32 v61, v51  }
0x148: {  	v24 =	vld [tilespmem:s11+$0x9E70];
	v14 =	vsub.f32 $2.500000000e-01, v14;
	v20 =	vmul.f32 $2.083333400e-02, v20;
	v49 =	vadd.f32 v43, v40  }
0x149: {  	v44 =	vld [tilespmem:s18+$0x11E70];
	v21 =	vmul.f32 $2.083333400e-02, v21;
	v17 =	vsub.f32 v17, v45;
	v19 =	vadd.f32 v19, v62  }
0x14a: {  	v46 =	vld [tilespmem:s18+$0x11E80];
	v14 =	vmul.f32 v14, v26;
	v20 =	vsub.f32 $2.500000000e-01, v20;
	v53 =	vmul.f32 v49, v49  }
0x14b: {  	v50 =	vld [tilespmem:s18+$0x9EC0];
	v21 =	vsub.f32 $2.500000000e-01, v21;
	v42 =	vadd.f32 v59, v57;
	v48 =	vmul.f32 v59, v57  }
0x14c: {  	v51 =	vld [tilespmem:s18+$0x11EA0];
	v28 =	vsub.f32 v57, v59;
	v17 =	vmul.f32 $2.083333400e-02, v17;
	v39 =	vadd.f32 v56, v55  }
0x14d: {  	v26 =	vld [tilespmem:s18+$0x1EC0];
	v41 =	vmul.f32 v56, v55;
	v52 =	vadd.f32 v24, v31;
	v37 =	vmul.f32 v24, v31  }
0x14e: {  	v45 =	vld [tilespmem:s11+$0x1E90];
	v24 =	vsub.f32 v31, v24;
	v13 =	vadd.f32 v19, v13;
	v20 =	vmul.f32 v20, v27  }
0x14f: {  	v49 =	vld [tilespmem:s11+$0x9E90];
	v14 =	vmul.f32 v14, v44;
	v19 =	vsub.f32 v53, v54;
	v16 =	vmul.f32 v21, v16  }
0x150: {  	v47 =	vld [tilespmem:s18+$0x11E90];
	v17 =	vsub.f32 $2.500000000e-01, v17;
	v23 =	vmul.f32 v39, v39;
	v29 =	vmul.f32 v52, v52  }
0x151: {  	v27 =	vsub.f32 v55, v56;
	v20 =	vmul.f32 v20, v46;
	v19 =	vmul.f32 $2.083333400e-02, v19  }
0x152: {  	v13 =	vadd.f32 v13, v15;
	v58 =	vadd.f32 v50, v26;
	v17 =	vmul.f32 v17, v25  }
0x153: {  	v36 =	vld [tilespmem:s11+$0x9E80];
	v62 =	vmul.f32 v50, v26;
	v46 =	vsub.f32 v23, v41;
	v26 =	vsub.f32 v26, v50  }
0x154: {  	v60 =	vld [tilespmem:s18+$0x11EB0];
	v16 =	vmul.f32 v16, v51;
	v38 =	vadd.f32 v49, v45;
	v29 =	vsub.f32 v29, v37  }
0x155: {  	v25 =	vld [tilespmem:s11+$0x1E80];
	v19 =	vsub.f32 $2.500000000e-01, v19;
	v61 =	vmul.f32 v58, v58;
	v17 =	vmul.f32 v17, v47  }
0x156: {  	v53 =	vld [tilespmem:s18+$0x11EE0];
	v14 =	vadd.f32 v20, v14;
	v47 =	vmul.f32 v42, v42;
	v21 =	vmul.f32 $2.083333400e-02, v46  }
0x157: {  	v55 =	vld [tilespmem:s11+$0x11E70];
	v43 =	vmul.f32 v19, v63;
	v19 =	vsub.f32 v45, v49;
	v40 =	vsub.f32 v61, v62  }
0x158: {  	v51 =	vld [tilespmem:s18+$0x11ED0];
	v38 =	vmul.f32 v38, v38;
	v23 =	vsub.f32 v47, v48;
	v21 =	vsub.f32 $2.500000000e-01, v21  }
0x159: {  	v50 =	vld [tilespmem:s18+$0x11EC0];
	v61 =	vmul.f32 $2.083333400e-02, v29;
	v16 =	vadd.f32 v16, v17;
	v15 =	vmul.f32 v43, v60  }
0x15a: {  	v63 =	vld [tilespmem:s11+$0x9EA0];
	v54 =	vadd.f32 v36, v25;
	v39 =	vmul.f32 v36, v25;
	v44 =	vmul.f32 $2.083333400e-02, v40  }
0x15b: {  	v60 =	vld [tilespmem:s11+$0x1EA0];
	v25 =	vsub.f32 v25, v36;
	v23 =	vmul.f32 $2.083333400e-02, v23;
	v40 =	vmul.f32 v49, v45  }
0x15c: {  	v46 =	vld [tilespmem:s11+$0x9ED0];
	v21 =	vmul.f32 v21, v27;
	v27 =	vsub.f32 $2.500000000e-01, v61;
	v14 =	vadd.f32 v16, v14  }
0x15d: {  	v29 =	vld [tilespmem:s11+$0x9EB0];
	v33 =	vmul.f32 v54, v54;
	v18 =	vsub.f32 $2.500000000e-01, v44;
	v58 =	vsub.f32 $2.500000000e-01, v23  }
0x15e: {  	v62 =	vsub.f32 v38, v40;
	v23 =	vld [tilespmem:s11+$0x1EB0];
	v21 =	vmul.f32 v21, v51;
	v42 =	vmul.f32 v27, v24  }
0x15f: {  	v44 =	vld [tilespmem:s11+$0x1ED0];
	v59 =	vsub.f32 v33, v39;
	v18 =	vmul.f32 v18, v26;
	v22 =	vmul.f32 v58, v28  }
0x160: {  	v57 =	vld [tilespmem:s11+$0x11E90];
	v41 =	vmul.f32 $2.083333400e-02, v62;
	v43 =	vadd.f32 v63, v60;
	v48 =	vmul.f32 v63, v60  }
0x161: {  	v31 =	vld [tilespmem:s11+$0x9EC0];
	v16 =	vmul.f32 v42, v55;
	v33 =	vsub.f32 v60, v63;
	v40 =	vmul.f32 $2.083333400e-02, v59  }
0x162: {  	v26 =	vld [tilespmem:s11+$0x1EC0];
	v18 =	vmul.f32 v18, v50;
	v22 =	vmul.f32 v22, v53;
	v28 =	vsub.f32 $2.500000000e-01, v41  }
0x163: {  	s13 =	sor.u32 s16, s9;
	v56 =	vld [tilespmem:s11+$0x11E80];
	v47 =	vmul.f32 v43, v43;
	v20 =	vsub.f32 $2.500000000e-01, v40;
	v49 =	vadd.f32 v29, v23  }
0x164: {  	v39 =	vld [tilespmem:s13+$0x1E70];
	v51 =	vmul.f32 v29, v23;
	v54 =	vadd.f32 v46, v44;
	v59 =	vmul.f32 v46, v44  }
0x165: {  	v42 =	vld [tilespmem:s13+$0x1E80];
	v23 =	vsub.f32 v23, v29;
	v15 =	vadd.f32 v18, v15;
	v19 =	vmul.f32 v28, v19  }
0x166: {  	v43 =	vld [tilespmem:s13+$0x9E80];
	v21 =	vadd.f32 v22, v21;
	v22 =	vsub.f32 v47, v48;
	v45 =	vmul.f32 v20, v25  }
0x167: {  	v29 =	vld [tilespmem:s13+$0x9E70];
	v17 =	vmul.f32 v49, v49;
	v52 =	vadd.f32 v31, v26;
	v34 =	vmul.f32 v54, v54  }
0x168: {  	v50 =	vld [tilespmem:s11+$0x9EE0];
	v20 =	vsub.f32 v44, v46;
	v19 =	vmul.f32 v19, v57;
	v22 =	vmul.f32 $2.083333400e-02, v22  }
0x169: {  	v25 =	vld [tilespmem:s11+$0x1EE0];
	v57 =	vmul.f32 v31, v26;
	v26 =	vsub.f32 v26, v31;
	v15 =	vadd.f32 v21, v15  }
0x16a: {  	v48 =	vld [tilespmem:s13+$0x9E90];
	v18 =	vmul.f32 v45, v56;
	v17 =	vsub.f32 v17, v51;
	v34 =	vsub.f32 v34, v59  }
0x16b: {  	v46 =	vld [tilespmem:s13+$0x1E90];
	v56 =	vmul.f32 v52, v52;
	v31 =	vsub.f32 v42, v43;
	v22 =	vsub.f32 $2.500000000e-01, v22  }
0x16c: {  	v53 =	vld [tilespmem:s11+$0x11EA0];
	v51 =	vadd.f32 v29, v39;
	v15 =	vadd.f32 v15, v14;
	v17 =	vmul.f32 $2.083333400e-02, v17  }
0x16d: {  	v24 =	vsub.f32 v56, v57;
	v40 =	vmul.f32 $2.083333400e-02, v34;
	v16 =	vadd.f32 v18, v16  }
0x16e: {  	v56 =	vmul.f32 v43, v42;
	v60 =	vadd.f32 v50, v25;
	v63 =	vmul.f32 v50, v25  }
0x16f: {  	v61 =	vld [tilespmem:s11+$0x11ED0];
	v22 =	vmul.f32 v22, v33;
	v25 =	vsub.f32 v25, v50;
	v54 =	vmul.f32 v51, v51  }
0x170: {  	v55 =	vld [tilespmem:s11+$0x11EB0];
	v57 =	vadd.f32 v48, v46;
	v24 =	vmul.f32 $2.083333400e-02, v24;
	v17 =	vsub.f32 $2.500000000e-01, v17  }
0x171: {  	v35 =	vld [tilespmem:s13+$0x9EA0];
	v44 =	vsub.f32 $2.500000000e-01, v40;
	v62 =	vmul.f32 v60, v60;
	v22 =	vmul.f32 v22, v53  }
0x172: {  	v30 =	vld [tilespmem:s13+$0x1EA0];
	v53 =	vadd.f32 v43, v42;
	v60 =	vmul.f32 v57, v57;
	v24 =	vsub.f32 $2.500000000e-01, v24  }
0x173: {  	v36 =	vld [tilespmem:s13+$0x1ED0];
	v40 =	vsub.f32 v39, v29;
	v17 =	vmul.f32 v17, v23;
	v20 =	vmul.f32 v44, v20  }
0x174: {  	v58 =	vld [tilespmem:s11+$0x11EC0];
	v23 =	vsub.f32 v46, v48;
	v28 =	vmul.f32 v53, v53;
	v47 =	vmul.f32 v24, v26  }
0x175: {  	v44 =	vld [tilespmem:s13+$0x9ED0];
	v41 =	vsub.f32 v62, v63;
	v17 =	vmul.f32 v17, v55;
	v20 =	vmul.f32 v20, v61  }
0x176: {  	v19 =	vadd.f32 v22, v19;
	v62 =	vld [tilespmem:s13+$0x1EB0];
	v55 =	vmul.f32 v29, v39;
	v61 =	vmul.f32 v48, v46  }
0x177: {  	v63 =	vld [tilespmem:s13+$0x9EB0];
	v45 =	vmul.f32 $2.083333400e-02, v41;
	v59 =	vsub.f32 v28, v56;
	v41 =	vadd.f32 v35, v30  }
0x178: {  	v49 =	vld [tilespmem:s11+$0x11EE0];
	v43 =	vmul.f32 v35, v30;
	v16 =	vadd.f32 v19, v16;
	v18 =	vsub.f32 v54, v55  }
0x179: {  	v34 =	vld [tilespmem:s13+$0x9EC0];
	v21 =	vmul.f32 v47, v58;
	v27 =	vsub.f32 v60, v61;
	v50 =	vsub.f32 $2.500000000e-01, v45  }
0x17a: {  	v28 =	vld [tilespmem:s13+$0x1EC0];
	v42 =	vmul.f32 v41, v41;
	v51 =	vadd.f32 v44, v36;
	v57 =	vmul.f32 v44, v36  }
0x17b: {  	v17 =	vadd.f32 v21, v17;
	v18 =	vmul.f32 $2.083333400e-02, v18;
	v27 =	vmul.f32 $2.083333400e-02, v27  }
0x17c: {  	v52 =	vld [tilespmem:s13+$0x11E70];
	v48 =	vadd.f32 v63, v62;
	v21 =	vsub.f32 v62, v63;
	v25 =	vmul.f32 v50, v25  }
0x17d: {  	s11 =	sor.u32 s17, s9;
	v47 =	vld [tilespmem:s13+$0x11E90];
	v19 =	vsub.f32 v42, v43;
	v50 =	vmul.f32 v63, v62;
	v56 =	vmul.f32 v51, v51  }
0x17e: {  	v60 =	vld [tilespmem:s11+$0x1E70];
	v43 =	vsub.f32 v36, v44;
	v18 =	vsub.f32 $2.500000000e-01, v18;
	v26 =	vmul.f32 v48, v48  }
0x17f: {  	v42 =	vld [tilespmem:s11+$0x1E80];
	v46 =	vsub.f32 $2.500000000e-01, v27;
	v54 =	vmul.f32 v34, v28;
	v24 =	vmul.f32 v25, v49  }
0x180: {  	v44 =	vld [tilespmem:s11+$0x9E80];
	v25 =	vmul.f32 $2.083333400e-02, v59;
	v19 =	vmul.f32 $2.083333400e-02, v19;
	v49 =	vadd.f32 v34, v28  }
0x181: {  	v62 =	vld [tilespmem:s11+$0x9E70];
	v29 =	vsub.f32 v56, v57;
	v28 =	vsub.f32 v28, v34;
	v18 =	vmul.f32 v18, v40  }
0x182: {  	v58 =	vld [tilespmem:s13+$0x11E80];
	v23 =	vmul.f32 v46, v23;
	v26 =	vsub.f32 v26, v50;
	v20 =	vadd.f32 v24, v20  }
0x183: {  	v40 =	vld [tilespmem:s11+$0x1E90];
	v25 =	vsub.f32 $2.500000000e-01, v25;
	v29 =	vmul.f32 $2.083333400e-02, v29;
	v18 =	vmul.f32 v18, v52  }
0x184: {  	v46 =	vld [tilespmem:s11+$0x9E90];
	v19 =	vsub.f32 $2.500000000e-01, v19;
	v23 =	vmul.f32 v23, v47;
	v26 =	vmul.f32 $2.083333400e-02, v26  }
0x185: {  	v27 =	vld [tilespmem:s13+$0x1EE0];
	v51 =	vadd.f32 v44, v42;
	v45 =	vmul.f32 v25, v31;
	v17 =	vadd.f32 v20, v17  }
0x186: {  	v52 =	vld [tilespmem:s13+$0x9EE0];
	v25 =	vmul.f32 v49, v49;
	v37 =	vsub.f32 $2.500000000e-01, v29;
	v49 =	vmul.f32 v62, v60  }
0x187: {  	v26 =	vsub.f32 $2.500000000e-01, v26;
	v22 =	vmul.f32 v45, v58;
	v58 =	vsub.f32 v30, v35  }
0x188: {  	v63 =	vld [tilespmem:s13+$0x11ED0];
	v25 =	vsub.f32 v25, v54;
	v45 =	vadd.f32 v62, v60;
	v20 =	vmul.f32 v37, v43  }
0x189: {  	v53 =	vld [tilespmem:s13+$0x11EA0];
	v14 =	vadd.f32 v17, v16;
	v30 =	vmul.f32 v51, v51;
	v54 =	vadd.f32 v46, v40  }
0x18a: {  	v55 =	vld [tilespmem:s13+$0x11EB0];
	v57 =	vmul.f32 v46, v40;
	v29 =	vsub.f32 v40, v46;
	v21 =	vmul.f32 v26, v21  }
0x18b: {  	v37 =	vld [tilespmem:s11+$0x1EA0];
	v19 =	vmul.f32 v19, v58;
	v61 =	vadd.f32 v52, v27;
	v25 =	vmul.f32 $2.083333400e-02, v25  }
0x18c: {  	v41 =	vmul.f32 v52, v27;
	v48 =	vmul.f32 v45, v45;
	v18 =	vadd.f32 v22, v18;
	v22 =	vld [tilespmem:s11+$0x9EA0]  }
0x18d: {  	v27 =	vsub.f32 v27, v52;
	v20 =	vmul.f32 v20, v63;
	v58 =	vsub.f32 v60, v62;
	v62 =	vld [tilespmem:s11+$0x1EC0]  }
0x18e: {  	v56 =	vmul.f32 v54, v54;
	v63 =	vld [tilespmem:s11+$0x9EC0];
	v24 =	vmul.f32 v61, v61;
	v25 =	vsub.f32 $2.500000000e-01, v25  }
0x18f: {  	v59 =	vld [tilespmem:s13+$0x11EC0];
	v19 =	vmul.f32 v19, v53;
	v17 =	vsub.f32 v48, v49;
	v53 =	vmul.f32 v44, v42  }
0x190: {  	v34 =	vld [tilespmem:s11+$0x1EE0];
	v21 =	vmul.f32 v21, v55;
	v61 =	vsub.f32 v56, v57;
	v24 =	vsub.f32 v24, v41  }
0x191: {  	v50 =	vld [tilespmem:s11+$0x11E70];
	v25 =	vmul.f32 v25, v28;
	v17 =	vmul.f32 $2.083333400e-02, v17;
	v55 =	vsub.f32 v30, v53  }
0x192: {  	v47 =	vld [tilespmem:s13+$0x11EE0];
	v19 =	vadd.f32 v19, v23;
	v41 =	vsub.f32 v42, v44;
	v42 =	vmul.f32 $2.083333400e-02, v61  }
0x193: {  	v35 =	vld [tilespmem:s11+$0x1EB0];
	v43 =	vadd.f32 v22, v37;
	v45 =	vmul.f32 v22, v37;
	v48 =	vadd.f32 v63, v62  }
0x194: {  	v53 =	vld [tilespmem:s11+$0x9EE0];
	v24 =	vmul.f32 $2.083333400e-02, v24;
	v25 =	vmul.f32 v25, v59;
	v17 =	vsub.f32 $2.500000000e-01, v17  }
0x195: {  	v51 =	vmul.f32 v63, v62;
	v59 =	vld [tilespmem:s11+$0x9EB0];
	v60 =	vmul.f32 $2.083333400e-02, v55;
	v18 =	vadd.f32 v19, v18  }
0x196: {  	v52 =	vld [tilespmem:s11+$0x11E80];
	v24 =	vsub.f32 $2.500000000e-01, v24;
	v21 =	vadd.f32 v25, v21;
	v17 =	vmul.f32 v17, v58  }
0x197: {  	s13 =	sor.u32 s19, s9;
	v44 =	vld [tilespmem:s11+$0x11E90];
	v19 =	vmul.f32 v43, v43;
	v23 =	vsub.f32 $2.500000000e-01, v60;
	v25 =	vsub.f32 $2.500000000e-01, v42  }
0x198: {  	v36 =	vld [tilespmem:s13+$0x1E70];
	v22 =	vsub.f32 v37, v22;
	v24 =	vmul.f32 v24, v27;
	v17 =	vmul.f32 v17, v50  }
0x199: {  	v38 =	vld [tilespmem:s13+$0x9E70];
	v19 =	vsub.f32 v19, v45;
	v23 =	vmul.f32 v23, v41;
	v25 =	vmul.f32 v25, v29  }
0x19a: {  	v28 =	vld [tilespmem:s11+$0x9ED0];
	v61 =	vadd.f32 v53, v34;
	v29 =	vmul.f32 v48, v48;
	v50 =	vmul.f32 v59, v35  }
0x19b: {  	v27 =	vld [tilespmem:s11+$0x1ED0];
	v46 =	vadd.f32 v59, v35;
	v19 =	vmul.f32 $2.083333400e-02, v19;
	v16 =	vmul.f32 v24, v47  }
0x19c: {  	v40 =	vld [tilespmem:s13+$0x9E80];
	v31 =	vsub.f32 v35, v59;
	v23 =	vmul.f32 v23, v52;
	v24 =	vmul.f32 v25, v44  }
0x19d: {  	v54 =	vld [tilespmem:s11+$0x11EB0];
	v29 =	vsub.f32 v29, v51;
	v44 =	vmul.f32 v53, v34;
	v53 =	vsub.f32 v34, v53  }
0x19e: {  	v35 =	vld [tilespmem:s13+$0x1E80];
	v49 =	vmul.f32 v46, v46;
	v19 =	vsub.f32 $2.500000000e-01, v19;
	v16 =	vadd.f32 v16, v20  }
0x19f: {  	v47 =	vld [tilespmem:s11+$0x11EA0];
	v29 =	vmul.f32 $2.083333400e-02, v29;
	v20 =	vsub.f32 v62, v63;
	v17 =	vadd.f32 v23, v17  }
0x1a0: {  	v30 =	vld [tilespmem:s13+$0x9E90];
	v63 =	vmul.f32 v61, v61;
	v52 =	vadd.f32 v28, v27;
	v32 =	vsub.f32 v49, v50  }
0x1a1: {  	v55 =	vld [tilespmem:s11+$0x11EC0];
	v57 =	vmul.f32 v28, v27;
	v19 =	vmul.f32 v19, v22;
	v27 =	vsub.f32 v27, v28  }
0x1a2: {  	v42 =	vld [tilespmem:s13+$0x1ED0];
	v50 =	vmul.f32 v38, v36;
	v29 =	vsub.f32 $2.500000000e-01, v29;
	v16 =	vadd.f32 v16, v21  }
0x1a3: {  	v45 =	vld [tilespmem:s11+$0x11EE0];
	v21 =	vsub.f32 v63, v44;
	v51 =	vadd.f32 v40, v35;
	v56 =	vmul.f32 v52, v52  }
0x1a4: {  	v41 =	vld [tilespmem:s13+$0x1EC0];
	v43 =	vsub.f32 v35, v40;
	v32 =	vmul.f32 $2.083333400e-02, v32;
	v19 =	vmul.f32 v19, v47  }
0x1a5: {  	v49 =	vld [tilespmem:s13+$0x1EA0];
	v47 =	vadd.f32 v38, v36;
	v36 =	vsub.f32 v36, v38;
	v20 =	vmul.f32 v29, v20  }
0x1a6: {  	v52 =	vld [tilespmem:s13+$0x9EA0];
	v16 =	vadd.f32 v16, v18;
	v21 =	vmul.f32 $2.083333400e-02, v21;
	v59 =	vsub.f32 v56, v57  }
0x1a7: {  	v38 =	vld [tilespmem:s13+$0x9EC0];
	v60 =	vsub.f32 $2.500000000e-01, v32;
	v25 =	vmul.f32 v47, v47;
	v56 =	vmul.f32 v40, v35  }
0x1a8: {  	v29 =	vld [tilespmem:s13+$0x1E90];
	v19 =	vadd.f32 v19, v24;
	v20 =	vmul.f32 v20, v55;
	v21 =	vsub.f32 $2.500000000e-01, v21  }
0x1a9: {  	v35 =	vld [tilespmem:s13+$0x9ED0];
	v62 =	vmul.f32 $2.083333400e-02, v59;
	v22 =	vmul.f32 v60, v31;
	v25 =	vsub.f32 v25, v50  }
0x1aa: {  	v31 =	vmul.f32 v51, v51;
	v17 =	vadd.f32 v19, v17;
	v21 =	vmul.f32 v21, v53  }
0x1ab: {  	v33 =	vld [tilespmem:s13+$0x1EB0];
	v61 =	vadd.f32 v52, v49;
	v63 =	vmul.f32 v52, v49;
	v26 =	vsub.f32 v49, v52  }
0x1ac: {  	v58 =	vld [tilespmem:s11+$0x11ED0];
	v50 =	vadd.f32 v38, v41;
	v46 =	vsub.f32 $2.500000000e-01, v62;
	v22 =	vmul.f32 v22, v54  }
0x1ad: {  	v57 =	vadd.f32 v30, v29;
	v59 =	vsub.f32 v31, v56;
	v31 =	vld [tilespmem:s13+$0x9EB0];
	v60 =	vmul.f32 v30, v29  }
0x1ae: {  	v62 =	vmul.f32 v61, v61;
	v21 =	vmul.f32 v21, v45;
	v52 =	vadd.f32 v35, v42  }
0x1af: {  	v48 =	vmul.f32 v46, v27;
	v23 =	vmul.f32 v57, v57;
	v20 =	vadd.f32 v20, v22  }
0x1b0: {  	v27 =	vmul.f32 v50, v50;
	v45 =	vsub.f32 v62, v63;
	v57 =	vmul.f32 v52, v52  }
0x1b1: {  	v18 =	vmul.f32 v48, v58;
	v58 =	vmul.f32 $2.083333400e-02, v25;
	v23 =	vsub.f32 v23, v60  }
0x1b2: {  	v54 =	vld [tilespmem:s13+$0x11E70];
	v25 =	vmul.f32 $2.083333400e-02, v59;
	v48 =	vsub.f32 v29, v30;
	v49 =	vadd.f32 v31, v33  }
0x1b3: {  	v55 =	vld [tilespmem:s13+$0x11E80];
	v51 =	vmul.f32 v31, v33;
	v31 =	vsub.f32 v33, v31;
	v24 =	vsub.f32 $2.500000000e-01, v58  }
0x1b4: {  	s18 =	sor.u32 s5, s9;
	s9 =	sor.u32 s14, s9;
	v37 =	vld [tilespmem:s13+$0x1EE0];
	v25 =	vsub.f32 $2.500000000e-01, v25;
	v44 =	vmul.f32 $2.083333400e-02, v23;
	v23 =	vmul.f32 $2.083333400e-02, v45  }
0x1b5: {  	v34 =	vld [tilespmem:s9+$0x1E70];
	v18 =	vadd.f32 v21, v18;
	v58 =	vmul.f32 v35, v42;
	v46 =	vmul.f32 v24, v36  }
0x1b6: {  	v53 =	vld [tilespmem:s13+$0x11E90];
	v29 =	vmul.f32 v49, v49;
	v47 =	vmul.f32 v25, v43;
	v22 =	vsub.f32 $2.500000000e-01, v44  }
0x1b7: {  	v56 =	vld [tilespmem:s13+$0x11EA0];
	v23 =	vsub.f32 $2.500000000e-01, v23;
	v30 =	vsub.f32 v57, v58;
	v21 =	vmul.f32 v46, v54  }
0x1b8: {  	v25 =	vld [tilespmem:s13+$0x9EE0];
	v18 =	vadd.f32 v18, v20;
	v24 =	vmul.f32 v47, v55;
	v54 =	vmul.f32 v38, v41  }
0x1b9: {  	v62 =	vld [tilespmem:s13+$0x11EC0];
	v29 =	vsub.f32 v29, v51;
	v22 =	vmul.f32 v22, v48;
	v23 =	vmul.f32 v23, v26  }
0x1ba: {  	v33 =	vld [tilespmem:s18+$0x1E70];
	v30 =	vmul.f32 $2.083333400e-02, v30;
	v46 =	vsub.f32 v41, v38;
	v48 =	vsub.f32 v42, v35  }
0x1bb: {  	v47 =	vld [tilespmem:s18+$0x9E70];
	v17 =	vadd.f32 v18, v17;
	v38 =	vperm.xlane v13, v0;
	v61 =	vmul.f32 $2.083333400e-02, v29  }
0x1bc: {  	v44 =	vld [tilespmem:s13+$0x11ED0];
	v27 =	vsub.f32 v27, v54;
	v22 =	vmul.f32 v22, v53;
	v30 =	vsub.f32 $2.500000000e-01, v30  }
0x1bd: {  	v51 =	vld [tilespmem:s18+$0x9E80];
	v23 =	vmul.f32 v23, v56;
	v21 =	vadd.f32 v24, v21;
	v55 =	vadd.f32 v25, v37  }
0x1be: {  	v60 =	vmul.f32 v25, v37;
	v28 =	vsub.f32 $2.500000000e-01, v61;
	v25 =	vsub.f32 v37, v25;
	v37 =	vld [tilespmem:s18+$0x1E80]  }
0x1bf: {  	v53 =	vld [tilespmem:s18+$0x1E90];
	v63 =	vmul.f32 $2.083333400e-02, v27;
	v52 =	vmul.f32 v30, v48;
	v22 =	vadd.f32 v23, v22  }
0x1c0: {  	v59 =	vmul.f32 v55, v55;
	v50 =	vmul.f32 v28, v31;
	v54 =	vadd.f32 v47, v33;
	v55 =	vld [tilespmem:s18+$0x9E90]  }
0x1c1: {  	v43 =	vld [tilespmem:s13+$0x11EB0];
	v57 =	vmul.f32 v47, v33;
	v33 =	vsub.f32 v33, v47;
	v26 =	vsub.f32 $2.500000000e-01, v63  }
0x1c2: {  	v40 =	vld [tilespmem:s18+$0x11E70];
	v20 =	vmul.f32 v52, v44;
	v21 =	vadd.f32 v22, v21;
	v45 =	vsub.f32 v59, v60  }
0x1c3: {  	v22 =	vld [tilespmem:s18+$0x1EB0];
	v56 =	vmul.f32 v54, v54;
	v26 =	vmul.f32 v26, v46;
	v59 =	vadd.f32 v51, v37  }
0x1c4: {  	v61 =	vmul.f32 v51, v37;
	v28 =	vsub.f32 v37, v51;
	v32 =	vmul.f32 $2.083333400e-02, v45;
	v45 =	vld [tilespmem:s18+$0x9EB0]  }
0x1c5: {  	v49 =	vld [tilespmem:s13+$0x11EE0];
	v26 =	vmul.f32 v26, v62;
	v60 =	vmul.f32 v59, v59;
	v62 =	vadd.f32 v55, v53  }
0x1c6: {  	v58 =	vld [tilespmem:s18+$0x11E80];
	v19 =	vmul.f32 v50, v43;
	v24 =	vsub.f32 v56, v57;
	v32 =	vsub.f32 $2.500000000e-01, v32  }
0x1c7: {  	v36 =	vld [tilespmem:s18+$0x1EE0];
	v44 =	vmul.f32 v55, v53;
	v42 =	vsub.f32 v60, v61;
	v43 =	vmul.f32 v62, v62  }
0x1c8: {  	v35 =	vld [tilespmem:s9+$0x1E80];
	v53 =	vsub.f32 v53, v55;
	v41 =	vmul.f32 $2.083333400e-02, v24;
	v25 =	vmul.f32 v32, v25  }
0x1c9: {  	v29 =	vld [tilespmem:s18+$0x1EC0];
	v24 =	vmul.f32 $2.083333400e-02, v42;
	v27 =	vsub.f32 v43, v44;
	v51 =	vadd.f32 v45, v22  }
0x1ca: {  	v19 =	vadd.f32 v26, v19;
	v56 =	vmul.f32 v45, v22;
	v25 =	vmul.f32 v25, v49;
	v49 =	vld [tilespmem:s18+$0x9EC0]  }
0x1cb: {  	v63 =	vld [tilespmem:s18+$0x9EA0];
	v24 =	vsub.f32 $2.500000000e-01, v24;
	v27 =	vmul.f32 $2.083333400e-02, v27;
	v55 =	vmul.f32 v51, v51  }
0x1cc: {  	v37 =	vperm.xlane v15, v0;
	v62 =	vld [tilespmem:s18+$0x9EE0];
	v22 =	vsub.f32 v22, v45;
	v20 =	vadd.f32 v25, v20  }
0x1cd: {  	v25 =	vld [tilespmem:s18+$0x1EA0];
	v24 =	vmul.f32 v24, v28;
	v27 =	vsub.f32 $2.500000000e-01, v27;
	v59 =	vsub.f32 v55, v56  }
0x1ce: {  	v46 =	vld [tilespmem:s18+$0x11E90];
	v43 =	vperm.xlane v17, v0;
	v19 =	vadd.f32 v20, v19;
	v20 =	vsub.f32 $2.500000000e-01, v41  }
0x1cf: {  	v30 =	vld [tilespmem:s9+$0x9E80];
	v23 =	vmul.f32 v24, v58;
	v58 =	vadd.f32 v49, v29;
	v27 =	vmul.f32 v27, v53  }
0x1d0: {  	v52 =	vld [tilespmem:s18+$0x9ED0];
	v60 =	vmul.f32 v49, v29;
	v28 =	vmul.f32 $2.083333400e-02, v59;
	v18 =	vadd.f32 v19, v21  }
0x1d1: {  	v41 =	vld [tilespmem:s9+$0x9E70];
	v47 =	vmul.f32 v20, v33;
	v21 =	vsub.f32 v29, v49;
	v49 =	vmul.f32 v62, v36  }
0x1d2: {  	v33 =	vld [tilespmem:s18+$0x1ED0];
	v48 =	vadd.f32 v63, v25;
	v50 =	vmul.f32 v63, v25;
	v26 =	vmul.f32 v58, v58  }
0x1d3: {  	v32 =	vld [tilespmem:s9+$0x1E90];
	v25 =	vsub.f32 v25, v63;
	v45 =	vsub.f32 $2.500000000e-01, v28;
	v27 =	vmul.f32 v27, v46  }
0x1d4: {  	v42 =	vld [tilespmem:s9+$0x9E90];
	v19 =	vmul.f32 v47, v40;
	v47 =	vadd.f32 v62, v36;
	v20 =	vmul.f32 v48, v48  }
0x1d5: {  	v31 =	vld [tilespmem:s18+$0x11EB0];
	v36 =	vsub.f32 v36, v62;
	v26 =	vsub.f32 v26, v60;
	v22 =	vmul.f32 v45, v22  }
0x1d6: {  	v55 =	vmul.f32 v41, v34;
	v60 =	vmul.f32 v30, v35;
	v20 =	vsub.f32 v20, v50  }
0x1d7: {  	v19 =	vadd.f32 v23, v19;
	v61 =	vadd.f32 v52, v33;
	v26 =	vmul.f32 $2.083333400e-02, v26  }
0x1d8: {  	v57 =	vld [tilespmem:s18+$0x11EC0];
	v44 =	vmul.f32 v52, v33;
	v50 =	vadd.f32 v41, v34;
	v20 =	vmul.f32 $2.083333400e-02, v20  }
0x1d9: {  	v54 =	vld [tilespmem:s18+$0x11EA0];
	v63 =	vmul.f32 v61, v61;
	v26 =	vsub.f32 $2.500000000e-01, v26;
	v61 =	vadd.f32 v42, v32  }
0x1da: {  	v59 =	vld [tilespmem:s9+$0x1EA0];
	v51 =	vsub.f32 v33, v52;
	v22 =	vmul.f32 v22, v31;
	v20 =	vsub.f32 $2.500000000e-01, v20  }
0x1db: {  	v46 =	vsub.f32 v63, v44;
	v21 =	vmul.f32 v26, v21;
	v44 =	vld [tilespmem:s9+$0x9EA0];
	v62 =	vmul.f32 v61, v61  }
0x1dc: {  	v34 =	vsub.f32 v34, v41;
	v63 =	vmul.f32 v42, v32;
	v20 =	vmul.f32 v20, v25  }
0x1dd: {  	v48 =	vmul.f32 $2.083333400e-02, v46;
	v21 =	vmul.f32 v21, v57;
	v57 =	vadd.f32 v30, v35  }
0x1de: {  	v25 =	vmul.f32 v47, v47;
	v47 =	vsub.f32 v62, v63;
	v30 =	vsub.f32 v35, v30  }
0x1df: {  	v39 =	vld [tilespmem:s9+$0x9EC0];
	v20 =	vmul.f32 v20, v54;
	v29 =	vsub.f32 $2.500000000e-01, v48;
	v54 =	vmul.f32 v50, v50  }
0x1e0: {  	v28 =	vld [tilespmem:s18+$0x11ED0];
	v25 =	vsub.f32 v25, v49;
	v31 =	vmul.f32 v57, v57;
	v48 =	vadd.f32 v44, v59  }
0x1e1: {  	v41 =	vld [tilespmem:s9+$0x1EE0];
	v50 =	vmul.f32 v44, v59;
	v26 =	vmul.f32 v29, v51;
	v58 =	vsub.f32 v54, v55  }
0x1e2: {  	v25 =	vmul.f32 $2.083333400e-02, v25;
	v31 =	vsub.f32 v31, v60;
	v51 =	vsub.f32 v32, v42;
	v32 =	vld [tilespmem:s9+$0x9EE0]  }
0x1e3: {  	v56 =	vld [tilespmem:s9+$0x11E80];
	v20 =	vadd.f32 v20, v27;
	v54 =	vsub.f32 v59, v44;
	v49 =	vmul.f32 v48, v48  }
0x1e4: {  	v52 =	vld [tilespmem:s18+$0x11EE0];
	v25 =	vsub.f32 $2.500000000e-01, v25;
	v29 =	vmul.f32 $2.083333400e-02, v58;
	v46 =	vmul.f32 $2.083333400e-02, v31  }
0x1e5: {  	v53 =	vld [tilespmem:s9+$0x11E70];
	v26 =	vmul.f32 v26, v28;
	v31 =	vmul.f32 $2.083333400e-02, v47;
	v23 =	vsub.f32 v49, v50  }
0x1e6: {  	v40 =	vld [tilespmem:s9+$0x1EB0];
	v25 =	vmul.f32 v25, v36;
	v29 =	vsub.f32 $2.500000000e-01, v29;
	v28 =	vsub.f32 $2.500000000e-01, v46  }
0x1e7: {  	v45 =	vld [tilespmem:s9+$0x9EB0];
	v31 =	vsub.f32 $2.500000000e-01, v31;
	v23 =	vmul.f32 $2.083333400e-02, v23;
	v59 =	vadd.f32 v32, v41  }
0x1e8: {  	v62 =	vld [tilespmem:s9+$0x11E90];
	v63 =	vmul.f32 v32, v41;
	v32 =	vsub.f32 v41, v32;
	v41 =	vperm.xlane v14, v0  }
0x1e9: {  	v21 =	vadd.f32 v21, v22;
	v36 =	vld [tilespmem:s9+$0x1EC0];
	v25 =	vmul.f32 v25, v52;
	v29 =	vmul.f32 v29, v34  }
0x1ea: {  	v19 =	vadd.f32 v20, v19;
	v28 =	vmul.f32 v28, v30;
	v52 =	vmul.f32 v31, v51  }
0x1eb: {  	v35 =	vld [tilespmem:s9+$0x9ED0];
	v23 =	vsub.f32 $2.500000000e-01, v23;
	v42 =	vmul.f32 v59, v59;
	v27 =	vmul.f32 v29, v53  }
0x1ec: {  	v34 =	vld [tilespmem:s9+$0x1ED0];
	v24 =	vmul.f32 v28, v56;
	v53 =	vadd.f32 v45, v40;
	v56 =	vmul.f32 v45, v40  }
0x1ed: {  	v40 =	vsub.f32 v40, v45;
	v28 =	vmul.f32 v52, v62;
	v25 =	vadd.f32 v25, v26  }
0x1ee: {  	v46 =	vld [tilespmem:s9+$0x11EA0];
	v62 =	vperm.xlane v7, v0;
	v55 =	vadd.f32 v39, v36;
	v58 =	vmul.f32 v39, v36  }
0x1ef: {  	v23 =	vmul.f32 v23, v54;
	v48 =	vsub.f32 v42, v63;
	v36 =	vsub.f32 v36, v39  }
0x1f0: {  	v42 =	vperm.xlane v18, v0;
	v29 =	vmul.f32 v53, v53;
	v21 =	vadd.f32 v25, v21  }
0x1f1: {  	v24 =	vadd.f32 v24, v27;
	v57 =	vadd.f32 v35, v34;
	v31 =	vmul.f32 v55, v55  }
0x1f2: {  	v61 =	vmul.f32 v35, v34;
	v34 =	vsub.f32 v34, v35;
	v33 =	vmul.f32 $2.083333400e-02, v48  }
0x1f3: {  	v23 =	vmul.f32 v23, v46;
	v46 =	vsel vm0, v17, v42;
	v29 =	vsub.f32 v29, v56  }
0x1f4: {  	v19 =	vadd.f32 v21, v19;
	v60 =	vmul.f32 v57, v57;
	v31 =	vsub.f32 v31, v58  }
0x1f5: {  	v52 =	vld [tilespmem:s9+$0x11EE0];
	v33 =	vsub.f32 $2.500000000e-01, v33;
	v23 =	vadd.f32 v23, v28;
	v28 =	vperm.xlane v5, v0  }
0x1f6: {  	v5 =	vsel vm0, v5, v62;
	v29 =	vmul.f32 $2.083333400e-02, v29;
	v45 =	vperm.xlane v19, v0  }
0x1f7: {  	v49 =	vld [tilespmem:s9+$0x11EB0];
	v47 =	vsub.f32 v60, v61;
	v31 =	vmul.f32 $2.083333400e-02, v31;
	v56 =	vmul.f32 v33, v32  }
0x1f8: {  	v50 =	vld [tilespmem:s9+$0x11EC0];
	v63 =	vadd.f32 v23, v24;
	v7 =	vsel vm0, v28, v7;
	v33 =	vperm.xlane v12, v0  }
0x1f9: {  	s18 =	sshll.u32 s8, $0x4;
	v51 =	vld [tilespmem:s9+$0x11ED0];
	v29 =	vsub.f32 $2.500000000e-01, v29;
	v5 =	vadd.f32 v7, v5;
	v30 =	vmul.f32 $2.083333400e-02, v47  }
0x1fa: {  	v32 =	vld.idx.msk [tilespmem:v4+s18+$0x0 ss:$0x1], $0xffff;
	v7 =	vperm.xlane v9, v0;
	v31 =	vsub.f32 $2.500000000e-01, v31;
	v60 =	vmul.f32 v56, v52  }
0x1fb: {  	v53 =	vmul.f32 v29, v40;
	v29 =	vperm.xlane v8, v0;
	v30 =	vsub.f32 $2.500000000e-01, v30  }
0x1fc: {  	v35 =	vsel vm0, v11, v33;
	v40 =	vperm.xlane v16, v0;
	v54 =	vmul.f32 v31, v36  }
0x1fd: {  	v7 =	vsel vm0, v7, v10;
	v31 =	vperm.xlane v10, v0;
	v55 =	vmul.f32 v30, v34  }
0x1fe: {  	v10 =	vsel vm0, v13, v37;
	v13 =	vsel vm0, v41, v16;
	v57 =	vmul.f32 v53, v49  }
0x1ff: {  	v39 =	vsub.f32 $0.0e+00, v32;
	v58 =	vmul.f32 v54, v50;
	v59 =	vmul.f32 v55, v51  }
0x200: {  	v49 =	vperm.xlane v5, v1;
	v30 =	vperm.xlane v6, v0;
	v6 =	vsel vm0, v6, v29  }
0x201: {  	v9 =	vsel vm0, v9, v31;
	v20 =	vadd.f32 v58, v57;
	v61 =	vadd.f32 v60, v59  }
0x202: {  	v34 =	vperm.xlane v11, v0;
	v7 =	vadd.f32 v7, v9;
	v9 =	vsel vm0, v38, v15  }
0x203: {  	v11 =	vmul.f32 $1.442695020e+00, v39;
	v8 =	vsel vm0, v30, v8;
	v20 =	vadd.f32 v61, v20  }
0x204: {  	v36 =	vsel vm0, v34, v12;
	v9 =	vadd.f32 v9, v10;
	v10 =	vsel vm0, v43, v18  }
0x205: {  	v6 =	vadd.f32 v8, v6;
	(erf) = vpow2.f32 v11;
	v20 =	vadd.f32 v20, v63  }
0x206: {  	v12 =	vsel vm0, v14, v40;
	v8 =	vadd.f32 v36, v35;
	v10 =	vadd.f32 v10, v46  }
0x207: {  	v12 =	vadd.f32 v13, v12;
	v48 =	vperm.xlane v6, v1;
	v44 =	vperm.xlane v20, v0  }
0x208: {  	v55 =	vperm.xlane v9, v1;
	v6 =	vsel vm1, v49, v6;
	v51 =	vperm.xlane v8, v1  }
0x209: {  	v5 =	vsel vm1, v5, v48;
	v14 =	vsel vm0, v45, v20;
	v47 =	vsel vm0, v19, v44  }
0x20a: {  	v5 =	vadd.f32 v6, v5;
	v6 =	vperm.xlane v7, v1;
	v50 =	vadd.f32 v14, v47  }
0x20b: {  	v53 =	vperm.xlane v10, v1;
	v54 =	vperm.xlane v12, v1  }
0x20c: {  	v7 =	vsel vm1, v7, v51;
	v6 =	vsel vm1, v6, v8;
	v52 =	vperm.xlane v50, v1  }
0x20d: {  	v57 =	vsel vm1, v55, v12;
	v8 =	vsel vm1, v9, v54;
	v6 =	vadd.f32 v6, v7  }
0x20e: {  	v8 =	vadd.f32 v57, v8;
	v58 =	vpop (erf);
	v56 =	vsel vm1, v53, v50;
	v7 =	vsel vm1, v10, v52  }
0x20f: {  	v60 =	vperm.xlane v5, v2;
	v10 =	vadd.f32 $1.000000000e+00, v58;
	v7 =	vadd.f32 v56, v7  }
0x210: {  	v59 =	vperm.xlane v6, v2;
	v62 =	vperm.xlane v8, v2  }
0x211: {  	(erf) = vrcp.f32 v10;
	v61 =	vperm.xlane v7, v2  }
0x212: {  	v6 =	vsel vm2, v60, v6;
	v5 =	vsel vm2, v5, v59  }
0x213: {  	v5 =	vadd.f32 v6, v5;
	v7 =	vsel vm2, v62, v7;
	v8 =	vsel vm2, v8, v61  }
0x214: {  	v6 =	vadd.f32 v7, v8  }
0x215: {  	v63 =	vperm.xlane v5, v3  }
0x216: {  	v7 =	vperm.xlane v6, v3  }
0x217: {  	v6 =	vsel vm3, v63, v6  }
0x218: {  	v5 =	vsel vm3, v5, v7  }
0x219: {  	v5 =	vadd.f32 v6, v5  }
0x21a: {  	v6 =	vpop (erf)  }
0x21b: {  	v5 =	vmul.f32 v6, v5;
	_ =	sdelay $0x1  }
0x21c: {  	v5 =	vsub.f32 $0.0e+00, v5;
	_ =	sdelay $0x1  }
0x21d: {  	v5 =	vmul.f32 $1.442695020e+00, v5;
	_ =	sdelay $0x1  }
0x21e: {  	(erf) = vpow2.f32 v5;
	_ =	sdelay $0x8  }
0x21f: {  	v5 =	vpop (erf)  }
0x220: {  	v5 =	vadd.f32 $1.000000000e+00, v5;
	_ =	sdelay $0x1  }
0x221: {  	(erf) = vrcp.f32 v5;
	_ =	sdelay $0x4  }
0x222: {  	p1 =	sne.s32 s8, $0x7  }
.Ltmp0:
0x223: {  	_ = 	snop;
	(pc) =	sbr.rel @p1 .LBB2_3-.Ltmp0, $3  }
0x224: {  	_ =	sdelay $0x1  }
0x225: {  	v5 =	vpop (erf)  }
0x226: {  	s8 =	sadd.s32 $0x1, s8;
	[tilespmem:s18+$0x19E70] =	vst v5  }
0x227: {  	s2 =	sadd.s32 s7, s4  }
0x228: {  	p1 =	sne.s32 s23, $0x4;
	s2 =	sshrl.u32 s2, $0x3  }
.Ltmp1:
0x229: {  	s2 =	sadd.s32 s3, s2;
	(pc) =	sbr.rel @p1 .LBB2_2-.Ltmp1, $4  }
0x22a: {  	[hbm4b:s2+s6] =	stream.linear.scatter [tilespmem:s21], [sflag:$0x4], $0x80, $0x38;
	[tilespmem:$0x19EF0] =	vst v63  }
0x22b: {  	_ =	swait.ge [sflag:s12], $0x80  }
0x22c: {  	[sflag:s12] =	ssyncset.done $0x0  }
0x22d: {  	[sflag:s12] =	ssyncadd.s32 $0xFFFFFF80  }
0x22e: {  	s22 =	sadd.s32 $0x1, s22;
	s2 =	rddreg [dreg:$0xd]  }
0x22f: {  	p1 =	sne.s32 s22, s2  }
.Ltmp2:
0x230: {  	_ = 	snop;
	(pc) =	sbr.rel @p1 .LBB2_1-.Ltmp2, $1  }
0x231: {  	_ =	sdelay $0x3  }
0x232: {  	_ =	sfence.sel $0x180000  }
0x233: {  	[bflag:$0x0] =	sbarrier.arrive $0xFFFF  }
0x234: {  	_ =	strace $0x90000047  }
0x235: {  	[bflag:$0x2] =	sbarrier.arrive $0xFFFF  }
0x236: {  	s0 =	rddreg [dreg:$0x8]  }
0x237: {  	s0 =	sadd.s32 @!p0 $0x100000, s0  }
0x238: {  	[sflag:s0] =	ssyncadd.tile.s32 @!p0 $0x1;
	_ =	shalt  }
.Lfunc_end2:
_tile_overlayer_lowered:
.L_overlay_start_2:
0x239: {  	(tag) =	ssettag $0x2  }
0x23a: {  	s0 =	rddreg [dreg:$0x0];
	s2 =	stileid.u32  }
0x23b: {  	s1 =	rddreg [dreg:$0x1];
	p0 =	sne.s32 s2, $0x0  }
0x23c: {  	s3 =	rddreg [dreg:$0x2];
	[bflag:$0x3] =	sbarrier.arrive $0xFFFF;
	s2 =	simm.s32 @!p0 $0x1C04  }
0x23d: {  	[timem:s3], [sflag:s2] =	dma.local @!p0 [hbm:s0], s1  }
0x23e: {  	s0 =	simm.s32 @!p0 $0x4  }
0x23f: {  	_ =	swait.ge @!p0 [sflag:s0], s1  }
0x240: {  	s1 =	ssub.s32 @!p0 $0x0, s1;
	[sflag:s0] =	ssyncset.done @!p0 $0x0  }
0x241: {  	[sflag:s0] =	ssyncadd.s32 @!p0 s1  }
0x242: {  	[bflag:$0x3] =	sbarrier.arrive $0xFFFF  }
0x243: {  	_ =	shalt  }

</sc_bundles>
